<compile_context>
chip_gen: v7x
topology: tpu7x:2x2x1
jax: 0.10.2.dev20260603
libtpu: 0.0.44.dev20260713+nightly
codegen_flags: <defaults>
</compile_context>

<pallas_src>
import functools

import jax
import jax.numpy as jnp
from jax import lax
from jax.experimental import pallas as pl
from jax.experimental.pallas import tpu as pltpu
from jax.experimental.pallas import tpu_sc as plsc

N = 10000
E = 320000
H = 128
F = 128
G = 16
HH = 64
CUTOFF = 10.0

NC = 2
NS = 16
EPT = E // NS
CHUNK = 80
NCHUNK = EPT // CHUNK
NPHASE = 5
PCHUNK = NCHUNK // NPHASE
NPAD = 10240
RPT = NPAD // NS


def _fast_gelu(x):
    u = 0.7978845608028654 * (x + 0.044715 * x * x * x)
    e = jnp.exp(-2.0 * jnp.abs(u))
    t = (1.0 - e) / (1.0 + e)
    t = jnp.where(u < 0.0, -t, t)
    return 0.5 * x * (1.0 + t)


_COS_C = (0.9999999999193516, -0.4999999988862244, 0.041666664158393055,
          -0.0013888867464020146, 2.4800691210301726e-05,
          -2.75369890919258e-07, 2.0620727253511867e-09,
          -9.774996100930424e-12)


def _cos_poly(t2):
    acc = jnp.full_like(t2, _COS_C[-1])
    for k in range(len(_COS_C) - 2, -1, -1):
        acc = acc * t2 + _COS_C[k]
    return acc


def _x1_body(x_ref, w_ref, oa_ref, ob_ref):
    x1 = jnp.dot(x_ref[...], w_ref[...], preferred_element_type=jnp.float32)
    oa_ref[...] = x1[:, :HH]
    ob_ref[...] = x1[:, HH:]


def _tc_x1(x, Wl1):
    return pl.pallas_call(
        _x1_body,
        grid=(10,),
        in_specs=[
            pl.BlockSpec((N // 10, H), lambda i: (i, 0)),
            pl.BlockSpec((H, F), lambda i: (0, 0)),
        ],
        out_specs=[
            pl.BlockSpec((N // 10, HH), lambda i: (i, 0)),
            pl.BlockSpec((N // 10, HH), lambda i: (i, 0)),
        ],
        out_shape=[
            jax.ShapeDtypeStruct((N, HH), jnp.float32),
            jax.ShapeDtypeStruct((N, HH), jnp.float32),
        ],
    )(x, Wl1)


def _filt_body(ea_ref, el_ref, wf1_ref, bf1_ref, wf2_ref, bf2_ref, oa_ref, ob_ref):
    h = _fast_gelu(
        jnp.dot(ea_ref[...], wf1_ref[...], preferred_element_type=jnp.float32)
        + bf1_ref[...]
    )
    w = jnp.dot(h, wf2_ref[...], preferred_element_type=jnp.float32) + bf2_ref[...]
    el = el_ref[...]
    t = el * (jnp.pi / CUTOFF)
    c = 0.5 * (_cos_poly(t * t) + 1.0)
    c = jnp.where((el <= CUTOFF) & (el >= 0.0), c, 0.0)
    w = w * c
    oa_ref[...] = w[:, :HH]
    ob_ref[...] = w[:, HH:]


_BE = 2000


def _tc_filter(edge_attr, edge_length2d, Wf1, bf1, Wf2, bf2):
    nb = E // _BE
    return pl.pallas_call(
        _filt_body,
        grid=(nb,),
        in_specs=[
            pl.BlockSpec((_BE, G), lambda i: (i, 0)),
            pl.BlockSpec((_BE, 1), lambda i: (i, 0)),
            pl.BlockSpec((G, F), lambda i: (0, 0)),
            pl.BlockSpec((1, F), lambda i: (0, 0)),
            pl.BlockSpec((F, F), lambda i: (0, 0)),
            pl.BlockSpec((1, F), lambda i: (0, 0)),
        ],
        out_specs=[
            pl.BlockSpec((_BE, HH), lambda i: (i, 0)),
            pl.BlockSpec((_BE, HH), lambda i: (i, 0)),
        ],
        out_shape=[
            jax.ShapeDtypeStruct((E, HH), jnp.float32),
            jax.ShapeDtypeStruct((E, HH), jnp.float32),
        ],
    )(edge_attr, edge_length2d, Wf1, bf1, Wf2, bf2)


def _sc_body(x1a_hbm, x1b_hbm, wfa_hbm, wfb_hbm, src_hbm, dst_hbm,
             outa_hbm, outb_hbm,
             src_v, dst_v, in_rows, wf_bufs, out_rows,
             agg_sh, x1_sh, sem_g, sem_w, sem_s, sem_i):
    cid = lax.axis_index("c")
    sid = lax.axis_index("s")

    zero16 = jnp.zeros((16,), jnp.float32)

    def zrow(i, carry):
        for j in range(HH // 16):
            out_rows[0][i, pl.ds(j * 16, 16)] = zero16
        return carry

    lax.fori_loop(0, CHUNK, zrow, 0)

    def zcp(k, carry):
        pltpu.sync_copy(out_rows[0], agg_sh.at[pl.ds(sid * RPT + k * CHUNK, CHUNK)])
        return carry

    lax.fori_loop(0, RPT // CHUNK, zcp, 0)

    def stage_x1(x1_hbm):
        for k in range(RPT // CHUNK):
            row0 = sid * RPT + k * CHUNK

            @pl.when(row0 < N)
            def _():
                pltpu.sync_copy(x1_hbm.at[pl.ds(row0, CHUNK)], in_rows[0])
                pltpu.sync_copy(in_rows[0], x1_sh.at[pl.ds(row0, CHUNK)])

    @pl.when(cid == 0)
    def _():
        stage_x1(x1a_hbm)

    @pl.when(cid == 1)
    def _():
        stage_x1(x1b_hbm)

    pltpu.sync_copy(src_hbm.at[sid, 0], src_v[0])
    pltpu.sync_copy(dst_hbm.at[sid, 0], dst_v[0])
    plsc.subcore_barrier()

    ebase = sid * EPT

    def run_half(wf_hbm):
        def issue_in(q, lc, b, g):
            pltpu.async_copy(x1_sh.at[src_v[q].at[lc]], in_rows[b], sem_g[b])
            pltpu.async_copy(wf_hbm.at[pl.ds(ebase + g * CHUNK, CHUNK)],
                             wf_bufs[b], sem_w[b])

        def wait_in(q, lc, b, g):
            pltpu.make_async_copy(x1_sh.at[src_v[q].at[lc]], in_rows[b],
                                  sem_g[b]).wait()
            pltpu.make_async_copy(wf_hbm.at[pl.ds(ebase + g * CHUNK, CHUNK)],
                                  wf_bufs[b], sem_w[b]).wait()

        def wait_scatter(b):
            pltpu.make_async_copy(out_rows[b], agg_sh.at[dst_v[0].at[0]],
                                  sem_s[b]).wait()

        def run_phase(p, q):
            @pl.when(p > 0)
            def _():
                wait_scatter(0)
                wait_scatter(1)
                pltpu.make_async_copy(src_hbm.at[sid, p], src_v[q],
                                      sem_i[0]).wait()
                pltpu.make_async_copy(dst_hbm.at[sid, p], dst_v[q],
                                      sem_i[1]).wait()

            @pl.when(p + 1 < NPHASE)
            def _():
                pltpu.async_copy(src_hbm.at[sid, p + 1], src_v[1 - q], sem_i[0])
                pltpu.async_copy(dst_hbm.at[sid, p + 1], dst_v[1 - q], sem_i[1])

            issue_in(q, 0, 0, p * PCHUNK + 0)
            issue_in(q, 1, 1, p * PCHUNK + 1)

            def pipe_body(go, c2):
                for b in range(2):
                    lc = go * 2 + b
                    gg = p * PCHUNK + lc
                    wait_in(q, lc, b, gg)

                    @pl.when(go >= 1)
                    def _():
                        wait_scatter(b)

                    def mul_row(i, c3):
                        for j in range(HH // 16):
                            sl = pl.ds(j * 16, 16)
                            out_rows[b][i, sl] = in_rows[b][i, sl] * wf_bufs[b][i, sl]
                        return c3

                    lax.fori_loop(0, CHUNK, mul_row, 0)
                    pltpu.async_copy(out_rows[b], agg_sh.at[dst_v[q].at[lc]],
                                     sem_s[b], add=True)

                    @pl.when(lc + 2 < PCHUNK)
                    def _():
                        issue_in(q, lc + 2, b, gg + 2)
                return c2

            lax.fori_loop(0, PCHUNK // 2, pipe_body, 0)

        def phase_pair(pp, carry):
            for qq in range(2):
                run_phase(pp * 2 + qq, qq)
            return carry

        lax.fori_loop(0, (NPHASE - 1) // 2, phase_pair, 0)
        run_phase(jnp.int32(NPHASE - 1), (NPHASE - 1) % 2)
        wait_scatter(0)
        wait_scatter(1)

    @pl.when(cid == 0)
    def _():
        run_half(wfa_hbm)

    @pl.when(cid == 1)
    def _():
        run_half(wfb_hbm)

    plsc.subcore_barrier()

    def dump_half(out_hbm):
        for k in range(RPT // CHUNK):
            pltpu.sync_copy(agg_sh.at[pl.ds(sid * RPT + k * CHUNK, CHUNK)],
                            out_rows[0])
            pltpu.sync_copy(out_rows[0], out_hbm.at[pl.ds(sid * RPT + k * CHUNK, CHUNK)])

    @pl.when(cid == 0)
    def _():
        dump_half(outa_hbm)

    @pl.when(cid == 1)
    def _():
        dump_half(outb_hbm)


def _sc_scatter(x1a, x1b, wfa, wfb, src, dst):
    mesh = plsc.VectorSubcoreMesh(core_axis_name="c", subcore_axis_name="s")
    fn = functools.partial(
        pl.kernel,
        mesh=mesh,
        out_type=[
            jax.ShapeDtypeStruct((NPAD, HH), jnp.float32),
            jax.ShapeDtypeStruct((NPAD, HH), jnp.float32),
        ],
        scratch_types=[
            [pltpu.VMEM((PCHUNK, CHUNK), jnp.int32) for _ in range(2)],
            [pltpu.VMEM((PCHUNK, CHUNK), jnp.int32) for _ in range(2)],
            [pltpu.VMEM((CHUNK, HH), jnp.float32) for _ in range(2)],
            [pltpu.VMEM((CHUNK, HH), jnp.float32) for _ in range(2)],
            [pltpu.VMEM((CHUNK, HH), jnp.float32) for _ in range(2)],
            pltpu.VMEM_SHARED((NPAD, HH), jnp.float32),
            pltpu.VMEM_SHARED((NPAD, HH), jnp.float32),
            [pltpu.SemaphoreType.DMA for _ in range(2)],
            [pltpu.SemaphoreType.DMA for _ in range(2)],
            [pltpu.SemaphoreType.DMA for _ in range(2)],
            [pltpu.SemaphoreType.DMA for _ in range(2)],
        ],
        compiler_params=pltpu.CompilerParams(use_tc_tiling_on_sc=False),
    )(_sc_body)
    return fn(x1a, x1b, wfa, wfb, src, dst)


def _out_body(pa_ref, pb_ref, wl2_ref, bl2_ref, wl_ref, bl_ref, o_ref):
    z = jnp.concatenate([pa_ref[...], pb_ref[...]], axis=1)
    x2 = jnp.dot(z, wl2_ref[...], preferred_element_type=jnp.float32) + bl2_ref[...]
    x3 = _fast_gelu(x2)
    o_ref[...] = jnp.dot(x3, wl_ref[...], preferred_element_type=jnp.float32) + bl_ref[...]


def _tc_out(pa, pb, Wl2, bl2, Wl, bl):
    return pl.pallas_call(
        _out_body,
        grid=(10,),
        in_specs=[
            pl.BlockSpec((N // 10, HH), lambda i: (i, 0)),
            pl.BlockSpec((N // 10, HH), lambda i: (i, 0)),
            pl.BlockSpec((F, H), lambda i: (0, 0)),
            pl.BlockSpec((1, H), lambda i: (0, 0)),
            pl.BlockSpec((H, H), lambda i: (0, 0)),
            pl.BlockSpec((1, H), lambda i: (0, 0)),
        ],
        out_specs=pl.BlockSpec((N // 10, H), lambda i: (i, 0)),
        out_shape=jax.ShapeDtypeStruct((N, H), jnp.float32),
    )(pa, pb, Wl2, bl2, Wl, bl)


def kernel(x, edge_index, edge_length, edge_attr, Wf1, bf1, Wf2, bf2,
           Wl1, Wl2, bl2, Wl, bl):
    x1a, x1b = _tc_x1(x, Wl1)
    wfa, wfb = _tc_filter(edge_attr, edge_length.reshape(E, 1), Wf1,
                          bf1.reshape(1, F), Wf2, bf2.reshape(1, F))
    src = edge_index[0].reshape(NS, NPHASE, PCHUNK, CHUNK)
    dst = edge_index[1].reshape(NS, NPHASE, PCHUNK, CHUNK)
    pa, pb = _sc_scatter(x1a, x1b, wfa, wfb, src, dst)
    out = _tc_out(pa[:N], pb[:N], Wl2, bl2.reshape(1, H),
                  Wl, bl.reshape(1, H))
    return out

# --- scband reference (transcript-rebuilt; emitter-appended) ---
"""Pipeline reference for scband-interaction-block-34505767256267 (READ-ONLY COPY).

The authoritative reference and input builder live on the scoring server;
editing this copy changes nothing except your own understanding.
"""

import jax, jax.numpy as jnp
import numpy as np

N = 10000
E = 320000
H = 128  # hidden_channels
F = 128  # num_filters
G = 16   # num_gaussians (edge_attr dim)
CUTOFF = 10.0

def _xavier(key, shape):
    fan_in, fan_out = shape[0], shape[1]
    limit = float(np.sqrt(6.0 / (fan_in + fan_out)))
    return jax.random.uniform(key, shape, dtype=jnp.float32, minval=-limit, maxval=limit)

def setup_inputs(seed: int = 0) -> dict:
    key = jax.random.key(seed)
    ks = jax.random.split(key, 12)
    x = jax.random.normal(ks[0], (N, H), dtype=jnp.float32)
    edge_index = jax.random.randint(ks[1], (2, E), 0, N, dtype=jnp.int32)
    edge_length = jax.random.uniform(ks[2], (E,), dtype=jnp.float32)
    edge_attr = jax.random.normal(ks[3], (E, G), dtype=jnp.float32)
    # ca_filter_nn (CFCA_module): 2-layer MLP num_gaussians -> num_filters -> num_filters
    Wf1 = _xavier(ks[4], (G, F)); bf1 = jnp.zeros((F,), jnp.float32)
    Wf2 = _xavier(ks[5], (F, F)); bf2 = jnp.zeros((F,), jnp.float32)
    # CACFConv lin1 (no bias) and lin2
    Wl1 = _xavier(ks[6], (H, F))
    Wl2 = _xavier(ks[7], (F, H)); bl2 = jnp.zeros((H,), jnp.float32)
    # InteractionBlock final lin
    Wl = _xavier(ks[8], (H, H)); bl = jnp.zeros((H,), jnp.float32)
    return {"x": x, "edge_index": edge_index, "edge_length": edge_length,
            "edge_attr": edge_attr, "Wf1": Wf1, "bf1": bf1, "Wf2": Wf2, "bf2": bf2,
            "Wl1": Wl1, "Wl2": Wl2, "bl2": bl2, "Wl": Wl, "bl": bl}

def reference(x, edge_index, edge_length, edge_attr,
              Wf1, bf1, Wf2, bf2, Wl1, Wl2, bl2, Wl, bl):
    # smooth=True cutoff envelope
    C = 0.5 * (jnp.cos(edge_length * jnp.pi / CUTOFF) + 1.0)
    C = C * (edge_length <= CUTOFF).astype(jnp.float32) * (edge_length >= 0.0).astype(jnp.float32)
    # ca_filter_nn(edge_attr)
    h = jax.nn.gelu(edge_attr @ Wf1 + bf1)
    Wfilt = (h @ Wf2 + bf2) * C[:, None]
    # CACFConv: lin1 -> message = x_j * W -> scatter-add aggregate -> lin2
    x1 = x @ Wl1
    src = edge_index[0]
    dst = edge_index[1]
    msg = jnp.take(x1, src, axis=0) * Wfilt
    agg = jax.ops.segment_sum(msg, dst, num_segments=x.shape[0])
    x2 = agg @ Wl2 + bl2
    # InteractionBlock: act (gelus_gt2_fun ~ gelu) then lin
    x3 = jax.nn.gelu(x2)
    out = x3 @ Wl + bl
    return out

if __name__ == "__main__":
    import jax
    _d = setup_inputs()
    print(jax.jit(kernel)(*tuple(_d.values())))

</pallas_src>

<mosaic_0001>
#map = affine_map<(d0, d1) -> (0, 0)>
#map1 = affine_map<(d0, d1) -> (0, 0, 0, 0)>
module attributes {stable_mosaic.version = 14 : i64} {
  func.func @_sc_body(%arg0: i32, %arg1: i32, %arg2: memref<10000x64xf32, #tpu.memory_space<hbm>>, %arg3: memref<10000x64xf32, #tpu.memory_space<hbm>>, %arg4: memref<320000x64xf32, #tpu.memory_space<hbm>>, %arg5: memref<320000x64xf32, #tpu.memory_space<hbm>>, %arg6: memref<16x5x50x80xi32, #tpu.memory_space<hbm>>, %arg7: memref<16x5x50x80xi32, #tpu.memory_space<hbm>>, %arg8: memref<10240x64xf32, #tpu.memory_space<hbm>>, %arg9: memref<10240x64xf32, #tpu.memory_space<hbm>>, %arg10: memref<50x80xi32, #tpu.memory_space<vmem>>, %arg11: memref<50x80xi32, #tpu.memory_space<vmem>>, %arg12: memref<50x80xi32, #tpu.memory_space<vmem>>, %arg13: memref<50x80xi32, #tpu.memory_space<vmem>>, %arg14: memref<80x64xf32, #tpu.memory_space<vmem>>, %arg15: memref<80x64xf32, #tpu.memory_space<vmem>>, %arg16: memref<80x64xf32, #tpu.memory_space<vmem>>, %arg17: memref<80x64xf32, #tpu.memory_space<vmem>>, %arg18: memref<80x64xf32, #tpu.memory_space<vmem>>, %arg19: memref<80x64xf32, #tpu.memory_space<vmem>>, %arg20: memref<10240x64xf32, #tpu.memory_space<vmem_shared>>, %arg21: memref<10240x64xf32, #tpu.memory_space<vmem_shared>>, %arg22: memref<!tpu.dma_semaphore, #tpu.memory_space<semaphore_mem>>, %arg23: memref<!tpu.dma_semaphore, #tpu.memory_space<semaphore_mem>>, %arg24: memref<!tpu.dma_semaphore, #tpu.memory_space<semaphore_mem>>, %arg25: memref<!tpu.dma_semaphore, #tpu.memory_space<semaphore_mem>>, %arg26: memref<!tpu.dma_semaphore, #tpu.memory_space<semaphore_mem>>, %arg27: memref<!tpu.dma_semaphore, #tpu.memory_space<semaphore_mem>>, %arg28: memref<!tpu.dma_semaphore, #tpu.memory_space<semaphore_mem>>, %arg29: memref<!tpu.dma_semaphore, #tpu.memory_space<semaphore_mem>>) attributes {dimension_semantics = [#tpu.dimension_semantics<core_parallel>, #tpu.dimension_semantics<subcore_parallel>], iteration_bounds = array<i64: 2, 16>, scalar_prefetch = 0 : i64, scratch_operands = 20 : i64, tpu.core_type = #tpu.core_type<sc_vector_subcore>, window_params = [{transform_indices = #map}, {transform_indices = #map}, {transform_indices = #map}, {transform_indices = #map}, {transform_indices = #map1}, {transform_indices = #map1}, {transform_indices = #map}, {transform_indices = #map}]} {
    %broadcast_in_dim3A = arith.constant 0.000000e+00 : f32
    %broadcast_in_dim3A_0 = vector.broadcast %broadcast_in_dim3A : f32 to vector<16xf32>
    %scan3A = arith.constant 0 : i32
    %scan3A_1 = arith.constant 0 : i32
    %scan3A_2 = arith.constant 80 : i32
    %scan3A_3 = arith.addi %scan3A_1, %scan3A_2 : i32
    %scan3A_4 = arith.constant 1 : i32
    scf.for %scan3A_42 = %scan3A_1 to %scan3A_3 step %scan3A_4  : i32 {
      %swap3A = arith.index_cast %scan3A_42 : i32 to index
      %swap3A_43 = arith.constant 0 : index
      %swap3A_44 = tpu.vector_load %arg18[%swap3A, %swap3A_43] {strides = array<i32>} : memref<80x64xf32, #tpu.memory_space<vmem>>, vector<1x16xf32>,
      %swap3A_45 = vector.shape_cast %swap3A_44 : vector<1x16xf32> to vector<16xf32>
      %swap3A_46 = vector.shape_cast %broadcast_in_dim3A_0 : vector<16xf32> to vector<1x16xf32>
      tpu.vector_store %arg18[%swap3A, %swap3A_43], %swap3A_46 {strides = array<i32>} : memref<80x64xf32, #tpu.memory_space<vmem>>, vector<1x16xf32>,
      %swap3A_47 = arith.index_cast %scan3A_42 : i32 to index
      %swap3A_48 = arith.constant 16 : index
      %swap3A_49 = tpu.vector_load %arg18[%swap3A_47, %swap3A_48] {strides = array<i32>} : memref<80x64xf32, #tpu.memory_space<vmem>>, vector<1x16xf32>,
      %swap3A_50 = vector.shape_cast %swap3A_49 : vector<1x16xf32> to vector<16xf32>
      %swap3A_51 = vector.shape_cast %broadcast_in_dim3A_0 : vector<16xf32> to vector<1x16xf32>
      tpu.vector_store %arg18[%swap3A_47, %swap3A_48], %swap3A_51 {strides = array<i32>} : memref<80x64xf32, #tpu.memory_space<vmem>>, vector<1x16xf32>,
      %swap3A_52 = arith.index_cast %scan3A_42 : i32 to index
      %swap3A_53 = arith.constant 32 : index
      %swap3A_54 = tpu.vector_load %arg18[%swap3A_52, %swap3A_53] {strides = array<i32>} : memref<80x64xf32, #tpu.memory_space<vmem>>, vector<1x16xf32>,
      %swap3A_55 = vector.shape_cast %swap3A_54 : vector<1x16xf32> to vector<16xf32>
      %swap3A_56 = vector.shape_cast %broadcast_in_dim3A_0 : vector<16xf32> to vector<1x16xf32>
      tpu.vector_store %arg18[%swap3A_52, %swap3A_53], %swap3A_56 {strides = array<i32>} : memref<80x64xf32, #tpu.memory_space<vmem>>, vector<1x16xf32>,
      %swap3A_57 = arith.index_cast %scan3A_42 : i32 to index
      %swap3A_58 = arith.constant 48 : index
      %swap3A_59 = tpu.vector_load %arg18[%swap3A_57, %swap3A_58] {strides = array<i32>} : memref<80x64xf32, #tpu.memory_space<vmem>>, vector<1x16xf32>,
      %swap3A_60 = vector.shape_cast %swap3A_59 : vector<1x16xf32> to vector<16xf32>
      %swap3A_61 = vector.shape_cast %broadcast_in_dim3A_0 : vector<16xf32> to vector<1x16xf32>
      tpu.vector_store %arg18[%swap3A_57, %swap3A_58], %swap3A_61 {strides = array<i32>} : memref<80x64xf32, #tpu.memory_space<vmem>>, vector<1x16xf32>,
    }
    %scan3A_5 = arith.constant 80 : i32
    %scan3A_6 = arith.constant 0 : i32
    %scan3A_7 = arith.constant 0 : i32
    %scan3A_8 = arith.constant 8 : i32
    %scan3A_9 = arith.addi %scan3A_7, %scan3A_8 : i32
    %scan3A_10 = arith.constant 1 : i32
    scf.for %scan3A_42 = %scan3A_7 to %scan3A_9 step %scan3A_10  : i32 {
      %mul3A_43 = arith.constant 640 : i32
      %mul3A_44 = arith.muli %arg1, %mul3A_43 : i32
      %mul3A_45 = arith.constant 80 : i32
      %mul3A_46 = arith.muli %scan3A_42, %mul3A_45 : i32
      %add3A = arith.addi %mul3A_44, %mul3A_46 : i32
      "tpu.region"() ({
        %run_scoped3A_47 = tpu.sem_alloc : memref<!tpu.dma_semaphore, #tpu.memory_space<semaphore_mem>>
        %dma_start3A = arith.constant 0 : i32
        %dma_start3A_48 = tpu.memref_slice %arg20[%add3A, %dma_start3A] : memref<10240x64xf32, #tpu.memory_space<vmem_shared>> -> memref<80x64xf32, #tpu.memory_space<vmem_shared>>
        %dma_start3A_49 = arith.constant 0 : i32
        %dma_start3A_50 = tpu.memref_slice %arg20[%add3A, %dma_start3A_49] : memref<10240x64xf32, #tpu.memory_space<vmem_shared>> -> memref<80x64xf32, #tpu.memory_space<vmem_shared>>
        tpu.enqueue_dma source(%arg18 : memref<80x64xf32, #tpu.memory_space<vmem>>) target(%dma_start3A_50 : memref<80x64xf32, #tpu.memory_space<vmem_shared>>) target_semaphore(%run_scoped3A_47 : memref<!tpu.dma_semaphore, #tpu.memory_space<semaphore_mem>>)
        %dma_wait3A = arith.constant 0 : i32
        %dma_wait3A_51 = tpu.memref_slice %arg20[%add3A, %dma_wait3A] : memref<10240x64xf32, #tpu.memory_space<vmem_shared>> -> memref<80x64xf32, #tpu.memory_space<vmem_shared>>
        %dma_wait3A_52 = arith.constant 0 : i32
        %dma_wait3A_53 = tpu.memref_slice %arg20[%add3A, %dma_wait3A_52] : memref<10240x64xf32, #tpu.memory_space<vmem_shared>> -> memref<80x64xf32, #tpu.memory_space<vmem_shared>>
        tpu.wait_dma2 semaphore(%run_scoped3A_47 : memref<!tpu.dma_semaphore, #tpu.memory_space<semaphore_mem>>) src(%arg18 : memref<80x64xf32, #tpu.memory_space<vmem>>) dst(%dma_wait3A_53 : memref<80x64xf32, #tpu.memory_space<vmem_shared>>)
        tpu.yield
      }) : () -> ()
    }
    %scan3A_11 = arith.constant 8 : i32
    %eq3A = arith.constant 0 : i32
    %eq3A_12 = arith.cmpi eq, %arg0, %eq3A : i32
    %convert_element_type3A = arith.extui %eq3A_12 : i1 to i32
    %cond3A = arith.constant 0 : i32
    %cond3A_13 = arith.cmpi ne, %convert_element_type3A, %cond3A : i32
    scf.if %cond3A_13 {
      %mul3A_42 = arith.constant 640 : i32
      %mul3A_43 = arith.muli %arg1, %mul3A_42 : i32
      %add3A = arith.constant 0 : i32
      %add3A_44 = arith.addi %mul3A_43, %add3A : i32
      %lt3A = arith.constant 10000 : i32
      %lt3A_45 = arith.cmpi slt, %add3A_44, %lt3A : i32
      %convert_element_type3A_46 = arith.extui %lt3A_45 : i1 to i32
      %cond3A_47 = arith.constant 0 : i32
      %cond3A_48 = arith.cmpi ne, %convert_element_type3A_46, %cond3A_47 : i32
      scf.if %cond3A_48 {
        "tpu.region"() ({
          %run_scoped3A_112 = tpu.sem_alloc : memref<!tpu.dma_semaphore, #tpu.memory_space<semaphore_mem>>
          %dma_start3A = arith.constant 0 : i32
          %dma_start3A_113 = tpu.memref_slice %arg2[%add3A_44, %dma_start3A] : memref<10000x64xf32, #tpu.memory_space<hbm>> -> memref<80x64xf32, #tpu.memory_space<hbm>>
          %dma_start3A_114 = arith.constant 0 : i32
          %dma_start3A_115 = tpu.memref_slice %arg2[%add3A_44, %dma_start3A_114] : memref<10000x64xf32, #tpu.memory_space<hbm>> -> memref<80x64xf32, #tpu.memory_space<hbm>>
          tpu.enqueue_dma source(%dma_start3A_115 : memref<80x64xf32, #tpu.memory_space<hbm>>) target(%arg14 : memref<80x64xf32, #tpu.memory_space<vmem>>) target_semaphore(%run_scoped3A_112 : memref<!tpu.dma_semaphore, #tpu.memory_space<semaphore_mem>>)
          %dma_wait3A = arith.constant 0 : i32
          %dma_wait3A_116 = tpu.memref_slice %arg2[%add3A_44, %dma_wait3A] : memref<10000x64xf32, #tpu.memory_space<hbm>> -> memref<80x64xf32, #tpu.memory_space<hbm>>
          %dma_wait3A_117 = arith.constant 0 : i32
          %dma_wait3A_118 = tpu.memref_slice %arg2[%add3A_44, %dma_wait3A_117] : memref<10000x64xf32, #tpu.memory_space<hbm>> -> memref<80x64xf32, #tpu.memory_space<hbm>>
          tpu.wait_dma2 semaphore(%run_scoped3A_112 : memref<!tpu.dma_semaphore, #tpu.memory_space<semaphore_mem>>) src(%dma_wait3A_118 : memref<80x64xf32, #tpu.memory_space<hbm>>) dst(%arg14 : memref<80x64xf32, #tpu.memory_space<vmem>>)
          tpu.yield
        }) : () -> ()
        "tpu.region"() ({
          %run_scoped3A_112 = tpu.sem_alloc : memref<!tpu.dma_semaphore, #tpu.memory_space<semaphore_mem>>
          %dma_start3A = arith.constant 0 : i32
          %dma_start3A_113 = tpu.memref_slice %arg21[%add3A_44, %dma_start3A] : memref<10240x64xf32, #tpu.memory_space<vmem_shared>> -> memref<80x64xf32, #tpu.memory_space<vmem_shared>>
          %dma_start3A_114 = arith.constant 0 : i32
          %dma_start3A_115 = tpu.memref_slice %arg21[%add3A_44, %dma_start3A_114] : memref<10240x64xf32, #tpu.memory_space<vmem_shared>> -> memref<80x64xf32, #tpu.memory_space<vmem_shared>>
          tpu.enqueue_dma source(%arg14 : memref<80x64xf32, #tpu.memory_space<vmem>>) target(%dma_start3A_115 : memref<80x64xf32, #tpu.memory_space<vmem_shared>>) target_semaphore(%run_scoped3A_112 : memref<!tpu.dma_semaphore, #tpu.memory_space<semaphore_mem>>)
          %dma_wait3A = arith.constant 0 : i32
          %dma_wait3A_116 = tpu.memref_slice %arg21[%add3A_44, %dma_wait3A] : memref<10240x64xf32, #tpu.memory_space<vmem_shared>> -> memref<80x64xf32, #tpu.memory_space<vmem_shared>>
          %dma_wait3A_117 = arith.constant 0 : i32
          %dma_wait3A_118 = tpu.memref_slice %arg21[%add3A_44, %dma_wait3A_117] : memref<10240x64xf32, #tpu.memory_space<vmem_shared>> -> memref<80x64xf32, #tpu.memory_space<vmem_shared>>
          tpu.wait_dma2 semaphore(%run_scoped3A_112 : memref<!tpu.dma_semaphore, #tpu.memory_space<semaphore_mem>>) src(%arg14 : memref<80x64xf32, #tpu.memory_space<vmem>>) dst(%dma_wait3A_118 : memref<80x64xf32, #tpu.memory_space<vmem_shared>>)
          tpu.yield
        }) : () -> ()
      } else {
      }
      %mul3A_49 = arith.constant 640 : i32
      %mul3A_50 = arith.muli %arg1, %mul3A_49 : i32
      %add3A_51 = arith.constant 80 : i32
      %add3A_52 = arith.addi %mul3A_50, %add3A_51 : i32
      %lt3A_53 = arith.constant 10000 : i32
      %lt3A_54 = arith.cmpi slt, %add3A_52, %lt3A_53 : i32
      %convert_element_type3A_55 = arith.extui %lt3A_54 : i1 to i32
      %cond3A_56 = arith.constant 0 : i32
      %cond3A_57 = arith.cmpi ne, %convert_element_type3A_55, %cond3A_56 : i32
      scf.if %cond3A_57 {
        "tpu.region"() ({
          %run_scoped3A_112 = tpu.sem_alloc : memref<!tpu.dma_semaphore, #tpu.memory_space<semaphore_mem>>
          %dma_start3A = arith.constant 0 : i32
          %dma_start3A_113 = tpu.memref_slice %arg2[%add3A_52, %dma_start3A] : memref<10000x64xf32, #tpu.memory_space<hbm>> -> memref<80x64xf32, #tpu.memory_space<hbm>>
          %dma_start3A_114 = arith.constant 0 : i32
          %dma_start3A_115 = tpu.memref_slice %arg2[%add3A_52, %dma_start3A_114] : memref<10000x64xf32, #tpu.memory_space<hbm>> -> memref<80x64xf32, #tpu.memory_space<hbm>>
          tpu.enqueue_dma source(%dma_start3A_115 : memref<80x64xf32, #tpu.memory_space<hbm>>) target(%arg14 : memref<80x64xf32, #tpu.memory_space<vmem>>) target_semaphore(%run_scoped3A_112 : memref<!tpu.dma_semaphore, #tpu.memory_space<semaphore_mem>>)
          %dma_wait3A = arith.constant 0 : i32
          %dma_wait3A_116 = tpu.memref_slice %arg2[%add3A_52, %dma_wait3A] : memref<10000x64xf32, #tpu.memory_space<hbm>> -> memref<80x64xf32, #tpu.memory_space<hbm>>
          %dma_wait3A_117 = arith.constant 0 : i32
          %dma_wait3A_118 = tpu.memref_slice %arg2[%add3A_52, %dma_wait3A_117] : memref<10000x64xf32, #tpu.memory_space<hbm>> -> memref<80x64xf32, #tpu.memory_space<hbm>>
          tpu.wait_dma2 semaphore(%run_scoped3A_112 : memref<!tpu.dma_semaphore, #tpu.memory_space<semaphore_mem>>) src(%dma_wait3A_118 : memref<80x64xf32, #tpu.memory_space<hbm>>) dst(%arg14 : memref<80x64xf32, #tpu.memory_space<vmem>>)
          tpu.yield
        }) : () -> ()
        "tpu.region"() ({
          %run_scoped3A_112 = tpu.sem_alloc : memref<!tpu.dma_semaphore, #tpu.memory_space<semaphore_mem>>
          %dma_start3A = arith.constant 0 : i32
          %dma_start3A_113 = tpu.memref_slice %arg21[%add3A_52, %dma_start3A] : memref<10240x64xf32, #tpu.memory_space<vmem_shared>> -> memref<80x64xf32, #tpu.memory_space<vmem_shared>>
          %dma_start3A_114 = arith.constant 0 : i32
          %dma_start3A_115 = tpu.memref_slice %arg21[%add3A_52, %dma_start3A_114] : memref<10240x64xf32, #tpu.memory_space<vmem_shared>> -> memref<80x64xf32, #tpu.memory_space<vmem_shared>>
          tpu.enqueue_dma source(%arg14 : memref<80x64xf32, #tpu.memory_space<vmem>>) target(%dma_start3A_115 : memref<80x64xf32, #tpu.memory_space<vmem_shared>>) target_semaphore(%run_scoped3A_112 : memref<!tpu.dma_semaphore, #tpu.memory_space<semaphore_mem>>)
          %dma_wait3A = arith.constant 0 : i32
          %dma_wait3A_116 = tpu.memref_slice %arg21[%add3A_52, %dma_wait3A] : memref<10240x64xf32, #tpu.memory_space<vmem_shared>> -> memref<80x64xf32, #tpu.memory_space<vmem_shared>>
          %dma_wait3A_117 = arith.constant 0 : i32
          %dma_wait3A_118 = tpu.memref_slice %arg21[%add3A_52, %dma_wait3A_117] : memref<10240x64xf32, #tpu.memory_space<vmem_shared>> -> memref<80x64xf32, #tpu.memory_space<vmem_shared>>
          tpu.wait_dma2 semaphore(%run_scoped3A_112 : memref<!tpu.dma_semaphore, #tpu.memory_space<semaphore_mem>>) src(%arg14 : memref<80x64xf32, #tpu.memory_space<vmem>>) dst(%dma_wait3A_118 : memref<80x64xf32, #tpu.memory_space<vmem_shared>>)
          tpu.yield
        }) : () -> ()
      } else {
      }
      %mul3A_58 = arith.constant 640 : i32
      %mul3A_59 = arith.muli %arg1, %mul3A_58 : i32
      %add3A_60 = arith.constant 160 : i32
      %add3A_61 = arith.addi %mul3A_59, %add3A_60 : i32
      %lt3A_62 = arith.constant 10000 : i32
      %lt3A_63 = arith.cmpi slt, %add3A_61, %lt3A_62 : i32
      %convert_element_type3A_64 = arith.extui %lt3A_63 : i1 to i32
      %cond3A_65 = arith.constant 0 : i32
      %cond3A_66 = arith.cmpi ne, %convert_element_type3A_64, %cond3A_65 : i32
      scf.if %cond3A_66 {
        "tpu.region"() ({
          %run_scoped3A_112 = tpu.sem_alloc : memref<!tpu.dma_semaphore, #tpu.memory_space<semaphore_mem>>
          %dma_start3A = arith.constant 0 : i32
          %dma_start3A_113 = tpu.memref_slice %arg2[%add3A_61, %dma_start3A] : memref<10000x64xf32, #tpu.memory_space<hbm>> -> memref<80x64xf32, #tpu.memory_space<hbm>>
          %dma_start3A_114 = arith.constant 0 : i32
          %dma_start3A_115 = tpu.memref_slice %arg2[%add3A_61, %dma_start3A_114] : memref<10000x64xf32, #tpu.memory_space<hbm>> -> memref<80x64xf32, #tpu.memory_space<hbm>>
          tpu.enqueue_dma source(%dma_start3A_115 : memref<80x64xf32, #tpu.memory_space<hbm>>) target(%arg14 : memref<80x64xf32, #tpu.memory_space<vmem>>) target_semaphore(%run_scoped3A_112 : memref<!tpu.dma_semaphore, #tpu.memory_space<semaphore_mem>>)
          %dma_wait3A = arith.constant 0 : i32
          %dma_wait3A_116 = tpu.memref_slice %arg2[%add3A_61, %dma_wait3A] : memref<10000x64xf32, #tpu.memory_space<hbm>> -> memref<80x64xf32, #tpu.memory_space<hbm>>
          %dma_wait3A_117 = arith.constant 0 : i32
          %dma_wait3A_118 = tpu.memref_slice %arg2[%add3A_61, %dma_wait3A_117] : memref<10000x64xf32, #tpu.memory_space<hbm>> -> memref<80x64xf32, #tpu.memory_space<hbm>>
          tpu.wait_dma2 semaphore(%run_scoped3A_112 : memref<!tpu.dma_semaphore, #tpu.memory_space<semaphore_mem>>) src(%dma_wait3A_118 : memref<80x64xf32, #tpu.memory_space<hbm>>) dst(%arg14 : memref<80x64xf32, #tpu.memory_space<vmem>>)
          tpu.yield
        }) : () -> ()
        "tpu.region"() ({
          %run_scoped3A_112 = tpu.sem_alloc : memref<!tpu.dma_semaphore, #tpu.memory_space<semaphore_mem>>
          %dma_start3A = arith.constant 0 : i32
          %dma_start3A_113 = tpu.memref_slice %arg21[%add3A_61, %dma_start3A] : memref<10240x64xf32, #tpu.memory_space<vmem_shared>> -> memref<80x64xf32, #tpu.memory_space<vmem_shared>>
          %dma_start3A_114 = arith.constant 0 : i32
          %dma_start3A_115 = tpu.memref_slice %arg21[%add3A_61, %dma_start3A_114] : memref<10240x64xf32, #tpu.memory_space<vmem_shared>> -> memref<80x64xf32, #tpu.memory_space<vmem_shared>>
          tpu.enqueue_dma source(%arg14 : memref<80x64xf32, #tpu.memory_space<vmem>>) target(%dma_start3A_115 : memref<80x64xf32, #tpu.memory_space<vmem_shared>>) target_semaphore(%run_scoped3A_112 : memref<!tpu.dma_semaphore, #tpu.memory_space<semaphore_mem>>)
          %dma_wait3A = arith.constant 0 : i32
          %dma_wait3A_116 = tpu.memref_slice %arg21[%add3A_61, %dma_wait3A] : memref<10240x64xf32, #tpu.memory_space<vmem_shared>> -> memref<80x64xf32, #tpu.memory_space<vmem_shared>>
          %dma_wait3A_117 = arith.constant 0 : i32
          %dma_wait3A_118 = tpu.memref_slice %arg21[%add3A_61, %dma_wait3A_117] : memref<10240x64xf32, #tpu.memory_space<vmem_shared>> -> memref<80x64xf32, #tpu.memory_space<vmem_shared>>
          tpu.wait_dma2 semaphore(%run_scoped3A_112 : memref<!tpu.dma_semaphore, #tpu.memory_space<semaphore_mem>>) src(%arg14 : memref<80x64xf32, #tpu.memory_space<vmem>>) dst(%dma_wait3A_118 : memref<80x64xf32, #tpu.memory_space<vmem_shared>>)
          tpu.yield
        }) : () -> ()
      } else {
      }
      %mul3A_67 = arith.constant 640 : i32
      %mul3A_68 = arith.muli %arg1, %mul3A_67 : i32
      %add3A_69 = arith.constant 240 : i32
      %add3A_70 = arith.addi %mul3A_68, %add3A_69 : i32
      %lt3A_71 = arith.constant 10000 : i32
      %lt3A_72 = arith.cmpi slt, %add3A_70, %lt3A_71 : i32
      %convert_element_type3A_73 = arith.extui %lt3A_72 : i1 to i32
      %cond3A_74 = arith.constant 0 : i32
      %cond3A_75 = arith.cmpi ne, %convert_element_type3A_73, %cond3A_74 : i32
      scf.if %cond3A_75 {
        "tpu.region"() ({
          %run_scoped3A_112 = tpu.sem_alloc : memref<!tpu.dma_semaphore, #tpu.memory_space<semaphore_mem>>
          %dma_start3A = arith.constant 0 : i32
          %dma_start3A_113 = tpu.memref_slice %arg2[%add3A_70, %dma_start3A] : memref<10000x64xf32, #tpu.memory_space<hbm>> -> memref<80x64xf32, #tpu.memory_space<hbm>>
          %dma_start3A_114 = arith.constant 0 : i32
          %dma_start3A_115 = tpu.memref_slice %arg2[%add3A_70, %dma_start3A_114] : memref<10000x64xf32, #tpu.memory_space<hbm>> -> memref<80x64xf32, #tpu.memory_space<hbm>>
          tpu.enqueue_dma source(%dma_start3A_115 : memref<80x64xf32, #tpu.memory_space<hbm>>) target(%arg14 : memref<80x64xf32, #tpu.memory_space<vmem>>) target_semaphore(%run_scoped3A_112 : memref<!tpu.dma_semaphore, #tpu.memory_space<semaphore_mem>>)
          %dma_wait3A = arith.constant 0 : i32
          %dma_wait3A_116 = tpu.memref_slice %arg2[%add3A_70, %dma_wait3A] : memref<10000x64xf32, #tpu.memory_space<hbm>> -> memref<80x64xf32, #tpu.memory_space<hbm>>
          %dma_wait3A_117 = arith.constant 0 : i32
          %dma_wait3A_118 = tpu.memref_slice %arg2[%add3A_70, %dma_wait3A_117] : memref<10000x64xf32, #tpu.memory_space<hbm>> -> memref<80x64xf32, #tpu.memory_space<hbm>>
          tpu.wait_dma2 semaphore(%run_scoped3A_112 : memref<!tpu.dma_semaphore, #tpu.memory_space<semaphore_mem>>) src(%dma_wait3A_118 : memref<80x64xf32, #tpu.memory_space<hbm>>) dst(%arg14 : memref<80x64xf32, #tpu.memory_space<vmem>>)
          tpu.yield
        }) : () -> ()
        "tpu.region"() ({
          %run_scoped3A_112 = tpu.sem_alloc : memref<!tpu.dma_semaphore, #tpu.memory_space<semaphore_mem>>
          %dma_start3A = arith.constant 0 : i32
          %dma_start3A_113 = tpu.memref_slice %arg21[%add3A_70, %dma_start3A] : memref<10240x64xf32, #tpu.memory_space<vmem_shared>> -> memref<80x64xf32, #tpu.memory_space<vmem_shared>>
          %dma_start3A_114 = arith.constant 0 : i32
          %dma_start3A_115 = tpu.memref_slice %arg21[%add3A_70, %dma_start3A_114] : memref<10240x64xf32, #tpu.memory_space<vmem_shared>> -> memref<80x64xf32, #tpu.memory_space<vmem_shared>>
          tpu.enqueue_dma source(%arg14 : memref<80x64xf32, #tpu.memory_space<vmem>>) target(%dma_start3A_115 : memref<80x64xf32, #tpu.memory_space<vmem_shared>>) target_semaphore(%run_scoped3A_112 : memref<!tpu.dma_semaphore, #tpu.memory_space<semaphore_mem>>)
          %dma_wait3A = arith.constant 0 : i32
          %dma_wait3A_116 = tpu.memref_slice %arg21[%add3A_70, %dma_wait3A] : memref<10240x64xf32, #tpu.memory_space<vmem_shared>> -> memref<80x64xf32, #tpu.memory_space<vmem_shared>>
          %dma_wait3A_117 = arith.constant 0 : i32
          %dma_wait3A_118 = tpu.memref_slice %arg21[%add3A_70, %dma_wait3A_117] : memref<10240x64xf32, #tpu.memory_space<vmem_shared>> -> memref<80x64xf32, #tpu.memory_space<vmem_shared>>
          tpu.wait_dma2 semaphore(%run_scoped3A_112 : memref<!tpu.dma_semaphore, #tpu.memory_space<semaphore_mem>>) src(%arg14 : memref<80x64xf32, #tpu.memory_space<vmem>>) dst(%dma_wait3A_118 : memref<80x64xf32, #tpu.memory_space<vmem_shared>>)
          tpu.yield
        }) : () -> ()
      } else {
      }
      %mul3A_76 = arith.constant 640 : i32
      %mul3A_77 = arith.muli %arg1, %mul3A_76 : i32
      %add3A_78 = arith.constant 320 : i32
      %add3A_79 = arith.addi %mul3A_77, %add3A_78 : i32
      %lt3A_80 = arith.constant 10000 : i32
      %lt3A_81 = arith.cmpi slt, %add3A_79, %lt3A_80 : i32
      %convert_element_type3A_82 = arith.extui %lt3A_81 : i1 to i32
      %cond3A_83 = arith.constant 0 : i32
      %cond3A_84 = arith.cmpi ne, %convert_element_type3A_82, %cond3A_83 : i32
      scf.if %cond3A_84 {
        "tpu.region"() ({
          %run_scoped3A_112 = tpu.sem_alloc : memref<!tpu.dma_semaphore, #tpu.memory_space<semaphore_mem>>
          %dma_start3A = arith.constant 0 : i32
          %dma_start3A_113 = tpu.memref_slice %arg2[%add3A_79, %dma_start3A] : memref<10000x64xf32, #tpu.memory_space<hbm>> -> memref<80x64xf32, #tpu.memory_space<hbm>>
          %dma_start3A_114 = arith.constant 0 : i32
          %dma_start3A_115 = tpu.memref_slice %arg2[%add3A_79, %dma_start3A_114] : memref<10000x64xf32, #tpu.memory_space<hbm>> -> memref<80x64xf32, #tpu.memory_space<hbm>>
          tpu.enqueue_dma source(%dma_start3A_115 : memref<80x64xf32, #tpu.memory_space<hbm>>) target(%arg14 : memref<80x64xf32, #tpu.memory_space<vmem>>) target_semaphore(%run_scoped3A_112 : memref<!tpu.dma_semaphore, #tpu.memory_space<semaphore_mem>>)
          %dma_wait3A = arith.constant 0 : i32
          %dma_wait3A_116 = tpu.memref_slice %arg2[%add3A_79, %dma_wait3A] : memref<10000x64xf32, #tpu.memory_space<hbm>> -> memref<80x64xf32, #tpu.memory_space<hbm>>
          %dma_wait3A_117 = arith.constant 0 : i32
          %dma_wait3A_118 = tpu.memref_slice %arg2[%add3A_79, %dma_wait3A_117] : memref<10000x64xf32, #tpu.memory_space<hbm>> -> memref<80x64xf32, #tpu.memory_space<hbm>>
          tpu.wait_dma2 semaphore(%run_scoped3A_112 : memref<!tpu.dma_semaphore, #tpu.memory_space<semaphore_mem>>) src(%dma_wait3A_118 : memref<80x64xf32, #tpu.memory_space<hbm>>) dst(%arg14 : memref<80x64xf32, #tpu.memory_space<vmem>>)
          tpu.yield
        }) : () -> ()
        "tpu.region"() ({
          %run_scoped3A_112 = tpu.sem_alloc : memref<!tpu.dma_semaphore, #tpu.memory_space<semaphore_mem>>
          %dma_start3A = arith.constant 0 : i32
          %dma_start3A_113 = tpu.memref_slice %arg21[%add3A_79, %dma_start3A] : memref<10240x64xf32, #tpu.memory_space<vmem_shared>> -> memref<80x64xf32, #tpu.memory_space<vmem_shared>>
          %dma_start3A_114 = arith.constant 0 : i32
          %dma_start3A_115 = tpu.memref_slice %arg21[%add3A_79, %dma_start3A_114] : memref<10240x64xf32, #tpu.memory_space<vmem_shared>> -> memref<80x64xf32, #tpu.memory_space<vmem_shared>>
          tpu.enqueue_dma source(%arg14 : memref<80x64xf32, #tpu.memory_space<vmem>>) target(%dma_start3A_115 : memref<80x64xf32, #tpu.memory_space<vmem_shared>>) target_semaphore(%run_scoped3A_112 : memref<!tpu.dma_semaphore, #tpu.memory_space<semaphore_mem>>)
          %dma_wait3A = arith.constant 0 : i32
          %dma_wait3A_116 = tpu.memref_slice %arg21[%add3A_79, %dma_wait3A] : memref<10240x64xf32, #tpu.memory_space<vmem_shared>> -> memref<80x64xf32, #tpu.memory_space<vmem_shared>>
          %dma_wait3A_117 = arith.constant 0 : i32
          %dma_wait3A_118 = tpu.memref_slice %arg21[%add3A_79, %dma_wait3A_117] : memref<10240x64xf32, #tpu.memory_space<vmem_shared>> -> memref<80x64xf32, #tpu.memory_space<vmem_shared>>
          tpu.wait_dma2 semaphore(%run_scoped3A_112 : memref<!tpu.dma_semaphore, #tpu.memory_space<semaphore_mem>>) src(%arg14 : memref<80x64xf32, #tpu.memory_space<vmem>>) dst(%dma_wait3A_118 : memref<80x64xf32, #tpu.memory_space<vmem_shared>>)
          tpu.yield
        }) : () -> ()
      } else {
      }
      %mul3A_85 = arith.constant 640 : i32
      %mul3A_86 = arith.muli %arg1, %mul3A_85 : i32
      %add3A_87 = arith.constant 400 : i32
      %add3A_88 = arith.addi %mul3A_86, %add3A_87 : i32
      %lt3A_89 = arith.constant 10000 : i32
      %lt3A_90 = arith.cmpi slt, %add3A_88, %lt3A_89 : i32
      %convert_element_type3A_91 = arith.extui %lt3A_90 : i1 to i32
      %cond3A_92 = arith.constant 0 : i32
      %cond3A_93 = arith.cmpi ne, %convert_element_type3A_91, %cond3A_92 : i32
      scf.if %cond3A_93 {
        "tpu.region"() ({
          %run_scoped3A_112 = tpu.sem_alloc : memref<!tpu.dma_semaphore, #tpu.memory_space<semaphore_mem>>
          %dma_start3A = arith.constant 0 : i32
          %dma_start3A_113 = tpu.memref_slice %arg2[%add3A_88, %dma_start3A] : memref<10000x64xf32, #tpu.memory_space<hbm>> -> memref<80x64xf32, #tpu.memory_space<hbm>>
          %dma_start3A_114 = arith.constant 0 : i32
          %dma_start3A_115 = tpu.memref_slice %arg2[%add3A_88, %dma_start3A_114] : memref<10000x64xf32, #tpu.memory_space<hbm>> -> memref<80x64xf32, #tpu.memory_space<hbm>>
          tpu.enqueue_dma source(%dma_start3A_115 : memref<80x64xf32, #tpu.memory_space<hbm>>) target(%arg14 : memref<80x64xf32, #tpu.memory_space<vmem>>) target_semaphore(%run_scoped3A_112 : memref<!tpu.dma_semaphore, #tpu.memory_space<semaphore_mem>>)
          %dma_wait3A = arith.constant 0 : i32
          %dma_wait3A_116 = tpu.memref_slice %arg2[%add3A_88, %dma_wait3A] : memref<10000x64xf32, #tpu.memory_space<hbm>> -> memref<80x64xf32, #tpu.memory_space<hbm>>
          %dma_wait3A_117 = arith.constant 0 : i32
          %dma_wait3A_118 = tpu.memref_slice %arg2[%add3A_88, %dma_wait3A_117] : memref<10000x64xf32, #tpu.memory_space<hbm>> -> memref<80x64xf32, #tpu.memory_space<hbm>>
          tpu.wait_dma2 semaphore(%run_scoped3A_112 : memref<!tpu.dma_semaphore, #tpu.memory_space<semaphore_mem>>) src(%dma_wait3A_118 : memref<80x64xf32, #tpu.memory_space<hbm>>) dst(%arg14 : memref<80x64xf32, #tpu.memory_space<vmem>>)
          tpu.yield
        }) : () -> ()
        "tpu.region"() ({
          %run_scoped3A_112 = tpu.sem_alloc : memref<!tpu.dma_semaphore, #tpu.memory_space<semaphore_mem>>
          %dma_start3A = arith.constant 0 : i32
          %dma_start3A_113 = tpu.memref_slice %arg21[%add3A_88, %dma_start3A] : memref<10240x64xf32, #tpu.memory_space<vmem_shared>> -> memref<80x64xf32, #tpu.memory_space<vmem_shared>>
          %dma_start3A_114 = arith.constant 0 : i32
          %dma_start3A_115 = tpu.memref_slice %arg21[%add3A_88, %dma_start3A_114] : memref<10240x64xf32, #tpu.memory_space<vmem_shared>> -> memref<80x64xf32, #tpu.memory_space<vmem_shared>>
          tpu.enqueue_dma source(%arg14 : memref<80x64xf32, #tpu.memory_space<vmem>>) target(%dma_start3A_115 : memref<80x64xf32, #tpu.memory_space<vmem_shared>>) target_semaphore(%run_scoped3A_112 : memref<!tpu.dma_semaphore, #tpu.memory_space<semaphore_mem>>)
          %dma_wait3A = arith.constant 0 : i32
          %dma_wait3A_116 = tpu.memref_slice %arg21[%add3A_88, %dma_wait3A] : memref<10240x64xf32, #tpu.memory_space<vmem_shared>> -> memref<80x64xf32, #tpu.memory_space<vmem_shared>>
          %dma_wait3A_117 = arith.constant 0 : i32
          %dma_wait3A_118 = tpu.memref_slice %arg21[%add3A_88, %dma_wait3A_117] : memref<10240x64xf32, #tpu.memory_space<vmem_shared>> -> memref<80x64xf32, #tpu.memory_space<vmem_shared>>
          tpu.wait_dma2 semaphore(%run_scoped3A_112 : memref<!tpu.dma_semaphore, #tpu.memory_space<semaphore_mem>>) src(%arg14 : memref<80x64xf32, #tpu.memory_space<vmem>>) dst(%dma_wait3A_118 : memref<80x64xf32, #tpu.memory_space<vmem_shared>>)
          tpu.yield
        }) : () -> ()
      } else {
      }
      %mul3A_94 = arith.constant 640 : i32
      %mul3A_95 = arith.muli %arg1, %mul3A_94 : i32
      %add3A_96 = arith.constant 480 : i32
      %add3A_97 = arith.addi %mul3A_95, %add3A_96 : i32
      %lt3A_98 = arith.constant 10000 : i32
      %lt3A_99 = arith.cmpi slt, %add3A_97, %lt3A_98 : i32
      %convert_element_type3A_100 = arith.extui %lt3A_99 : i1 to i32
      %cond3A_101 = arith.constant 0 : i32
      %cond3A_102 = arith.cmpi ne, %convert_element_type3A_100, %cond3A_101 : i32
      scf.if %cond3A_102 {
        "tpu.region"() ({
          %run_scoped3A_112 = tpu.sem_alloc : memref<!tpu.dma_semaphore, #tpu.memory_space<semaphore_mem>>
          %dma_start3A = arith.constant 0 : i32
          %dma_start3A_113 = tpu.memref_slice %arg2[%add3A_97, %dma_start3A] : memref<10000x64xf32, #tpu.memory_space<hbm>> -> memref<80x64xf32, #tpu.memory_space<hbm>>
          %dma_start3A_114 = arith.constant 0 : i32
          %dma_start3A_115 = tpu.memref_slice %arg2[%add3A_97, %dma_start3A_114] : memref<10000x64xf32, #tpu.memory_space<hbm>> -> memref<80x64xf32, #tpu.memory_space<hbm>>
          tpu.enqueue_dma source(%dma_start3A_115 : memref<80x64xf32, #tpu.memory_space<hbm>>) target(%arg14 : memref<80x64xf32, #tpu.memory_space<vmem>>) target_semaphore(%run_scoped3A_112 : memref<!tpu.dma_semaphore, #tpu.memory_space<semaphore_mem>>)
          %dma_wait3A = arith.constant 0 : i32
          %dma_wait3A_116 = tpu.memref_slice %arg2[%add3A_97, %dma_wait3A] : memref<10000x64xf32, #tpu.memory_space<hbm>> -> memref<80x64xf32, #tpu.memory_space<hbm>>
          %dma_wait3A_117 = arith.constant 0 : i32
          %dma_wait3A_118 = tpu.memref_slice %arg2[%add3A_97, %dma_wait3A_117] : memref<10000x64xf32, #tpu.memory_space<hbm>> -> memref<80x64xf32, #tpu.memory_space<hbm>>
          tpu.wait_dma2 semaphore(%run_scoped3A_112 : memref<!tpu.dma_semaphore, #tpu.memory_space<semaphore_mem>>) src(%dma_wait3A_118 : memref<80x64xf32, #tpu.memory_space<hbm>>) dst(%arg14 : memref<80x64xf32, #tpu.memory_space<vmem>>)
          tpu.yield
        }) : () -> ()
        "tpu.region"() ({
          %run_scoped3A_112 = tpu.sem_alloc : memref<!tpu.dma_semaphore, #tpu.memory_space<semaphore_mem>>
          %dma_start3A = arith.constant 0 : i32
          %dma_start3A_113 = tpu.memref_slice %arg21[%add3A_97, %dma_start3A] : memref<10240x64xf32, #tpu.memory_space<vmem_shared>> -> memref<80x64xf32, #tpu.memory_space<vmem_shared>>
          %dma_start3A_114 = arith.constant 0 : i32
          %dma_start3A_115 = tpu.memref_slice %arg21[%add3A_97, %dma_start3A_114] : memref<10240x64xf32, #tpu.memory_space<vmem_shared>> -> memref<80x64xf32, #tpu.memory_space<vmem_shared>>
          tpu.enqueue_dma source(%arg14 : memref<80x64xf32, #tpu.memory_space<vmem>>) target(%dma_start3A_115 : memref<80x64xf32, #tpu.memory_space<vmem_shared>>) target_semaphore(%run_scoped3A_112 : memref<!tpu.dma_semaphore, #tpu.memory_space<semaphore_mem>>)
          %dma_wait3A = arith.constant 0 : i32
          %dma_wait3A_116 = tpu.memref_slice %arg21[%add3A_97, %dma_wait3A] : memref<10240x64xf32, #tpu.memory_space<vmem_shared>> -> memref<80x64xf32, #tpu.memory_space<vmem_shared>>
          %dma_wait3A_117 = arith.constant 0 : i32
          %dma_wait3A_118 = tpu.memref_slice %arg21[%add3A_97, %dma_wait3A_117] : memref<10240x64xf32, #tpu.memory_space<vmem_shared>> -> memref<80x64xf32, #tpu.memory_space<vmem_shared>>
          tpu.wait_dma2 semaphore(%run_scoped3A_112 : memref<!tpu.dma_semaphore, #tpu.memory_space<semaphore_mem>>) src(%arg14 : memref<80x64xf32, #tpu.memory_space<vmem>>) dst(%dma_wait3A_118 : memref<80x64xf32, #tpu.memory_space<vmem_shared>>)
          tpu.yield
        }) : () -> ()
      } else {
      }
      %mul3A_103 = arith.constant 640 : i32
      %mul3A_104 = arith.muli %arg1, %mul3A_103 : i32
      %add3A_105 = arith.constant 560 : i32
      %add3A_106 = arith.addi %mul3A_104, %add3A_105 : i32
      %lt3A_107 = arith.constant 10000 : i32
      %lt3A_108 = arith.cmpi slt, %add3A_106, %lt3A_107 : i32
      %convert_element_type3A_109 = arith.extui %lt3A_108 : i1 to i32
      %cond3A_110 = arith.constant 0 : i32
      %cond3A_111 = arith.cmpi ne, %convert_element_type3A_109, %cond3A_110 : i32
      scf.if %cond3A_111 {
        "tpu.region"() ({
          %run_scoped3A_112 = tpu.sem_alloc : memref<!tpu.dma_semaphore, #tpu.memory_space<semaphore_mem>>
          %dma_start3A = arith.constant 0 : i32
          %dma_start3A_113 = tpu.memref_slice %arg2[%add3A_106, %dma_start3A] : memref<10000x64xf32, #tpu.memory_space<hbm>> -> memref<80x64xf32, #tpu.memory_space<hbm>>
          %dma_start3A_114 = arith.constant 0 : i32
          %dma_start3A_115 = tpu.memref_slice %arg2[%add3A_106, %dma_start3A_114] : memref<10000x64xf32, #tpu.memory_space<hbm>> -> memref<80x64xf32, #tpu.memory_space<hbm>>
          tpu.enqueue_dma source(%dma_start3A_115 : memref<80x64xf32, #tpu.memory_space<hbm>>) target(%arg14 : memref<80x64xf32, #tpu.memory_space<vmem>>) target_semaphore(%run_scoped3A_112 : memref<!tpu.dma_semaphore, #tpu.memory_space<semaphore_mem>>)
          %dma_wait3A = arith.constant 0 : i32
          %dma_wait3A_116 = tpu.memref_slice %arg2[%add3A_106, %dma_wait3A] : memref<10000x64xf32, #tpu.memory_space<hbm>> -> memref<80x64xf32, #tpu.memory_space<hbm>>
          %dma_wait3A_117 = arith.constant 0 : i32
          %dma_wait3A_118 = tpu.memref_slice %arg2[%add3A_106, %dma_wait3A_117] : memref<10000x64xf32, #tpu.memory_space<hbm>> -> memref<80x64xf32, #tpu.memory_space<hbm>>
          tpu.wait_dma2 semaphore(%run_scoped3A_112 : memref<!tpu.dma_semaphore, #tpu.memory_space<semaphore_mem>>) src(%dma_wait3A_118 : memref<80x64xf32, #tpu.memory_space<hbm>>) dst(%arg14 : memref<80x64xf32, #tpu.memory_space<vmem>>)
          tpu.yield
        }) : () -> ()
        "tpu.region"() ({
          %run_scoped3A_112 = tpu.sem_alloc : memref<!tpu.dma_semaphore, #tpu.memory_space<semaphore_mem>>
          %dma_start3A = arith.constant 0 : i32
          %dma_start3A_113 = tpu.memref_slice %arg21[%add3A_106, %dma_start3A] : memref<10240x64xf32, #tpu.memory_space<vmem_shared>> -> memref<80x64xf32, #tpu.memory_space<vmem_shared>>
          %dma_start3A_114 = arith.constant 0 : i32
          %dma_start3A_115 = tpu.memref_slice %arg21[%add3A_106, %dma_start3A_114] : memref<10240x64xf32, #tpu.memory_space<vmem_shared>> -> memref<80x64xf32, #tpu.memory_space<vmem_shared>>
          tpu.enqueue_dma source(%arg14 : memref<80x64xf32, #tpu.memory_space<vmem>>) target(%dma_start3A_115 : memref<80x64xf32, #tpu.memory_space<vmem_shared>>) target_semaphore(%run_scoped3A_112 : memref<!tpu.dma_semaphore, #tpu.memory_space<semaphore_mem>>)
          %dma_wait3A = arith.constant 0 : i32
          %dma_wait3A_116 = tpu.memref_slice %arg21[%add3A_106, %dma_wait3A] : memref<10240x64xf32, #tpu.memory_space<vmem_shared>> -> memref<80x64xf32, #tpu.memory_space<vmem_shared>>
          %dma_wait3A_117 = arith.constant 0 : i32
          %dma_wait3A_118 = tpu.memref_slice %arg21[%add3A_106, %dma_wait3A_117] : memref<10240x64xf32, #tpu.memory_space<vmem_shared>> -> memref<80x64xf32, #tpu.memory_space<vmem_shared>>
          tpu.wait_dma2 semaphore(%run_scoped3A_112 : memref<!tpu.dma_semaphore, #tpu.memory_space<semaphore_mem>>) src(%arg14 : memref<80x64xf32, #tpu.memory_space<vmem>>) dst(%dma_wait3A_118 : memref<80x64xf32, #tpu.memory_space<vmem_shared>>)
          tpu.yield
        }) : () -> ()
      } else {
      }
    } else {
    }
    %eq3A_14 = arith.constant 1 : i32
    %eq3A_15 = arith.cmpi eq, %arg0, %eq3A_14 : i32
    %convert_element_type3A_16 = arith.extui %eq3A_15 : i1 to i32
    %cond3A_17 = arith.constant 0 : i32
    %cond3A_18 = arith.cmpi ne, %convert_element_type3A_16, %cond3A_17 : i32
    scf.if %cond3A_18 {
      %mul3A_42 = arith.constant 640 : i32
      %mul3A_43 = arith.muli %arg1, %mul3A_42 : i32
      %add3A = arith.constant 0 : i32
      %add3A_44 = arith.addi %mul3A_43, %add3A : i32
      %lt3A = arith.constant 10000 : i32
      %lt3A_45 = arith.cmpi slt, %add3A_44, %lt3A : i32
      %convert_element_type3A_46 = arith.extui %lt3A_45 : i1 to i32
      %cond3A_47 = arith.constant 0 : i32
      %cond3A_48 = arith.cmpi ne, %convert_element_type3A_46, %cond3A_47 : i32
      scf.if %cond3A_48 {
        "tpu.region"() ({
          %run_scoped3A_112 = tpu.sem_alloc : memref<!tpu.dma_semaphore, #tpu.memory_space<semaphore_mem>>
          %dma_start3A = arith.constant 0 : i32
          %dma_start3A_113 = tpu.memref_slice %arg3[%add3A_44, %dma_start3A] : memref<10000x64xf32, #tpu.memory_space<hbm>> -> memref<80x64xf32, #tpu.memory_space<hbm>>
          %dma_start3A_114 = arith.constant 0 : i32
          %dma_start3A_115 = tpu.memref_slice %arg3[%add3A_44, %dma_start3A_114] : memref<10000x64xf32, #tpu.memory_space<hbm>> -> memref<80x64xf32, #tpu.memory_space<hbm>>
          tpu.enqueue_dma source(%dma_start3A_115 : memref<80x64xf32, #tpu.memory_space<hbm>>) target(%arg14 : memref<80x64xf32, #tpu.memory_space<vmem>>) target_semaphore(%run_scoped3A_112 : memref<!tpu.dma_semaphore, #tpu.memory_space<semaphore_mem>>)
          %dma_wait3A = arith.constant 0 : i32
          %dma_wait3A_116 = tpu.memref_slice %arg3[%add3A_44, %dma_wait3A] : memref<10000x64xf32, #tpu.memory_space<hbm>> -> memref<80x64xf32, #tpu.memory_space<hbm>>
          %dma_wait3A_117 = arith.constant 0 : i32
          %dma_wait3A_118 = tpu.memref_slice %arg3[%add3A_44, %dma_wait3A_117] : memref<10000x64xf32, #tpu.memory_space<hbm>> -> memref<80x64xf32, #tpu.memory_space<hbm>>
          tpu.wait_dma2 semaphore(%run_scoped3A_112 : memref<!tpu.dma_semaphore, #tpu.memory_space<semaphore_mem>>) src(%dma_wait3A_118 : memref<80x64xf32, #tpu.memory_space<hbm>>) dst(%arg14 : memref<80x64xf32, #tpu.memory_space<vmem>>)
          tpu.yield
        }) : () -> ()
        "tpu.region"() ({
          %run_scoped3A_112 = tpu.sem_alloc : memref<!tpu.dma_semaphore, #tpu.memory_space<semaphore_mem>>
          %dma_start3A = arith.constant 0 : i32
          %dma_start3A_113 = tpu.memref_slice %arg21[%add3A_44, %dma_start3A] : memref<10240x64xf32, #tpu.memory_space<vmem_shared>> -> memref<80x64xf32, #tpu.memory_space<vmem_shared>>
          %dma_start3A_114 = arith.constant 0 : i32
          %dma_start3A_115 = tpu.memref_slice %arg21[%add3A_44, %dma_start3A_114] : memref<10240x64xf32, #tpu.memory_space<vmem_shared>> -> memref<80x64xf32, #tpu.memory_space<vmem_shared>>
          tpu.enqueue_dma source(%arg14 : memref<80x64xf32, #tpu.memory_space<vmem>>) target(%dma_start3A_115 : memref<80x64xf32, #tpu.memory_space<vmem_shared>>) target_semaphore(%run_scoped3A_112 : memref<!tpu.dma_semaphore, #tpu.memory_space<semaphore_mem>>)
          %dma_wait3A = arith.constant 0 : i32
          %dma_wait3A_116 = tpu.memref_slice %arg21[%add3A_44, %dma_wait3A] : memref<10240x64xf32, #tpu.memory_space<vmem_shared>> -> memref<80x64xf32, #tpu.memory_space<vmem_shared>>
          %dma_wait3A_117 = arith.constant 0 : i32
          %dma_wait3A_118 = tpu.memref_slice %arg21[%add3A_44, %dma_wait3A_117] : memref<10240x64xf32, #tpu.memory_space<vmem_shared>> -> memref<80x64xf32, #tpu.memory_space<vmem_shared>>
          tpu.wait_dma2 semaphore(%run_scoped3A_112 : memref<!tpu.dma_semaphore, #tpu.memory_space<semaphore_mem>>) src(%arg14 : memref<80x64xf32, #tpu.memory_space<vmem>>) dst(%dma_wait3A_118 : memref<80x64xf32, #tpu.memory_space<vmem_shared>>)
          tpu.yield
        }) : () -> ()
      } else {
      }
      %mul3A_49 = arith.constant 640 : i32
      %mul3A_50 = arith.muli %arg1, %mul3A_49 : i32
      %add3A_51 = arith.constant 80 : i32
      %add3A_52 = arith.addi %mul3A_50, %add3A_51 : i32
      %lt3A_53 = arith.constant 10000 : i32
      %lt3A_54 = arith.cmpi slt, %add3A_52, %lt3A_53 : i32
      %convert_element_type3A_55 = arith.extui %lt3A_54 : i1 to i32
      %cond3A_56 = arith.constant 0 : i32
      %cond3A_57 = arith.cmpi ne, %convert_element_type3A_55, %cond3A_56 : i32
      scf.if %cond3A_57 {
        "tpu.region"() ({
          %run_scoped3A_112 = tpu.sem_alloc : memref<!tpu.dma_semaphore, #tpu.memory_space<semaphore_mem>>
          %dma_start3A = arith.constant 0 : i32
          %dma_start3A_113 = tpu.memref_slice %arg3[%add3A_52, %dma_start3A] : memref<10000x64xf32, #tpu.memory_space<hbm>> -> memref<80x64xf32, #tpu.memory_space<hbm>>
          %dma_start3A_114 = arith.constant 0 : i32
          %dma_start3A_115 = tpu.memref_slice %arg3[%add3A_52, %dma_start3A_114] : memref<10000x64xf32, #tpu.memory_space<hbm>> -> memref<80x64xf32, #tpu.memory_space<hbm>>
          tpu.enqueue_dma source(%dma_start3A_115 : memref<80x64xf32, #tpu.memory_space<hbm>>) target(%arg14 : memref<80x64xf32, #tpu.memory_space<vmem>>) target_semaphore(%run_scoped3A_112 : memref<!tpu.dma_semaphore, #tpu.memory_space<semaphore_mem>>)
          %dma_wait3A = arith.constant 0 : i32
          %dma_wait3A_116 = tpu.memref_slice %arg3[%add3A_52, %dma_wait3A] : memref<10000x64xf32, #tpu.memory_space<hbm>> -> memref<80x64xf32, #tpu.memory_space<hbm>>
          %dma_wait3A_117 = arith.constant 0 : i32
          %dma_wait3A_118 = tpu.memref_slice %arg3[%add3A_52, %dma_wait3A_117] : memref<10000x64xf32, #tpu.memory_space<hbm>> -> memref<80x64xf32, #tpu.memory_space<hbm>>
          tpu.wait_dma2 semaphore(%run_scoped3A_112 : memref<!tpu.dma_semaphore, #tpu.memory_space<semaphore_mem>>) src(%dma_wait3A_118 : memref<80x64xf32, #tpu.memory_space<hbm>>) dst(%arg14 : memref<80x64xf32, #tpu.memory_space<vmem>>)
          tpu.yield
        }) : () -> ()
        "tpu.region"() ({
          %run_scoped3A_112 = tpu.sem_alloc : memref<!tpu.dma_semaphore, #tpu.memory_space<semaphore_mem>>
          %dma_start3A = arith.constant 0 : i32
          %dma_start3A_113 = tpu.memref_slice %arg21[%add3A_52, %dma_start3A] : memref<10240x64xf32, #tpu.memory_space<vmem_shared>> -> memref<80x64xf32, #tpu.memory_space<vmem_shared>>
          %dma_start3A_114 = arith.constant 0 : i32
          %dma_start3A_115 = tpu.memref_slice %arg21[%add3A_52, %dma_start3A_114] : memref<10240x64xf32, #tpu.memory_space<vmem_shared>> -> memref<80x64xf32, #tpu.memory_space<vmem_shared>>
          tpu.enqueue_dma source(%arg14 : memref<80x64xf32, #tpu.memory_space<vmem>>) target(%dma_start3A_115 : memref<80x64xf32, #tpu.memory_space<vmem_shared>>) target_semaphore(%run_scoped3A_112 : memref<!tpu.dma_semaphore, #tpu.memory_space<semaphore_mem>>)
          %dma_wait3A = arith.constant 0 : i32
          %dma_wait3A_116 = tpu.memref_slice %arg21[%add3A_52, %dma_wait3A] : memref<10240x64xf32, #tpu.memory_space<vmem_shared>> -> memref<80x64xf32, #tpu.memory_space<vmem_shared>>
          %dma_wait3A_117 = arith.constant 0 : i32
          %dma_wait3A_118 = tpu.memref_slice %arg21[%add3A_52, %dma_wait3A_117] : memref<10240x64xf32, #tpu.memory_space<vmem_shared>> -> memref<80x64xf32, #tpu.memory_space<vmem_shared>>
          tpu.wait_dma2 semaphore(%run_scoped3A_112 : memref<!tpu.dma_semaphore, #tpu.memory_space<semaphore_mem>>) src(%arg14 : memref<80x64xf32, #tpu.memory_space<vmem>>) dst(%dma_wait3A_118 : memref<80x64xf32, #tpu.memory_space<vmem_shared>>)
          tpu.yield
        }) : () -> ()
      } else {
      }
      %mul3A_58 = arith.constant 640 : i32
      %mul3A_59 = arith.muli %arg1, %mul3A_58 : i32
      %add3A_60 = arith.constant 160 : i32
      %add3A_61 = arith.addi %mul3A_59, %add3A_60 : i32
      %lt3A_62 = arith.constant 10000 : i32
      %lt3A_63 = arith.cmpi slt, %add3A_61, %lt3A_62 : i32
      %convert_element_type3A_64 = arith.extui %lt3A_63 : i1 to i32
      %cond3A_65 = arith.constant 0 : i32
      %cond3A_66 = arith.cmpi ne, %convert_element_type3A_64, %cond3A_65 : i32
      scf.if %cond3A_66 {
        "tpu.region"() ({
          %run_scoped3A_112 = tpu.sem_alloc : memref<!tpu.dma_semaphore, #tpu.memory_space<semaphore_mem>>
          %dma_start3A = arith.constant 0 : i32
          %dma_start3A_113 = tpu.memref_slice %arg3[%add3A_61, %dma_start3A] : memref<10000x64xf32, #tpu.memory_space<hbm>> -> memref<80x64xf32, #tpu.memory_space<hbm>>
          %dma_start3A_114 = arith.constant 0 : i32
          %dma_start3A_115 = tpu.memref_slice %arg3[%add3A_61, %dma_start3A_114] : memref<10000x64xf32, #tpu.memory_space<hbm>> -> memref<80x64xf32, #tpu.memory_space<hbm>>
          tpu.enqueue_dma source(%dma_start3A_115 : memref<80x64xf32, #tpu.memory_space<hbm>>) target(%arg14 : memref<80x64xf32, #tpu.memory_space<vmem>>) target_semaphore(%run_scoped3A_112 : memref<!tpu.dma_semaphore, #tpu.memory_space<semaphore_mem>>)
          %dma_wait3A = arith.constant 0 : i32
          %dma_wait3A_116 = tpu.memref_slice %arg3[%add3A_61, %dma_wait3A] : memref<10000x64xf32, #tpu.memory_space<hbm>> -> memref<80x64xf32, #tpu.memory_space<hbm>>
          %dma_wait3A_117 = arith.constant 0 : i32
          %dma_wait3A_118 = tpu.memref_slice %arg3[%add3A_61, %dma_wait3A_117] : memref<10000x64xf32, #tpu.memory_space<hbm>> -> memref<80x64xf32, #tpu.memory_space<hbm>>
          tpu.wait_dma2 semaphore(%run_scoped3A_112 : memref<!tpu.dma_semaphore, #tpu.memory_space<semaphore_mem>>) src(%dma_wait3A_118 : memref<80x64xf32, #tpu.memory_space<hbm>>) dst(%arg14 : memref<80x64xf32, #tpu.memory_space<vmem>>)
          tpu.yield
        }) : () -> ()
        "tpu.region"() ({
          %run_scoped3A_112 = tpu.sem_alloc : memref<!tpu.dma_semaphore, #tpu.memory_space<semaphore_mem>>
          %dma_start3A = arith.constant 0 : i32
          %dma_start3A_113 = tpu.memref_slice %arg21[%add3A_61, %dma_start3A] : memref<10240x64xf32, #tpu.memory_space<vmem_shared>> -> memref<80x64xf32, #tpu.memory_space<vmem_shared>>
          %dma_start3A_114 = arith.constant 0 : i32
          %dma_start3A_115 = tpu.memref_slice %arg21[%add3A_61, %dma_start3A_114] : memref<10240x64xf32, #tpu.memory_space<vmem_shared>> -> memref<80x64xf32, #tpu.memory_space<vmem_shared>>
          tpu.enqueue_dma source(%arg14 : memref<80x64xf32, #tpu.memory_space<vmem>>) target(%dma_start3A_115 : memref<80x64xf32, #tpu.memory_space<vmem_shared>>) target_semaphore(%run_scoped3A_112 : memref<!tpu.dma_semaphore, #tpu.memory_space<semaphore_mem>>)
          %dma_wait3A = arith.constant 0 : i32
          %dma_wait3A_116 = tpu.memref_slice %arg21[%add3A_61, %dma_wait3A] : memref<10240x64xf32, #tpu.memory_space<vmem_shared>> -> memref<80x64xf32, #tpu.memory_space<vmem_shared>>
          %dma_wait3A_117 = arith.constant 0 : i32
          %dma_wait3A_118 = tpu.memref_slice %arg21[%add3A_61, %dma_wait3A_117] : memref<10240x64xf32, #tpu.memory_space<vmem_shared>> -> memref<80x64xf32, #tpu.memory_space<vmem_shared>>
          tpu.wait_dma2 semaphore(%run_scoped3A_112 : memref<!tpu.dma_semaphore, #tpu.memory_space<semaphore_mem>>) src(%arg14 : memref<80x64xf32, #tpu.memory_space<vmem>>) dst(%dma_wait3A_118 : memref<80x64xf32, #tpu.memory_space<vmem_shared>>)
          tpu.yield
        }) : () -> ()
      } else {
      }
      %mul3A_67 = arith.constant 640 : i32
      %mul3A_68 = arith.muli %arg1, %mul3A_67 : i32
      %add3A_69 = arith.constant 240 : i32
      %add3A_70 = arith.addi %mul3A_68, %add3A_69 : i32
      %lt3A_71 = arith.constant 10000 : i32
      %lt3A_72 = arith.cmpi slt, %add3A_70, %lt3A_71 : i32
      %convert_element_type3A_73 = arith.extui %lt3A_72 : i1 to i32
      %cond3A_74 = arith.constant 0 : i32
      %cond3A_75 = arith.cmpi ne, %convert_element_type3A_73, %cond3A_74 : i32
      scf.if %cond3A_75 {
        "tpu.region"() ({
          %run_scoped3A_112 = tpu.sem_alloc : memref<!tpu.dma_semaphore, #tpu.memory_space<semaphore_mem>>
          %dma_start3A = arith.constant 0 : i32
          %dma_start3A_113 = tpu.memref_slice %arg3[%add3A_70, %dma_start3A] : memref<10000x64xf32, #tpu.memory_space<hbm>> -> memref<80x64xf32, #tpu.memory_space<hbm>>
          %dma_start3A_114 = arith.constant 0 : i32
          %dma_start3A_115 = tpu.memref_slice %arg3[%add3A_70, %dma_start3A_114] : memref<10000x64xf32, #tpu.memory_space<hbm>> -> memref<80x64xf32, #tpu.memory_space<hbm>>
          tpu.enqueue_dma source(%dma_start3A_115 : memref<80x64xf32, #tpu.memory_space<hbm>>) target(%arg14 : memref<80x64xf32, #tpu.memory_space<vmem>>) target_semaphore(%run_scoped3A_112 : memref<!tpu.dma_semaphore, #tpu.memory_space<semaphore_mem>>)
          %dma_wait3A = arith.constant 0 : i32
          %dma_wait3A_116 = tpu.memref_slice %arg3[%add3A_70, %dma_wait3A] : memref<10000x64xf32, #tpu.memory_space<hbm>> -> memref<80x64xf32, #tpu.memory_space<hbm>>
          %dma_wait3A_117 = arith.constant 0 : i32
          %dma_wait3A_118 = tpu.memref_slice %arg3[%add3A_70, %dma_wait3A_117] : memref<10000x64xf32, #tpu.memory_space<hbm>> -> memref<80x64xf32, #tpu.memory_space<hbm>>
          tpu.wait_dma2 semaphore(%run_scoped3A_112 : memref<!tpu.dma_semaphore, #tpu.memory_space<semaphore_mem>>) src(%dma_wait3A_118 : memref<80x64xf32, #tpu.memory_space<hbm>>) dst(%arg14 : memref<80x64xf32, #tpu.memory_space<vmem>>)
          tpu.yield
        }) : () -> ()
        "tpu.region"() ({
          %run_scoped3A_112 = tpu.sem_alloc : memref<!tpu.dma_semaphore, #tpu.memory_space<semaphore_mem>>
          %dma_start3A = arith.constant 0 : i32
          %dma_start3A_113 = tpu.memref_slice %arg21[%add3A_70, %dma_start3A] : memref<10240x64xf32, #tpu.memory_space<vmem_shared>> -> memref<80x64xf32, #tpu.memory_space<vmem_shared>>
          %dma_start3A_114 = arith.constant 0 : i32
          %dma_start3A_115 = tpu.memref_slice %arg21[%add3A_70, %dma_start3A_114] : memref<10240x64xf32, #tpu.memory_space<vmem_shared>> -> memref<80x64xf32, #tpu.memory_space<vmem_shared>>
          tpu.enqueue_dma source(%arg14 : memref<80x64xf32, #tpu.memory_space<vmem>>) target(%dma_start3A_115 : memref<80x64xf32, #tpu.memory_space<vmem_shared>>) target_semaphore(%run_scoped3A_112 : memref<!tpu.dma_semaphore, #tpu.memory_space<semaphore_mem>>)
          %dma_wait3A = arith.constant 0 : i32
          %dma_wait3A_116 = tpu.memref_slice %arg21[%add3A_70, %dma_wait3A] : memref<10240x64xf32, #tpu.memory_space<vmem_shared>> -> memref<80x64xf32, #tpu.memory_space<vmem_shared>>
          %dma_wait3A_117 = arith.constant 0 : i32
          %dma_wait3A_118 = tpu.memref_slice %arg21[%add3A_70, %dma_wait3A_117] : memref<10240x64xf32, #tpu.memory_space<vmem_shared>> -> memref<80x64xf32, #tpu.memory_space<vmem_shared>>
          tpu.wait_dma2 semaphore(%run_scoped3A_112 : memref<!tpu.dma_semaphore, #tpu.memory_space<semaphore_mem>>) src(%arg14 : memref<80x64xf32, #tpu.memory_space<vmem>>) dst(%dma_wait3A_118 : memref<80x64xf32, #tpu.memory_space<vmem_shared>>)
          tpu.yield
        }) : () -> ()
      } else {
      }
      %mul3A_76 = arith.constant 640 : i32
      %mul3A_77 = arith.muli %arg1, %mul3A_76 : i32
      %add3A_78 = arith.constant 320 : i32
      %add3A_79 = arith.addi %mul3A_77, %add3A_78 : i32
      %lt3A_80 = arith.constant 10000 : i32
      %lt3A_81 = arith.cmpi slt, %add3A_79, %lt3A_80 : i32
      %convert_element_type3A_82 = arith.extui %lt3A_81 : i1 to i32
      %cond3A_83 = arith.constant 0 : i32
      %cond3A_84 = arith.cmpi ne, %convert_element_type3A_82, %cond3A_83 : i32
      scf.if %cond3A_84 {
        "tpu.region"() ({
          %run_scoped3A_112 = tpu.sem_alloc : memref<!tpu.dma_semaphore, #tpu.memory_space<semaphore_mem>>
          %dma_start3A = arith.constant 0 : i32
          %dma_start3A_113 = tpu.memref_slice %arg3[%add3A_79, %dma_start3A] : memref<10000x64xf32, #tpu.memory_space<hbm>> -> memref<80x64xf32, #tpu.memory_space<hbm>>
          %dma_start3A_114 = arith.constant 0 : i32
          %dma_start3A_115 = tpu.memref_slice %arg3[%add3A_79, %dma_start3A_114] : memref<10000x64xf32, #tpu.memory_space<hbm>> -> memref<80x64xf32, #tpu.memory_space<hbm>>
          tpu.enqueue_dma source(%dma_start3A_115 : memref<80x64xf32, #tpu.memory_space<hbm>>) target(%arg14 : memref<80x64xf32, #tpu.memory_space<vmem>>) target_semaphore(%run_scoped3A_112 : memref<!tpu.dma_semaphore, #tpu.memory_space<semaphore_mem>>)
          %dma_wait3A = arith.constant 0 : i32
          %dma_wait3A_116 = tpu.memref_slice %arg3[%add3A_79, %dma_wait3A] : memref<10000x64xf32, #tpu.memory_space<hbm>> -> memref<80x64xf32, #tpu.memory_space<hbm>>
          %dma_wait3A_117 = arith.constant 0 : i32
          %dma_wait3A_118 = tpu.memref_slice %arg3[%add3A_79, %dma_wait3A_117] : memref<10000x64xf32, #tpu.memory_space<hbm>> -> memref<80x64xf32, #tpu.memory_space<hbm>>
          tpu.wait_dma2 semaphore(%run_scoped3A_112 : memref<!tpu.dma_semaphore, #tpu.memory_space<semaphore_mem>>) src(%dma_wait3A_118 : memref<80x64xf32, #tpu.memory_space<hbm>>) dst(%arg14 : memref<80x64xf32, #tpu.memory_space<vmem>>)
          tpu.yield
        }) : () -> ()
        "tpu.region"() ({
          %run_scoped3A_112 = tpu.sem_alloc : memref<!tpu.dma_semaphore, #tpu.memory_space<semaphore_mem>>
          %dma_start3A = arith.constant 0 : i32
          %dma_start3A_113 = tpu.memref_slice %arg21[%add3A_79, %dma_start3A] : memref<10240x64xf32, #tpu.memory_space<vmem_shared>> -> memref<80x64xf32, #tpu.memory_space<vmem_shared>>
          %dma_start3A_114 = arith.constant 0 : i32
          %dma_start3A_115 = tpu.memref_slice %arg21[%add3A_79, %dma_start3A_114] : memref<10240x64xf32, #tpu.memory_space<vmem_shared>> -> memref<80x64xf32, #tpu.memory_space<vmem_shared>>
          tpu.enqueue_dma source(%arg14 : memref<80x64xf32, #tpu.memory_space<vmem>>) target(%dma_start3A_115 : memref<80x64xf32, #tpu.memory_space<vmem_shared>>) target_semaphore(%run_scoped3A_112 : memref<!tpu.dma_semaphore, #tpu.memory_space<semaphore_mem>>)
          %dma_wait3A = arith.constant 0 : i32
          %dma_wait3A_116 = tpu.memref_slice %arg21[%add3A_79, %dma_wait3A] : memref<10240x64xf32, #tpu.memory_space<vmem_shared>> -> memref<80x64xf32, #tpu.memory_space<vmem_shared>>
          %dma_wait3A_117 = arith.constant 0 : i32
          %dma_wait3A_118 = tpu.memref_slice %arg21[%add3A_79, %dma_wait3A_117] : memref<10240x64xf32, #tpu.memory_space<vmem_shared>> -> memref<80x64xf32, #tpu.memory_space<vmem_shared>>
          tpu.wait_dma2 semaphore(%run_scoped3A_112 : memref<!tpu.dma_semaphore, #tpu.memory_space<semaphore_mem>>) src(%arg14 : memref<80x64xf32, #tpu.memory_space<vmem>>) dst(%dma_wait3A_118 : memref<80x64xf32, #tpu.memory_space<vmem_shared>>)
          tpu.yield
        }) : () -> ()
      } else {
      }
      %mul3A_85 = arith.constant 640 : i32
      %mul3A_86 = arith.muli %arg1, %mul3A_85 : i32
      %add3A_87 = arith.constant 400 : i32
      %add3A_88 = arith.addi %mul3A_86, %add3A_87 : i32
      %lt3A_89 = arith.constant 10000 : i32
      %lt3A_90 = arith.cmpi slt, %add3A_88, %lt3A_89 : i32
      %convert_element_type3A_91 = arith.extui %lt3A_90 : i1 to i32
      %cond3A_92 = arith.constant 0 : i32
      %cond3A_93 = arith.cmpi ne, %convert_element_type3A_91, %cond3A_92 : i32
      scf.if %cond3A_93 {
        "tpu.region"() ({
          %run_scoped3A_112 = tpu.sem_alloc : memref<!tpu.dma_semaphore, #tpu.memory_space<semaphore_mem>>
          %dma_start3A = arith.constant 0 : i32
          %dma_start3A_113 = tpu.memref_slice %arg3[%add3A_88, %dma_start3A] : memref<10000x64xf32, #tpu.memory_space<hbm>> -> memref<80x64xf32, #tpu.memory_space<hbm>>
          %dma_start3A_114 = arith.constant 0 : i32
          %dma_start3A_115 = tpu.memref_slice %arg3[%add3A_88, %dma_start3A_114] : memref<10000x64xf32, #tpu.memory_space<hbm>> -> memref<80x64xf32, #tpu.memory_space<hbm>>
          tpu.enqueue_dma source(%dma_start3A_115 : memref<80x64xf32, #tpu.memory_space<hbm>>) target(%arg14 : memref<80x64xf32, #tpu.memory_space<vmem>>) target_semaphore(%run_scoped3A_112 : memref<!tpu.dma_semaphore, #tpu.memory_space<semaphore_mem>>)
          %dma_wait3A = arith.constant 0 : i32
          %dma_wait3A_116 = tpu.memref_slice %arg3[%add3A_88, %dma_wait3A] : memref<10000x64xf32, #tpu.memory_space<hbm>> -> memref<80x64xf32, #tpu.memory_space<hbm>>
          %dma_wait3A_117 = arith.constant 0 : i32
          %dma_wait3A_118 = tpu.memref_slice %arg3[%add3A_88, %dma_wait3A_117] : memref<10000x64xf32, #tpu.memory_space<hbm>> -> memref<80x64xf32, #tpu.memory_space<hbm>>
          tpu.wait_dma2 semaphore(%run_scoped3A_112 : memref<!tpu.dma_semaphore, #tpu.memory_space<semaphore_mem>>) src(%dma_wait3A_118 : memref<80x64xf32, #tpu.memory_space<hbm>>) dst(%arg14 : memref<80x64xf32, #tpu.memory_space<vmem>>)
          tpu.yield
        }) : () -> ()
        "tpu.region"() ({
          %run_scoped3A_112 = tpu.sem_alloc : memref<!tpu.dma_semaphore, #tpu.memory_space<semaphore_mem>>
          %dma_start3A = arith.constant 0 : i32
          %dma_start3A_113 = tpu.memref_slice %arg21[%add3A_88, %dma_start3A] : memref<10240x64xf32, #tpu.memory_space<vmem_shared>> -> memref<80x64xf32, #tpu.memory_space<vmem_shared>>
          %dma_start3A_114 = arith.constant 0 : i32
          %dma_start3A_115 = tpu.memref_slice %arg21[%add3A_88, %dma_start3A_114] : memref<10240x64xf32, #tpu.memory_space<vmem_shared>> -> memref<80x64xf32, #tpu.memory_space<vmem_shared>>
          tpu.enqueue_dma source(%arg14 : memref<80x64xf32, #tpu.memory_space<vmem>>) target(%dma_start3A_115 : memref<80x64xf32, #tpu.memory_space<vmem_shared>>) target_semaphore(%run_scoped3A_112 : memref<!tpu.dma_semaphore, #tpu.memory_space<semaphore_mem>>)
          %dma_wait3A = arith.constant 0 : i32
          %dma_wait3A_116 = tpu.memref_slice %arg21[%add3A_88, %dma_wait3A] : memref<10240x64xf32, #tpu.memory_space<vmem_shared>> -> memref<80x64xf32, #tpu.memory_space<vmem_shared>>
          %dma_wait3A_117 = arith.constant 0 : i32
          %dma_wait3A_118 = tpu.memref_slice %arg21[%add3A_88, %dma_wait3A_117] : memref<10240x64xf32, #tpu.memory_space<vmem_shared>> -> memref<80x64xf32, #tpu.memory_space<vmem_shared>>
          tpu.wait_dma2 semaphore(%run_scoped3A_112 : memref<!tpu.dma_semaphore, #tpu.memory_space<semaphore_mem>>) src(%arg14 : memref<80x64xf32, #tpu.memory_space<vmem>>) dst(%dma_wait3A_118 : memref<80x64xf32, #tpu.memory_space<vmem_shared>>)
          tpu.yield
        }) : () -> ()
      } else {
      }
      %mul3A_94 = arith.constant 640 : i32
      %mul3A_95 = arith.muli %arg1, %mul3A_94 : i32
      %add3A_96 = arith.constant 480 : i32
      %add3A_97 = arith.addi %mul3A_95, %add3A_96 : i32
      %lt3A_98 = arith.constant 10000 : i32
      %lt3A_99 = arith.cmpi slt, %add3A_97, %lt3A_98 : i32
      %convert_element_type3A_100 = arith.extui %lt3A_99 : i1 to i32
      %cond3A_101 = arith.constant 0 : i32
      %cond3A_102 = arith.cmpi ne, %convert_element_type3A_100, %cond3A_101 : i32
      scf.if %cond3A_102 {
        "tpu.region"() ({
          %run_scoped3A_112 = tpu.sem_alloc : memref<!tpu.dma_semaphore, #tpu.memory_space<semaphore_mem>>
          %dma_start3A = arith.constant 0 : i32
          %dma_start3A_113 = tpu.memref_slice %arg3[%add3A_97, %dma_start3A] : memref<10000x64xf32, #tpu.memory_space<hbm>> -> memref<80x64xf32, #tpu.memory_space<hbm>>
          %dma_start3A_114 = arith.constant 0 : i32
          %dma_start3A_115 = tpu.memref_slice %arg3[%add3A_97, %dma_start3A_114] : memref<10000x64xf32, #tpu.memory_space<hbm>> -> memref<80x64xf32, #tpu.memory_space<hbm>>
          tpu.enqueue_dma source(%dma_start3A_115 : memref<80x64xf32, #tpu.memory_space<hbm>>) target(%arg14 : memref<80x64xf32, #tpu.memory_space<vmem>>) target_semaphore(%run_scoped3A_112 : memref<!tpu.dma_semaphore, #tpu.memory_space<semaphore_mem>>)
          %dma_wait3A = arith.constant 0 : i32
          %dma_wait3A_116 = tpu.memref_slice %arg3[%add3A_97, %dma_wait3A] : memref<10000x64xf32, #tpu.memory_space<hbm>> -> memref<80x64xf32, #tpu.memory_space<hbm>>
          %dma_wait3A_117 = arith.constant 0 : i32
          %dma_wait3A_118 = tpu.memref_slice %arg3[%add3A_97, %dma_wait3A_117] : memref<10000x64xf32, #tpu.memory_space<hbm>> -> memref<80x64xf32, #tpu.memory_space<hbm>>
          tpu.wait_dma2 semaphore(%run_scoped3A_112 : memref<!tpu.dma_semaphore, #tpu.memory_space<semaphore_mem>>) src(%dma_wait3A_118 : memref<80x64xf32, #tpu.memory_space<hbm>>) dst(%arg14 : memref<80x64xf32, #tpu.memory_space<vmem>>)
          tpu.yield
        }) : () -> ()
        "tpu.region"() ({
          %run_scoped3A_112 = tpu.sem_alloc : memref<!tpu.dma_semaphore, #tpu.memory_space<semaphore_mem>>
          %dma_start3A = arith.constant 0 : i32
          %dma_start3A_113 = tpu.memref_slice %arg21[%add3A_97, %dma_start3A] : memref<10240x64xf32, #tpu.memory_space<vmem_shared>> -> memref<80x64xf32, #tpu.memory_space<vmem_shared>>
          %dma_start3A_114 = arith.constant 0 : i32
          %dma_start3A_115 = tpu.memref_slice %arg21[%add3A_97, %dma_start3A_114] : memref<10240x64xf32, #tpu.memory_space<vmem_shared>> -> memref<80x64xf32, #tpu.memory_space<vmem_shared>>
          tpu.enqueue_dma source(%arg14 : memref<80x64xf32, #tpu.memory_space<vmem>>) target(%dma_start3A_115 : memref<80x64xf32, #tpu.memory_space<vmem_shared>>) target_semaphore(%run_scoped3A_112 : memref<!tpu.dma_semaphore, #tpu.memory_space<semaphore_mem>>)
          %dma_wait3A = arith.constant 0 : i32
          %dma_wait3A_116 = tpu.memref_slice %arg21[%add3A_97, %dma_wait3A] : memref<10240x64xf32, #tpu.memory_space<vmem_shared>> -> memref<80x64xf32, #tpu.memory_space<vmem_shared>>
          %dma_wait3A_117 = arith.constant 0 : i32
          %dma_wait3A_118 = tpu.memref_slice %arg21[%add3A_97, %dma_wait3A_117] : memref<10240x64xf32, #tpu.memory_space<vmem_shared>> -> memref<80x64xf32, #tpu.memory_space<vmem_shared>>
          tpu.wait_dma2 semaphore(%run_scoped3A_112 : memref<!tpu.dma_semaphore, #tpu.memory_space<semaphore_mem>>) src(%arg14 : memref<80x64xf32, #tpu.memory_space<vmem>>) dst(%dma_wait3A_118 : memref<80x64xf32, #tpu.memory_space<vmem_shared>>)
          tpu.yield
        }) : () -> ()
      } else {
      }
      %mul3A_103 = arith.constant 640 : i32
      %mul3A_104 = arith.muli %arg1, %mul3A_103 : i32
      %add3A_105 = arith.constant 560 : i32
      %add3A_106 = arith.addi %mul3A_104, %add3A_105 : i32
      %lt3A_107 = arith.constant 10000 : i32
      %lt3A_108 = arith.cmpi slt, %add3A_106, %lt3A_107 : i32
      %convert_element_type3A_109 = arith.extui %lt3A_108 : i1 to i32
      %cond3A_110 = arith.constant 0 : i32
      %cond3A_111 = arith.cmpi ne, %convert_element_type3A_109, %cond3A_110 : i32
      scf.if %cond3A_111 {
        "tpu.region"() ({
          %run_scoped3A_112 = tpu.sem_alloc : memref<!tpu.dma_semaphore, #tpu.memory_space<semaphore_mem>>
          %dma_start3A = arith.constant 0 : i32
          %dma_start3A_113 = tpu.memref_slice %arg3[%add3A_106, %dma_start3A] : memref<10000x64xf32, #tpu.memory_space<hbm>> -> memref<80x64xf32, #tpu.memory_space<hbm>>
          %dma_start3A_114 = arith.constant 0 : i32
          %dma_start3A_115 = tpu.memref_slice %arg3[%add3A_106, %dma_start3A_114] : memref<10000x64xf32, #tpu.memory_space<hbm>> -> memref<80x64xf32, #tpu.memory_space<hbm>>
          tpu.enqueue_dma source(%dma_start3A_115 : memref<80x64xf32, #tpu.memory_space<hbm>>) target(%arg14 : memref<80x64xf32, #tpu.memory_space<vmem>>) target_semaphore(%run_scoped3A_112 : memref<!tpu.dma_semaphore, #tpu.memory_space<semaphore_mem>>)
          %dma_wait3A = arith.constant 0 : i32
          %dma_wait3A_116 = tpu.memref_slice %arg3[%add3A_106, %dma_wait3A] : memref<10000x64xf32, #tpu.memory_space<hbm>> -> memref<80x64xf32, #tpu.memory_space<hbm>>
          %dma_wait3A_117 = arith.constant 0 : i32
          %dma_wait3A_118 = tpu.memref_slice %arg3[%add3A_106, %dma_wait3A_117] : memref<10000x64xf32, #tpu.memory_space<hbm>> -> memref<80x64xf32, #tpu.memory_space<hbm>>
          tpu.wait_dma2 semaphore(%run_scoped3A_112 : memref<!tpu.dma_semaphore, #tpu.memory_space<semaphore_mem>>) src(%dma_wait3A_118 : memref<80x64xf32, #tpu.memory_space<hbm>>) dst(%arg14 : memref<80x64xf32, #tpu.memory_space<vmem>>)
          tpu.yield
        }) : () -> ()
        "tpu.region"() ({
          %run_scoped3A_112 = tpu.sem_alloc : memref<!tpu.dma_semaphore, #tpu.memory_space<semaphore_mem>>
          %dma_start3A = arith.constant 0 : i32
          %dma_start3A_113 = tpu.memref_slice %arg21[%add3A_106, %dma_start3A] : memref<10240x64xf32, #tpu.memory_space<vmem_shared>> -> memref<80x64xf32, #tpu.memory_space<vmem_shared>>
          %dma_start3A_114 = arith.constant 0 : i32
          %dma_start3A_115 = tpu.memref_slice %arg21[%add3A_106, %dma_start3A_114] : memref<10240x64xf32, #tpu.memory_space<vmem_shared>> -> memref<80x64xf32, #tpu.memory_space<vmem_shared>>
          tpu.enqueue_dma source(%arg14 : memref<80x64xf32, #tpu.memory_space<vmem>>) target(%dma_start3A_115 : memref<80x64xf32, #tpu.memory_space<vmem_shared>>) target_semaphore(%run_scoped3A_112 : memref<!tpu.dma_semaphore, #tpu.memory_space<semaphore_mem>>)
          %dma_wait3A = arith.constant 0 : i32
          %dma_wait3A_116 = tpu.memref_slice %arg21[%add3A_106, %dma_wait3A] : memref<10240x64xf32, #tpu.memory_space<vmem_shared>> -> memref<80x64xf32, #tpu.memory_space<vmem_shared>>
          %dma_wait3A_117 = arith.constant 0 : i32
          %dma_wait3A_118 = tpu.memref_slice %arg21[%add3A_106, %dma_wait3A_117] : memref<10240x64xf32, #tpu.memory_space<vmem_shared>> -> memref<80x64xf32, #tpu.memory_space<vmem_shared>>
          tpu.wait_dma2 semaphore(%run_scoped3A_112 : memref<!tpu.dma_semaphore, #tpu.memory_space<semaphore_mem>>) src(%arg14 : memref<80x64xf32, #tpu.memory_space<vmem>>) dst(%dma_wait3A_118 : memref<80x64xf32, #tpu.memory_space<vmem_shared>>)
          tpu.yield
        }) : () -> ()
      } else {
      }
    } else {
    }
    %run_scoped3A = arith.constant 0 : i32
    "tpu.region"() ({
      %run_scoped3A_42 = tpu.sem_alloc : memref<!tpu.dma_semaphore, #tpu.memory_space<semaphore_mem>>
      %dma_start3A = arith.constant 0 : i32
      %dma_start3A_43 = arith.constant 0 : i32
      %dma_start3A_44 = tpu.memref_slice %arg6[%arg1, %run_scoped3A, %dma_start3A, %dma_start3A_43] : memref<16x5x50x80xi32, #tpu.memory_space<hbm>> -> memref<1x1x50x80xi32, #tpu.memory_space<hbm>>
      %dma_start3A_45 = tpu.memref_squeeze %dma_start3A_44 : memref<1x1x50x80xi32, #tpu.memory_space<hbm>> -> memref<50x80xi32, #tpu.memory_space<hbm>>
      %dma_start3A_46 = arith.constant 0 : i32
      %dma_start3A_47 = arith.constant 0 : i32
      %dma_start3A_48 = tpu.memref_slice %arg6[%arg1, %run_scoped3A, %dma_start3A_46, %dma_start3A_47] : memref<16x5x50x80xi32, #tpu.memory_space<hbm>> -> memref<1x1x50x80xi32, #tpu.memory_space<hbm>>
      %dma_start3A_49 = tpu.memref_squeeze %dma_start3A_48 : memref<1x1x50x80xi32, #tpu.memory_space<hbm>> -> memref<50x80xi32, #tpu.memory_space<hbm>>
      tpu.enqueue_dma source(%dma_start3A_49 : memref<50x80xi32, #tpu.memory_space<hbm>>) target(%arg10 : memref<50x80xi32, #tpu.memory_space<vmem>>) target_semaphore(%run_scoped3A_42 : memref<!tpu.dma_semaphore, #tpu.memory_space<semaphore_mem>>)
      %dma_wait3A = arith.constant 0 : i32
      %dma_wait3A_50 = arith.constant 0 : i32
      %dma_wait3A_51 = tpu.memref_slice %arg6[%arg1, %run_scoped3A, %dma_wait3A, %dma_wait3A_50] : memref<16x5x50x80xi32, #tpu.memory_space<hbm>> -> memref<1x1x50x80xi32, #tpu.memory_space<hbm>>
      %dma_wait3A_52 = tpu.memref_squeeze %dma_wait3A_51 : memref<1x1x50x80xi32, #tpu.memory_space<hbm>> -> memref<50x80xi32, #tpu.memory_space<hbm>>
      %dma_wait3A_53 = arith.constant 0 : i32
      %dma_wait3A_54 = arith.constant 0 : i32
      %dma_wait3A_55 = tpu.memref_slice %arg6[%arg1, %run_scoped3A, %dma_wait3A_53, %dma_wait3A_54] : memref<16x5x50x80xi32, #tpu.memory_space<hbm>> -> memref<1x1x50x80xi32, #tpu.memory_space<hbm>>
      %dma_wait3A_56 = tpu.memref_squeeze %dma_wait3A_55 : memref<1x1x50x80xi32, #tpu.memory_space<hbm>> -> memref<50x80xi32, #tpu.memory_space<hbm>>
      tpu.wait_dma2 semaphore(%run_scoped3A_42 : memref<!tpu.dma_semaphore, #tpu.memory_space<semaphore_mem>>) src(%dma_wait3A_56 : memref<50x80xi32, #tpu.memory_space<hbm>>) dst(%arg10 : memref<50x80xi32, #tpu.memory_space<vmem>>)
      tpu.yield
    }) : () -> ()
    %run_scoped3A_19 = arith.constant 0 : i32
    "tpu.region"() ({
      %run_scoped3A_42 = tpu.sem_alloc : memref<!tpu.dma_semaphore, #tpu.memory_space<semaphore_mem>>
      %dma_start3A = arith.constant 0 : i32
      %dma_start3A_43 = arith.constant 0 : i32
      %dma_start3A_44 = tpu.memref_slice %arg7[%arg1, %run_scoped3A_19, %dma_start3A, %dma_start3A_43] : memref<16x5x50x80xi32, #tpu.memory_space<hbm>> -> memref<1x1x50x80xi32, #tpu.memory_space<hbm>>
      %dma_start3A_45 = tpu.memref_squeeze %dma_start3A_44 : memref<1x1x50x80xi32, #tpu.memory_space<hbm>> -> memref<50x80xi32, #tpu.memory_space<hbm>>
      %dma_start3A_46 = arith.constant 0 : i32
      %dma_start3A_47 = arith.constant 0 : i32
      %dma_start3A_48 = tpu.memref_slice %arg7[%arg1, %run_scoped3A_19, %dma_start3A_46, %dma_start3A_47] : memref<16x5x50x80xi32, #tpu.memory_space<hbm>> -> memref<1x1x50x80xi32, #tpu.memory_space<hbm>>
      %dma_start3A_49 = tpu.memref_squeeze %dma_start3A_48 : memref<1x1x50x80xi32, #tpu.memory_space<hbm>> -> memref<50x80xi32, #tpu.memory_space<hbm>>
      tpu.enqueue_dma source(%dma_start3A_49 : memref<50x80xi32, #tpu.memory_space<hbm>>) target(%arg12 : memref<50x80xi32, #tpu.memory_space<vmem>>) target_semaphore(%run_scoped3A_42 : memref<!tpu.dma_semaphore, #tpu.memory_space<semaphore_mem>>)
      %dma_wait3A = arith.constant 0 : i32
      %dma_wait3A_50 = arith.constant 0 : i32
      %dma_wait3A_51 = tpu.memref_slice %arg7[%arg1, %run_scoped3A_19, %dma_wait3A, %dma_wait3A_50] : memref<16x5x50x80xi32, #tpu.memory_space<hbm>> -> memref<1x1x50x80xi32, #tpu.memory_space<hbm>>
      %dma_wait3A_52 = tpu.memref_squeeze %dma_wait3A_51 : memref<1x1x50x80xi32, #tpu.memory_space<hbm>> -> memref<50x80xi32, #tpu.memory_space<hbm>>
      %dma_wait3A_53 = arith.constant 0 : i32
      %dma_wait3A_54 = arith.constant 0 : i32
      %dma_wait3A_55 = tpu.memref_slice %arg7[%arg1, %run_scoped3A_19, %dma_wait3A_53, %dma_wait3A_54] : memref<16x5x50x80xi32, #tpu.memory_space<hbm>> -> memref<1x1x50x80xi32, #tpu.memory_space<hbm>>
      %dma_wait3A_56 = tpu.memref_squeeze %dma_wait3A_55 : memref<1x1x50x80xi32, #tpu.memory_space<hbm>> -> memref<50x80xi32, #tpu.memory_space<hbm>>
      tpu.wait_dma2 semaphore(%run_scoped3A_42 : memref<!tpu.dma_semaphore, #tpu.memory_space<semaphore_mem>>) src(%dma_wait3A_56 : memref<50x80xi32, #tpu.memory_space<hbm>>) dst(%arg12 : memref<50x80xi32, #tpu.memory_space<vmem>>)
      tpu.yield
    }) : () -> ()
    %barrier3A = arith.constant 0 : index
    tpu.barrier barrier_id(%barrier3A)
    %mul3A = arith.constant 20000 : i32
    %mul3A_20 = arith.muli %arg1, %mul3A : i32
    %eq3A_21 = arith.constant 0 : i32
    %eq3A_22 = arith.cmpi eq, %arg0, %eq3A_21 : i32
    %convert_element_type3A_23 = arith.extui %eq3A_22 : i1 to i32
    %cond3A_24 = arith.constant 0 : i32
    %cond3A_25 = arith.cmpi ne, %convert_element_type3A_23, %cond3A_24 : i32
    scf.if %cond3A_25 {
      %scan3A_42 = arith.constant 0 : i32
      %scan3A_43 = arith.constant 0 : i32
      %scan3A_44 = arith.constant 2 : i32
      %scan3A_45 = arith.addi %scan3A_43, %scan3A_44 : i32
      %scan3A_46 = arith.constant 1 : i32
      scf.for %scan3A_118 = %scan3A_43 to %scan3A_45 step %scan3A_46  : i32 {
        %mul3A_119 = arith.constant 2 : i32
        %mul3A_120 = arith.muli %scan3A_118, %mul3A_119 : i32
        %add3A_121 = arith.constant 0 : i32
        %add3A_122 = arith.addi %mul3A_120, %add3A_121 : i32
        %gt3A_123 = arith.constant 0 : i32
        %gt3A_124 = arith.cmpi sgt, %add3A_122, %gt3A_123 : i32
        %convert_element_type3A_125 = arith.extui %gt3A_124 : i1 to i32
        %cond3A_126 = arith.constant 0 : i32
        %cond3A_127 = arith.cmpi ne, %convert_element_type3A_125, %cond3A_126 : i32
        scf.if %cond3A_127 {
          %dma_wait3A_235 = arith.constant 0 : i32
          %dma_wait3A_236 = arith.constant 0 : i32
          %dma_wait3A_237 = tpu.memref_slice %arg12[%dma_wait3A_235, %dma_wait3A_236] : memref<50x80xi32, #tpu.memory_space<vmem>> -> memref<1x80xi32, #tpu.memory_space<vmem>>
          %dma_wait3A_238 = tpu.memref_squeeze %dma_wait3A_237 : memref<1x80xi32, #tpu.memory_space<vmem>> -> memref<80xi32, #tpu.memory_space<vmem>>
          %dma_wait3A_239 = arith.constant 0 : i32
          %dma_wait3A_240 = arith.constant 0 : i32
          %dma_wait3A_241 = tpu.memref_slice %arg20[%dma_wait3A_239, %dma_wait3A_240] : memref<10240x64xf32, #tpu.memory_space<vmem_shared>> -> memref<10240x64xf32, #tpu.memory_space<vmem_shared>>
          tpu.wait_indirect_dma semaphore(%arg26 : memref<!tpu.dma_semaphore, #tpu.memory_space<semaphore_mem>>) src(%arg18 : memref<80x64xf32, #tpu.memory_space<vmem>>) dst(%dma_wait3A_241 : memref<10240x64xf32, #tpu.memory_space<vmem_shared>>)
          %dma_wait3A_242 = arith.constant 0 : i32
          %dma_wait3A_243 = arith.constant 0 : i32
          %dma_wait3A_244 = tpu.memref_slice %arg12[%dma_wait3A_242, %dma_wait3A_243] : memref<50x80xi32, #tpu.memory_space<vmem>> -> memref<1x80xi32, #tpu.memory_space<vmem>>
          %dma_wait3A_245 = tpu.memref_squeeze %dma_wait3A_244 : memref<1x80xi32, #tpu.memory_space<vmem>> -> memref<80xi32, #tpu.memory_space<vmem>>
          %dma_wait3A_246 = arith.constant 0 : i32
          %dma_wait3A_247 = arith.constant 0 : i32
          %dma_wait3A_248 = tpu.memref_slice %arg20[%dma_wait3A_246, %dma_wait3A_247] : memref<10240x64xf32, #tpu.memory_space<vmem_shared>> -> memref<10240x64xf32, #tpu.memory_space<vmem_shared>>
          tpu.wait_indirect_dma semaphore(%arg27 : memref<!tpu.dma_semaphore, #tpu.memory_space<semaphore_mem>>) src(%arg19 : memref<80x64xf32, #tpu.memory_space<vmem>>) dst(%dma_wait3A_248 : memref<10240x64xf32, #tpu.memory_space<vmem_shared>>)
          %dma_wait3A_249 = arith.constant 0 : i32
          %dma_wait3A_250 = arith.constant 0 : i32
          %dma_wait3A_251 = tpu.memref_slice %arg6[%arg1, %add3A_122, %dma_wait3A_249, %dma_wait3A_250] : memref<16x5x50x80xi32, #tpu.memory_space<hbm>> -> memref<1x1x50x80xi32, #tpu.memory_space<hbm>>
          %dma_wait3A_252 = tpu.memref_squeeze %dma_wait3A_251 : memref<1x1x50x80xi32, #tpu.memory_space<hbm>> -> memref<50x80xi32, #tpu.memory_space<hbm>>
          %dma_wait3A_253 = arith.constant 0 : i32
          %dma_wait3A_254 = arith.constant 0 : i32
          %dma_wait3A_255 = tpu.memref_slice %arg6[%arg1, %add3A_122, %dma_wait3A_253, %dma_wait3A_254] : memref<16x5x50x80xi32, #tpu.memory_space<hbm>> -> memref<1x1x50x80xi32, #tpu.memory_space<hbm>>
          %dma_wait3A_256 = tpu.memref_squeeze %dma_wait3A_255 : memref<1x1x50x80xi32, #tpu.memory_space<hbm>> -> memref<50x80xi32, #tpu.memory_space<hbm>>
          tpu.wait_dma2 semaphore(%arg28 : memref<!tpu.dma_semaphore, #tpu.memory_space<semaphore_mem>>) src(%dma_wait3A_256 : memref<50x80xi32, #tpu.memory_space<hbm>>) dst(%arg10 : memref<50x80xi32, #tpu.memory_space<vmem>>)
          %dma_wait3A_257 = arith.constant 0 : i32
          %dma_wait3A_258 = arith.constant 0 : i32
          %dma_wait3A_259 = tpu.memref_slice %arg7[%arg1, %add3A_122, %dma_wait3A_257, %dma_wait3A_258] : memref<16x5x50x80xi32, #tpu.memory_space<hbm>> -> memref<1x1x50x80xi32, #tpu.memory_space<hbm>>
          %dma_wait3A_260 = tpu.memref_squeeze %dma_wait3A_259 : memref<1x1x50x80xi32, #tpu.memory_space<hbm>> -> memref<50x80xi32, #tpu.memory_space<hbm>>
          %dma_wait3A_261 = arith.constant 0 : i32
          %dma_wait3A_262 = arith.constant 0 : i32
          %dma_wait3A_263 = tpu.memref_slice %arg7[%arg1, %add3A_122, %dma_wait3A_261, %dma_wait3A_262] : memref<16x5x50x80xi32, #tpu.memory_space<hbm>> -> memref<1x1x50x80xi32, #tpu.memory_space<hbm>>
          %dma_wait3A_264 = tpu.memref_squeeze %dma_wait3A_263 : memref<1x1x50x80xi32, #tpu.memory_space<hbm>> -> memref<50x80xi32, #tpu.memory_space<hbm>>
          tpu.wait_dma2 semaphore(%arg29 : memref<!tpu.dma_semaphore, #tpu.memory_space<semaphore_mem>>) src(%dma_wait3A_264 : memref<50x80xi32, #tpu.memory_space<hbm>>) dst(%arg12 : memref<50x80xi32, #tpu.memory_space<vmem>>)
        } else {
        }
        %add3A_128 = arith.constant 1 : i32
        %add3A_129 = arith.addi %add3A_122, %add3A_128 : i32
        %lt3A_130 = arith.constant 5 : i32
        %lt3A_131 = arith.cmpi slt, %add3A_129, %lt3A_130 : i32
        %convert_element_type3A_132 = arith.extui %lt3A_131 : i1 to i32
        %cond3A_133 = arith.constant 0 : i32
        %cond3A_134 = arith.cmpi ne, %convert_element_type3A_132, %cond3A_133 : i32
        scf.if %cond3A_134 {
          %add3A_235 = arith.constant 1 : i32
          %add3A_236 = arith.addi %add3A_122, %add3A_235 : i32
          %dma_start3A_237 = arith.constant 0 : i32
          %dma_start3A_238 = arith.constant 0 : i32
          %dma_start3A_239 = tpu.memref_slice %arg6[%arg1, %add3A_236, %dma_start3A_237, %dma_start3A_238] : memref<16x5x50x80xi32, #tpu.memory_space<hbm>> -> memref<1x1x50x80xi32, #tpu.memory_space<hbm>>
          %dma_start3A_240 = tpu.memref_squeeze %dma_start3A_239 : memref<1x1x50x80xi32, #tpu.memory_space<hbm>> -> memref<50x80xi32, #tpu.memory_space<hbm>>
          %dma_start3A_241 = arith.constant 0 : i32
          %dma_start3A_242 = arith.constant 0 : i32
          %dma_start3A_243 = tpu.memref_slice %arg6[%arg1, %add3A_236, %dma_start3A_241, %dma_start3A_242] : memref<16x5x50x80xi32, #tpu.memory_space<hbm>> -> memref<1x1x50x80xi32, #tpu.memory_space<hbm>>
          %dma_start3A_244 = tpu.memref_squeeze %dma_start3A_243 : memref<1x1x50x80xi32, #tpu.memory_space<hbm>> -> memref<50x80xi32, #tpu.memory_space<hbm>>
          tpu.enqueue_dma source(%dma_start3A_244 : memref<50x80xi32, #tpu.memory_space<hbm>>) target(%arg11 : memref<50x80xi32, #tpu.memory_space<vmem>>) target_semaphore(%arg28 : memref<!tpu.dma_semaphore, #tpu.memory_space<semaphore_mem>>)
          %add3A_245 = arith.constant 1 : i32
          %add3A_246 = arith.addi %add3A_122, %add3A_245 : i32
          %dma_start3A_247 = arith.constant 0 : i32
          %dma_start3A_248 = arith.constant 0 : i32
          %dma_start3A_249 = tpu.memref_slice %arg7[%arg1, %add3A_246, %dma_start3A_247, %dma_start3A_248] : memref<16x5x50x80xi32, #tpu.memory_space<hbm>> -> memref<1x1x50x80xi32, #tpu.memory_space<hbm>>
          %dma_start3A_250 = tpu.memref_squeeze %dma_start3A_249 : memref<1x1x50x80xi32, #tpu.memory_space<hbm>> -> memref<50x80xi32, #tpu.memory_space<hbm>>
          %dma_start3A_251 = arith.constant 0 : i32
          %dma_start3A_252 = arith.constant 0 : i32
          %dma_start3A_253 = tpu.memref_slice %arg7[%arg1, %add3A_246, %dma_start3A_251, %dma_start3A_252] : memref<16x5x50x80xi32, #tpu.memory_space<hbm>> -> memref<1x1x50x80xi32, #tpu.memory_space<hbm>>
          %dma_start3A_254 = tpu.memref_squeeze %dma_start3A_253 : memref<1x1x50x80xi32, #tpu.memory_space<hbm>> -> memref<50x80xi32, #tpu.memory_space<hbm>>
          tpu.enqueue_dma source(%dma_start3A_254 : memref<50x80xi32, #tpu.memory_space<hbm>>) target(%arg13 : memref<50x80xi32, #tpu.memory_space<vmem>>) target_semaphore(%arg29 : memref<!tpu.dma_semaphore, #tpu.memory_space<semaphore_mem>>)
        } else {
        }
        %mul3A_135 = arith.constant 50 : i32
        %mul3A_136 = arith.muli %add3A_122, %mul3A_135 : i32
        %add3A_137 = arith.constant 0 : i32
        %add3A_138 = arith.addi %mul3A_136, %add3A_137 : i32
        %dma_start3A_139 = arith.constant 0 : i32
        %dma_start3A_140 = arith.constant 0 : i32
        %dma_start3A_141 = tpu.memref_slice %arg10[%dma_start3A_139, %dma_start3A_140] : memref<50x80xi32, #tpu.memory_space<vmem>> -> memref<1x80xi32, #tpu.memory_space<vmem>>
        %dma_start3A_142 = tpu.memref_squeeze %dma_start3A_141 : memref<1x80xi32, #tpu.memory_space<vmem>> -> memref<80xi32, #tpu.memory_space<vmem>>
        %dma_start3A_143 = arith.constant 0 : i32
        %dma_start3A_144 = arith.constant 0 : i32
        %dma_start3A_145 = tpu.memref_slice %arg21[%dma_start3A_143, %dma_start3A_144] : memref<10240x64xf32, #tpu.memory_space<vmem_shared>> -> memref<10240x64xf32, #tpu.memory_space<vmem_shared>>
        tpu.enqueue_indirect_dma source(%dma_start3A_145 : memref<10240x64xf32, #tpu.memory_space<vmem_shared>>) target(%arg14 : memref<80x64xf32, #tpu.memory_space<vmem>>) offsets(%dma_start3A_142 : memref<80xi32, #tpu.memory_space<vmem>>) semaphore(%arg22 : memref<!tpu.dma_semaphore, #tpu.memory_space<semaphore_mem>>)
        %mul3A_146 = arith.constant 80 : i32
        %mul3A_147 = arith.muli %add3A_138, %mul3A_146 : i32
        %add3A_148 = arith.addi %mul3A_20, %mul3A_147 : i32
        %dma_start3A_149 = arith.constant 0 : i32
        %dma_start3A_150 = tpu.memref_slice %arg4[%add3A_148, %dma_start3A_149] : memref<320000x64xf32, #tpu.memory_space<hbm>> -> memref<80x64xf32, #tpu.memory_space<hbm>>
        %dma_start3A_151 = arith.constant 0 : i32
        %dma_start3A_152 = tpu.memref_slice %arg4[%add3A_148, %dma_start3A_151] : memref<320000x64xf32, #tpu.memory_space<hbm>> -> memref<80x64xf32, #tpu.memory_space<hbm>>
        tpu.enqueue_dma source(%dma_start3A_152 : memref<80x64xf32, #tpu.memory_space<hbm>>) target(%arg16 : memref<80x64xf32, #tpu.memory_space<vmem>>) target_semaphore(%arg24 : memref<!tpu.dma_semaphore, #tpu.memory_space<semaphore_mem>>)
        %mul3A_153 = arith.constant 50 : i32
        %mul3A_154 = arith.muli %add3A_122, %mul3A_153 : i32
        %add3A_155 = arith.constant 1 : i32
        %add3A_156 = arith.addi %mul3A_154, %add3A_155 : i32
        %dma_start3A_157 = arith.constant 1 : i32
        %dma_start3A_158 = arith.constant 0 : i32
        %dma_start3A_159 = tpu.memref_slice %arg10[%dma_start3A_157, %dma_start3A_158] : memref<50x80xi32, #tpu.memory_space<vmem>> -> memref<1x80xi32, #tpu.memory_space<vmem>>
        %dma_start3A_160 = tpu.memref_squeeze %dma_start3A_159 : memref<1x80xi32, #tpu.memory_space<vmem>> -> memref<80xi32, #tpu.memory_space<vmem>>
        %dma_start3A_161 = arith.constant 0 : i32
        %dma_start3A_162 = arith.constant 0 : i32
        %dma_start3A_163 = tpu.memref_slice %arg21[%dma_start3A_161, %dma_start3A_162] : memref<10240x64xf32, #tpu.memory_space<vmem_shared>> -> memref<10240x64xf32, #tpu.memory_space<vmem_shared>>
        tpu.enqueue_indirect_dma source(%dma_start3A_163 : memref<10240x64xf32, #tpu.memory_space<vmem_shared>>) target(%arg15 : memref<80x64xf32, #tpu.memory_space<vmem>>) offsets(%dma_start3A_160 : memref<80xi32, #tpu.memory_space<vmem>>) semaphore(%arg23 : memref<!tpu.dma_semaphore, #tpu.memory_space<semaphore_mem>>)
        %mul3A_164 = arith.constant 80 : i32
        %mul3A_165 = arith.muli %add3A_156, %mul3A_164 : i32
        %add3A_166 = arith.addi %mul3A_20, %mul3A_165 : i32
        %dma_start3A_167 = arith.constant 0 : i32
        %dma_start3A_168 = tpu.memref_slice %arg4[%add3A_166, %dma_start3A_167] : memref<320000x64xf32, #tpu.memory_space<hbm>> -> memref<80x64xf32, #tpu.memory_space<hbm>>
        %dma_start3A_169 = arith.constant 0 : i32
        %dma_start3A_170 = tpu.memref_slice %arg4[%add3A_166, %dma_start3A_169] : memref<320000x64xf32, #tpu.memory_space<hbm>> -> memref<80x64xf32, #tpu.memory_space<hbm>>
        tpu.enqueue_dma source(%dma_start3A_170 : memref<80x64xf32, #tpu.memory_space<hbm>>) target(%arg17 : memref<80x64xf32, #tpu.memory_space<vmem>>) target_semaphore(%arg25 : memref<!tpu.dma_semaphore, #tpu.memory_space<semaphore_mem>>)
        %scan3A_171 = arith.constant 0 : i32
        %scan3A_172 = arith.constant 0 : i32
        %scan3A_173 = arith.constant 25 : i32
        %scan3A_174 = arith.addi %scan3A_172, %scan3A_173 : i32
        %scan3A_175 = arith.constant 1 : i32
        scf.for %scan3A_235 = %scan3A_172 to %scan3A_174 step %scan3A_175  : i32 {
          %mul3A_236 = arith.constant 2 : i32
          %mul3A_237 = arith.muli %scan3A_235, %mul3A_236 : i32
          %add3A_238 = arith.constant 0 : i32
          %add3A_239 = arith.addi %mul3A_237, %add3A_238 : i32
          %mul3A_240 = arith.constant 50 : i32
          %mul3A_241 = arith.muli %add3A_122, %mul3A_240 : i32
          %add3A_242 = arith.addi %mul3A_241, %add3A_239 : i32
          %dma_wait3A_243 = arith.constant 0 : i32
          %dma_wait3A_244 = tpu.memref_slice %arg10[%add3A_239, %dma_wait3A_243] : memref<50x80xi32, #tpu.memory_space<vmem>> -> memref<1x80xi32, #tpu.memory_space<vmem>>
          %dma_wait3A_245 = tpu.memref_squeeze %dma_wait3A_244 : memref<1x80xi32, #tpu.memory_space<vmem>> -> memref<80xi32, #tpu.memory_space<vmem>>
          %dma_wait3A_246 = arith.constant 0 : i32
          %dma_wait3A_247 = arith.constant 0 : i32
          %dma_wait3A_248 = tpu.memref_slice %arg21[%dma_wait3A_246, %dma_wait3A_247] : memref<10240x64xf32, #tpu.memory_space<vmem_shared>> -> memref<10240x64xf32, #tpu.memory_space<vmem_shared>>
          tpu.wait_indirect_dma semaphore(%arg22 : memref<!tpu.dma_semaphore, #tpu.memory_space<semaphore_mem>>) src(%dma_wait3A_248 : memref<10240x64xf32, #tpu.memory_space<vmem_shared>>) dst(%arg14 : memref<80x64xf32, #tpu.memory_space<vmem>>)
          %mul3A_249 = arith.constant 80 : i32
          %mul3A_250 = arith.muli %add3A_242, %mul3A_249 : i32
          %add3A_251 = arith.addi %mul3A_20, %mul3A_250 : i32
          %dma_wait3A_252 = arith.constant 0 : i32
          %dma_wait3A_253 = tpu.memref_slice %arg4[%add3A_251, %dma_wait3A_252] : memref<320000x64xf32, #tpu.memory_space<hbm>> -> memref<80x64xf32, #tpu.memory_space<hbm>>
          %dma_wait3A_254 = arith.constant 0 : i32
          %dma_wait3A_255 = tpu.memref_slice %arg4[%add3A_251, %dma_wait3A_254] : memref<320000x64xf32, #tpu.memory_space<hbm>> -> memref<80x64xf32, #tpu.memory_space<hbm>>
          tpu.wait_dma2 semaphore(%arg24 : memref<!tpu.dma_semaphore, #tpu.memory_space<semaphore_mem>>) src(%dma_wait3A_255 : memref<80x64xf32, #tpu.memory_space<hbm>>) dst(%arg16 : memref<80x64xf32, #tpu.memory_space<vmem>>)
          %ge3A = arith.constant 1 : i32
          %ge3A_256 = arith.cmpi sge, %scan3A_235, %ge3A : i32
          %convert_element_type3A_257 = arith.extui %ge3A_256 : i1 to i32
          %cond3A_258 = arith.constant 0 : i32
          %cond3A_259 = arith.cmpi ne, %convert_element_type3A_257, %cond3A_258 : i32
          scf.if %cond3A_259 {
            %dma_wait3A_323 = arith.constant 0 : i32
            %dma_wait3A_324 = arith.constant 0 : i32
            %dma_wait3A_325 = tpu.memref_slice %arg12[%dma_wait3A_323, %dma_wait3A_324] : memref<50x80xi32, #tpu.memory_space<vmem>> -> memref<1x80xi32, #tpu.memory_space<vmem>>
            %dma_wait3A_326 = tpu.memref_squeeze %dma_wait3A_325 : memref<1x80xi32, #tpu.memory_space<vmem>> -> memref<80xi32, #tpu.memory_space<vmem>>
            %dma_wait3A_327 = arith.constant 0 : i32
            %dma_wait3A_328 = arith.constant 0 : i32
            %dma_wait3A_329 = tpu.memref_slice %arg20[%dma_wait3A_327, %dma_wait3A_328] : memref<10240x64xf32, #tpu.memory_space<vmem_shared>> -> memref<10240x64xf32, #tpu.memory_space<vmem_shared>>
            tpu.wait_indirect_dma semaphore(%arg26 : memref<!tpu.dma_semaphore, #tpu.memory_space<semaphore_mem>>) src(%arg18 : memref<80x64xf32, #tpu.memory_space<vmem>>) dst(%dma_wait3A_329 : memref<10240x64xf32, #tpu.memory_space<vmem_shared>>)
          } else {
          }
          %scan3A_260 = arith.constant 0 : i32
          %scan3A_261 = arith.constant 0 : i32
          %scan3A_262 = arith.constant 80 : i32
          %scan3A_263 = arith.addi %scan3A_261, %scan3A_262 : i32
          %scan3A_264 = arith.constant 1 : i32
          scf.for %scan3A_323 = %scan3A_261 to %scan3A_263 step %scan3A_264  : i32 {
            %get3A = arith.index_cast %scan3A_323 : i32 to index
            %get3A_324 = arith.constant 0 : index
            %get3A_325 = tpu.vector_load %arg14[%get3A, %get3A_324] {strides = array<i32>} : memref<80x64xf32, #tpu.memory_space<vmem>>, vector<1x16xf32>,
            %get3A_326 = vector.shape_cast %get3A_325 : vector<1x16xf32> to vector<16xf32>
            %get3A_327 = arith.index_cast %scan3A_323 : i32 to index
            %get3A_328 = arith.constant 0 : index
            %get3A_329 = tpu.vector_load %arg16[%get3A_327, %get3A_328] {strides = array<i32>} : memref<80x64xf32, #tpu.memory_space<vmem>>, vector<1x16xf32>,
            %get3A_330 = vector.shape_cast %get3A_329 : vector<1x16xf32> to vector<16xf32>
            %mul3A_331 = arith.mulf %get3A_326, %get3A_330 : vector<16xf32>
            %swap3A = arith.index_cast %scan3A_323 : i32 to index
            %swap3A_332 = arith.constant 0 : index
            %swap3A_333 = tpu.vector_load %arg18[%swap3A, %swap3A_332] {strides = array<i32>} : memref<80x64xf32, #tpu.memory_space<vmem>>, vector<1x16xf32>,
            %swap3A_334 = vector.shape_cast %swap3A_333 : vector<1x16xf32> to vector<16xf32>
            %swap3A_335 = vector.shape_cast %mul3A_331 : vector<16xf32> to vector<1x16xf32>
            tpu.vector_store %arg18[%swap3A, %swap3A_332], %swap3A_335 {strides = array<i32>} : memref<80x64xf32, #tpu.memory_space<vmem>>, vector<1x16xf32>,
            %get3A_336 = arith.index_cast %scan3A_323 : i32 to index
            %get3A_337 = arith.constant 16 : index
            %get3A_338 = tpu.vector_load %arg14[%get3A_336, %get3A_337] {strides = array<i32>} : memref<80x64xf32, #tpu.memory_space<vmem>>, vector<1x16xf32>,
            %get3A_339 = vector.shape_cast %get3A_338 : vector<1x16xf32> to vector<16xf32>
            %get3A_340 = arith.index_cast %scan3A_323 : i32 to index
            %get3A_341 = arith.constant 16 : index
            %get3A_342 = tpu.vector_load %arg16[%get3A_340, %get3A_341] {strides = array<i32>} : memref<80x64xf32, #tpu.memory_space<vmem>>, vector<1x16xf32>,
            %get3A_343 = vector.shape_cast %get3A_342 : vector<1x16xf32> to vector<16xf32>
            %mul3A_344 = arith.mulf %get3A_339, %get3A_343 : vector<16xf32>
            %swap3A_345 = arith.index_cast %scan3A_323 : i32 to index
            %swap3A_346 = arith.constant 16 : index
            %swap3A_347 = tpu.vector_load %arg18[%swap3A_345, %swap3A_346] {strides = array<i32>} : memref<80x64xf32, #tpu.memory_space<vmem>>, vector<1x16xf32>,
            %swap3A_348 = vector.shape_cast %swap3A_347 : vector<1x16xf32> to vector<16xf32>
            %swap3A_349 = vector.shape_cast %mul3A_344 : vector<16xf32> to vector<1x16xf32>
            tpu.vector_store %arg18[%swap3A_345, %swap3A_346], %swap3A_349 {strides = array<i32>} : memref<80x64xf32, #tpu.memory_space<vmem>>, vector<1x16xf32>,
            %get3A_350 = arith.index_cast %scan3A_323 : i32 to index
            %get3A_351 = arith.constant 32 : index
            %get3A_352 = tpu.vector_load %arg14[%get3A_350, %get3A_351] {strides = array<i32>} : memref<80x64xf32, #tpu.memory_space<vmem>>, vector<1x16xf32>,
            %get3A_353 = vector.shape_cast %get3A_352 : vector<1x16xf32> to vector<16xf32>
            %get3A_354 = arith.index_cast %scan3A_323 : i32 to index
            %get3A_355 = arith.constant 32 : index
            %get3A_356 = tpu.vector_load %arg16[%get3A_354, %get3A_355] {strides = array<i32>} : memref<80x64xf32, #tpu.memory_space<vmem>>, vector<1x16xf32>,
            %get3A_357 = vector.shape_cast %get3A_356 : vector<1x16xf32> to vector<16xf32>
            %mul3A_358 = arith.mulf %get3A_353, %get3A_357 : vector<16xf32>
            %swap3A_359 = arith.index_cast %scan3A_323 : i32 to index
            %swap3A_360 = arith.constant 32 : index
            %swap3A_361 = tpu.vector_load %arg18[%swap3A_359, %swap3A_360] {strides = array<i32>} : memref<80x64xf32, #tpu.memory_space<vmem>>, vector<1x16xf32>,
            %swap3A_362 = vector.shape_cast %swap3A_361 : vector<1x16xf32> to vector<16xf32>
            %swap3A_363 = vector.shape_cast %mul3A_358 : vector<16xf32> to vector<1x16xf32>
            tpu.vector_store %arg18[%swap3A_359, %swap3A_360], %swap3A_363 {strides = array<i32>} : memref<80x64xf32, #tpu.memory_space<vmem>>, vector<1x16xf32>,
            %get3A_364 = arith.index_cast %scan3A_323 : i32 to index
            %get3A_365 = arith.constant 48 : index
            %get3A_366 = tpu.vector_load %arg14[%get3A_364, %get3A_365] {strides = array<i32>} : memref<80x64xf32, #tpu.memory_space<vmem>>, vector<1x16xf32>,
            %get3A_367 = vector.shape_cast %get3A_366 : vector<1x16xf32> to vector<16xf32>
            %get3A_368 = arith.index_cast %scan3A_323 : i32 to index
            %get3A_369 = arith.constant 48 : index
            %get3A_370 = tpu.vector_load %arg16[%get3A_368, %get3A_369] {strides = array<i32>} : memref<80x64xf32, #tpu.memory_space<vmem>>, vector<1x16xf32>,
            %get3A_371 = vector.shape_cast %get3A_370 : vector<1x16xf32> to vector<16xf32>
            %mul3A_372 = arith.mulf %get3A_367, %get3A_371 : vector<16xf32>
            %swap3A_373 = arith.index_cast %scan3A_323 : i32 to index
            %swap3A_374 = arith.constant 48 : index
            %swap3A_375 = tpu.vector_load %arg18[%swap3A_373, %swap3A_374] {strides = array<i32>} : memref<80x64xf32, #tpu.memory_space<vmem>>, vector<1x16xf32>,
            %swap3A_376 = vector.shape_cast %swap3A_375 : vector<1x16xf32> to vector<16xf32>
            %swap3A_377 = vector.shape_cast %mul3A_372 : vector<16xf32> to vector<1x16xf32>
            tpu.vector_store %arg18[%swap3A_373, %swap3A_374], %swap3A_377 {strides = array<i32>} : memref<80x64xf32, #tpu.memory_space<vmem>>, vector<1x16xf32>,
          }
          %scan3A_265 = arith.constant 80 : i32
          %dma_start3A_266 = arith.constant 0 : i32
          %dma_start3A_267 = tpu.memref_slice %arg12[%add3A_239, %dma_start3A_266] : memref<50x80xi32, #tpu.memory_space<vmem>> -> memref<1x80xi32, #tpu.memory_space<vmem>>
          %dma_start3A_268 = tpu.memref_squeeze %dma_start3A_267 : memref<1x80xi32, #tpu.memory_space<vmem>> -> memref<80xi32, #tpu.memory_space<vmem>>
          %dma_start3A_269 = arith.constant 0 : i32
          %dma_start3A_270 = arith.constant 0 : i32
          %dma_start3A_271 = tpu.memref_slice %arg20[%dma_start3A_269, %dma_start3A_270] : memref<10240x64xf32, #tpu.memory_space<vmem_shared>> -> memref<10240x64xf32, #tpu.memory_space<vmem_shared>>
          tpu.enqueue_indirect_dma source(%arg18 : memref<80x64xf32, #tpu.memory_space<vmem>>) target(%dma_start3A_271 : memref<10240x64xf32, #tpu.memory_space<vmem_shared>>) offsets(%dma_start3A_268 : memref<80xi32, #tpu.memory_space<vmem>>) semaphore(%arg26 : memref<!tpu.dma_semaphore, #tpu.memory_space<semaphore_mem>>) {add = true}
          %add3A_272 = arith.constant 2 : i32
          %add3A_273 = arith.addi %add3A_239, %add3A_272 : i32
          %lt3A_274 = arith.constant 50 : i32
          %lt3A_275 = arith.cmpi slt, %add3A_273, %lt3A_274 : i32
          %convert_element_type3A_276 = arith.extui %lt3A_275 : i1 to i32
          %cond3A_277 = arith.constant 0 : i32
          %cond3A_278 = arith.cmpi ne, %convert_element_type3A_276, %cond3A_277 : i32
          scf.if %cond3A_278 {
            %add3A_323 = arith.constant 2 : i32
            %add3A_324 = arith.addi %add3A_239, %add3A_323 : i32
            %add3A_325 = arith.constant 2 : i32
            %add3A_326 = arith.addi %add3A_242, %add3A_325 : i32
            %dma_start3A_327 = arith.constant 0 : i32
            %dma_start3A_328 = tpu.memref_slice %arg10[%add3A_324, %dma_start3A_327] : memref<50x80xi32, #tpu.memory_space<vmem>> -> memref<1x80xi32, #tpu.memory_space<vmem>>
            %dma_start3A_329 = tpu.memref_squeeze %dma_start3A_328 : memref<1x80xi32, #tpu.memory_space<vmem>> -> memref<80xi32, #tpu.memory_space<vmem>>
            %dma_start3A_330 = arith.constant 0 : i32
            %dma_start3A_331 = arith.constant 0 : i32
            %dma_start3A_332 = tpu.memref_slice %arg21[%dma_start3A_330, %dma_start3A_331] : memref<10240x64xf32, #tpu.memory_space<vmem_shared>> -> memref<10240x64xf32, #tpu.memory_space<vmem_shared>>
            tpu.enqueue_indirect_dma source(%dma_start3A_332 : memref<10240x64xf32, #tpu.memory_space<vmem_shared>>) target(%arg14 : memref<80x64xf32, #tpu.memory_space<vmem>>) offsets(%dma_start3A_329 : memref<80xi32, #tpu.memory_space<vmem>>) semaphore(%arg22 : memref<!tpu.dma_semaphore, #tpu.memory_space<semaphore_mem>>)
            %mul3A_333 = arith.constant 80 : i32
            %mul3A_334 = arith.muli %add3A_326, %mul3A_333 : i32
            %add3A_335 = arith.addi %mul3A_20, %mul3A_334 : i32
            %dma_start3A_336 = arith.constant 0 : i32
            %dma_start3A_337 = tpu.memref_slice %arg4[%add3A_335, %dma_start3A_336] : memref<320000x64xf32, #tpu.memory_space<hbm>> -> memref<80x64xf32, #tpu.memory_space<hbm>>
            %dma_start3A_338 = arith.constant 0 : i32
            %dma_start3A_339 = tpu.memref_slice %arg4[%add3A_335, %dma_start3A_338] : memref<320000x64xf32, #tpu.memory_space<hbm>> -> memref<80x64xf32, #tpu.memory_space<hbm>>
            tpu.enqueue_dma source(%dma_start3A_339 : memref<80x64xf32, #tpu.memory_space<hbm>>) target(%arg16 : memref<80x64xf32, #tpu.memory_space<vmem>>) target_semaphore(%arg24 : memref<!tpu.dma_semaphore, #tpu.memory_space<semaphore_mem>>)
          } else {
          }
          %mul3A_279 = arith.constant 2 : i32
          %mul3A_280 = arith.muli %scan3A_235, %mul3A_279 : i32
          %add3A_281 = arith.constant 1 : i32
          %add3A_282 = arith.addi %mul3A_280, %add3A_281 : i32
          %mul3A_283 = arith.constant 50 : i32
          %mul3A_284 = arith.muli %add3A_122, %mul3A_283 : i32
          %add3A_285 = arith.addi %mul3A_284, %add3A_282 : i32
          %dma_wait3A_286 = arith.constant 0 : i32
          %dma_wait3A_287 = tpu.memref_slice %arg10[%add3A_282, %dma_wait3A_286] : memref<50x80xi32, #tpu.memory_space<vmem>> -> memref<1x80xi32, #tpu.memory_space<vmem>>
          %dma_wait3A_288 = tpu.memref_squeeze %dma_wait3A_287 : memref<1x80xi32, #tpu.memory_space<vmem>> -> memref<80xi32, #tpu.memory_space<vmem>>
          %dma_wait3A_289 = arith.constant 0 : i32
          %dma_wait3A_290 = arith.constant 0 : i32
          %dma_wait3A_291 = tpu.memref_slice %arg21[%dma_wait3A_289, %dma_wait3A_290] : memref<10240x64xf32, #tpu.memory_space<vmem_shared>> -> memref<10240x64xf32, #tpu.memory_space<vmem_shared>>
          tpu.wait_indirect_dma semaphore(%arg23 : memref<!tpu.dma_semaphore, #tpu.memory_space<semaphore_mem>>) src(%dma_wait3A_291 : memref<10240x64xf32, #tpu.memory_space<vmem_shared>>) dst(%arg15 : memref<80x64xf32, #tpu.memory_space<vmem>>)
          %mul3A_292 = arith.constant 80 : i32
          %mul3A_293 = arith.muli %add3A_285, %mul3A_292 : i32
          %add3A_294 = arith.addi %mul3A_20, %mul3A_293 : i32
          %dma_wait3A_295 = arith.constant 0 : i32
          %dma_wait3A_296 = tpu.memref_slice %arg4[%add3A_294, %dma_wait3A_295] : memref<320000x64xf32, #tpu.memory_space<hbm>> -> memref<80x64xf32, #tpu.memory_space<hbm>>
          %dma_wait3A_297 = arith.constant 0 : i32
          %dma_wait3A_298 = tpu.memref_slice %arg4[%add3A_294, %dma_wait3A_297] : memref<320000x64xf32, #tpu.memory_space<hbm>> -> memref<80x64xf32, #tpu.memory_space<hbm>>
          tpu.wait_dma2 semaphore(%arg25 : memref<!tpu.dma_semaphore, #tpu.memory_space<semaphore_mem>>) src(%dma_wait3A_298 : memref<80x64xf32, #tpu.memory_space<hbm>>) dst(%arg17 : memref<80x64xf32, #tpu.memory_space<vmem>>)
          %ge3A_299 = arith.constant 1 : i32
          %ge3A_300 = arith.cmpi sge, %scan3A_235, %ge3A_299 : i32
          %convert_element_type3A_301 = arith.extui %ge3A_300 : i1 to i32
          %cond3A_302 = arith.constant 0 : i32
          %cond3A_303 = arith.cmpi ne, %convert_element_type3A_301, %cond3A_302 : i32
          scf.if %cond3A_303 {
            %dma_wait3A_323 = arith.constant 0 : i32
            %dma_wait3A_324 = arith.constant 0 : i32
            %dma_wait3A_325 = tpu.memref_slice %arg12[%dma_wait3A_323, %dma_wait3A_324] : memref<50x80xi32, #tpu.memory_space<vmem>> -> memref<1x80xi32, #tpu.memory_space<vmem>>
            %dma_wait3A_326 = tpu.memref_squeeze %dma_wait3A_325 : memref<1x80xi32, #tpu.memory_space<vmem>> -> memref<80xi32, #tpu.memory_space<vmem>>
            %dma_wait3A_327 = arith.constant 0 : i32
            %dma_wait3A_328 = arith.constant 0 : i32
            %dma_wait3A_329 = tpu.memref_slice %arg20[%dma_wait3A_327, %dma_wait3A_328] : memref<10240x64xf32, #tpu.memory_space<vmem_shared>> -> memref<10240x64xf32, #tpu.memory_space<vmem_shared>>
            tpu.wait_indirect_dma semaphore(%arg27 : memref<!tpu.dma_semaphore, #tpu.memory_space<semaphore_mem>>) src(%arg19 : memref<80x64xf32, #tpu.memory_space<vmem>>) dst(%dma_wait3A_329 : memref<10240x64xf32, #tpu.memory_space<vmem_shared>>)
          } else {
          }
          %scan3A_304 = arith.constant 0 : i32
          %scan3A_305 = arith.constant 0 : i32
          %scan3A_306 = arith.constant 80 : i32
          %scan3A_307 = arith.addi %scan3A_305, %scan3A_306 : i32
          %scan3A_308 = arith.constant 1 : i32
          scf.for %scan3A_323 = %scan3A_305 to %scan3A_307 step %scan3A_308  : i32 {
            %get3A = arith.index_cast %scan3A_323 : i32 to index
            %get3A_324 = arith.constant 0 : index
            %get3A_325 = tpu.vector_load %arg15[%get3A, %get3A_324] {strides = array<i32>} : memref<80x64xf32, #tpu.memory_space<vmem>>, vector<1x16xf32>,
            %get3A_326 = vector.shape_cast %get3A_325 : vector<1x16xf32> to vector<16xf32>
            %get3A_327 = arith.index_cast %scan3A_323 : i32 to index
            %get3A_328 = arith.constant 0 : index
            %get3A_329 = tpu.vector_load %arg17[%get3A_327, %get3A_328] {strides = array<i32>} : memref<80x64xf32, #tpu.memory_space<vmem>>, vector<1x16xf32>,
            %get3A_330 = vector.shape_cast %get3A_329 : vector<1x16xf32> to vector<16xf32>
            %mul3A_331 = arith.mulf %get3A_326, %get3A_330 : vector<16xf32>
            %swap3A = arith.index_cast %scan3A_323 : i32 to index
            %swap3A_332 = arith.constant 0 : index
            %swap3A_333 = tpu.vector_load %arg19[%swap3A, %swap3A_332] {strides = array<i32>} : memref<80x64xf32, #tpu.memory_space<vmem>>, vector<1x16xf32>,
            %swap3A_334 = vector.shape_cast %swap3A_333 : vector<1x16xf32> to vector<16xf32>
            %swap3A_335 = vector.shape_cast %mul3A_331 : vector<16xf32> to vector<1x16xf32>
            tpu.vector_store %arg19[%swap3A, %swap3A_332], %swap3A_335 {strides = array<i32>} : memref<80x64xf32, #tpu.memory_space<vmem>>, vector<1x16xf32>,
            %get3A_336 = arith.index_cast %scan3A_323 : i32 to index
            %get3A_337 = arith.constant 16 : index
            %get3A_338 = tpu.vector_load %arg15[%get3A_336, %get3A_337] {strides = array<i32>} : memref<80x64xf32, #tpu.memory_space<vmem>>, vector<1x16xf32>,
            %get3A_339 = vector.shape_cast %get3A_338 : vector<1x16xf32> to vector<16xf32>
            %get3A_340 = arith.index_cast %scan3A_323 : i32 to index
            %get3A_341 = arith.constant 16 : index
            %get3A_342 = tpu.vector_load %arg17[%get3A_340, %get3A_341] {strides = array<i32>} : memref<80x64xf32, #tpu.memory_space<vmem>>, vector<1x16xf32>,
            %get3A_343 = vector.shape_cast %get3A_342 : vector<1x16xf32> to vector<16xf32>
            %mul3A_344 = arith.mulf %get3A_339, %get3A_343 : vector<16xf32>
            %swap3A_345 = arith.index_cast %scan3A_323 : i32 to index
            %swap3A_346 = arith.constant 16 : index
            %swap3A_347 = tpu.vector_load %arg19[%swap3A_345, %swap3A_346] {strides = array<i32>} : memref<80x64xf32, #tpu.memory_space<vmem>>, vector<1x16xf32>,
            %swap3A_348 = vector.shape_cast %swap3A_347 : vector<1x16xf32> to vector<16xf32>
            %swap3A_349 = vector.shape_cast %mul3A_344 : vector<16xf32> to vector<1x16xf32>
            tpu.vector_store %arg19[%swap3A_345, %swap3A_346], %swap3A_349 {strides = array<i32>} : memref<80x64xf32, #tpu.memory_space<vmem>>, vector<1x16xf32>,
            %get3A_350 = arith.index_cast %scan3A_323 : i32 to index
            %get3A_351 = arith.constant 32 : index
            %get3A_352 = tpu.vector_load %arg15[%get3A_350, %get3A_351] {strides = array<i32>} : memref<80x64xf32, #tpu.memory_space<vmem>>, vector<1x16xf32>,
            %get3A_353 = vector.shape_cast %get3A_352 : vector<1x16xf32> to vector<16xf32>
            %get3A_354 = arith.index_cast %scan3A_323 : i32 to index
            %get3A_355 = arith.constant 32 : index
            %get3A_356 = tpu.vector_load %arg17[%get3A_354, %get3A_355] {strides = array<i32>} : memref<80x64xf32, #tpu.memory_space<vmem>>, vector<1x16xf32>,
            %get3A_357 = vector.shape_cast %get3A_356 : vector<1x16xf32> to vector<16xf32>
            %mul3A_358 = arith.mulf %get3A_353, %get3A_357 : vector<16xf32>
            %swap3A_359 = arith.index_cast %scan3A_323 : i32 to index
            %swap3A_360 = arith.constant 32 : index
            %swap3A_361 = tpu.vector_load %arg19[%swap3A_359, %swap3A_360] {strides = array<i32>} : memref<80x64xf32, #tpu.memory_space<vmem>>, vector<1x16xf32>,
            %swap3A_362 = vector.shape_cast %swap3A_361 : vector<1x16xf32> to vector<16xf32>
            %swap3A_363 = vector.shape_cast %mul3A_358 : vector<16xf32> to vector<1x16xf32>
            tpu.vector_store %arg19[%swap3A_359, %swap3A_360], %swap3A_363 {strides = array<i32>} : memref<80x64xf32, #tpu.memory_space<vmem>>, vector<1x16xf32>,
            %get3A_364 = arith.index_cast %scan3A_323 : i32 to index
            %get3A_365 = arith.constant 48 : index
            %get3A_366 = tpu.vector_load %arg15[%get3A_364, %get3A_365] {strides = array<i32>} : memref<80x64xf32, #tpu.memory_space<vmem>>, vector<1x16xf32>,
            %get3A_367 = vector.shape_cast %get3A_366 : vector<1x16xf32> to vector<16xf32>
            %get3A_368 = arith.index_cast %scan3A_323 : i32 to index
            %get3A_369 = arith.constant 48 : index
            %get3A_370 = tpu.vector_load %arg17[%get3A_368, %get3A_369] {strides = array<i32>} : memref<80x64xf32, #tpu.memory_space<vmem>>, vector<1x16xf32>,
            %get3A_371 = vector.shape_cast %get3A_370 : vector<1x16xf32> to vector<16xf32>
            %mul3A_372 = arith.mulf %get3A_367, %get3A_371 : vector<16xf32>
            %swap3A_373 = arith.index_cast %scan3A_323 : i32 to index
            %swap3A_374 = arith.constant 48 : index
            %swap3A_375 = tpu.vector_load %arg19[%swap3A_373, %swap3A_374] {strides = array<i32>} : memref<80x64xf32, #tpu.memory_space<vmem>>, vector<1x16xf32>,
            %swap3A_376 = vector.shape_cast %swap3A_375 : vector<1x16xf32> to vector<16xf32>
            %swap3A_377 = vector.shape_cast %mul3A_372 : vector<16xf32> to vector<1x16xf32>
            tpu.vector_store %arg19[%swap3A_373, %swap3A_374], %swap3A_377 {strides = array<i32>} : memref<80x64xf32, #tpu.memory_space<vmem>>, vector<1x16xf32>,
          }
          %scan3A_309 = arith.constant 80 : i32
          %dma_start3A_310 = arith.constant 0 : i32
          %dma_start3A_311 = tpu.memref_slice %arg12[%add3A_282, %dma_start3A_310] : memref<50x80xi32, #tpu.memory_space<vmem>> -> memref<1x80xi32, #tpu.memory_space<vmem>>
          %dma_start3A_312 = tpu.memref_squeeze %dma_start3A_311 : memref<1x80xi32, #tpu.memory_space<vmem>> -> memref<80xi32, #tpu.memory_space<vmem>>
          %dma_start3A_313 = arith.constant 0 : i32
          %dma_start3A_314 = arith.constant 0 : i32
          %dma_start3A_315 = tpu.memref_slice %arg20[%dma_start3A_313, %dma_start3A_314] : memref<10240x64xf32, #tpu.memory_space<vmem_shared>> -> memref<10240x64xf32, #tpu.memory_space<vmem_shared>>
          tpu.enqueue_indirect_dma source(%arg19 : memref<80x64xf32, #tpu.memory_space<vmem>>) target(%dma_start3A_315 : memref<10240x64xf32, #tpu.memory_space<vmem_shared>>) offsets(%dma_start3A_312 : memref<80xi32, #tpu.memory_space<vmem>>) semaphore(%arg27 : memref<!tpu.dma_semaphore, #tpu.memory_space<semaphore_mem>>) {add = true}
          %add3A_316 = arith.constant 2 : i32
          %add3A_317 = arith.addi %add3A_282, %add3A_316 : i32
          %lt3A_318 = arith.constant 50 : i32
          %lt3A_319 = arith.cmpi slt, %add3A_317, %lt3A_318 : i32
          %convert_element_type3A_320 = arith.extui %lt3A_319 : i1 to i32
          %cond3A_321 = arith.constant 0 : i32
          %cond3A_322 = arith.cmpi ne, %convert_element_type3A_320, %cond3A_321 : i32
          scf.if %cond3A_322 {
            %add3A_323 = arith.constant 2 : i32
            %add3A_324 = arith.addi %add3A_282, %add3A_323 : i32
            %add3A_325 = arith.constant 2 : i32
            %add3A_326 = arith.addi %add3A_285, %add3A_325 : i32
            %dma_start3A_327 = arith.constant 0 : i32
            %dma_start3A_328 = tpu.memref_slice %arg10[%add3A_324, %dma_start3A_327] : memref<50x80xi32, #tpu.memory_space<vmem>> -> memref<1x80xi32, #tpu.memory_space<vmem>>
            %dma_start3A_329 = tpu.memref_squeeze %dma_start3A_328 : memref<1x80xi32, #tpu.memory_space<vmem>> -> memref<80xi32, #tpu.memory_space<vmem>>
            %dma_start3A_330 = arith.constant 0 : i32
            %dma_start3A_331 = arith.constant 0 : i32
            %dma_start3A_332 = tpu.memref_slice %arg21[%dma_start3A_330, %dma_start3A_331] : memref<10240x64xf32, #tpu.memory_space<vmem_shared>> -> memref<10240x64xf32, #tpu.memory_space<vmem_shared>>
            tpu.enqueue_indirect_dma source(%dma_start3A_332 : memref<10240x64xf32, #tpu.memory_space<vmem_shared>>) target(%arg15 : memref<80x64xf32, #tpu.memory_space<vmem>>) offsets(%dma_start3A_329 : memref<80xi32, #tpu.memory_space<vmem>>) semaphore(%arg23 : memref<!tpu.dma_semaphore, #tpu.memory_space<semaphore_mem>>)
            %mul3A_333 = arith.constant 80 : i32
            %mul3A_334 = arith.muli %add3A_326, %mul3A_333 : i32
            %add3A_335 = arith.addi %mul3A_20, %mul3A_334 : i32
            %dma_start3A_336 = arith.constant 0 : i32
            %dma_start3A_337 = tpu.memref_slice %arg4[%add3A_335, %dma_start3A_336] : memref<320000x64xf32, #tpu.memory_space<hbm>> -> memref<80x64xf32, #tpu.memory_space<hbm>>
            %dma_start3A_338 = arith.constant 0 : i32
            %dma_start3A_339 = tpu.memref_slice %arg4[%add3A_335, %dma_start3A_338] : memref<320000x64xf32, #tpu.memory_space<hbm>> -> memref<80x64xf32, #tpu.memory_space<hbm>>
            tpu.enqueue_dma source(%dma_start3A_339 : memref<80x64xf32, #tpu.memory_space<hbm>>) target(%arg17 : memref<80x64xf32, #tpu.memory_space<vmem>>) target_semaphore(%arg25 : memref<!tpu.dma_semaphore, #tpu.memory_space<semaphore_mem>>)
          } else {
          }
        }
        %scan3A_176 = arith.constant 25 : i32
        %mul3A_177 = arith.constant 2 : i32
        %mul3A_178 = arith.muli %scan3A_118, %mul3A_177 : i32
        %add3A_179 = arith.constant 1 : i32
        %add3A_180 = arith.addi %mul3A_178, %add3A_179 : i32
        %gt3A_181 = arith.constant 0 : i32
        %gt3A_182 = arith.cmpi sgt, %add3A_180, %gt3A_181 : i32
        %convert_element_type3A_183 = arith.extui %gt3A_182 : i1 to i32
        %cond3A_184 = arith.constant 0 : i32
        %cond3A_185 = arith.cmpi ne, %convert_element_type3A_183, %cond3A_184 : i32
        scf.if %cond3A_185 {
          %dma_wait3A_235 = arith.constant 0 : i32
          %dma_wait3A_236 = arith.constant 0 : i32
          %dma_wait3A_237 = tpu.memref_slice %arg12[%dma_wait3A_235, %dma_wait3A_236] : memref<50x80xi32, #tpu.memory_space<vmem>> -> memref<1x80xi32, #tpu.memory_space<vmem>>
          %dma_wait3A_238 = tpu.memref_squeeze %dma_wait3A_237 : memref<1x80xi32, #tpu.memory_space<vmem>> -> memref<80xi32, #tpu.memory_space<vmem>>
          %dma_wait3A_239 = arith.constant 0 : i32
          %dma_wait3A_240 = arith.constant 0 : i32
          %dma_wait3A_241 = tpu.memref_slice %arg20[%dma_wait3A_239, %dma_wait3A_240] : memref<10240x64xf32, #tpu.memory_space<vmem_shared>> -> memref<10240x64xf32, #tpu.memory_space<vmem_shared>>
          tpu.wait_indirect_dma semaphore(%arg26 : memref<!tpu.dma_semaphore, #tpu.memory_space<semaphore_mem>>) src(%arg18 : memref<80x64xf32, #tpu.memory_space<vmem>>) dst(%dma_wait3A_241 : memref<10240x64xf32, #tpu.memory_space<vmem_shared>>)
          %dma_wait3A_242 = arith.constant 0 : i32
          %dma_wait3A_243 = arith.constant 0 : i32
          %dma_wait3A_244 = tpu.memref_slice %arg12[%dma_wait3A_242, %dma_wait3A_243] : memref<50x80xi32, #tpu.memory_space<vmem>> -> memref<1x80xi32, #tpu.memory_space<vmem>>
          %dma_wait3A_245 = tpu.memref_squeeze %dma_wait3A_244 : memref<1x80xi32, #tpu.memory_space<vmem>> -> memref<80xi32, #tpu.memory_space<vmem>>
          %dma_wait3A_246 = arith.constant 0 : i32
          %dma_wait3A_247 = arith.constant 0 : i32
          %dma_wait3A_248 = tpu.memref_slice %arg20[%dma_wait3A_246, %dma_wait3A_247] : memref<10240x64xf32, #tpu.memory_space<vmem_shared>> -> memref<10240x64xf32, #tpu.memory_space<vmem_shared>>
          tpu.wait_indirect_dma semaphore(%arg27 : memref<!tpu.dma_semaphore, #tpu.memory_space<semaphore_mem>>) src(%arg19 : memref<80x64xf32, #tpu.memory_space<vmem>>) dst(%dma_wait3A_248 : memref<10240x64xf32, #tpu.memory_space<vmem_shared>>)
          %dma_wait3A_249 = arith.constant 0 : i32
          %dma_wait3A_250 = arith.constant 0 : i32
          %dma_wait3A_251 = tpu.memref_slice %arg6[%arg1, %add3A_180, %dma_wait3A_249, %dma_wait3A_250] : memref<16x5x50x80xi32, #tpu.memory_space<hbm>> -> memref<1x1x50x80xi32, #tpu.memory_space<hbm>>
          %dma_wait3A_252 = tpu.memref_squeeze %dma_wait3A_251 : memref<1x1x50x80xi32, #tpu.memory_space<hbm>> -> memref<50x80xi32, #tpu.memory_space<hbm>>
          %dma_wait3A_253 = arith.constant 0 : i32
          %dma_wait3A_254 = arith.constant 0 : i32
          %dma_wait3A_255 = tpu.memref_slice %arg6[%arg1, %add3A_180, %dma_wait3A_253, %dma_wait3A_254] : memref<16x5x50x80xi32, #tpu.memory_space<hbm>> -> memref<1x1x50x80xi32, #tpu.memory_space<hbm>>
          %dma_wait3A_256 = tpu.memref_squeeze %dma_wait3A_255 : memref<1x1x50x80xi32, #tpu.memory_space<hbm>> -> memref<50x80xi32, #tpu.memory_space<hbm>>
          tpu.wait_dma2 semaphore(%arg28 : memref<!tpu.dma_semaphore, #tpu.memory_space<semaphore_mem>>) src(%dma_wait3A_256 : memref<50x80xi32, #tpu.memory_space<hbm>>) dst(%arg11 : memref<50x80xi32, #tpu.memory_space<vmem>>)
          %dma_wait3A_257 = arith.constant 0 : i32
          %dma_wait3A_258 = arith.constant 0 : i32
          %dma_wait3A_259 = tpu.memref_slice %arg7[%arg1, %add3A_180, %dma_wait3A_257, %dma_wait3A_258] : memref<16x5x50x80xi32, #tpu.memory_space<hbm>> -> memref<1x1x50x80xi32, #tpu.memory_space<hbm>>
          %dma_wait3A_260 = tpu.memref_squeeze %dma_wait3A_259 : memref<1x1x50x80xi32, #tpu.memory_space<hbm>> -> memref<50x80xi32, #tpu.memory_space<hbm>>
          %dma_wait3A_261 = arith.constant 0 : i32
          %dma_wait3A_262 = arith.constant 0 : i32
          %dma_wait3A_263 = tpu.memref_slice %arg7[%arg1, %add3A_180, %dma_wait3A_261, %dma_wait3A_262] : memref<16x5x50x80xi32, #tpu.memory_space<hbm>> -> memref<1x1x50x80xi32, #tpu.memory_space<hbm>>
          %dma_wait3A_264 = tpu.memref_squeeze %dma_wait3A_263 : memref<1x1x50x80xi32, #tpu.memory_space<hbm>> -> memref<50x80xi32, #tpu.memory_space<hbm>>
          tpu.wait_dma2 semaphore(%arg29 : memref<!tpu.dma_semaphore, #tpu.memory_space<semaphore_mem>>) src(%dma_wait3A_264 : memref<50x80xi32, #tpu.memory_space<hbm>>) dst(%arg13 : memref<50x80xi32, #tpu.memory_space<vmem>>)
        } else {
        }
        %add3A_186 = arith.constant 1 : i32
        %add3A_187 = arith.addi %add3A_180, %add3A_186 : i32
        %lt3A_188 = arith.constant 5 : i32
        %lt3A_189 = arith.cmpi slt, %add3A_187, %lt3A_188 : i32
        %convert_element_type3A_190 = arith.extui %lt3A_189 : i1 to i32
        %cond3A_191 = arith.constant 0 : i32
        %cond3A_192 = arith.cmpi ne, %convert_element_type3A_190, %cond3A_191 : i32
        scf.if %cond3A_192 {
          %add3A_235 = arith.constant 1 : i32
          %add3A_236 = arith.addi %add3A_180, %add3A_235 : i32
          %dma_start3A_237 = arith.constant 0 : i32
          %dma_start3A_238 = arith.constant 0 : i32
          %dma_start3A_239 = tpu.memref_slice %arg6[%arg1, %add3A_236, %dma_start3A_237, %dma_start3A_238] : memref<16x5x50x80xi32, #tpu.memory_space<hbm>> -> memref<1x1x50x80xi32, #tpu.memory_space<hbm>>
          %dma_start3A_240 = tpu.memref_squeeze %dma_start3A_239 : memref<1x1x50x80xi32, #tpu.memory_space<hbm>> -> memref<50x80xi32, #tpu.memory_space<hbm>>
          %dma_start3A_241 = arith.constant 0 : i32
          %dma_start3A_242 = arith.constant 0 : i32
          %dma_start3A_243 = tpu.memref_slice %arg6[%arg1, %add3A_236, %dma_start3A_241, %dma_start3A_242] : memref<16x5x50x80xi32, #tpu.memory_space<hbm>> -> memref<1x1x50x80xi32, #tpu.memory_space<hbm>>
          %dma_start3A_244 = tpu.memref_squeeze %dma_start3A_243 : memref<1x1x50x80xi32, #tpu.memory_space<hbm>> -> memref<50x80xi32, #tpu.memory_space<hbm>>
          tpu.enqueue_dma source(%dma_start3A_244 : memref<50x80xi32, #tpu.memory_space<hbm>>) target(%arg10 : memref<50x80xi32, #tpu.memory_space<vmem>>) target_semaphore(%arg28 : memref<!tpu.dma_semaphore, #tpu.memory_space<semaphore_mem>>)
          %add3A_245 = arith.constant 1 : i32
          %add3A_246 = arith.addi %add3A_180, %add3A_245 : i32
          %dma_start3A_247 = arith.constant 0 : i32
          %dma_start3A_248 = arith.constant 0 : i32
          %dma_start3A_249 = tpu.memref_slice %arg7[%arg1, %add3A_246, %dma_start3A_247, %dma_start3A_248] : memref<16x5x50x80xi32, #tpu.memory_space<hbm>> -> memref<1x1x50x80xi32, #tpu.memory_space<hbm>>
          %dma_start3A_250 = tpu.memref_squeeze %dma_start3A_249 : memref<1x1x50x80xi32, #tpu.memory_space<hbm>> -> memref<50x80xi32, #tpu.memory_space<hbm>>
          %dma_start3A_251 = arith.constant 0 : i32
          %dma_start3A_252 = arith.constant 0 : i32
          %dma_start3A_253 = tpu.memref_slice %arg7[%arg1, %add3A_246, %dma_start3A_251, %dma_start3A_252] : memref<16x5x50x80xi32, #tpu.memory_space<hbm>> -> memref<1x1x50x80xi32, #tpu.memory_space<hbm>>
          %dma_start3A_254 = tpu.memref_squeeze %dma_start3A_253 : memref<1x1x50x80xi32, #tpu.memory_space<hbm>> -> memref<50x80xi32, #tpu.memory_space<hbm>>
          tpu.enqueue_dma source(%dma_start3A_254 : memref<50x80xi32, #tpu.memory_space<hbm>>) target(%arg12 : memref<50x80xi32, #tpu.memory_space<vmem>>) target_semaphore(%arg29 : memref<!tpu.dma_semaphore, #tpu.memory_space<semaphore_mem>>)
        } else {
        }
        %mul3A_193 = arith.constant 50 : i32
        %mul3A_194 = arith.muli %add3A_180, %mul3A_193 : i32
        %add3A_195 = arith.constant 0 : i32
        %add3A_196 = arith.addi %mul3A_194, %add3A_195 : i32
        %dma_start3A_197 = arith.constant 0 : i32
        %dma_start3A_198 = arith.constant 0 : i32
        %dma_start3A_199 = tpu.memref_slice %arg11[%dma_start3A_197, %dma_start3A_198] : memref<50x80xi32, #tpu.memory_space<vmem>> -> memref<1x80xi32, #tpu.memory_space<vmem>>
        %dma_start3A_200 = tpu.memref_squeeze %dma_start3A_199 : memref<1x80xi32, #tpu.memory_space<vmem>> -> memref<80xi32, #tpu.memory_space<vmem>>
        %dma_start3A_201 = arith.constant 0 : i32
        %dma_start3A_202 = arith.constant 0 : i32
        %dma_start3A_203 = tpu.memref_slice %arg21[%dma_start3A_201, %dma_start3A_202] : memref<10240x64xf32, #tpu.memory_space<vmem_shared>> -> memref<10240x64xf32, #tpu.memory_space<vmem_shared>>
        tpu.enqueue_indirect_dma source(%dma_start3A_203 : memref<10240x64xf32, #tpu.memory_space<vmem_shared>>) target(%arg14 : memref<80x64xf32, #tpu.memory_space<vmem>>) offsets(%dma_start3A_200 : memref<80xi32, #tpu.memory_space<vmem>>) semaphore(%arg22 : memref<!tpu.dma_semaphore, #tpu.memory_space<semaphore_mem>>)
        %mul3A_204 = arith.constant 80 : i32
        %mul3A_205 = arith.muli %add3A_196, %mul3A_204 : i32
        %add3A_206 = arith.addi %mul3A_20, %mul3A_205 : i32
        %dma_start3A_207 = arith.constant 0 : i32
        %dma_start3A_208 = tpu.memref_slice %arg4[%add3A_206, %dma_start3A_207] : memref<320000x64xf32, #tpu.memory_space<hbm>> -> memref<80x64xf32, #tpu.memory_space<hbm>>
        %dma_start3A_209 = arith.constant 0 : i32
        %dma_start3A_210 = tpu.memref_slice %arg4[%add3A_206, %dma_start3A_209] : memref<320000x64xf32, #tpu.memory_space<hbm>> -> memref<80x64xf32, #tpu.memory_space<hbm>>
        tpu.enqueue_dma source(%dma_start3A_210 : memref<80x64xf32, #tpu.memory_space<hbm>>) target(%arg16 : memref<80x64xf32, #tpu.memory_space<vmem>>) target_semaphore(%arg24 : memref<!tpu.dma_semaphore, #tpu.memory_space<semaphore_mem>>)
        %mul3A_211 = arith.constant 50 : i32
        %mul3A_212 = arith.muli %add3A_180, %mul3A_211 : i32
        %add3A_213 = arith.constant 1 : i32
        %add3A_214 = arith.addi %mul3A_212, %add3A_213 : i32
        %dma_start3A_215 = arith.constant 1 : i32
        %dma_start3A_216 = arith.constant 0 : i32
        %dma_start3A_217 = tpu.memref_slice %arg11[%dma_start3A_215, %dma_start3A_216] : memref<50x80xi32, #tpu.memory_space<vmem>> -> memref<1x80xi32, #tpu.memory_space<vmem>>
        %dma_start3A_218 = tpu.memref_squeeze %dma_start3A_217 : memref<1x80xi32, #tpu.memory_space<vmem>> -> memref<80xi32, #tpu.memory_space<vmem>>
        %dma_start3A_219 = arith.constant 0 : i32
        %dma_start3A_220 = arith.constant 0 : i32
        %dma_start3A_221 = tpu.memref_slice %arg21[%dma_start3A_219, %dma_start3A_220] : memref<10240x64xf32, #tpu.memory_space<vmem_shared>> -> memref<10240x64xf32, #tpu.memory_space<vmem_shared>>
        tpu.enqueue_indirect_dma source(%dma_start3A_221 : memref<10240x64xf32, #tpu.memory_space<vmem_shared>>) target(%arg15 : memref<80x64xf32, #tpu.memory_space<vmem>>) offsets(%dma_start3A_218 : memref<80xi32, #tpu.memory_space<vmem>>) semaphore(%arg23 : memref<!tpu.dma_semaphore, #tpu.memory_space<semaphore_mem>>)
        %mul3A_222 = arith.constant 80 : i32
        %mul3A_223 = arith.muli %add3A_214, %mul3A_222 : i32
        %add3A_224 = arith.addi %mul3A_20, %mul3A_223 : i32
        %dma_start3A_225 = arith.constant 0 : i32
        %dma_start3A_226 = tpu.memref_slice %arg4[%add3A_224, %dma_start3A_225] : memref<320000x64xf32, #tpu.memory_space<hbm>> -> memref<80x64xf32, #tpu.memory_space<hbm>>
        %dma_start3A_227 = arith.constant 0 : i32
        %dma_start3A_228 = tpu.memref_slice %arg4[%add3A_224, %dma_start3A_227] : memref<320000x64xf32, #tpu.memory_space<hbm>> -> memref<80x64xf32, #tpu.memory_space<hbm>>
        tpu.enqueue_dma source(%dma_start3A_228 : memref<80x64xf32, #tpu.memory_space<hbm>>) target(%arg17 : memref<80x64xf32, #tpu.memory_space<vmem>>) target_semaphore(%arg25 : memref<!tpu.dma_semaphore, #tpu.memory_space<semaphore_mem>>)
        %scan3A_229 = arith.constant 0 : i32
        %scan3A_230 = arith.constant 0 : i32
        %scan3A_231 = arith.constant 25 : i32
        %scan3A_232 = arith.addi %scan3A_230, %scan3A_231 : i32
        %scan3A_233 = arith.constant 1 : i32
        scf.for %scan3A_235 = %scan3A_230 to %scan3A_232 step %scan3A_233  : i32 {
          %mul3A_236 = arith.constant 2 : i32
          %mul3A_237 = arith.muli %scan3A_235, %mul3A_236 : i32
          %add3A_238 = arith.constant 0 : i32
          %add3A_239 = arith.addi %mul3A_237, %add3A_238 : i32
          %mul3A_240 = arith.constant 50 : i32
          %mul3A_241 = arith.muli %add3A_180, %mul3A_240 : i32
          %add3A_242 = arith.addi %mul3A_241, %add3A_239 : i32
          %dma_wait3A_243 = arith.constant 0 : i32
          %dma_wait3A_244 = tpu.memref_slice %arg11[%add3A_239, %dma_wait3A_243] : memref<50x80xi32, #tpu.memory_space<vmem>> -> memref<1x80xi32, #tpu.memory_space<vmem>>
          %dma_wait3A_245 = tpu.memref_squeeze %dma_wait3A_244 : memref<1x80xi32, #tpu.memory_space<vmem>> -> memref<80xi32, #tpu.memory_space<vmem>>
          %dma_wait3A_246 = arith.constant 0 : i32
          %dma_wait3A_247 = arith.constant 0 : i32
          %dma_wait3A_248 = tpu.memref_slice %arg21[%dma_wait3A_246, %dma_wait3A_247] : memref<10240x64xf32, #tpu.memory_space<vmem_shared>> -> memref<10240x64xf32, #tpu.memory_space<vmem_shared>>
          tpu.wait_indirect_dma semaphore(%arg22 : memref<!tpu.dma_semaphore, #tpu.memory_space<semaphore_mem>>) src(%dma_wait3A_248 : memref<10240x64xf32, #tpu.memory_space<vmem_shared>>) dst(%arg14 : memref<80x64xf32, #tpu.memory_space<vmem>>)
          %mul3A_249 = arith.constant 80 : i32
          %mul3A_250 = arith.muli %add3A_242, %mul3A_249 : i32
          %add3A_251 = arith.addi %mul3A_20, %mul3A_250 : i32
          %dma_wait3A_252 = arith.constant 0 : i32
          %dma_wait3A_253 = tpu.memref_slice %arg4[%add3A_251, %dma_wait3A_252] : memref<320000x64xf32, #tpu.memory_space<hbm>> -> memref<80x64xf32, #tpu.memory_space<hbm>>
          %dma_wait3A_254 = arith.constant 0 : i32
          %dma_wait3A_255 = tpu.memref_slice %arg4[%add3A_251, %dma_wait3A_254] : memref<320000x64xf32, #tpu.memory_space<hbm>> -> memref<80x64xf32, #tpu.memory_space<hbm>>
          tpu.wait_dma2 semaphore(%arg24 : memref<!tpu.dma_semaphore, #tpu.memory_space<semaphore_mem>>) src(%dma_wait3A_255 : memref<80x64xf32, #tpu.memory_space<hbm>>) dst(%arg16 : memref<80x64xf32, #tpu.memory_space<vmem>>)
          %ge3A = arith.constant 1 : i32
          %ge3A_256 = arith.cmpi sge, %scan3A_235, %ge3A : i32
          %convert_element_type3A_257 = arith.extui %ge3A_256 : i1 to i32
          %cond3A_258 = arith.constant 0 : i32
          %cond3A_259 = arith.cmpi ne, %convert_element_type3A_257, %cond3A_258 : i32
          scf.if %cond3A_259 {
            %dma_wait3A_323 = arith.constant 0 : i32
            %dma_wait3A_324 = arith.constant 0 : i32
            %dma_wait3A_325 = tpu.memref_slice %arg12[%dma_wait3A_323, %dma_wait3A_324] : memref<50x80xi32, #tpu.memory_space<vmem>> -> memref<1x80xi32, #tpu.memory_space<vmem>>
            %dma_wait3A_326 = tpu.memref_squeeze %dma_wait3A_325 : memref<1x80xi32, #tpu.memory_space<vmem>> -> memref<80xi32, #tpu.memory_space<vmem>>
            %dma_wait3A_327 = arith.constant 0 : i32
            %dma_wait3A_328 = arith.constant 0 : i32
            %dma_wait3A_329 = tpu.memref_slice %arg20[%dma_wait3A_327, %dma_wait3A_328] : memref<10240x64xf32, #tpu.memory_space<vmem_shared>> -> memref<10240x64xf32, #tpu.memory_space<vmem_shared>>
            tpu.wait_indirect_dma semaphore(%arg26 : memref<!tpu.dma_semaphore, #tpu.memory_space<semaphore_mem>>) src(%arg18 : memref<80x64xf32, #tpu.memory_space<vmem>>) dst(%dma_wait3A_329 : memref<10240x64xf32, #tpu.memory_space<vmem_shared>>)
          } else {
          }
          %scan3A_260 = arith.constant 0 : i32
          %scan3A_261 = arith.constant 0 : i32
          %scan3A_262 = arith.constant 80 : i32
          %scan3A_263 = arith.addi %scan3A_261, %scan3A_262 : i32
          %scan3A_264 = arith.constant 1 : i32
          scf.for %scan3A_323 = %scan3A_261 to %scan3A_263 step %scan3A_264  : i32 {
            %get3A = arith.index_cast %scan3A_323 : i32 to index
            %get3A_324 = arith.constant 0 : index
            %get3A_325 = tpu.vector_load %arg14[%get3A, %get3A_324] {strides = array<i32>} : memref<80x64xf32, #tpu.memory_space<vmem>>, vector<1x16xf32>,
            %get3A_326 = vector.shape_cast %get3A_325 : vector<1x16xf32> to vector<16xf32>
            %get3A_327 = arith.index_cast %scan3A_323 : i32 to index
            %get3A_328 = arith.constant 0 : index
            %get3A_329 = tpu.vector_load %arg16[%get3A_327, %get3A_328] {strides = array<i32>} : memref<80x64xf32, #tpu.memory_space<vmem>>, vector<1x16xf32>,
            %get3A_330 = vector.shape_cast %get3A_329 : vector<1x16xf32> to vector<16xf32>
            %mul3A_331 = arith.mulf %get3A_326, %get3A_330 : vector<16xf32>
            %swap3A = arith.index_cast %scan3A_323 : i32 to index
            %swap3A_332 = arith.constant 0 : index
            %swap3A_333 = tpu.vector_load %arg18[%swap3A, %swap3A_332] {strides = array<i32>} : memref<80x64xf32, #tpu.memory_space<vmem>>, vector<1x16xf32>,
            %swap3A_334 = vector.shape_cast %swap3A_333 : vector<1x16xf32> to vector<16xf32>
            %swap3A_335 = vector.shape_cast %mul3A_331 : vector<16xf32> to vector<1x16xf32>
            tpu.vector_store %arg18[%swap3A, %swap3A_332], %swap3A_335 {strides = array<i32>} : memref<80x64xf32, #tpu.memory_space<vmem>>, vector<1x16xf32>,
            %get3A_336 = arith.index_cast %scan3A_323 : i32 to index
            %get3A_337 = arith.constant 16 : index
            %get3A_338 = tpu.vector_load %arg14[%get3A_336, %get3A_337] {strides = array<i32>} : memref<80x64xf32, #tpu.memory_space<vmem>>, vector<1x16xf32>,
            %get3A_339 = vector.shape_cast %get3A_338 : vector<1x16xf32> to vector<16xf32>
            %get3A_340 = arith.index_cast %scan3A_323 : i32 to index
            %get3A_341 = arith.constant 16 : index
            %get3A_342 = tpu.vector_load %arg16[%get3A_340, %get3A_341] {strides = array<i32>} : memref<80x64xf32, #tpu.memory_space<vmem>>, vector<1x16xf32>,
            %get3A_343 = vector.shape_cast %get3A_342 : vector<1x16xf32> to vector<16xf32>
            %mul3A_344 = arith.mulf %get3A_339, %get3A_343 : vector<16xf32>
            %swap3A_345 = arith.index_cast %scan3A_323 : i32 to index
            %swap3A_346 = arith.constant 16 : index
            %swap3A_347 = tpu.vector_load %arg18[%swap3A_345, %swap3A_346] {strides = array<i32>} : memref<80x64xf32, #tpu.memory_space<vmem>>, vector<1x16xf32>,
            %swap3A_348 = vector.shape_cast %swap3A_347 : vector<1x16xf32> to vector<16xf32>
            %swap3A_349 = vector.shape_cast %mul3A_344 : vector<16xf32> to vector<1x16xf32>
            tpu.vector_store %arg18[%swap3A_345, %swap3A_346], %swap3A_349 {strides = array<i32>} : memref<80x64xf32, #tpu.memory_space<vmem>>, vector<1x16xf32>,
            %get3A_350 = arith.index_cast %scan3A_323 : i32 to index
            %get3A_351 = arith.constant 32 : index
            %get3A_352 = tpu.vector_load %arg14[%get3A_350, %get3A_351] {strides = array<i32>} : memref<80x64xf32, #tpu.memory_space<vmem>>, vector<1x16xf32>,
            %get3A_353 = vector.shape_cast %get3A_352 : vector<1x16xf32> to vector<16xf32>
            %get3A_354 = arith.index_cast %scan3A_323 : i32 to index
            %get3A_355 = arith.constant 32 : index
            %get3A_356 = tpu.vector_load %arg16[%get3A_354, %get3A_355] {strides = array<i32>} : memref<80x64xf32, #tpu.memory_space<vmem>>, vector<1x16xf32>,
            %get3A_357 = vector.shape_cast %get3A_356 : vector<1x16xf32> to vector<16xf32>
            %mul3A_358 = arith.mulf %get3A_353, %get3A_357 : vector<16xf32>
            %swap3A_359 = arith.index_cast %scan3A_323 : i32 to index
            %swap3A_360 = arith.constant 32 : index
            %swap3A_361 = tpu.vector_load %arg18[%swap3A_359, %swap3A_360] {strides = array<i32>} : memref<80x64xf32, #tpu.memory_space<vmem>>, vector<1x16xf32>,
            %swap3A_362 = vector.shape_cast %swap3A_361 : vector<1x16xf32> to vector<16xf32>
            %swap3A_363 = vector.shape_cast %mul3A_358 : vector<16xf32> to vector<1x16xf32>
            tpu.vector_store %arg18[%swap3A_359, %swap3A_360], %swap3A_363 {strides = array<i32>} : memref<80x64xf32, #tpu.memory_space<vmem>>, vector<1x16xf32>,
            %get3A_364 = arith.index_cast %scan3A_323 : i32 to index
            %get3A_365 = arith.constant 48 : index
            %get3A_366 = tpu.vector_load %arg14[%get3A_364, %get3A_365] {strides = array<i32>} : memref<80x64xf32, #tpu.memory_space<vmem>>, vector<1x16xf32>,
            %get3A_367 = vector.shape_cast %get3A_366 : vector<1x16xf32> to vector<16xf32>
            %get3A_368 = arith.index_cast %scan3A_323 : i32 to index
            %get3A_369 = arith.constant 48 : index
            %get3A_370 = tpu.vector_load %arg16[%get3A_368, %get3A_369] {strides = array<i32>} : memref<80x64xf32, #tpu.memory_space<vmem>>, vector<1x16xf32>,
            %get3A_371 = vector.shape_cast %get3A_370 : vector<1x16xf32> to vector<16xf32>
            %mul3A_372 = arith.mulf %get3A_367, %get3A_371 : vector<16xf32>
            %swap3A_373 = arith.index_cast %scan3A_323 : i32 to index
            %swap3A_374 = arith.constant 48 : index
            %swap3A_375 = tpu.vector_load %arg18[%swap3A_373, %swap3A_374] {strides = array<i32>} : memref<80x64xf32, #tpu.memory_space<vmem>>, vector<1x16xf32>,
            %swap3A_376 = vector.shape_cast %swap3A_375 : vector<1x16xf32> to vector<16xf32>
            %swap3A_377 = vector.shape_cast %mul3A_372 : vector<16xf32> to vector<1x16xf32>
            tpu.vector_store %arg18[%swap3A_373, %swap3A_374], %swap3A_377 {strides = array<i32>} : memref<80x64xf32, #tpu.memory_space<vmem>>, vector<1x16xf32>,
          }
          %scan3A_265 = arith.constant 80 : i32
          %dma_start3A_266 = arith.constant 0 : i32
          %dma_start3A_267 = tpu.memref_slice %arg13[%add3A_239, %dma_start3A_266] : memref<50x80xi32, #tpu.memory_space<vmem>> -> memref<1x80xi32, #tpu.memory_space<vmem>>
          %dma_start3A_268 = tpu.memref_squeeze %dma_start3A_267 : memref<1x80xi32, #tpu.memory_space<vmem>> -> memref<80xi32, #tpu.memory_space<vmem>>
          %dma_start3A_269 = arith.constant 0 : i32
          %dma_start3A_270 = arith.constant 0 : i32
          %dma_start3A_271 = tpu.memref_slice %arg20[%dma_start3A_269, %dma_start3A_270] : memref<10240x64xf32, #tpu.memory_space<vmem_shared>> -> memref<10240x64xf32, #tpu.memory_space<vmem_shared>>
          tpu.enqueue_indirect_dma source(%arg18 : memref<80x64xf32, #tpu.memory_space<vmem>>) target(%dma_start3A_271 : memref<10240x64xf32, #tpu.memory_space<vmem_shared>>) offsets(%dma_start3A_268 : memref<80xi32, #tpu.memory_space<vmem>>) semaphore(%arg26 : memref<!tpu.dma_semaphore, #tpu.memory_space<semaphore_mem>>) {add = true}
          %add3A_272 = arith.constant 2 : i32
          %add3A_273 = arith.addi %add3A_239, %add3A_272 : i32
          %lt3A_274 = arith.constant 50 : i32
          %lt3A_275 = arith.cmpi slt, %add3A_273, %lt3A_274 : i32
          %convert_element_type3A_276 = arith.extui %lt3A_275 : i1 to i32
          %cond3A_277 = arith.constant 0 : i32
          %cond3A_278 = arith.cmpi ne, %convert_element_type3A_276, %cond3A_277 : i32
          scf.if %cond3A_278 {
            %add3A_323 = arith.constant 2 : i32
            %add3A_324 = arith.addi %add3A_239, %add3A_323 : i32
            %add3A_325 = arith.constant 2 : i32
            %add3A_326 = arith.addi %add3A_242, %add3A_325 : i32
            %dma_start3A_327 = arith.constant 0 : i32
            %dma_start3A_328 = tpu.memref_slice %arg11[%add3A_324, %dma_start3A_327] : memref<50x80xi32, #tpu.memory_space<vmem>> -> memref<1x80xi32, #tpu.memory_space<vmem>>
            %dma_start3A_329 = tpu.memref_squeeze %dma_start3A_328 : memref<1x80xi32, #tpu.memory_space<vmem>> -> memref<80xi32, #tpu.memory_space<vmem>>
            %dma_start3A_330 = arith.constant 0 : i32
            %dma_start3A_331 = arith.constant 0 : i32
            %dma_start3A_332 = tpu.memref_slice %arg21[%dma_start3A_330, %dma_start3A_331] : memref<10240x64xf32, #tpu.memory_space<vmem_shared>> -> memref<10240x64xf32, #tpu.memory_space<vmem_shared>>
            tpu.enqueue_indirect_dma source(%dma_start3A_332 : memref<10240x64xf32, #tpu.memory_space<vmem_shared>>) target(%arg14 : memref<80x64xf32, #tpu.memory_space<vmem>>) offsets(%dma_start3A_329 : memref<80xi32, #tpu.memory_space<vmem>>) semaphore(%arg22 : memref<!tpu.dma_semaphore, #tpu.memory_space<semaphore_mem>>)
            %mul3A_333 = arith.constant 80 : i32
            %mul3A_334 = arith.muli %add3A_326, %mul3A_333 : i32
            %add3A_335 = arith.addi %mul3A_20, %mul3A_334 : i32
            %dma_start3A_336 = arith.constant 0 : i32
            %dma_start3A_337 = tpu.memref_slice %arg4[%add3A_335, %dma_start3A_336] : memref<320000x64xf32, #tpu.memory_space<hbm>> -> memref<80x64xf32, #tpu.memory_space<hbm>>
            %dma_start3A_338 = arith.constant 0 : i32
            %dma_start3A_339 = tpu.memref_slice %arg4[%add3A_335, %dma_start3A_338] : memref<320000x64xf32, #tpu.memory_space<hbm>> -> memref<80x64xf32, #tpu.memory_space<hbm>>
            tpu.enqueue_dma source(%dma_start3A_339 : memref<80x64xf32, #tpu.memory_space<hbm>>) target(%arg16 : memref<80x64xf32, #tpu.memory_space<vmem>>) target_semaphore(%arg24 : memref<!tpu.dma_semaphore, #tpu.memory_space<semaphore_mem>>)
          } else {
          }
          %mul3A_279 = arith.constant 2 : i32
          %mul3A_280 = arith.muli %scan3A_235, %mul3A_279 : i32
          %add3A_281 = arith.constant 1 : i32
          %add3A_282 = arith.addi %mul3A_280, %add3A_281 : i32
          %mul3A_283 = arith.constant 50 : i32
          %mul3A_284 = arith.muli %add3A_180, %mul3A_283 : i32
          %add3A_285 = arith.addi %mul3A_284, %add3A_282 : i32
          %dma_wait3A_286 = arith.constant 0 : i32
          %dma_wait3A_287 = tpu.memref_slice %arg11[%add3A_282, %dma_wait3A_286] : memref<50x80xi32, #tpu.memory_space<vmem>> -> memref<1x80xi32, #tpu.memory_space<vmem>>
          %dma_wait3A_288 = tpu.memref_squeeze %dma_wait3A_287 : memref<1x80xi32, #tpu.memory_space<vmem>> -> memref<80xi32, #tpu.memory_space<vmem>>
          %dma_wait3A_289 = arith.constant 0 : i32
          %dma_wait3A_290 = arith.constant 0 : i32
          %dma_wait3A_291 = tpu.memref_slice %arg21[%dma_wait3A_289, %dma_wait3A_290] : memref<10240x64xf32, #tpu.memory_space<vmem_shared>> -> memref<10240x64xf32, #tpu.memory_space<vmem_shared>>
          tpu.wait_indirect_dma semaphore(%arg23 : memref<!tpu.dma_semaphore, #tpu.memory_space<semaphore_mem>>) src(%dma_wait3A_291 : memref<10240x64xf32, #tpu.memory_space<vmem_shared>>) dst(%arg15 : memref<80x64xf32, #tpu.memory_space<vmem>>)
          %mul3A_292 = arith.constant 80 : i32
          %mul3A_293 = arith.muli %add3A_285, %mul3A_292 : i32
          %add3A_294 = arith.addi %mul3A_20, %mul3A_293 : i32
          %dma_wait3A_295 = arith.constant 0 : i32
          %dma_wait3A_296 = tpu.memref_slice %arg4[%add3A_294, %dma_wait3A_295] : memref<320000x64xf32, #tpu.memory_space<hbm>> -> memref<80x64xf32, #tpu.memory_space<hbm>>
          %dma_wait3A_297 = arith.constant 0 : i32
          %dma_wait3A_298 = tpu.memref_slice %arg4[%add3A_294, %dma_wait3A_297] : memref<320000x64xf32, #tpu.memory_space<hbm>> -> memref<80x64xf32, #tpu.memory_space<hbm>>
          tpu.wait_dma2 semaphore(%arg25 : memref<!tpu.dma_semaphore, #tpu.memory_space<semaphore_mem>>) src(%dma_wait3A_298 : memref<80x64xf32, #tpu.memory_space<hbm>>) dst(%arg17 : memref<80x64xf32, #tpu.memory_space<vmem>>)
          %ge3A_299 = arith.constant 1 : i32
          %ge3A_300 = arith.cmpi sge, %scan3A_235, %ge3A_299 : i32
          %convert_element_type3A_301 = arith.extui %ge3A_300 : i1 to i32
          %cond3A_302 = arith.constant 0 : i32
          %cond3A_303 = arith.cmpi ne, %convert_element_type3A_301, %cond3A_302 : i32
          scf.if %cond3A_303 {
            %dma_wait3A_323 = arith.constant 0 : i32
            %dma_wait3A_324 = arith.constant 0 : i32
            %dma_wait3A_325 = tpu.memref_slice %arg12[%dma_wait3A_323, %dma_wait3A_324] : memref<50x80xi32, #tpu.memory_space<vmem>> -> memref<1x80xi32, #tpu.memory_space<vmem>>
            %dma_wait3A_326 = tpu.memref_squeeze %dma_wait3A_325 : memref<1x80xi32, #tpu.memory_space<vmem>> -> memref<80xi32, #tpu.memory_space<vmem>>
            %dma_wait3A_327 = arith.constant 0 : i32
            %dma_wait3A_328 = arith.constant 0 : i32
            %dma_wait3A_329 = tpu.memref_slice %arg20[%dma_wait3A_327, %dma_wait3A_328] : memref<10240x64xf32, #tpu.memory_space<vmem_shared>> -> memref<10240x64xf32, #tpu.memory_space<vmem_shared>>
            tpu.wait_indirect_dma semaphore(%arg27 : memref<!tpu.dma_semaphore, #tpu.memory_space<semaphore_mem>>) src(%arg19 : memref<80x64xf32, #tpu.memory_space<vmem>>) dst(%dma_wait3A_329 : memref<10240x64xf32, #tpu.memory_space<vmem_shared>>)
          } else {
          }
          %scan3A_304 = arith.constant 0 : i32
          %scan3A_305 = arith.constant 0 : i32
          %scan3A_306 = arith.constant 80 : i32
          %scan3A_307 = arith.addi %scan3A_305, %scan3A_306 : i32
          %scan3A_308 = arith.constant 1 : i32
          scf.for %scan3A_323 = %scan3A_305 to %scan3A_307 step %scan3A_308  : i32 {
            %get3A = arith.index_cast %scan3A_323 : i32 to index
            %get3A_324 = arith.constant 0 : index
            %get3A_325 = tpu.vector_load %arg15[%get3A, %get3A_324] {strides = array<i32>} : memref<80x64xf32, #tpu.memory_space<vmem>>, vector<1x16xf32>,
            %get3A_326 = vector.shape_cast %get3A_325 : vector<1x16xf32> to vector<16xf32>
            %get3A_327 = arith.index_cast %scan3A_323 : i32 to index
            %get3A_328 = arith.constant 0 : index
            %get3A_329 = tpu.vector_load %arg17[%get3A_327, %get3A_328] {strides = array<i32>} : memref<80x64xf32, #tpu.memory_space<vmem>>, vector<1x16xf32>,
            %get3A_330 = vector.shape_cast %get3A_329 : vector<1x16xf32> to vector<16xf32>
            %mul3A_331 = arith.mulf %get3A_326, %get3A_330 : vector<16xf32>
            %swap3A = arith.index_cast %scan3A_323 : i32 to index
            %swap3A_332 = arith.constant 0 : index
            %swap3A_333 = tpu.vector_load %arg19[%swap3A, %swap3A_332] {strides = array<i32>} : memref<80x64xf32, #tpu.memory_space<vmem>>, vector<1x16xf32>,
            %swap3A_334 = vector.shape_cast %swap3A_333 : vector<1x16xf32> to vector<16xf32>
            %swap3A_335 = vector.shape_cast %mul3A_331 : vector<16xf32> to vector<1x16xf32>
            tpu.vector_store %arg19[%swap3A, %swap3A_332], %swap3A_335 {strides = array<i32>} : memref<80x64xf32, #tpu.memory_space<vmem>>, vector<1x16xf32>,
            %get3A_336 = arith.index_cast %scan3A_323 : i32 to index
            %get3A_337 = arith.constant 16 : index
            %get3A_338 = tpu.vector_load %arg15[%get3A_336, %get3A_337] {strides = array<i32>} : memref<80x64xf32, #tpu.memory_space<vmem>>, vector<1x16xf32>,
            %get3A_339 = vector.shape_cast %get3A_338 : vector<1x16xf32> to vector<16xf32>
            %get3A_340 = arith.index_cast %scan3A_323 : i32 to index
            %get3A_341 = arith.constant 16 : index
            %get3A_342 = tpu.vector_load %arg17[%get3A_340, %get3A_341] {strides = array<i32>} : memref<80x64xf32, #tpu.memory_space<vmem>>, vector<1x16xf32>,
            %get3A_343 = vector.shape_cast %get3A_342 : vector<1x16xf32> to vector<16xf32>
            %mul3A_344 = arith.mulf %get3A_339, %get3A_343 : vector<16xf32>
            %swap3A_345 = arith.index_cast %scan3A_323 : i32 to index
            %swap3A_346 = arith.constant 16 : index
            %swap3A_347 = tpu.vector_load %arg19[%swap3A_345, %swap3A_346] {strides = array<i32>} : memref<80x64xf32, #tpu.memory_space<vmem>>, vector<1x16xf32>,
            %swap3A_348 = vector.shape_cast %swap3A_347 : vector<1x16xf32> to vector<16xf32>
            %swap3A_349 = vector.shape_cast %mul3A_344 : vector<16xf32> to vector<1x16xf32>
            tpu.vector_store %arg19[%swap3A_345, %swap3A_346], %swap3A_349 {strides = array<i32>} : memref<80x64xf32, #tpu.memory_space<vmem>>, vector<1x16xf32>,
            %get3A_350 = arith.index_cast %scan3A_323 : i32 to index
            %get3A_351 = arith.constant 32 : index
            %get3A_352 = tpu.vector_load %arg15[%get3A_350, %get3A_351] {strides = array<i32>} : memref<80x64xf32, #tpu.memory_space<vmem>>, vector<1x16xf32>,
            %get3A_353 = vector.shape_cast %get3A_352 : vector<1x16xf32> to vector<16xf32>
            %get3A_354 = arith.index_cast %scan3A_323 : i32 to index
            %get3A_355 = arith.constant 32 : index
            %get3A_356 = tpu.vector_load %arg17[%get3A_354, %get3A_355] {strides = array<i32>} : memref<80x64xf32, #tpu.memory_space<vmem>>, vector<1x16xf32>,
            %get3A_357 = vector.shape_cast %get3A_356 : vector<1x16xf32> to vector<16xf32>
            %mul3A_358 = arith.mulf %get3A_353, %get3A_357 : vector<16xf32>
            %swap3A_359 = arith.index_cast %scan3A_323 : i32 to index
            %swap3A_360 = arith.constant 32 : index
            %swap3A_361 = tpu.vector_load %arg19[%swap3A_359, %swap3A_360] {strides = array<i32>} : memref<80x64xf32, #tpu.memory_space<vmem>>, vector<1x16xf32>,
            %swap3A_362 = vector.shape_cast %swap3A_361 : vector<1x16xf32> to vector<16xf32>
            %swap3A_363 = vector.shape_cast %mul3A_358 : vector<16xf32> to vector<1x16xf32>
            tpu.vector_store %arg19[%swap3A_359, %swap3A_360], %swap3A_363 {strides = array<i32>} : memref<80x64xf32, #tpu.memory_space<vmem>>, vector<1x16xf32>,
            %get3A_364 = arith.index_cast %scan3A_323 : i32 to index
            %get3A_365 = arith.constant 48 : index
            %get3A_366 = tpu.vector_load %arg15[%get3A_364, %get3A_365] {strides = array<i32>} : memref<80x64xf32, #tpu.memory_space<vmem>>, vector<1x16xf32>,
            %get3A_367 = vector.shape_cast %get3A_366 : vector<1x16xf32> to vector<16xf32>
            %get3A_368 = arith.index_cast %scan3A_323 : i32 to index
            %get3A_369 = arith.constant 48 : index
            %get3A_370 = tpu.vector_load %arg17[%get3A_368, %get3A_369] {strides = array<i32>} : memref<80x64xf32, #tpu.memory_space<vmem>>, vector<1x16xf32>,
            %get3A_371 = vector.shape_cast %get3A_370 : vector<1x16xf32> to vector<16xf32>
            %mul3A_372 = arith.mulf %get3A_367, %get3A_371 : vector<16xf32>
            %swap3A_373 = arith.index_cast %scan3A_323 : i32 to index
            %swap3A_374 = arith.constant 48 : index
            %swap3A_375 = tpu.vector_load %arg19[%swap3A_373, %swap3A_374] {strides = array<i32>} : memref<80x64xf32, #tpu.memory_space<vmem>>, vector<1x16xf32>,
            %swap3A_376 = vector.shape_cast %swap3A_375 : vector<1x16xf32> to vector<16xf32>
            %swap3A_377 = vector.shape_cast %mul3A_372 : vector<16xf32> to vector<1x16xf32>
            tpu.vector_store %arg19[%swap3A_373, %swap3A_374], %swap3A_377 {strides = array<i32>} : memref<80x64xf32, #tpu.memory_space<vmem>>, vector<1x16xf32>,
          }
          %scan3A_309 = arith.constant 80 : i32
          %dma_start3A_310 = arith.constant 0 : i32
          %dma_start3A_311 = tpu.memref_slice %arg13[%add3A_282, %dma_start3A_310] : memref<50x80xi32, #tpu.memory_space<vmem>> -> memref<1x80xi32, #tpu.memory_space<vmem>>
          %dma_start3A_312 = tpu.memref_squeeze %dma_start3A_311 : memref<1x80xi32, #tpu.memory_space<vmem>> -> memref<80xi32, #tpu.memory_space<vmem>>
          %dma_start3A_313 = arith.constant 0 : i32
          %dma_start3A_314 = arith.constant 0 : i32
          %dma_start3A_315 = tpu.memref_slice %arg20[%dma_start3A_313, %dma_start3A_314] : memref<10240x64xf32, #tpu.memory_space<vmem_shared>> -> memref<10240x64xf32, #tpu.memory_space<vmem_shared>>
          tpu.enqueue_indirect_dma source(%arg19 : memref<80x64xf32, #tpu.memory_space<vmem>>) target(%dma_start3A_315 : memref<10240x64xf32, #tpu.memory_space<vmem_shared>>) offsets(%dma_start3A_312 : memref<80xi32, #tpu.memory_space<vmem>>) semaphore(%arg27 : memref<!tpu.dma_semaphore, #tpu.memory_space<semaphore_mem>>) {add = true}
          %add3A_316 = arith.constant 2 : i32
          %add3A_317 = arith.addi %add3A_282, %add3A_316 : i32
          %lt3A_318 = arith.constant 50 : i32
          %lt3A_319 = arith.cmpi slt, %add3A_317, %lt3A_318 : i32
          %convert_element_type3A_320 = arith.extui %lt3A_319 : i1 to i32
          %cond3A_321 = arith.constant 0 : i32
          %cond3A_322 = arith.cmpi ne, %convert_element_type3A_320, %cond3A_321 : i32
          scf.if %cond3A_322 {
            %add3A_323 = arith.constant 2 : i32
            %add3A_324 = arith.addi %add3A_282, %add3A_323 : i32
            %add3A_325 = arith.constant 2 : i32
            %add3A_326 = arith.addi %add3A_285, %add3A_325 : i32
            %dma_start3A_327 = arith.constant 0 : i32
            %dma_start3A_328 = tpu.memref_slice %arg11[%add3A_324, %dma_start3A_327] : memref<50x80xi32, #tpu.memory_space<vmem>> -> memref<1x80xi32, #tpu.memory_space<vmem>>
            %dma_start3A_329 = tpu.memref_squeeze %dma_start3A_328 : memref<1x80xi32, #tpu.memory_space<vmem>> -> memref<80xi32, #tpu.memory_space<vmem>>
            %dma_start3A_330 = arith.constant 0 : i32
            %dma_start3A_331 = arith.constant 0 : i32
            %dma_start3A_332 = tpu.memref_slice %arg21[%dma_start3A_330, %dma_start3A_331] : memref<10240x64xf32, #tpu.memory_space<vmem_shared>> -> memref<10240x64xf32, #tpu.memory_space<vmem_shared>>
            tpu.enqueue_indirect_dma source(%dma_start3A_332 : memref<10240x64xf32, #tpu.memory_space<vmem_shared>>) target(%arg15 : memref<80x64xf32, #tpu.memory_space<vmem>>) offsets(%dma_start3A_329 : memref<80xi32, #tpu.memory_space<vmem>>) semaphore(%arg23 : memref<!tpu.dma_semaphore, #tpu.memory_space<semaphore_mem>>)
            %mul3A_333 = arith.constant 80 : i32
            %mul3A_334 = arith.muli %add3A_326, %mul3A_333 : i32
            %add3A_335 = arith.addi %mul3A_20, %mul3A_334 : i32
            %dma_start3A_336 = arith.constant 0 : i32
            %dma_start3A_337 = tpu.memref_slice %arg4[%add3A_335, %dma_start3A_336] : memref<320000x64xf32, #tpu.memory_space<hbm>> -> memref<80x64xf32, #tpu.memory_space<hbm>>
            %dma_start3A_338 = arith.constant 0 : i32
            %dma_start3A_339 = tpu.memref_slice %arg4[%add3A_335, %dma_start3A_338] : memref<320000x64xf32, #tpu.memory_space<hbm>> -> memref<80x64xf32, #tpu.memory_space<hbm>>
            tpu.enqueue_dma source(%dma_start3A_339 : memref<80x64xf32, #tpu.memory_space<hbm>>) target(%arg17 : memref<80x64xf32, #tpu.memory_space<vmem>>) target_semaphore(%arg25 : memref<!tpu.dma_semaphore, #tpu.memory_space<semaphore_mem>>)
          } else {
          }
        }
        %scan3A_234 = arith.constant 25 : i32
      }
      %scan3A_47 = arith.constant 2 : i32
      %gt3A = arith.constant 4 : i32
      %gt3A_48 = arith.constant 0 : i32
      %gt3A_49 = arith.cmpi sgt, %gt3A, %gt3A_48 : i32
      %convert_element_type3A_50 = arith.extui %gt3A_49 : i1 to i32
      %cond3A_51 = arith.constant 4 : i32
      %cond3A_52 = arith.constant 0 : i32
      %cond3A_53 = arith.cmpi ne, %convert_element_type3A_50, %cond3A_52 : i32
      scf.if %cond3A_53 {
        %dma_wait3A_118 = arith.constant 0 : i32
        %dma_wait3A_119 = arith.constant 0 : i32
        %dma_wait3A_120 = tpu.memref_slice %arg12[%dma_wait3A_118, %dma_wait3A_119] : memref<50x80xi32, #tpu.memory_space<vmem>> -> memref<1x80xi32, #tpu.memory_space<vmem>>
        %dma_wait3A_121 = tpu.memref_squeeze %dma_wait3A_120 : memref<1x80xi32, #tpu.memory_space<vmem>> -> memref<80xi32, #tpu.memory_space<vmem>>
        %dma_wait3A_122 = arith.constant 0 : i32
        %dma_wait3A_123 = arith.constant 0 : i32
        %dma_wait3A_124 = tpu.memref_slice %arg20[%dma_wait3A_122, %dma_wait3A_123] : memref<10240x64xf32, #tpu.memory_space<vmem_shared>> -> memref<10240x64xf32, #tpu.memory_space<vmem_shared>>
        tpu.wait_indirect_dma semaphore(%arg26 : memref<!tpu.dma_semaphore, #tpu.memory_space<semaphore_mem>>) src(%arg18 : memref<80x64xf32, #tpu.memory_space<vmem>>) dst(%dma_wait3A_124 : memref<10240x64xf32, #tpu.memory_space<vmem_shared>>)
        %dma_wait3A_125 = arith.constant 0 : i32
        %dma_wait3A_126 = arith.constant 0 : i32
        %dma_wait3A_127 = tpu.memref_slice %arg12[%dma_wait3A_125, %dma_wait3A_126] : memref<50x80xi32, #tpu.memory_space<vmem>> -> memref<1x80xi32, #tpu.memory_space<vmem>>
        %dma_wait3A_128 = tpu.memref_squeeze %dma_wait3A_127 : memref<1x80xi32, #tpu.memory_space<vmem>> -> memref<80xi32, #tpu.memory_space<vmem>>
        %dma_wait3A_129 = arith.constant 0 : i32
        %dma_wait3A_130 = arith.constant 0 : i32
        %dma_wait3A_131 = tpu.memref_slice %arg20[%dma_wait3A_129, %dma_wait3A_130] : memref<10240x64xf32, #tpu.memory_space<vmem_shared>> -> memref<10240x64xf32, #tpu.memory_space<vmem_shared>>
        tpu.wait_indirect_dma semaphore(%arg27 : memref<!tpu.dma_semaphore, #tpu.memory_space<semaphore_mem>>) src(%arg19 : memref<80x64xf32, #tpu.memory_space<vmem>>) dst(%dma_wait3A_131 : memref<10240x64xf32, #tpu.memory_space<vmem_shared>>)
        %dma_wait3A_132 = arith.constant 0 : i32
        %dma_wait3A_133 = arith.constant 0 : i32
        %dma_wait3A_134 = tpu.memref_slice %arg6[%arg1, %cond3A_51, %dma_wait3A_132, %dma_wait3A_133] : memref<16x5x50x80xi32, #tpu.memory_space<hbm>> -> memref<1x1x50x80xi32, #tpu.memory_space<hbm>>
        %dma_wait3A_135 = tpu.memref_squeeze %dma_wait3A_134 : memref<1x1x50x80xi32, #tpu.memory_space<hbm>> -> memref<50x80xi32, #tpu.memory_space<hbm>>
        %dma_wait3A_136 = arith.constant 0 : i32
        %dma_wait3A_137 = arith.constant 0 : i32
        %dma_wait3A_138 = tpu.memref_slice %arg6[%arg1, %cond3A_51, %dma_wait3A_136, %dma_wait3A_137] : memref<16x5x50x80xi32, #tpu.memory_space<hbm>> -> memref<1x1x50x80xi32, #tpu.memory_space<hbm>>
        %dma_wait3A_139 = tpu.memref_squeeze %dma_wait3A_138 : memref<1x1x50x80xi32, #tpu.memory_space<hbm>> -> memref<50x80xi32, #tpu.memory_space<hbm>>
        tpu.wait_dma2 semaphore(%arg28 : memref<!tpu.dma_semaphore, #tpu.memory_space<semaphore_mem>>) src(%dma_wait3A_139 : memref<50x80xi32, #tpu.memory_space<hbm>>) dst(%arg10 : memref<50x80xi32, #tpu.memory_space<vmem>>)
        %dma_wait3A_140 = arith.constant 0 : i32
        %dma_wait3A_141 = arith.constant 0 : i32
        %dma_wait3A_142 = tpu.memref_slice %arg7[%arg1, %cond3A_51, %dma_wait3A_140, %dma_wait3A_141] : memref<16x5x50x80xi32, #tpu.memory_space<hbm>> -> memref<1x1x50x80xi32, #tpu.memory_space<hbm>>
        %dma_wait3A_143 = tpu.memref_squeeze %dma_wait3A_142 : memref<1x1x50x80xi32, #tpu.memory_space<hbm>> -> memref<50x80xi32, #tpu.memory_space<hbm>>
        %dma_wait3A_144 = arith.constant 0 : i32
        %dma_wait3A_145 = arith.constant 0 : i32
        %dma_wait3A_146 = tpu.memref_slice %arg7[%arg1, %cond3A_51, %dma_wait3A_144, %dma_wait3A_145] : memref<16x5x50x80xi32, #tpu.memory_space<hbm>> -> memref<1x1x50x80xi32, #tpu.memory_space<hbm>>
        %dma_wait3A_147 = tpu.memref_squeeze %dma_wait3A_146 : memref<1x1x50x80xi32, #tpu.memory_space<hbm>> -> memref<50x80xi32, #tpu.memory_space<hbm>>
        tpu.wait_dma2 semaphore(%arg29 : memref<!tpu.dma_semaphore, #tpu.memory_space<semaphore_mem>>) src(%dma_wait3A_147 : memref<50x80xi32, #tpu.memory_space<hbm>>) dst(%arg12 : memref<50x80xi32, #tpu.memory_space<vmem>>)
      } else {
      }
      %add3A = arith.constant 4 : i32
      %add3A_54 = arith.constant 1 : i32
      %add3A_55 = arith.addi %add3A, %add3A_54 : i32
      %lt3A = arith.constant 5 : i32
      %lt3A_56 = arith.cmpi slt, %add3A_55, %lt3A : i32
      %convert_element_type3A_57 = arith.extui %lt3A_56 : i1 to i32
      %cond3A_58 = arith.constant 4 : i32
      %cond3A_59 = arith.constant 0 : i32
      %cond3A_60 = arith.cmpi ne, %convert_element_type3A_57, %cond3A_59 : i32
      scf.if %cond3A_60 {
        %add3A_118 = arith.constant 1 : i32
        %add3A_119 = arith.addi %cond3A_58, %add3A_118 : i32
        %dma_start3A_120 = arith.constant 0 : i32
        %dma_start3A_121 = arith.constant 0 : i32
        %dma_start3A_122 = tpu.memref_slice %arg6[%arg1, %add3A_119, %dma_start3A_120, %dma_start3A_121] : memref<16x5x50x80xi32, #tpu.memory_space<hbm>> -> memref<1x1x50x80xi32, #tpu.memory_space<hbm>>
        %dma_start3A_123 = tpu.memref_squeeze %dma_start3A_122 : memref<1x1x50x80xi32, #tpu.memory_space<hbm>> -> memref<50x80xi32, #tpu.memory_space<hbm>>
        %dma_start3A_124 = arith.constant 0 : i32
        %dma_start3A_125 = arith.constant 0 : i32
        %dma_start3A_126 = tpu.memref_slice %arg6[%arg1, %add3A_119, %dma_start3A_124, %dma_start3A_125] : memref<16x5x50x80xi32, #tpu.memory_space<hbm>> -> memref<1x1x50x80xi32, #tpu.memory_space<hbm>>
        %dma_start3A_127 = tpu.memref_squeeze %dma_start3A_126 : memref<1x1x50x80xi32, #tpu.memory_space<hbm>> -> memref<50x80xi32, #tpu.memory_space<hbm>>
        tpu.enqueue_dma source(%dma_start3A_127 : memref<50x80xi32, #tpu.memory_space<hbm>>) target(%arg11 : memref<50x80xi32, #tpu.memory_space<vmem>>) target_semaphore(%arg28 : memref<!tpu.dma_semaphore, #tpu.memory_space<semaphore_mem>>)
        %add3A_128 = arith.constant 1 : i32
        %add3A_129 = arith.addi %cond3A_58, %add3A_128 : i32
        %dma_start3A_130 = arith.constant 0 : i32
        %dma_start3A_131 = arith.constant 0 : i32
        %dma_start3A_132 = tpu.memref_slice %arg7[%arg1, %add3A_129, %dma_start3A_130, %dma_start3A_131] : memref<16x5x50x80xi32, #tpu.memory_space<hbm>> -> memref<1x1x50x80xi32, #tpu.memory_space<hbm>>
        %dma_start3A_133 = tpu.memref_squeeze %dma_start3A_132 : memref<1x1x50x80xi32, #tpu.memory_space<hbm>> -> memref<50x80xi32, #tpu.memory_space<hbm>>
        %dma_start3A_134 = arith.constant 0 : i32
        %dma_start3A_135 = arith.constant 0 : i32
        %dma_start3A_136 = tpu.memref_slice %arg7[%arg1, %add3A_129, %dma_start3A_134, %dma_start3A_135] : memref<16x5x50x80xi32, #tpu.memory_space<hbm>> -> memref<1x1x50x80xi32, #tpu.memory_space<hbm>>
        %dma_start3A_137 = tpu.memref_squeeze %dma_start3A_136 : memref<1x1x50x80xi32, #tpu.memory_space<hbm>> -> memref<50x80xi32, #tpu.memory_space<hbm>>
        tpu.enqueue_dma source(%dma_start3A_137 : memref<50x80xi32, #tpu.memory_space<hbm>>) target(%arg13 : memref<50x80xi32, #tpu.memory_space<vmem>>) target_semaphore(%arg29 : memref<!tpu.dma_semaphore, #tpu.memory_space<semaphore_mem>>)
      } else {
      }
      %mul3A_61 = arith.constant 4 : i32
      %mul3A_62 = arith.constant 50 : i32
      %mul3A_63 = arith.muli %mul3A_61, %mul3A_62 : i32
      %add3A_64 = arith.constant 0 : i32
      %add3A_65 = arith.addi %mul3A_63, %add3A_64 : i32
      %dma_start3A = arith.constant 0 : i32
      %dma_start3A_66 = arith.constant 0 : i32
      %dma_start3A_67 = tpu.memref_slice %arg10[%dma_start3A, %dma_start3A_66] : memref<50x80xi32, #tpu.memory_space<vmem>> -> memref<1x80xi32, #tpu.memory_space<vmem>>
      %dma_start3A_68 = tpu.memref_squeeze %dma_start3A_67 : memref<1x80xi32, #tpu.memory_space<vmem>> -> memref<80xi32, #tpu.memory_space<vmem>>
      %dma_start3A_69 = arith.constant 0 : i32
      %dma_start3A_70 = arith.constant 0 : i32
      %dma_start3A_71 = tpu.memref_slice %arg21[%dma_start3A_69, %dma_start3A_70] : memref<10240x64xf32, #tpu.memory_space<vmem_shared>> -> memref<10240x64xf32, #tpu.memory_space<vmem_shared>>
      tpu.enqueue_indirect_dma source(%dma_start3A_71 : memref<10240x64xf32, #tpu.memory_space<vmem_shared>>) target(%arg14 : memref<80x64xf32, #tpu.memory_space<vmem>>) offsets(%dma_start3A_68 : memref<80xi32, #tpu.memory_space<vmem>>) semaphore(%arg22 : memref<!tpu.dma_semaphore, #tpu.memory_space<semaphore_mem>>)
      %mul3A_72 = arith.constant 80 : i32
      %mul3A_73 = arith.muli %add3A_65, %mul3A_72 : i32
      %add3A_74 = arith.addi %mul3A_20, %mul3A_73 : i32
      %dma_start3A_75 = arith.constant 0 : i32
      %dma_start3A_76 = tpu.memref_slice %arg4[%add3A_74, %dma_start3A_75] : memref<320000x64xf32, #tpu.memory_space<hbm>> -> memref<80x64xf32, #tpu.memory_space<hbm>>
      %dma_start3A_77 = arith.constant 0 : i32
      %dma_start3A_78 = tpu.memref_slice %arg4[%add3A_74, %dma_start3A_77] : memref<320000x64xf32, #tpu.memory_space<hbm>> -> memref<80x64xf32, #tpu.memory_space<hbm>>
      tpu.enqueue_dma source(%dma_start3A_78 : memref<80x64xf32, #tpu.memory_space<hbm>>) target(%arg16 : memref<80x64xf32, #tpu.memory_space<vmem>>) target_semaphore(%arg24 : memref<!tpu.dma_semaphore, #tpu.memory_space<semaphore_mem>>)
      %mul3A_79 = arith.constant 4 : i32
      %mul3A_80 = arith.constant 50 : i32
      %mul3A_81 = arith.muli %mul3A_79, %mul3A_80 : i32
      %add3A_82 = arith.constant 1 : i32
      %add3A_83 = arith.addi %mul3A_81, %add3A_82 : i32
      %dma_start3A_84 = arith.constant 1 : i32
      %dma_start3A_85 = arith.constant 0 : i32
      %dma_start3A_86 = tpu.memref_slice %arg10[%dma_start3A_84, %dma_start3A_85] : memref<50x80xi32, #tpu.memory_space<vmem>> -> memref<1x80xi32, #tpu.memory_space<vmem>>
      %dma_start3A_87 = tpu.memref_squeeze %dma_start3A_86 : memref<1x80xi32, #tpu.memory_space<vmem>> -> memref<80xi32, #tpu.memory_space<vmem>>
      %dma_start3A_88 = arith.constant 0 : i32
      %dma_start3A_89 = arith.constant 0 : i32
      %dma_start3A_90 = tpu.memref_slice %arg21[%dma_start3A_88, %dma_start3A_89] : memref<10240x64xf32, #tpu.memory_space<vmem_shared>> -> memref<10240x64xf32, #tpu.memory_space<vmem_shared>>
      tpu.enqueue_indirect_dma source(%dma_start3A_90 : memref<10240x64xf32, #tpu.memory_space<vmem_shared>>) target(%arg15 : memref<80x64xf32, #tpu.memory_space<vmem>>) offsets(%dma_start3A_87 : memref<80xi32, #tpu.memory_space<vmem>>) semaphore(%arg23 : memref<!tpu.dma_semaphore, #tpu.memory_space<semaphore_mem>>)
      %mul3A_91 = arith.constant 80 : i32
      %mul3A_92 = arith.muli %add3A_83, %mul3A_91 : i32
      %add3A_93 = arith.addi %mul3A_20, %mul3A_92 : i32
      %dma_start3A_94 = arith.constant 0 : i32
      %dma_start3A_95 = tpu.memref_slice %arg4[%add3A_93, %dma_start3A_94] : memref<320000x64xf32, #tpu.memory_space<hbm>> -> memref<80x64xf32, #tpu.memory_space<hbm>>
      %dma_start3A_96 = arith.constant 0 : i32
      %dma_start3A_97 = tpu.memref_slice %arg4[%add3A_93, %dma_start3A_96] : memref<320000x64xf32, #tpu.memory_space<hbm>> -> memref<80x64xf32, #tpu.memory_space<hbm>>
      tpu.enqueue_dma source(%dma_start3A_97 : memref<80x64xf32, #tpu.memory_space<hbm>>) target(%arg17 : memref<80x64xf32, #tpu.memory_space<vmem>>) target_semaphore(%arg25 : memref<!tpu.dma_semaphore, #tpu.memory_space<semaphore_mem>>)
      %scan3A_98 = arith.constant 0 : i32
      %scan3A_99 = arith.constant 4 : i32
      %scan3A_100 = arith.constant 0 : i32
      %scan3A_101 = arith.constant 25 : i32
      %scan3A_102 = arith.addi %scan3A_100, %scan3A_101 : i32
      %scan3A_103 = arith.constant 1 : i32
      scf.for %scan3A_118 = %scan3A_100 to %scan3A_102 step %scan3A_103  : i32 {
        %mul3A_119 = arith.constant 2 : i32
        %mul3A_120 = arith.muli %scan3A_118, %mul3A_119 : i32
        %add3A_121 = arith.constant 0 : i32
        %add3A_122 = arith.addi %mul3A_120, %add3A_121 : i32
        %mul3A_123 = arith.constant 50 : i32
        %mul3A_124 = arith.muli %scan3A_99, %mul3A_123 : i32
        %add3A_125 = arith.addi %mul3A_124, %add3A_122 : i32
        %dma_wait3A_126 = arith.constant 0 : i32
        %dma_wait3A_127 = tpu.memref_slice %arg10[%add3A_122, %dma_wait3A_126] : memref<50x80xi32, #tpu.memory_space<vmem>> -> memref<1x80xi32, #tpu.memory_space<vmem>>
        %dma_wait3A_128 = tpu.memref_squeeze %dma_wait3A_127 : memref<1x80xi32, #tpu.memory_space<vmem>> -> memref<80xi32, #tpu.memory_space<vmem>>
        %dma_wait3A_129 = arith.constant 0 : i32
        %dma_wait3A_130 = arith.constant 0 : i32
        %dma_wait3A_131 = tpu.memref_slice %arg21[%dma_wait3A_129, %dma_wait3A_130] : memref<10240x64xf32, #tpu.memory_space<vmem_shared>> -> memref<10240x64xf32, #tpu.memory_space<vmem_shared>>
        tpu.wait_indirect_dma semaphore(%arg22 : memref<!tpu.dma_semaphore, #tpu.memory_space<semaphore_mem>>) src(%dma_wait3A_131 : memref<10240x64xf32, #tpu.memory_space<vmem_shared>>) dst(%arg14 : memref<80x64xf32, #tpu.memory_space<vmem>>)
        %mul3A_132 = arith.constant 80 : i32
        %mul3A_133 = arith.muli %add3A_125, %mul3A_132 : i32
        %add3A_134 = arith.addi %mul3A_20, %mul3A_133 : i32
        %dma_wait3A_135 = arith.constant 0 : i32
        %dma_wait3A_136 = tpu.memref_slice %arg4[%add3A_134, %dma_wait3A_135] : memref<320000x64xf32, #tpu.memory_space<hbm>> -> memref<80x64xf32, #tpu.memory_space<hbm>>
        %dma_wait3A_137 = arith.constant 0 : i32
        %dma_wait3A_138 = tpu.memref_slice %arg4[%add3A_134, %dma_wait3A_137] : memref<320000x64xf32, #tpu.memory_space<hbm>> -> memref<80x64xf32, #tpu.memory_space<hbm>>
        tpu.wait_dma2 semaphore(%arg24 : memref<!tpu.dma_semaphore, #tpu.memory_space<semaphore_mem>>) src(%dma_wait3A_138 : memref<80x64xf32, #tpu.memory_space<hbm>>) dst(%arg16 : memref<80x64xf32, #tpu.memory_space<vmem>>)
        %ge3A = arith.constant 1 : i32
        %ge3A_139 = arith.cmpi sge, %scan3A_118, %ge3A : i32
        %convert_element_type3A_140 = arith.extui %ge3A_139 : i1 to i32
        %cond3A_141 = arith.constant 0 : i32
        %cond3A_142 = arith.cmpi ne, %convert_element_type3A_140, %cond3A_141 : i32
        scf.if %cond3A_142 {
          %dma_wait3A_206 = arith.constant 0 : i32
          %dma_wait3A_207 = arith.constant 0 : i32
          %dma_wait3A_208 = tpu.memref_slice %arg12[%dma_wait3A_206, %dma_wait3A_207] : memref<50x80xi32, #tpu.memory_space<vmem>> -> memref<1x80xi32, #tpu.memory_space<vmem>>
          %dma_wait3A_209 = tpu.memref_squeeze %dma_wait3A_208 : memref<1x80xi32, #tpu.memory_space<vmem>> -> memref<80xi32, #tpu.memory_space<vmem>>
          %dma_wait3A_210 = arith.constant 0 : i32
          %dma_wait3A_211 = arith.constant 0 : i32
          %dma_wait3A_212 = tpu.memref_slice %arg20[%dma_wait3A_210, %dma_wait3A_211] : memref<10240x64xf32, #tpu.memory_space<vmem_shared>> -> memref<10240x64xf32, #tpu.memory_space<vmem_shared>>
          tpu.wait_indirect_dma semaphore(%arg26 : memref<!tpu.dma_semaphore, #tpu.memory_space<semaphore_mem>>) src(%arg18 : memref<80x64xf32, #tpu.memory_space<vmem>>) dst(%dma_wait3A_212 : memref<10240x64xf32, #tpu.memory_space<vmem_shared>>)
        } else {
        }
        %scan3A_143 = arith.constant 0 : i32
        %scan3A_144 = arith.constant 0 : i32
        %scan3A_145 = arith.constant 80 : i32
        %scan3A_146 = arith.addi %scan3A_144, %scan3A_145 : i32
        %scan3A_147 = arith.constant 1 : i32
        scf.for %scan3A_206 = %scan3A_144 to %scan3A_146 step %scan3A_147  : i32 {
          %get3A = arith.index_cast %scan3A_206 : i32 to index
          %get3A_207 = arith.constant 0 : index
          %get3A_208 = tpu.vector_load %arg14[%get3A, %get3A_207] {strides = array<i32>} : memref<80x64xf32, #tpu.memory_space<vmem>>, vector<1x16xf32>,
          %get3A_209 = vector.shape_cast %get3A_208 : vector<1x16xf32> to vector<16xf32>
          %get3A_210 = arith.index_cast %scan3A_206 : i32 to index
          %get3A_211 = arith.constant 0 : index
          %get3A_212 = tpu.vector_load %arg16[%get3A_210, %get3A_211] {strides = array<i32>} : memref<80x64xf32, #tpu.memory_space<vmem>>, vector<1x16xf32>,
          %get3A_213 = vector.shape_cast %get3A_212 : vector<1x16xf32> to vector<16xf32>
          %mul3A_214 = arith.mulf %get3A_209, %get3A_213 : vector<16xf32>
          %swap3A = arith.index_cast %scan3A_206 : i32 to index
          %swap3A_215 = arith.constant 0 : index
          %swap3A_216 = tpu.vector_load %arg18[%swap3A, %swap3A_215] {strides = array<i32>} : memref<80x64xf32, #tpu.memory_space<vmem>>, vector<1x16xf32>,
          %swap3A_217 = vector.shape_cast %swap3A_216 : vector<1x16xf32> to vector<16xf32>
          %swap3A_218 = vector.shape_cast %mul3A_214 : vector<16xf32> to vector<1x16xf32>
          tpu.vector_store %arg18[%swap3A, %swap3A_215], %swap3A_218 {strides = array<i32>} : memref<80x64xf32, #tpu.memory_space<vmem>>, vector<1x16xf32>,
          %get3A_219 = arith.index_cast %scan3A_206 : i32 to index
          %get3A_220 = arith.constant 16 : index
          %get3A_221 = tpu.vector_load %arg14[%get3A_219, %get3A_220] {strides = array<i32>} : memref<80x64xf32, #tpu.memory_space<vmem>>, vector<1x16xf32>,
          %get3A_222 = vector.shape_cast %get3A_221 : vector<1x16xf32> to vector<16xf32>
          %get3A_223 = arith.index_cast %scan3A_206 : i32 to index
          %get3A_224 = arith.constant 16 : index
          %get3A_225 = tpu.vector_load %arg16[%get3A_223, %get3A_224] {strides = array<i32>} : memref<80x64xf32, #tpu.memory_space<vmem>>, vector<1x16xf32>,
          %get3A_226 = vector.shape_cast %get3A_225 : vector<1x16xf32> to vector<16xf32>
          %mul3A_227 = arith.mulf %get3A_222, %get3A_226 : vector<16xf32>
          %swap3A_228 = arith.index_cast %scan3A_206 : i32 to index
          %swap3A_229 = arith.constant 16 : index
          %swap3A_230 = tpu.vector_load %arg18[%swap3A_228, %swap3A_229] {strides = array<i32>} : memref<80x64xf32, #tpu.memory_space<vmem>>, vector<1x16xf32>,
          %swap3A_231 = vector.shape_cast %swap3A_230 : vector<1x16xf32> to vector<16xf32>
          %swap3A_232 = vector.shape_cast %mul3A_227 : vector<16xf32> to vector<1x16xf32>
          tpu.vector_store %arg18[%swap3A_228, %swap3A_229], %swap3A_232 {strides = array<i32>} : memref<80x64xf32, #tpu.memory_space<vmem>>, vector<1x16xf32>,
          %get3A_233 = arith.index_cast %scan3A_206 : i32 to index
          %get3A_234 = arith.constant 32 : index
          %get3A_235 = tpu.vector_load %arg14[%get3A_233, %get3A_234] {strides = array<i32>} : memref<80x64xf32, #tpu.memory_space<vmem>>, vector<1x16xf32>,
          %get3A_236 = vector.shape_cast %get3A_235 : vector<1x16xf32> to vector<16xf32>
          %get3A_237 = arith.index_cast %scan3A_206 : i32 to index
          %get3A_238 = arith.constant 32 : index
          %get3A_239 = tpu.vector_load %arg16[%get3A_237, %get3A_238] {strides = array<i32>} : memref<80x64xf32, #tpu.memory_space<vmem>>, vector<1x16xf32>,
          %get3A_240 = vector.shape_cast %get3A_239 : vector<1x16xf32> to vector<16xf32>
          %mul3A_241 = arith.mulf %get3A_236, %get3A_240 : vector<16xf32>
          %swap3A_242 = arith.index_cast %scan3A_206 : i32 to index
          %swap3A_243 = arith.constant 32 : index
          %swap3A_244 = tpu.vector_load %arg18[%swap3A_242, %swap3A_243] {strides = array<i32>} : memref<80x64xf32, #tpu.memory_space<vmem>>, vector<1x16xf32>,
          %swap3A_245 = vector.shape_cast %swap3A_244 : vector<1x16xf32> to vector<16xf32>
          %swap3A_246 = vector.shape_cast %mul3A_241 : vector<16xf32> to vector<1x16xf32>
          tpu.vector_store %arg18[%swap3A_242, %swap3A_243], %swap3A_246 {strides = array<i32>} : memref<80x64xf32, #tpu.memory_space<vmem>>, vector<1x16xf32>,
          %get3A_247 = arith.index_cast %scan3A_206 : i32 to index
          %get3A_248 = arith.constant 48 : index
          %get3A_249 = tpu.vector_load %arg14[%get3A_247, %get3A_248] {strides = array<i32>} : memref<80x64xf32, #tpu.memory_space<vmem>>, vector<1x16xf32>,
          %get3A_250 = vector.shape_cast %get3A_249 : vector<1x16xf32> to vector<16xf32>
          %get3A_251 = arith.index_cast %scan3A_206 : i32 to index
          %get3A_252 = arith.constant 48 : index
          %get3A_253 = tpu.vector_load %arg16[%get3A_251, %get3A_252] {strides = array<i32>} : memref<80x64xf32, #tpu.memory_space<vmem>>, vector<1x16xf32>,
          %get3A_254 = vector.shape_cast %get3A_253 : vector<1x16xf32> to vector<16xf32>
          %mul3A_255 = arith.mulf %get3A_250, %get3A_254 : vector<16xf32>
          %swap3A_256 = arith.index_cast %scan3A_206 : i32 to index
          %swap3A_257 = arith.constant 48 : index
          %swap3A_258 = tpu.vector_load %arg18[%swap3A_256, %swap3A_257] {strides = array<i32>} : memref<80x64xf32, #tpu.memory_space<vmem>>, vector<1x16xf32>,
          %swap3A_259 = vector.shape_cast %swap3A_258 : vector<1x16xf32> to vector<16xf32>
          %swap3A_260 = vector.shape_cast %mul3A_255 : vector<16xf32> to vector<1x16xf32>
          tpu.vector_store %arg18[%swap3A_256, %swap3A_257], %swap3A_260 {strides = array<i32>} : memref<80x64xf32, #tpu.memory_space<vmem>>, vector<1x16xf32>,
        }
        %scan3A_148 = arith.constant 80 : i32
        %dma_start3A_149 = arith.constant 0 : i32
        %dma_start3A_150 = tpu.memref_slice %arg12[%add3A_122, %dma_start3A_149] : memref<50x80xi32, #tpu.memory_space<vmem>> -> memref<1x80xi32, #tpu.memory_space<vmem>>
        %dma_start3A_151 = tpu.memref_squeeze %dma_start3A_150 : memref<1x80xi32, #tpu.memory_space<vmem>> -> memref<80xi32, #tpu.memory_space<vmem>>
        %dma_start3A_152 = arith.constant 0 : i32
        %dma_start3A_153 = arith.constant 0 : i32
        %dma_start3A_154 = tpu.memref_slice %arg20[%dma_start3A_152, %dma_start3A_153] : memref<10240x64xf32, #tpu.memory_space<vmem_shared>> -> memref<10240x64xf32, #tpu.memory_space<vmem_shared>>
        tpu.enqueue_indirect_dma source(%arg18 : memref<80x64xf32, #tpu.memory_space<vmem>>) target(%dma_start3A_154 : memref<10240x64xf32, #tpu.memory_space<vmem_shared>>) offsets(%dma_start3A_151 : memref<80xi32, #tpu.memory_space<vmem>>) semaphore(%arg26 : memref<!tpu.dma_semaphore, #tpu.memory_space<semaphore_mem>>) {add = true}
        %add3A_155 = arith.constant 2 : i32
        %add3A_156 = arith.addi %add3A_122, %add3A_155 : i32
        %lt3A_157 = arith.constant 50 : i32
        %lt3A_158 = arith.cmpi slt, %add3A_156, %lt3A_157 : i32
        %convert_element_type3A_159 = arith.extui %lt3A_158 : i1 to i32
        %cond3A_160 = arith.constant 0 : i32
        %cond3A_161 = arith.cmpi ne, %convert_element_type3A_159, %cond3A_160 : i32
        scf.if %cond3A_161 {
          %add3A_206 = arith.constant 2 : i32
          %add3A_207 = arith.addi %add3A_122, %add3A_206 : i32
          %add3A_208 = arith.constant 2 : i32
          %add3A_209 = arith.addi %add3A_125, %add3A_208 : i32
          %dma_start3A_210 = arith.constant 0 : i32
          %dma_start3A_211 = tpu.memref_slice %arg10[%add3A_207, %dma_start3A_210] : memref<50x80xi32, #tpu.memory_space<vmem>> -> memref<1x80xi32, #tpu.memory_space<vmem>>
          %dma_start3A_212 = tpu.memref_squeeze %dma_start3A_211 : memref<1x80xi32, #tpu.memory_space<vmem>> -> memref<80xi32, #tpu.memory_space<vmem>>
          %dma_start3A_213 = arith.constant 0 : i32
          %dma_start3A_214 = arith.constant 0 : i32
          %dma_start3A_215 = tpu.memref_slice %arg21[%dma_start3A_213, %dma_start3A_214] : memref<10240x64xf32, #tpu.memory_space<vmem_shared>> -> memref<10240x64xf32, #tpu.memory_space<vmem_shared>>
          tpu.enqueue_indirect_dma source(%dma_start3A_215 : memref<10240x64xf32, #tpu.memory_space<vmem_shared>>) target(%arg14 : memref<80x64xf32, #tpu.memory_space<vmem>>) offsets(%dma_start3A_212 : memref<80xi32, #tpu.memory_space<vmem>>) semaphore(%arg22 : memref<!tpu.dma_semaphore, #tpu.memory_space<semaphore_mem>>)
          %mul3A_216 = arith.constant 80 : i32
          %mul3A_217 = arith.muli %add3A_209, %mul3A_216 : i32
          %add3A_218 = arith.addi %mul3A_20, %mul3A_217 : i32
          %dma_start3A_219 = arith.constant 0 : i32
          %dma_start3A_220 = tpu.memref_slice %arg4[%add3A_218, %dma_start3A_219] : memref<320000x64xf32, #tpu.memory_space<hbm>> -> memref<80x64xf32, #tpu.memory_space<hbm>>
          %dma_start3A_221 = arith.constant 0 : i32
          %dma_start3A_222 = tpu.memref_slice %arg4[%add3A_218, %dma_start3A_221] : memref<320000x64xf32, #tpu.memory_space<hbm>> -> memref<80x64xf32, #tpu.memory_space<hbm>>
          tpu.enqueue_dma source(%dma_start3A_222 : memref<80x64xf32, #tpu.memory_space<hbm>>) target(%arg16 : memref<80x64xf32, #tpu.memory_space<vmem>>) target_semaphore(%arg24 : memref<!tpu.dma_semaphore, #tpu.memory_space<semaphore_mem>>)
        } else {
        }
        %mul3A_162 = arith.constant 2 : i32
        %mul3A_163 = arith.muli %scan3A_118, %mul3A_162 : i32
        %add3A_164 = arith.constant 1 : i32
        %add3A_165 = arith.addi %mul3A_163, %add3A_164 : i32
        %mul3A_166 = arith.constant 50 : i32
        %mul3A_167 = arith.muli %scan3A_99, %mul3A_166 : i32
        %add3A_168 = arith.addi %mul3A_167, %add3A_165 : i32
        %dma_wait3A_169 = arith.constant 0 : i32
        %dma_wait3A_170 = tpu.memref_slice %arg10[%add3A_165, %dma_wait3A_169] : memref<50x80xi32, #tpu.memory_space<vmem>> -> memref<1x80xi32, #tpu.memory_space<vmem>>
        %dma_wait3A_171 = tpu.memref_squeeze %dma_wait3A_170 : memref<1x80xi32, #tpu.memory_space<vmem>> -> memref<80xi32, #tpu.memory_space<vmem>>
        %dma_wait3A_172 = arith.constant 0 : i32
        %dma_wait3A_173 = arith.constant 0 : i32
        %dma_wait3A_174 = tpu.memref_slice %arg21[%dma_wait3A_172, %dma_wait3A_173] : memref<10240x64xf32, #tpu.memory_space<vmem_shared>> -> memref<10240x64xf32, #tpu.memory_space<vmem_shared>>
        tpu.wait_indirect_dma semaphore(%arg23 : memref<!tpu.dma_semaphore, #tpu.memory_space<semaphore_mem>>) src(%dma_wait3A_174 : memref<10240x64xf32, #tpu.memory_space<vmem_shared>>) dst(%arg15 : memref<80x64xf32, #tpu.memory_space<vmem>>)
        %mul3A_175 = arith.constant 80 : i32
        %mul3A_176 = arith.muli %add3A_168, %mul3A_175 : i32
        %add3A_177 = arith.addi %mul3A_20, %mul3A_176 : i32
        %dma_wait3A_178 = arith.constant 0 : i32
        %dma_wait3A_179 = tpu.memref_slice %arg4[%add3A_177, %dma_wait3A_178] : memref<320000x64xf32, #tpu.memory_space<hbm>> -> memref<80x64xf32, #tpu.memory_space<hbm>>
        %dma_wait3A_180 = arith.constant 0 : i32
        %dma_wait3A_181 = tpu.memref_slice %arg4[%add3A_177, %dma_wait3A_180] : memref<320000x64xf32, #tpu.memory_space<hbm>> -> memref<80x64xf32, #tpu.memory_space<hbm>>
        tpu.wait_dma2 semaphore(%arg25 : memref<!tpu.dma_semaphore, #tpu.memory_space<semaphore_mem>>) src(%dma_wait3A_181 : memref<80x64xf32, #tpu.memory_space<hbm>>) dst(%arg17 : memref<80x64xf32, #tpu.memory_space<vmem>>)
        %ge3A_182 = arith.constant 1 : i32
        %ge3A_183 = arith.cmpi sge, %scan3A_118, %ge3A_182 : i32
        %convert_element_type3A_184 = arith.extui %ge3A_183 : i1 to i32
        %cond3A_185 = arith.constant 0 : i32
        %cond3A_186 = arith.cmpi ne, %convert_element_type3A_184, %cond3A_185 : i32
        scf.if %cond3A_186 {
          %dma_wait3A_206 = arith.constant 0 : i32
          %dma_wait3A_207 = arith.constant 0 : i32
          %dma_wait3A_208 = tpu.memref_slice %arg12[%dma_wait3A_206, %dma_wait3A_207] : memref<50x80xi32, #tpu.memory_space<vmem>> -> memref<1x80xi32, #tpu.memory_space<vmem>>
          %dma_wait3A_209 = tpu.memref_squeeze %dma_wait3A_208 : memref<1x80xi32, #tpu.memory_space<vmem>> -> memref<80xi32, #tpu.memory_space<vmem>>
          %dma_wait3A_210 = arith.constant 0 : i32
          %dma_wait3A_211 = arith.constant 0 : i32
          %dma_wait3A_212 = tpu.memref_slice %arg20[%dma_wait3A_210, %dma_wait3A_211] : memref<10240x64xf32, #tpu.memory_space<vmem_shared>> -> memref<10240x64xf32, #tpu.memory_space<vmem_shared>>
          tpu.wait_indirect_dma semaphore(%arg27 : memref<!tpu.dma_semaphore, #tpu.memory_space<semaphore_mem>>) src(%arg19 : memref<80x64xf32, #tpu.memory_space<vmem>>) dst(%dma_wait3A_212 : memref<10240x64xf32, #tpu.memory_space<vmem_shared>>)
        } else {
        }
        %scan3A_187 = arith.constant 0 : i32
        %scan3A_188 = arith.constant 0 : i32
        %scan3A_189 = arith.constant 80 : i32
        %scan3A_190 = arith.addi %scan3A_188, %scan3A_189 : i32
        %scan3A_191 = arith.constant 1 : i32
        scf.for %scan3A_206 = %scan3A_188 to %scan3A_190 step %scan3A_191  : i32 {
          %get3A = arith.index_cast %scan3A_206 : i32 to index
          %get3A_207 = arith.constant 0 : index
          %get3A_208 = tpu.vector_load %arg15[%get3A, %get3A_207] {strides = array<i32>} : memref<80x64xf32, #tpu.memory_space<vmem>>, vector<1x16xf32>,
          %get3A_209 = vector.shape_cast %get3A_208 : vector<1x16xf32> to vector<16xf32>
          %get3A_210 = arith.index_cast %scan3A_206 : i32 to index
          %get3A_211 = arith.constant 0 : index
          %get3A_212 = tpu.vector_load %arg17[%get3A_210, %get3A_211] {strides = array<i32>} : memref<80x64xf32, #tpu.memory_space<vmem>>, vector<1x16xf32>,
          %get3A_213 = vector.shape_cast %get3A_212 : vector<1x16xf32> to vector<16xf32>
          %mul3A_214 = arith.mulf %get3A_209, %get3A_213 : vector<16xf32>
          %swap3A = arith.index_cast %scan3A_206 : i32 to index
          %swap3A_215 = arith.constant 0 : index
          %swap3A_216 = tpu.vector_load %arg19[%swap3A, %swap3A_215] {strides = array<i32>} : memref<80x64xf32, #tpu.memory_space<vmem>>, vector<1x16xf32>,
          %swap3A_217 = vector.shape_cast %swap3A_216 : vector<1x16xf32> to vector<16xf32>
          %swap3A_218 = vector.shape_cast %mul3A_214 : vector<16xf32> to vector<1x16xf32>
          tpu.vector_store %arg19[%swap3A, %swap3A_215], %swap3A_218 {strides = array<i32>} : memref<80x64xf32, #tpu.memory_space<vmem>>, vector<1x16xf32>,
          %get3A_219 = arith.index_cast %scan3A_206 : i32 to index
          %get3A_220 = arith.constant 16 : index
          %get3A_221 = tpu.vector_load %arg15[%get3A_219, %get3A_220] {strides = array<i32>} : memref<80x64xf32, #tpu.memory_space<vmem>>, vector<1x16xf32>,
          %get3A_222 = vector.shape_cast %get3A_221 : vector<1x16xf32> to vector<16xf32>
          %get3A_223 = arith.index_cast %scan3A_206 : i32 to index
          %get3A_224 = arith.constant 16 : index
          %get3A_225 = tpu.vector_load %arg17[%get3A_223, %get3A_224] {strides = array<i32>} : memref<80x64xf32, #tpu.memory_space<vmem>>, vector<1x16xf32>,
          %get3A_226 = vector.shape_cast %get3A_225 : vector<1x16xf32> to vector<16xf32>
          %mul3A_227 = arith.mulf %get3A_222, %get3A_226 : vector<16xf32>
          %swap3A_228 = arith.index_cast %scan3A_206 : i32 to index
          %swap3A_229 = arith.constant 16 : index
          %swap3A_230 = tpu.vector_load %arg19[%swap3A_228, %swap3A_229] {strides = array<i32>} : memref<80x64xf32, #tpu.memory_space<vmem>>, vector<1x16xf32>,
          %swap3A_231 = vector.shape_cast %swap3A_230 : vector<1x16xf32> to vector<16xf32>
          %swap3A_232 = vector.shape_cast %mul3A_227 : vector<16xf32> to vector<1x16xf32>
          tpu.vector_store %arg19[%swap3A_228, %swap3A_229], %swap3A_232 {strides = array<i32>} : memref<80x64xf32, #tpu.memory_space<vmem>>, vector<1x16xf32>,
          %get3A_233 = arith.index_cast %scan3A_206 : i32 to index
          %get3A_234 = arith.constant 32 : index
          %get3A_235 = tpu.vector_load %arg15[%get3A_233, %get3A_234] {strides = array<i32>} : memref<80x64xf32, #tpu.memory_space<vmem>>, vector<1x16xf32>,
          %get3A_236 = vector.shape_cast %get3A_235 : vector<1x16xf32> to vector<16xf32>
          %get3A_237 = arith.index_cast %scan3A_206 : i32 to index
          %get3A_238 = arith.constant 32 : index
          %get3A_239 = tpu.vector_load %arg17[%get3A_237, %get3A_238] {strides = array<i32>} : memref<80x64xf32, #tpu.memory_space<vmem>>, vector<1x16xf32>,
          %get3A_240 = vector.shape_cast %get3A_239 : vector<1x16xf32> to vector<16xf32>
          %mul3A_241 = arith.mulf %get3A_236, %get3A_240 : vector<16xf32>
          %swap3A_242 = arith.index_cast %scan3A_206 : i32 to index
          %swap3A_243 = arith.constant 32 : index
          %swap3A_244 = tpu.vector_load %arg19[%swap3A_242, %swap3A_243] {strides = array<i32>} : memref<80x64xf32, #tpu.memory_space<vmem>>, vector<1x16xf32>,
          %swap3A_245 = vector.shape_cast %swap3A_244 : vector<1x16xf32> to vector<16xf32>
          %swap3A_246 = vector.shape_cast %mul3A_241 : vector<16xf32> to vector<1x16xf32>
          tpu.vector_store %arg19[%swap3A_242, %swap3A_243], %swap3A_246 {strides = array<i32>} : memref<80x64xf32, #tpu.memory_space<vmem>>, vector<1x16xf32>,
          %get3A_247 = arith.index_cast %scan3A_206 : i32 to index
          %get3A_248 = arith.constant 48 : index
          %get3A_249 = tpu.vector_load %arg15[%get3A_247, %get3A_248] {strides = array<i32>} : memref<80x64xf32, #tpu.memory_space<vmem>>, vector<1x16xf32>,
          %get3A_250 = vector.shape_cast %get3A_249 : vector<1x16xf32> to vector<16xf32>
          %get3A_251 = arith.index_cast %scan3A_206 : i32 to index
          %get3A_252 = arith.constant 48 : index
          %get3A_253 = tpu.vector_load %arg17[%get3A_251, %get3A_252] {strides = array<i32>} : memref<80x64xf32, #tpu.memory_space<vmem>>, vector<1x16xf32>,
          %get3A_254 = vector.shape_cast %get3A_253 : vector<1x16xf32> to vector<16xf32>
          %mul3A_255 = arith.mulf %get3A_250, %get3A_254 : vector<16xf32>
          %swap3A_256 = arith.index_cast %scan3A_206 : i32 to index
          %swap3A_257 = arith.constant 48 : index
          %swap3A_258 = tpu.vector_load %arg19[%swap3A_256, %swap3A_257] {strides = array<i32>} : memref<80x64xf32, #tpu.memory_space<vmem>>, vector<1x16xf32>,
          %swap3A_259 = vector.shape_cast %swap3A_258 : vector<1x16xf32> to vector<16xf32>
          %swap3A_260 = vector.shape_cast %mul3A_255 : vector<16xf32> to vector<1x16xf32>
          tpu.vector_store %arg19[%swap3A_256, %swap3A_257], %swap3A_260 {strides = array<i32>} : memref<80x64xf32, #tpu.memory_space<vmem>>, vector<1x16xf32>,
        }
        %scan3A_192 = arith.constant 80 : i32
        %dma_start3A_193 = arith.constant 0 : i32
        %dma_start3A_194 = tpu.memref_slice %arg12[%add3A_165, %dma_start3A_193] : memref<50x80xi32, #tpu.memory_space<vmem>> -> memref<1x80xi32, #tpu.memory_space<vmem>>
        %dma_start3A_195 = tpu.memref_squeeze %dma_start3A_194 : memref<1x80xi32, #tpu.memory_space<vmem>> -> memref<80xi32, #tpu.memory_space<vmem>>
        %dma_start3A_196 = arith.constant 0 : i32
        %dma_start3A_197 = arith.constant 0 : i32
        %dma_start3A_198 = tpu.memref_slice %arg20[%dma_start3A_196, %dma_start3A_197] : memref<10240x64xf32, #tpu.memory_space<vmem_shared>> -> memref<10240x64xf32, #tpu.memory_space<vmem_shared>>
        tpu.enqueue_indirect_dma source(%arg19 : memref<80x64xf32, #tpu.memory_space<vmem>>) target(%dma_start3A_198 : memref<10240x64xf32, #tpu.memory_space<vmem_shared>>) offsets(%dma_start3A_195 : memref<80xi32, #tpu.memory_space<vmem>>) semaphore(%arg27 : memref<!tpu.dma_semaphore, #tpu.memory_space<semaphore_mem>>) {add = true}
        %add3A_199 = arith.constant 2 : i32
        %add3A_200 = arith.addi %add3A_165, %add3A_199 : i32
        %lt3A_201 = arith.constant 50 : i32
        %lt3A_202 = arith.cmpi slt, %add3A_200, %lt3A_201 : i32
        %convert_element_type3A_203 = arith.extui %lt3A_202 : i1 to i32
        %cond3A_204 = arith.constant 0 : i32
        %cond3A_205 = arith.cmpi ne, %convert_element_type3A_203, %cond3A_204 : i32
        scf.if %cond3A_205 {
          %add3A_206 = arith.constant 2 : i32
          %add3A_207 = arith.addi %add3A_165, %add3A_206 : i32
          %add3A_208 = arith.constant 2 : i32
          %add3A_209 = arith.addi %add3A_168, %add3A_208 : i32
          %dma_start3A_210 = arith.constant 0 : i32
          %dma_start3A_211 = tpu.memref_slice %arg10[%add3A_207, %dma_start3A_210] : memref<50x80xi32, #tpu.memory_space<vmem>> -> memref<1x80xi32, #tpu.memory_space<vmem>>
          %dma_start3A_212 = tpu.memref_squeeze %dma_start3A_211 : memref<1x80xi32, #tpu.memory_space<vmem>> -> memref<80xi32, #tpu.memory_space<vmem>>
          %dma_start3A_213 = arith.constant 0 : i32
          %dma_start3A_214 = arith.constant 0 : i32
          %dma_start3A_215 = tpu.memref_slice %arg21[%dma_start3A_213, %dma_start3A_214] : memref<10240x64xf32, #tpu.memory_space<vmem_shared>> -> memref<10240x64xf32, #tpu.memory_space<vmem_shared>>
          tpu.enqueue_indirect_dma source(%dma_start3A_215 : memref<10240x64xf32, #tpu.memory_space<vmem_shared>>) target(%arg15 : memref<80x64xf32, #tpu.memory_space<vmem>>) offsets(%dma_start3A_212 : memref<80xi32, #tpu.memory_space<vmem>>) semaphore(%arg23 : memref<!tpu.dma_semaphore, #tpu.memory_space<semaphore_mem>>)
          %mul3A_216 = arith.constant 80 : i32
          %mul3A_217 = arith.muli %add3A_209, %mul3A_216 : i32
          %add3A_218 = arith.addi %mul3A_20, %mul3A_217 : i32
          %dma_start3A_219 = arith.constant 0 : i32
          %dma_start3A_220 = tpu.memref_slice %arg4[%add3A_218, %dma_start3A_219] : memref<320000x64xf32, #tpu.memory_space<hbm>> -> memref<80x64xf32, #tpu.memory_space<hbm>>
          %dma_start3A_221 = arith.constant 0 : i32
          %dma_start3A_222 = tpu.memref_slice %arg4[%add3A_218, %dma_start3A_221] : memref<320000x64xf32, #tpu.memory_space<hbm>> -> memref<80x64xf32, #tpu.memory_space<hbm>>
          tpu.enqueue_dma source(%dma_start3A_222 : memref<80x64xf32, #tpu.memory_space<hbm>>) target(%arg17 : memref<80x64xf32, #tpu.memory_space<vmem>>) target_semaphore(%arg25 : memref<!tpu.dma_semaphore, #tpu.memory_space<semaphore_mem>>)
        } else {
        }
      }
      %scan3A_104 = arith.constant 25 : i32
      %dma_wait3A = arith.constant 0 : i32
      %dma_wait3A_105 = arith.constant 0 : i32
      %dma_wait3A_106 = tpu.memref_slice %arg12[%dma_wait3A, %dma_wait3A_105] : memref<50x80xi32, #tpu.memory_space<vmem>> -> memref<1x80xi32, #tpu.memory_space<vmem>>
      %dma_wait3A_107 = tpu.memref_squeeze %dma_wait3A_106 : memref<1x80xi32, #tpu.memory_space<vmem>> -> memref<80xi32, #tpu.memory_space<vmem>>
      %dma_wait3A_108 = arith.constant 0 : i32
      %dma_wait3A_109 = arith.constant 0 : i32
      %dma_wait3A_110 = tpu.memref_slice %arg20[%dma_wait3A_108, %dma_wait3A_109] : memref<10240x64xf32, #tpu.memory_space<vmem_shared>> -> memref<10240x64xf32, #tpu.memory_space<vmem_shared>>
      tpu.wait_indirect_dma semaphore(%arg26 : memref<!tpu.dma_semaphore, #tpu.memory_space<semaphore_mem>>) src(%arg18 : memref<80x64xf32, #tpu.memory_space<vmem>>) dst(%dma_wait3A_110 : memref<10240x64xf32, #tpu.memory_space<vmem_shared>>)
      %dma_wait3A_111 = arith.constant 0 : i32
      %dma_wait3A_112 = arith.constant 0 : i32
      %dma_wait3A_113 = tpu.memref_slice %arg12[%dma_wait3A_111, %dma_wait3A_112] : memref<50x80xi32, #tpu.memory_space<vmem>> -> memref<1x80xi32, #tpu.memory_space<vmem>>
      %dma_wait3A_114 = tpu.memref_squeeze %dma_wait3A_113 : memref<1x80xi32, #tpu.memory_space<vmem>> -> memref<80xi32, #tpu.memory_space<vmem>>
      %dma_wait3A_115 = arith.constant 0 : i32
      %dma_wait3A_116 = arith.constant 0 : i32
      %dma_wait3A_117 = tpu.memref_slice %arg20[%dma_wait3A_115, %dma_wait3A_116] : memref<10240x64xf32, #tpu.memory_space<vmem_shared>> -> memref<10240x64xf32, #tpu.memory_space<vmem_shared>>
      tpu.wait_indirect_dma semaphore(%arg27 : memref<!tpu.dma_semaphore, #tpu.memory_space<semaphore_mem>>) src(%arg19 : memref<80x64xf32, #tpu.memory_space<vmem>>) dst(%dma_wait3A_117 : memref<10240x64xf32, #tpu.memory_space<vmem_shared>>)
    } else {
    }
    %eq3A_26 = arith.constant 1 : i32
    %eq3A_27 = arith.cmpi eq, %arg0, %eq3A_26 : i32
    %convert_element_type3A_28 = arith.extui %eq3A_27 : i1 to i32
    %cond3A_29 = arith.constant 0 : i32
    %cond3A_30 = arith.cmpi ne, %convert_element_type3A_28, %cond3A_29 : i32
    scf.if %cond3A_30 {
      %scan3A_42 = arith.constant 0 : i32
      %scan3A_43 = arith.constant 0 : i32
      %scan3A_44 = arith.constant 2 : i32
      %scan3A_45 = arith.addi %scan3A_43, %scan3A_44 : i32
      %scan3A_46 = arith.constant 1 : i32
      scf.for %scan3A_118 = %scan3A_43 to %scan3A_45 step %scan3A_46  : i32 {
        %mul3A_119 = arith.constant 2 : i32
        %mul3A_120 = arith.muli %scan3A_118, %mul3A_119 : i32
        %add3A_121 = arith.constant 0 : i32
        %add3A_122 = arith.addi %mul3A_120, %add3A_121 : i32
        %gt3A_123 = arith.constant 0 : i32
        %gt3A_124 = arith.cmpi sgt, %add3A_122, %gt3A_123 : i32
        %convert_element_type3A_125 = arith.extui %gt3A_124 : i1 to i32
        %cond3A_126 = arith.constant 0 : i32
        %cond3A_127 = arith.cmpi ne, %convert_element_type3A_125, %cond3A_126 : i32
        scf.if %cond3A_127 {
          %dma_wait3A_235 = arith.constant 0 : i32
          %dma_wait3A_236 = arith.constant 0 : i32
          %dma_wait3A_237 = tpu.memref_slice %arg12[%dma_wait3A_235, %dma_wait3A_236] : memref<50x80xi32, #tpu.memory_space<vmem>> -> memref<1x80xi32, #tpu.memory_space<vmem>>
          %dma_wait3A_238 = tpu.memref_squeeze %dma_wait3A_237 : memref<1x80xi32, #tpu.memory_space<vmem>> -> memref<80xi32, #tpu.memory_space<vmem>>
          %dma_wait3A_239 = arith.constant 0 : i32
          %dma_wait3A_240 = arith.constant 0 : i32
          %dma_wait3A_241 = tpu.memref_slice %arg20[%dma_wait3A_239, %dma_wait3A_240] : memref<10240x64xf32, #tpu.memory_space<vmem_shared>> -> memref<10240x64xf32, #tpu.memory_space<vmem_shared>>
          tpu.wait_indirect_dma semaphore(%arg26 : memref<!tpu.dma_semaphore, #tpu.memory_space<semaphore_mem>>) src(%arg18 : memref<80x64xf32, #tpu.memory_space<vmem>>) dst(%dma_wait3A_241 : memref<10240x64xf32, #tpu.memory_space<vmem_shared>>)
          %dma_wait3A_242 = arith.constant 0 : i32
          %dma_wait3A_243 = arith.constant 0 : i32
          %dma_wait3A_244 = tpu.memref_slice %arg12[%dma_wait3A_242, %dma_wait3A_243] : memref<50x80xi32, #tpu.memory_space<vmem>> -> memref<1x80xi32, #tpu.memory_space<vmem>>
          %dma_wait3A_245 = tpu.memref_squeeze %dma_wait3A_244 : memref<1x80xi32, #tpu.memory_space<vmem>> -> memref<80xi32, #tpu.memory_space<vmem>>
          %dma_wait3A_246 = arith.constant 0 : i32
          %dma_wait3A_247 = arith.constant 0 : i32
          %dma_wait3A_248 = tpu.memref_slice %arg20[%dma_wait3A_246, %dma_wait3A_247] : memref<10240x64xf32, #tpu.memory_space<vmem_shared>> -> memref<10240x64xf32, #tpu.memory_space<vmem_shared>>
          tpu.wait_indirect_dma semaphore(%arg27 : memref<!tpu.dma_semaphore, #tpu.memory_space<semaphore_mem>>) src(%arg19 : memref<80x64xf32, #tpu.memory_space<vmem>>) dst(%dma_wait3A_248 : memref<10240x64xf32, #tpu.memory_space<vmem_shared>>)
          %dma_wait3A_249 = arith.constant 0 : i32
          %dma_wait3A_250 = arith.constant 0 : i32
          %dma_wait3A_251 = tpu.memref_slice %arg6[%arg1, %add3A_122, %dma_wait3A_249, %dma_wait3A_250] : memref<16x5x50x80xi32, #tpu.memory_space<hbm>> -> memref<1x1x50x80xi32, #tpu.memory_space<hbm>>
          %dma_wait3A_252 = tpu.memref_squeeze %dma_wait3A_251 : memref<1x1x50x80xi32, #tpu.memory_space<hbm>> -> memref<50x80xi32, #tpu.memory_space<hbm>>
          %dma_wait3A_253 = arith.constant 0 : i32
          %dma_wait3A_254 = arith.constant 0 : i32
          %dma_wait3A_255 = tpu.memref_slice %arg6[%arg1, %add3A_122, %dma_wait3A_253, %dma_wait3A_254] : memref<16x5x50x80xi32, #tpu.memory_space<hbm>> -> memref<1x1x50x80xi32, #tpu.memory_space<hbm>>
          %dma_wait3A_256 = tpu.memref_squeeze %dma_wait3A_255 : memref<1x1x50x80xi32, #tpu.memory_space<hbm>> -> memref<50x80xi32, #tpu.memory_space<hbm>>
          tpu.wait_dma2 semaphore(%arg28 : memref<!tpu.dma_semaphore, #tpu.memory_space<semaphore_mem>>) src(%dma_wait3A_256 : memref<50x80xi32, #tpu.memory_space<hbm>>) dst(%arg10 : memref<50x80xi32, #tpu.memory_space<vmem>>)
          %dma_wait3A_257 = arith.constant 0 : i32
          %dma_wait3A_258 = arith.constant 0 : i32
          %dma_wait3A_259 = tpu.memref_slice %arg7[%arg1, %add3A_122, %dma_wait3A_257, %dma_wait3A_258] : memref<16x5x50x80xi32, #tpu.memory_space<hbm>> -> memref<1x1x50x80xi32, #tpu.memory_space<hbm>>
          %dma_wait3A_260 = tpu.memref_squeeze %dma_wait3A_259 : memref<1x1x50x80xi32, #tpu.memory_space<hbm>> -> memref<50x80xi32, #tpu.memory_space<hbm>>
          %dma_wait3A_261 = arith.constant 0 : i32
          %dma_wait3A_262 = arith.constant 0 : i32
          %dma_wait3A_263 = tpu.memref_slice %arg7[%arg1, %add3A_122, %dma_wait3A_261, %dma_wait3A_262] : memref<16x5x50x80xi32, #tpu.memory_space<hbm>> -> memref<1x1x50x80xi32, #tpu.memory_space<hbm>>
          %dma_wait3A_264 = tpu.memref_squeeze %dma_wait3A_263 : memref<1x1x50x80xi32, #tpu.memory_space<hbm>> -> memref<50x80xi32, #tpu.memory_space<hbm>>
          tpu.wait_dma2 semaphore(%arg29 : memref<!tpu.dma_semaphore, #tpu.memory_space<semaphore_mem>>) src(%dma_wait3A_264 : memref<50x80xi32, #tpu.memory_space<hbm>>) dst(%arg12 : memref<50x80xi32, #tpu.memory_space<vmem>>)
        } else {
        }
        %add3A_128 = arith.constant 1 : i32
        %add3A_129 = arith.addi %add3A_122, %add3A_128 : i32
        %lt3A_130 = arith.constant 5 : i32
        %lt3A_131 = arith.cmpi slt, %add3A_129, %lt3A_130 : i32
        %convert_element_type3A_132 = arith.extui %lt3A_131 : i1 to i32
        %cond3A_133 = arith.constant 0 : i32
        %cond3A_134 = arith.cmpi ne, %convert_element_type3A_132, %cond3A_133 : i32
        scf.if %cond3A_134 {
          %add3A_235 = arith.constant 1 : i32
          %add3A_236 = arith.addi %add3A_122, %add3A_235 : i32
          %dma_start3A_237 = arith.constant 0 : i32
          %dma_start3A_238 = arith.constant 0 : i32
          %dma_start3A_239 = tpu.memref_slice %arg6[%arg1, %add3A_236, %dma_start3A_237, %dma_start3A_238] : memref<16x5x50x80xi32, #tpu.memory_space<hbm>> -> memref<1x1x50x80xi32, #tpu.memory_space<hbm>>
          %dma_start3A_240 = tpu.memref_squeeze %dma_start3A_239 : memref<1x1x50x80xi32, #tpu.memory_space<hbm>> -> memref<50x80xi32, #tpu.memory_space<hbm>>
          %dma_start3A_241 = arith.constant 0 : i32
          %dma_start3A_242 = arith.constant 0 : i32
          %dma_start3A_243 = tpu.memref_slice %arg6[%arg1, %add3A_236, %dma_start3A_241, %dma_start3A_242] : memref<16x5x50x80xi32, #tpu.memory_space<hbm>> -> memref<1x1x50x80xi32, #tpu.memory_space<hbm>>
          %dma_start3A_244 = tpu.memref_squeeze %dma_start3A_243 : memref<1x1x50x80xi32, #tpu.memory_space<hbm>> -> memref<50x80xi32, #tpu.memory_space<hbm>>
          tpu.enqueue_dma source(%dma_start3A_244 : memref<50x80xi32, #tpu.memory_space<hbm>>) target(%arg11 : memref<50x80xi32, #tpu.memory_space<vmem>>) target_semaphore(%arg28 : memref<!tpu.dma_semaphore, #tpu.memory_space<semaphore_mem>>)
          %add3A_245 = arith.constant 1 : i32
          %add3A_246 = arith.addi %add3A_122, %add3A_245 : i32
          %dma_start3A_247 = arith.constant 0 : i32
          %dma_start3A_248 = arith.constant 0 : i32
          %dma_start3A_249 = tpu.memref_slice %arg7[%arg1, %add3A_246, %dma_start3A_247, %dma_start3A_248] : memref<16x5x50x80xi32, #tpu.memory_space<hbm>> -> memref<1x1x50x80xi32, #tpu.memory_space<hbm>>
          %dma_start3A_250 = tpu.memref_squeeze %dma_start3A_249 : memref<1x1x50x80xi32, #tpu.memory_space<hbm>> -> memref<50x80xi32, #tpu.memory_space<hbm>>
          %dma_start3A_251 = arith.constant 0 : i32
          %dma_start3A_252 = arith.constant 0 : i32
          %dma_start3A_253 = tpu.memref_slice %arg7[%arg1, %add3A_246, %dma_start3A_251, %dma_start3A_252] : memref<16x5x50x80xi32, #tpu.memory_space<hbm>> -> memref<1x1x50x80xi32, #tpu.memory_space<hbm>>
          %dma_start3A_254 = tpu.memref_squeeze %dma_start3A_253 : memref<1x1x50x80xi32, #tpu.memory_space<hbm>> -> memref<50x80xi32, #tpu.memory_space<hbm>>
          tpu.enqueue_dma source(%dma_start3A_254 : memref<50x80xi32, #tpu.memory_space<hbm>>) target(%arg13 : memref<50x80xi32, #tpu.memory_space<vmem>>) target_semaphore(%arg29 : memref<!tpu.dma_semaphore, #tpu.memory_space<semaphore_mem>>)
        } else {
        }
        %mul3A_135 = arith.constant 50 : i32
        %mul3A_136 = arith.muli %add3A_122, %mul3A_135 : i32
        %add3A_137 = arith.constant 0 : i32
        %add3A_138 = arith.addi %mul3A_136, %add3A_137 : i32
        %dma_start3A_139 = arith.constant 0 : i32
        %dma_start3A_140 = arith.constant 0 : i32
        %dma_start3A_141 = tpu.memref_slice %arg10[%dma_start3A_139, %dma_start3A_140] : memref<50x80xi32, #tpu.memory_space<vmem>> -> memref<1x80xi32, #tpu.memory_space<vmem>>
        %dma_start3A_142 = tpu.memref_squeeze %dma_start3A_141 : memref<1x80xi32, #tpu.memory_space<vmem>> -> memref<80xi32, #tpu.memory_space<vmem>>
        %dma_start3A_143 = arith.constant 0 : i32
        %dma_start3A_144 = arith.constant 0 : i32
        %dma_start3A_145 = tpu.memref_slice %arg21[%dma_start3A_143, %dma_start3A_144] : memref<10240x64xf32, #tpu.memory_space<vmem_shared>> -> memref<10240x64xf32, #tpu.memory_space<vmem_shared>>
        tpu.enqueue_indirect_dma source(%dma_start3A_145 : memref<10240x64xf32, #tpu.memory_space<vmem_shared>>) target(%arg14 : memref<80x64xf32, #tpu.memory_space<vmem>>) offsets(%dma_start3A_142 : memref<80xi32, #tpu.memory_space<vmem>>) semaphore(%arg22 : memref<!tpu.dma_semaphore, #tpu.memory_space<semaphore_mem>>)
        %mul3A_146 = arith.constant 80 : i32
        %mul3A_147 = arith.muli %add3A_138, %mul3A_146 : i32
        %add3A_148 = arith.addi %mul3A_20, %mul3A_147 : i32
        %dma_start3A_149 = arith.constant 0 : i32
        %dma_start3A_150 = tpu.memref_slice %arg5[%add3A_148, %dma_start3A_149] : memref<320000x64xf32, #tpu.memory_space<hbm>> -> memref<80x64xf32, #tpu.memory_space<hbm>>
        %dma_start3A_151 = arith.constant 0 : i32
        %dma_start3A_152 = tpu.memref_slice %arg5[%add3A_148, %dma_start3A_151] : memref<320000x64xf32, #tpu.memory_space<hbm>> -> memref<80x64xf32, #tpu.memory_space<hbm>>
        tpu.enqueue_dma source(%dma_start3A_152 : memref<80x64xf32, #tpu.memory_space<hbm>>) target(%arg16 : memref<80x64xf32, #tpu.memory_space<vmem>>) target_semaphore(%arg24 : memref<!tpu.dma_semaphore, #tpu.memory_space<semaphore_mem>>)
        %mul3A_153 = arith.constant 50 : i32
        %mul3A_154 = arith.muli %add3A_122, %mul3A_153 : i32
        %add3A_155 = arith.constant 1 : i32
        %add3A_156 = arith.addi %mul3A_154, %add3A_155 : i32
        %dma_start3A_157 = arith.constant 1 : i32
        %dma_start3A_158 = arith.constant 0 : i32
        %dma_start3A_159 = tpu.memref_slice %arg10[%dma_start3A_157, %dma_start3A_158] : memref<50x80xi32, #tpu.memory_space<vmem>> -> memref<1x80xi32, #tpu.memory_space<vmem>>
        %dma_start3A_160 = tpu.memref_squeeze %dma_start3A_159 : memref<1x80xi32, #tpu.memory_space<vmem>> -> memref<80xi32, #tpu.memory_space<vmem>>
        %dma_start3A_161 = arith.constant 0 : i32
        %dma_start3A_162 = arith.constant 0 : i32
        %dma_start3A_163 = tpu.memref_slice %arg21[%dma_start3A_161, %dma_start3A_162] : memref<10240x64xf32, #tpu.memory_space<vmem_shared>> -> memref<10240x64xf32, #tpu.memory_space<vmem_shared>>
        tpu.enqueue_indirect_dma source(%dma_start3A_163 : memref<10240x64xf32, #tpu.memory_space<vmem_shared>>) target(%arg15 : memref<80x64xf32, #tpu.memory_space<vmem>>) offsets(%dma_start3A_160 : memref<80xi32, #tpu.memory_space<vmem>>) semaphore(%arg23 : memref<!tpu.dma_semaphore, #tpu.memory_space<semaphore_mem>>)
        %mul3A_164 = arith.constant 80 : i32
        %mul3A_165 = arith.muli %add3A_156, %mul3A_164 : i32
        %add3A_166 = arith.addi %mul3A_20, %mul3A_165 : i32
        %dma_start3A_167 = arith.constant 0 : i32
        %dma_start3A_168 = tpu.memref_slice %arg5[%add3A_166, %dma_start3A_167] : memref<320000x64xf32, #tpu.memory_space<hbm>> -> memref<80x64xf32, #tpu.memory_space<hbm>>
        %dma_start3A_169 = arith.constant 0 : i32
        %dma_start3A_170 = tpu.memref_slice %arg5[%add3A_166, %dma_start3A_169] : memref<320000x64xf32, #tpu.memory_space<hbm>> -> memref<80x64xf32, #tpu.memory_space<hbm>>
        tpu.enqueue_dma source(%dma_start3A_170 : memref<80x64xf32, #tpu.memory_space<hbm>>) target(%arg17 : memref<80x64xf32, #tpu.memory_space<vmem>>) target_semaphore(%arg25 : memref<!tpu.dma_semaphore, #tpu.memory_space<semaphore_mem>>)
        %scan3A_171 = arith.constant 0 : i32
        %scan3A_172 = arith.constant 0 : i32
        %scan3A_173 = arith.constant 25 : i32
        %scan3A_174 = arith.addi %scan3A_172, %scan3A_173 : i32
        %scan3A_175 = arith.constant 1 : i32
        scf.for %scan3A_235 = %scan3A_172 to %scan3A_174 step %scan3A_175  : i32 {
          %mul3A_236 = arith.constant 2 : i32
          %mul3A_237 = arith.muli %scan3A_235, %mul3A_236 : i32
          %add3A_238 = arith.constant 0 : i32
          %add3A_239 = arith.addi %mul3A_237, %add3A_238 : i32
          %mul3A_240 = arith.constant 50 : i32
          %mul3A_241 = arith.muli %add3A_122, %mul3A_240 : i32
          %add3A_242 = arith.addi %mul3A_241, %add3A_239 : i32
          %dma_wait3A_243 = arith.constant 0 : i32
          %dma_wait3A_244 = tpu.memref_slice %arg10[%add3A_239, %dma_wait3A_243] : memref<50x80xi32, #tpu.memory_space<vmem>> -> memref<1x80xi32, #tpu.memory_space<vmem>>
          %dma_wait3A_245 = tpu.memref_squeeze %dma_wait3A_244 : memref<1x80xi32, #tpu.memory_space<vmem>> -> memref<80xi32, #tpu.memory_space<vmem>>
          %dma_wait3A_246 = arith.constant 0 : i32
          %dma_wait3A_247 = arith.constant 0 : i32
          %dma_wait3A_248 = tpu.memref_slice %arg21[%dma_wait3A_246, %dma_wait3A_247] : memref<10240x64xf32, #tpu.memory_space<vmem_shared>> -> memref<10240x64xf32, #tpu.memory_space<vmem_shared>>
          tpu.wait_indirect_dma semaphore(%arg22 : memref<!tpu.dma_semaphore, #tpu.memory_space<semaphore_mem>>) src(%dma_wait3A_248 : memref<10240x64xf32, #tpu.memory_space<vmem_shared>>) dst(%arg14 : memref<80x64xf32, #tpu.memory_space<vmem>>)
          %mul3A_249 = arith.constant 80 : i32
          %mul3A_250 = arith.muli %add3A_242, %mul3A_249 : i32
          %add3A_251 = arith.addi %mul3A_20, %mul3A_250 : i32
          %dma_wait3A_252 = arith.constant 0 : i32
          %dma_wait3A_253 = tpu.memref_slice %arg5[%add3A_251, %dma_wait3A_252] : memref<320000x64xf32, #tpu.memory_space<hbm>> -> memref<80x64xf32, #tpu.memory_space<hbm>>
          %dma_wait3A_254 = arith.constant 0 : i32
          %dma_wait3A_255 = tpu.memref_slice %arg5[%add3A_251, %dma_wait3A_254] : memref<320000x64xf32, #tpu.memory_space<hbm>> -> memref<80x64xf32, #tpu.memory_space<hbm>>
          tpu.wait_dma2 semaphore(%arg24 : memref<!tpu.dma_semaphore, #tpu.memory_space<semaphore_mem>>) src(%dma_wait3A_255 : memref<80x64xf32, #tpu.memory_space<hbm>>) dst(%arg16 : memref<80x64xf32, #tpu.memory_space<vmem>>)
          %ge3A = arith.constant 1 : i32
          %ge3A_256 = arith.cmpi sge, %scan3A_235, %ge3A : i32
          %convert_element_type3A_257 = arith.extui %ge3A_256 : i1 to i32
          %cond3A_258 = arith.constant 0 : i32
          %cond3A_259 = arith.cmpi ne, %convert_element_type3A_257, %cond3A_258 : i32
          scf.if %cond3A_259 {
            %dma_wait3A_323 = arith.constant 0 : i32
            %dma_wait3A_324 = arith.constant 0 : i32
            %dma_wait3A_325 = tpu.memref_slice %arg12[%dma_wait3A_323, %dma_wait3A_324] : memref<50x80xi32, #tpu.memory_space<vmem>> -> memref<1x80xi32, #tpu.memory_space<vmem>>
            %dma_wait3A_326 = tpu.memref_squeeze %dma_wait3A_325 : memref<1x80xi32, #tpu.memory_space<vmem>> -> memref<80xi32, #tpu.memory_space<vmem>>
            %dma_wait3A_327 = arith.constant 0 : i32
            %dma_wait3A_328 = arith.constant 0 : i32
            %dma_wait3A_329 = tpu.memref_slice %arg20[%dma_wait3A_327, %dma_wait3A_328] : memref<10240x64xf32, #tpu.memory_space<vmem_shared>> -> memref<10240x64xf32, #tpu.memory_space<vmem_shared>>
            tpu.wait_indirect_dma semaphore(%arg26 : memref<!tpu.dma_semaphore, #tpu.memory_space<semaphore_mem>>) src(%arg18 : memref<80x64xf32, #tpu.memory_space<vmem>>) dst(%dma_wait3A_329 : memref<10240x64xf32, #tpu.memory_space<vmem_shared>>)
          } else {
          }
          %scan3A_260 = arith.constant 0 : i32
          %scan3A_261 = arith.constant 0 : i32
          %scan3A_262 = arith.constant 80 : i32
          %scan3A_263 = arith.addi %scan3A_261, %scan3A_262 : i32
          %scan3A_264 = arith.constant 1 : i32
          scf.for %scan3A_323 = %scan3A_261 to %scan3A_263 step %scan3A_264  : i32 {
            %get3A = arith.index_cast %scan3A_323 : i32 to index
            %get3A_324 = arith.constant 0 : index
            %get3A_325 = tpu.vector_load %arg14[%get3A, %get3A_324] {strides = array<i32>} : memref<80x64xf32, #tpu.memory_space<vmem>>, vector<1x16xf32>,
            %get3A_326 = vector.shape_cast %get3A_325 : vector<1x16xf32> to vector<16xf32>
            %get3A_327 = arith.index_cast %scan3A_323 : i32 to index
            %get3A_328 = arith.constant 0 : index
            %get3A_329 = tpu.vector_load %arg16[%get3A_327, %get3A_328] {strides = array<i32>} : memref<80x64xf32, #tpu.memory_space<vmem>>, vector<1x16xf32>,
            %get3A_330 = vector.shape_cast %get3A_329 : vector<1x16xf32> to vector<16xf32>
            %mul3A_331 = arith.mulf %get3A_326, %get3A_330 : vector<16xf32>
            %swap3A = arith.index_cast %scan3A_323 : i32 to index
            %swap3A_332 = arith.constant 0 : index
            %swap3A_333 = tpu.vector_load %arg18[%swap3A, %swap3A_332] {strides = array<i32>} : memref<80x64xf32, #tpu.memory_space<vmem>>, vector<1x16xf32>,
            %swap3A_334 = vector.shape_cast %swap3A_333 : vector<1x16xf32> to vector<16xf32>
            %swap3A_335 = vector.shape_cast %mul3A_331 : vector<16xf32> to vector<1x16xf32>
            tpu.vector_store %arg18[%swap3A, %swap3A_332], %swap3A_335 {strides = array<i32>} : memref<80x64xf32, #tpu.memory_space<vmem>>, vector<1x16xf32>,
            %get3A_336 = arith.index_cast %scan3A_323 : i32 to index
            %get3A_337 = arith.constant 16 : index
            %get3A_338 = tpu.vector_load %arg14[%get3A_336, %get3A_337] {strides = array<i32>} : memref<80x64xf32, #tpu.memory_space<vmem>>, vector<1x16xf32>,
            %get3A_339 = vector.shape_cast %get3A_338 : vector<1x16xf32> to vector<16xf32>
            %get3A_340 = arith.index_cast %scan3A_323 : i32 to index
            %get3A_341 = arith.constant 16 : index
            %get3A_342 = tpu.vector_load %arg16[%get3A_340, %get3A_341] {strides = array<i32>} : memref<80x64xf32, #tpu.memory_space<vmem>>, vector<1x16xf32>,
            %get3A_343 = vector.shape_cast %get3A_342 : vector<1x16xf32> to vector<16xf32>
            %mul3A_344 = arith.mulf %get3A_339, %get3A_343 : vector<16xf32>
            %swap3A_345 = arith.index_cast %scan3A_323 : i32 to index
            %swap3A_346 = arith.constant 16 : index
            %swap3A_347 = tpu.vector_load %arg18[%swap3A_345, %swap3A_346] {strides = array<i32>} : memref<80x64xf32, #tpu.memory_space<vmem>>, vector<1x16xf32>,
            %swap3A_348 = vector.shape_cast %swap3A_347 : vector<1x16xf32> to vector<16xf32>
            %swap3A_349 = vector.shape_cast %mul3A_344 : vector<16xf32> to vector<1x16xf32>
            tpu.vector_store %arg18[%swap3A_345, %swap3A_346], %swap3A_349 {strides = array<i32>} : memref<80x64xf32, #tpu.memory_space<vmem>>, vector<1x16xf32>,
            %get3A_350 = arith.index_cast %scan3A_323 : i32 to index
            %get3A_351 = arith.constant 32 : index
            %get3A_352 = tpu.vector_load %arg14[%get3A_350, %get3A_351] {strides = array<i32>} : memref<80x64xf32, #tpu.memory_space<vmem>>, vector<1x16xf32>,
            %get3A_353 = vector.shape_cast %get3A_352 : vector<1x16xf32> to vector<16xf32>
            %get3A_354 = arith.index_cast %scan3A_323 : i32 to index
            %get3A_355 = arith.constant 32 : index
            %get3A_356 = tpu.vector_load %arg16[%get3A_354, %get3A_355] {strides = array<i32>} : memref<80x64xf32, #tpu.memory_space<vmem>>, vector<1x16xf32>,
            %get3A_357 = vector.shape_cast %get3A_356 : vector<1x16xf32> to vector<16xf32>
            %mul3A_358 = arith.mulf %get3A_353, %get3A_357 : vector<16xf32>
            %swap3A_359 = arith.index_cast %scan3A_323 : i32 to index
            %swap3A_360 = arith.constant 32 : index
            %swap3A_361 = tpu.vector_load %arg18[%swap3A_359, %swap3A_360] {strides = array<i32>} : memref<80x64xf32, #tpu.memory_space<vmem>>, vector<1x16xf32>,
            %swap3A_362 = vector.shape_cast %swap3A_361 : vector<1x16xf32> to vector<16xf32>
            %swap3A_363 = vector.shape_cast %mul3A_358 : vector<16xf32> to vector<1x16xf32>
            tpu.vector_store %arg18[%swap3A_359, %swap3A_360], %swap3A_363 {strides = array<i32>} : memref<80x64xf32, #tpu.memory_space<vmem>>, vector<1x16xf32>,
            %get3A_364 = arith.index_cast %scan3A_323 : i32 to index
            %get3A_365 = arith.constant 48 : index
            %get3A_366 = tpu.vector_load %arg14[%get3A_364, %get3A_365] {strides = array<i32>} : memref<80x64xf32, #tpu.memory_space<vmem>>, vector<1x16xf32>,
            %get3A_367 = vector.shape_cast %get3A_366 : vector<1x16xf32> to vector<16xf32>
            %get3A_368 = arith.index_cast %scan3A_323 : i32 to index
            %get3A_369 = arith.constant 48 : index
            %get3A_370 = tpu.vector_load %arg16[%get3A_368, %get3A_369] {strides = array<i32>} : memref<80x64xf32, #tpu.memory_space<vmem>>, vector<1x16xf32>,
            %get3A_371 = vector.shape_cast %get3A_370 : vector<1x16xf32> to vector<16xf32>
            %mul3A_372 = arith.mulf %get3A_367, %get3A_371 : vector<16xf32>
            %swap3A_373 = arith.index_cast %scan3A_323 : i32 to index
            %swap3A_374 = arith.constant 48 : index
            %swap3A_375 = tpu.vector_load %arg18[%swap3A_373, %swap3A_374] {strides = array<i32>} : memref<80x64xf32, #tpu.memory_space<vmem>>, vector<1x16xf32>,
            %swap3A_376 = vector.shape_cast %swap3A_375 : vector<1x16xf32> to vector<16xf32>
            %swap3A_377 = vector.shape_cast %mul3A_372 : vector<16xf32> to vector<1x16xf32>
            tpu.vector_store %arg18[%swap3A_373, %swap3A_374], %swap3A_377 {strides = array<i32>} : memref<80x64xf32, #tpu.memory_space<vmem>>, vector<1x16xf32>,
          }
          %scan3A_265 = arith.constant 80 : i32
          %dma_start3A_266 = arith.constant 0 : i32
          %dma_start3A_267 = tpu.memref_slice %arg12[%add3A_239, %dma_start3A_266] : memref<50x80xi32, #tpu.memory_space<vmem>> -> memref<1x80xi32, #tpu.memory_space<vmem>>
          %dma_start3A_268 = tpu.memref_squeeze %dma_start3A_267 : memref<1x80xi32, #tpu.memory_space<vmem>> -> memref<80xi32, #tpu.memory_space<vmem>>
          %dma_start3A_269 = arith.constant 0 : i32
          %dma_start3A_270 = arith.constant 0 : i32
          %dma_start3A_271 = tpu.memref_slice %arg20[%dma_start3A_269, %dma_start3A_270] : memref<10240x64xf32, #tpu.memory_space<vmem_shared>> -> memref<10240x64xf32, #tpu.memory_space<vmem_shared>>
          tpu.enqueue_indirect_dma source(%arg18 : memref<80x64xf32, #tpu.memory_space<vmem>>) target(%dma_start3A_271 : memref<10240x64xf32, #tpu.memory_space<vmem_shared>>) offsets(%dma_start3A_268 : memref<80xi32, #tpu.memory_space<vmem>>) semaphore(%arg26 : memref<!tpu.dma_semaphore, #tpu.memory_space<semaphore_mem>>) {add = true}
          %add3A_272 = arith.constant 2 : i32
          %add3A_273 = arith.addi %add3A_239, %add3A_272 : i32
          %lt3A_274 = arith.constant 50 : i32
          %lt3A_275 = arith.cmpi slt, %add3A_273, %lt3A_274 : i32
          %convert_element_type3A_276 = arith.extui %lt3A_275 : i1 to i32
          %cond3A_277 = arith.constant 0 : i32
          %cond3A_278 = arith.cmpi ne, %convert_element_type3A_276, %cond3A_277 : i32
          scf.if %cond3A_278 {
            %add3A_323 = arith.constant 2 : i32
            %add3A_324 = arith.addi %add3A_239, %add3A_323 : i32
            %add3A_325 = arith.constant 2 : i32
            %add3A_326 = arith.addi %add3A_242, %add3A_325 : i32
            %dma_start3A_327 = arith.constant 0 : i32
            %dma_start3A_328 = tpu.memref_slice %arg10[%add3A_324, %dma_start3A_327] : memref<50x80xi32, #tpu.memory_space<vmem>> -> memref<1x80xi32, #tpu.memory_space<vmem>>
            %dma_start3A_329 = tpu.memref_squeeze %dma_start3A_328 : memref<1x80xi32, #tpu.memory_space<vmem>> -> memref<80xi32, #tpu.memory_space<vmem>>
            %dma_start3A_330 = arith.constant 0 : i32
            %dma_start3A_331 = arith.constant 0 : i32
            %dma_start3A_332 = tpu.memref_slice %arg21[%dma_start3A_330, %dma_start3A_331] : memref<10240x64xf32, #tpu.memory_space<vmem_shared>> -> memref<10240x64xf32, #tpu.memory_space<vmem_shared>>
            tpu.enqueue_indirect_dma source(%dma_start3A_332 : memref<10240x64xf32, #tpu.memory_space<vmem_shared>>) target(%arg14 : memref<80x64xf32, #tpu.memory_space<vmem>>) offsets(%dma_start3A_329 : memref<80xi32, #tpu.memory_space<vmem>>) semaphore(%arg22 : memref<!tpu.dma_semaphore, #tpu.memory_space<semaphore_mem>>)
            %mul3A_333 = arith.constant 80 : i32
            %mul3A_334 = arith.muli %add3A_326, %mul3A_333 : i32
            %add3A_335 = arith.addi %mul3A_20, %mul3A_334 : i32
            %dma_start3A_336 = arith.constant 0 : i32
            %dma_start3A_337 = tpu.memref_slice %arg5[%add3A_335, %dma_start3A_336] : memref<320000x64xf32, #tpu.memory_space<hbm>> -> memref<80x64xf32, #tpu.memory_space<hbm>>
            %dma_start3A_338 = arith.constant 0 : i32
            %dma_start3A_339 = tpu.memref_slice %arg5[%add3A_335, %dma_start3A_338] : memref<320000x64xf32, #tpu.memory_space<hbm>> -> memref<80x64xf32, #tpu.memory_space<hbm>>
            tpu.enqueue_dma source(%dma_start3A_339 : memref<80x64xf32, #tpu.memory_space<hbm>>) target(%arg16 : memref<80x64xf32, #tpu.memory_space<vmem>>) target_semaphore(%arg24 : memref<!tpu.dma_semaphore, #tpu.memory_space<semaphore_mem>>)
          } else {
          }
          %mul3A_279 = arith.constant 2 : i32
          %mul3A_280 = arith.muli %scan3A_235, %mul3A_279 : i32
          %add3A_281 = arith.constant 1 : i32
          %add3A_282 = arith.addi %mul3A_280, %add3A_281 : i32
          %mul3A_283 = arith.constant 50 : i32
          %mul3A_284 = arith.muli %add3A_122, %mul3A_283 : i32
          %add3A_285 = arith.addi %mul3A_284, %add3A_282 : i32
          %dma_wait3A_286 = arith.constant 0 : i32
          %dma_wait3A_287 = tpu.memref_slice %arg10[%add3A_282, %dma_wait3A_286] : memref<50x80xi32, #tpu.memory_space<vmem>> -> memref<1x80xi32, #tpu.memory_space<vmem>>
          %dma_wait3A_288 = tpu.memref_squeeze %dma_wait3A_287 : memref<1x80xi32, #tpu.memory_space<vmem>> -> memref<80xi32, #tpu.memory_space<vmem>>
          %dma_wait3A_289 = arith.constant 0 : i32
          %dma_wait3A_290 = arith.constant 0 : i32
          %dma_wait3A_291 = tpu.memref_slice %arg21[%dma_wait3A_289, %dma_wait3A_290] : memref<10240x64xf32, #tpu.memory_space<vmem_shared>> -> memref<10240x64xf32, #tpu.memory_space<vmem_shared>>
          tpu.wait_indirect_dma semaphore(%arg23 : memref<!tpu.dma_semaphore, #tpu.memory_space<semaphore_mem>>) src(%dma_wait3A_291 : memref<10240x64xf32, #tpu.memory_space<vmem_shared>>) dst(%arg15 : memref<80x64xf32, #tpu.memory_space<vmem>>)
          %mul3A_292 = arith.constant 80 : i32
          %mul3A_293 = arith.muli %add3A_285, %mul3A_292 : i32
          %add3A_294 = arith.addi %mul3A_20, %mul3A_293 : i32
          %dma_wait3A_295 = arith.constant 0 : i32
          %dma_wait3A_296 = tpu.memref_slice %arg5[%add3A_294, %dma_wait3A_295] : memref<320000x64xf32, #tpu.memory_space<hbm>> -> memref<80x64xf32, #tpu.memory_space<hbm>>
          %dma_wait3A_297 = arith.constant 0 : i32
          %dma_wait3A_298 = tpu.memref_slice %arg5[%add3A_294, %dma_wait3A_297] : memref<320000x64xf32, #tpu.memory_space<hbm>> -> memref<80x64xf32, #tpu.memory_space<hbm>>
          tpu.wait_dma2 semaphore(%arg25 : memref<!tpu.dma_semaphore, #tpu.memory_space<semaphore_mem>>) src(%dma_wait3A_298 : memref<80x64xf32, #tpu.memory_space<hbm>>) dst(%arg17 : memref<80x64xf32, #tpu.memory_space<vmem>>)
          %ge3A_299 = arith.constant 1 : i32
          %ge3A_300 = arith.cmpi sge, %scan3A_235, %ge3A_299 : i32
          %convert_element_type3A_301 = arith.extui %ge3A_300 : i1 to i32
          %cond3A_302 = arith.constant 0 : i32
          %cond3A_303 = arith.cmpi ne, %convert_element_type3A_301, %cond3A_302 : i32
          scf.if %cond3A_303 {
            %dma_wait3A_323 = arith.constant 0 : i32
            %dma_wait3A_324 = arith.constant 0 : i32
            %dma_wait3A_325 = tpu.memref_slice %arg12[%dma_wait3A_323, %dma_wait3A_324] : memref<50x80xi32, #tpu.memory_space<vmem>> -> memref<1x80xi32, #tpu.memory_space<vmem>>
            %dma_wait3A_326 = tpu.memref_squeeze %dma_wait3A_325 : memref<1x80xi32, #tpu.memory_space<vmem>> -> memref<80xi32, #tpu.memory_space<vmem>>
            %dma_wait3A_327 = arith.constant 0 : i32
            %dma_wait3A_328 = arith.constant 0 : i32
            %dma_wait3A_329 = tpu.memref_slice %arg20[%dma_wait3A_327, %dma_wait3A_328] : memref<10240x64xf32, #tpu.memory_space<vmem_shared>> -> memref<10240x64xf32, #tpu.memory_space<vmem_shared>>
            tpu.wait_indirect_dma semaphore(%arg27 : memref<!tpu.dma_semaphore, #tpu.memory_space<semaphore_mem>>) src(%arg19 : memref<80x64xf32, #tpu.memory_space<vmem>>) dst(%dma_wait3A_329 : memref<10240x64xf32, #tpu.memory_space<vmem_shared>>)
          } else {
          }
          %scan3A_304 = arith.constant 0 : i32
          %scan3A_305 = arith.constant 0 : i32
          %scan3A_306 = arith.constant 80 : i32
          %scan3A_307 = arith.addi %scan3A_305, %scan3A_306 : i32
          %scan3A_308 = arith.constant 1 : i32
          scf.for %scan3A_323 = %scan3A_305 to %scan3A_307 step %scan3A_308  : i32 {
            %get3A = arith.index_cast %scan3A_323 : i32 to index
            %get3A_324 = arith.constant 0 : index
            %get3A_325 = tpu.vector_load %arg15[%get3A, %get3A_324] {strides = array<i32>} : memref<80x64xf32, #tpu.memory_space<vmem>>, vector<1x16xf32>,
            %get3A_326 = vector.shape_cast %get3A_325 : vector<1x16xf32> to vector<16xf32>
            %get3A_327 = arith.index_cast %scan3A_323 : i32 to index
            %get3A_328 = arith.constant 0 : index
            %get3A_329 = tpu.vector_load %arg17[%get3A_327, %get3A_328] {strides = array<i32>} : memref<80x64xf32, #tpu.memory_space<vmem>>, vector<1x16xf32>,
            %get3A_330 = vector.shape_cast %get3A_329 : vector<1x16xf32> to vector<16xf32>
            %mul3A_331 = arith.mulf %get3A_326, %get3A_330 : vector<16xf32>
            %swap3A = arith.index_cast %scan3A_323 : i32 to index
            %swap3A_332 = arith.constant 0 : index
            %swap3A_333 = tpu.vector_load %arg19[%swap3A, %swap3A_332] {strides = array<i32>} : memref<80x64xf32, #tpu.memory_space<vmem>>, vector<1x16xf32>,
            %swap3A_334 = vector.shape_cast %swap3A_333 : vector<1x16xf32> to vector<16xf32>
            %swap3A_335 = vector.shape_cast %mul3A_331 : vector<16xf32> to vector<1x16xf32>
            tpu.vector_store %arg19[%swap3A, %swap3A_332], %swap3A_335 {strides = array<i32>} : memref<80x64xf32, #tpu.memory_space<vmem>>, vector<1x16xf32>,
            %get3A_336 = arith.index_cast %scan3A_323 : i32 to index
            %get3A_337 = arith.constant 16 : index
            %get3A_338 = tpu.vector_load %arg15[%get3A_336, %get3A_337] {strides = array<i32>} : memref<80x64xf32, #tpu.memory_space<vmem>>, vector<1x16xf32>,
            %get3A_339 = vector.shape_cast %get3A_338 : vector<1x16xf32> to vector<16xf32>
            %get3A_340 = arith.index_cast %scan3A_323 : i32 to index
            %get3A_341 = arith.constant 16 : index
            %get3A_342 = tpu.vector_load %arg17[%get3A_340, %get3A_341] {strides = array<i32>} : memref<80x64xf32, #tpu.memory_space<vmem>>, vector<1x16xf32>,
            %get3A_343 = vector.shape_cast %get3A_342 : vector<1x16xf32> to vector<16xf32>
            %mul3A_344 = arith.mulf %get3A_339, %get3A_343 : vector<16xf32>
            %swap3A_345 = arith.index_cast %scan3A_323 : i32 to index
            %swap3A_346 = arith.constant 16 : index
            %swap3A_347 = tpu.vector_load %arg19[%swap3A_345, %swap3A_346] {strides = array<i32>} : memref<80x64xf32, #tpu.memory_space<vmem>>, vector<1x16xf32>,
            %swap3A_348 = vector.shape_cast %swap3A_347 : vector<1x16xf32> to vector<16xf32>
            %swap3A_349 = vector.shape_cast %mul3A_344 : vector<16xf32> to vector<1x16xf32>
            tpu.vector_store %arg19[%swap3A_345, %swap3A_346], %swap3A_349 {strides = array<i32>} : memref<80x64xf32, #tpu.memory_space<vmem>>, vector<1x16xf32>,
            %get3A_350 = arith.index_cast %scan3A_323 : i32 to index
            %get3A_351 = arith.constant 32 : index
            %get3A_352 = tpu.vector_load %arg15[%get3A_350, %get3A_351] {strides = array<i32>} : memref<80x64xf32, #tpu.memory_space<vmem>>, vector<1x16xf32>,
            %get3A_353 = vector.shape_cast %get3A_352 : vector<1x16xf32> to vector<16xf32>
            %get3A_354 = arith.index_cast %scan3A_323 : i32 to index
            %get3A_355 = arith.constant 32 : index
            %get3A_356 = tpu.vector_load %arg17[%get3A_354, %get3A_355] {strides = array<i32>} : memref<80x64xf32, #tpu.memory_space<vmem>>, vector<1x16xf32>,
            %get3A_357 = vector.shape_cast %get3A_356 : vector<1x16xf32> to vector<16xf32>
            %mul3A_358 = arith.mulf %get3A_353, %get3A_357 : vector<16xf32>
            %swap3A_359 = arith.index_cast %scan3A_323 : i32 to index
            %swap3A_360 = arith.constant 32 : index
            %swap3A_361 = tpu.vector_load %arg19[%swap3A_359, %swap3A_360] {strides = array<i32>} : memref<80x64xf32, #tpu.memory_space<vmem>>, vector<1x16xf32>,
            %swap3A_362 = vector.shape_cast %swap3A_361 : vector<1x16xf32> to vector<16xf32>
            %swap3A_363 = vector.shape_cast %mul3A_358 : vector<16xf32> to vector<1x16xf32>
            tpu.vector_store %arg19[%swap3A_359, %swap3A_360], %swap3A_363 {strides = array<i32>} : memref<80x64xf32, #tpu.memory_space<vmem>>, vector<1x16xf32>,
            %get3A_364 = arith.index_cast %scan3A_323 : i32 to index
            %get3A_365 = arith.constant 48 : index
            %get3A_366 = tpu.vector_load %arg15[%get3A_364, %get3A_365] {strides = array<i32>} : memref<80x64xf32, #tpu.memory_space<vmem>>, vector<1x16xf32>,
            %get3A_367 = vector.shape_cast %get3A_366 : vector<1x16xf32> to vector<16xf32>
            %get3A_368 = arith.index_cast %scan3A_323 : i32 to index
            %get3A_369 = arith.constant 48 : index
            %get3A_370 = tpu.vector_load %arg17[%get3A_368, %get3A_369] {strides = array<i32>} : memref<80x64xf32, #tpu.memory_space<vmem>>, vector<1x16xf32>,
            %get3A_371 = vector.shape_cast %get3A_370 : vector<1x16xf32> to vector<16xf32>
            %mul3A_372 = arith.mulf %get3A_367, %get3A_371 : vector<16xf32>
            %swap3A_373 = arith.index_cast %scan3A_323 : i32 to index
            %swap3A_374 = arith.constant 48 : index
            %swap3A_375 = tpu.vector_load %arg19[%swap3A_373, %swap3A_374] {strides = array<i32>} : memref<80x64xf32, #tpu.memory_space<vmem>>, vector<1x16xf32>,
            %swap3A_376 = vector.shape_cast %swap3A_375 : vector<1x16xf32> to vector<16xf32>
            %swap3A_377 = vector.shape_cast %mul3A_372 : vector<16xf32> to vector<1x16xf32>
            tpu.vector_store %arg19[%swap3A_373, %swap3A_374], %swap3A_377 {strides = array<i32>} : memref<80x64xf32, #tpu.memory_space<vmem>>, vector<1x16xf32>,
          }
          %scan3A_309 = arith.constant 80 : i32
          %dma_start3A_310 = arith.constant 0 : i32
          %dma_start3A_311 = tpu.memref_slice %arg12[%add3A_282, %dma_start3A_310] : memref<50x80xi32, #tpu.memory_space<vmem>> -> memref<1x80xi32, #tpu.memory_space<vmem>>
          %dma_start3A_312 = tpu.memref_squeeze %dma_start3A_311 : memref<1x80xi32, #tpu.memory_space<vmem>> -> memref<80xi32, #tpu.memory_space<vmem>>
          %dma_start3A_313 = arith.constant 0 : i32
          %dma_start3A_314 = arith.constant 0 : i32
          %dma_start3A_315 = tpu.memref_slice %arg20[%dma_start3A_313, %dma_start3A_314] : memref<10240x64xf32, #tpu.memory_space<vmem_shared>> -> memref<10240x64xf32, #tpu.memory_space<vmem_shared>>
          tpu.enqueue_indirect_dma source(%arg19 : memref<80x64xf32, #tpu.memory_space<vmem>>) target(%dma_start3A_315 : memref<10240x64xf32, #tpu.memory_space<vmem_shared>>) offsets(%dma_start3A_312 : memref<80xi32, #tpu.memory_space<vmem>>) semaphore(%arg27 : memref<!tpu.dma_semaphore, #tpu.memory_space<semaphore_mem>>) {add = true}
          %add3A_316 = arith.constant 2 : i32
          %add3A_317 = arith.addi %add3A_282, %add3A_316 : i32
          %lt3A_318 = arith.constant 50 : i32
          %lt3A_319 = arith.cmpi slt, %add3A_317, %lt3A_318 : i32
          %convert_element_type3A_320 = arith.extui %lt3A_319 : i1 to i32
          %cond3A_321 = arith.constant 0 : i32
          %cond3A_322 = arith.cmpi ne, %convert_element_type3A_320, %cond3A_321 : i32
          scf.if %cond3A_322 {
            %add3A_323 = arith.constant 2 : i32
            %add3A_324 = arith.addi %add3A_282, %add3A_323 : i32
            %add3A_325 = arith.constant 2 : i32
            %add3A_326 = arith.addi %add3A_285, %add3A_325 : i32
            %dma_start3A_327 = arith.constant 0 : i32
            %dma_start3A_328 = tpu.memref_slice %arg10[%add3A_324, %dma_start3A_327] : memref<50x80xi32, #tpu.memory_space<vmem>> -> memref<1x80xi32, #tpu.memory_space<vmem>>
            %dma_start3A_329 = tpu.memref_squeeze %dma_start3A_328 : memref<1x80xi32, #tpu.memory_space<vmem>> -> memref<80xi32, #tpu.memory_space<vmem>>
            %dma_start3A_330 = arith.constant 0 : i32
            %dma_start3A_331 = arith.constant 0 : i32
            %dma_start3A_332 = tpu.memref_slice %arg21[%dma_start3A_330, %dma_start3A_331] : memref<10240x64xf32, #tpu.memory_space<vmem_shared>> -> memref<10240x64xf32, #tpu.memory_space<vmem_shared>>
            tpu.enqueue_indirect_dma source(%dma_start3A_332 : memref<10240x64xf32, #tpu.memory_space<vmem_shared>>) target(%arg15 : memref<80x64xf32, #tpu.memory_space<vmem>>) offsets(%dma_start3A_329 : memref<80xi32, #tpu.memory_space<vmem>>) semaphore(%arg23 : memref<!tpu.dma_semaphore, #tpu.memory_space<semaphore_mem>>)
            %mul3A_333 = arith.constant 80 : i32
            %mul3A_334 = arith.muli %add3A_326, %mul3A_333 : i32
            %add3A_335 = arith.addi %mul3A_20, %mul3A_334 : i32
            %dma_start3A_336 = arith.constant 0 : i32
            %dma_start3A_337 = tpu.memref_slice %arg5[%add3A_335, %dma_start3A_336] : memref<320000x64xf32, #tpu.memory_space<hbm>> -> memref<80x64xf32, #tpu.memory_space<hbm>>
            %dma_start3A_338 = arith.constant 0 : i32
            %dma_start3A_339 = tpu.memref_slice %arg5[%add3A_335, %dma_start3A_338] : memref<320000x64xf32, #tpu.memory_space<hbm>> -> memref<80x64xf32, #tpu.memory_space<hbm>>
            tpu.enqueue_dma source(%dma_start3A_339 : memref<80x64xf32, #tpu.memory_space<hbm>>) target(%arg17 : memref<80x64xf32, #tpu.memory_space<vmem>>) target_semaphore(%arg25 : memref<!tpu.dma_semaphore, #tpu.memory_space<semaphore_mem>>)
          } else {
          }
        }
        %scan3A_176 = arith.constant 25 : i32
        %mul3A_177 = arith.constant 2 : i32
        %mul3A_178 = arith.muli %scan3A_118, %mul3A_177 : i32
        %add3A_179 = arith.constant 1 : i32
        %add3A_180 = arith.addi %mul3A_178, %add3A_179 : i32
        %gt3A_181 = arith.constant 0 : i32
        %gt3A_182 = arith.cmpi sgt, %add3A_180, %gt3A_181 : i32
        %convert_element_type3A_183 = arith.extui %gt3A_182 : i1 to i32
        %cond3A_184 = arith.constant 0 : i32
        %cond3A_185 = arith.cmpi ne, %convert_element_type3A_183, %cond3A_184 : i32
        scf.if %cond3A_185 {
          %dma_wait3A_235 = arith.constant 0 : i32
          %dma_wait3A_236 = arith.constant 0 : i32
          %dma_wait3A_237 = tpu.memref_slice %arg12[%dma_wait3A_235, %dma_wait3A_236] : memref<50x80xi32, #tpu.memory_space<vmem>> -> memref<1x80xi32, #tpu.memory_space<vmem>>
          %dma_wait3A_238 = tpu.memref_squeeze %dma_wait3A_237 : memref<1x80xi32, #tpu.memory_space<vmem>> -> memref<80xi32, #tpu.memory_space<vmem>>
          %dma_wait3A_239 = arith.constant 0 : i32
          %dma_wait3A_240 = arith.constant 0 : i32
          %dma_wait3A_241 = tpu.memref_slice %arg20[%dma_wait3A_239, %dma_wait3A_240] : memref<10240x64xf32, #tpu.memory_space<vmem_shared>> -> memref<10240x64xf32, #tpu.memory_space<vmem_shared>>
          tpu.wait_indirect_dma semaphore(%arg26 : memref<!tpu.dma_semaphore, #tpu.memory_space<semaphore_mem>>) src(%arg18 : memref<80x64xf32, #tpu.memory_space<vmem>>) dst(%dma_wait3A_241 : memref<10240x64xf32, #tpu.memory_space<vmem_shared>>)
          %dma_wait3A_242 = arith.constant 0 : i32
          %dma_wait3A_243 = arith.constant 0 : i32
          %dma_wait3A_244 = tpu.memref_slice %arg12[%dma_wait3A_242, %dma_wait3A_243] : memref<50x80xi32, #tpu.memory_space<vmem>> -> memref<1x80xi32, #tpu.memory_space<vmem>>
          %dma_wait3A_245 = tpu.memref_squeeze %dma_wait3A_244 : memref<1x80xi32, #tpu.memory_space<vmem>> -> memref<80xi32, #tpu.memory_space<vmem>>
          %dma_wait3A_246 = arith.constant 0 : i32
          %dma_wait3A_247 = arith.constant 0 : i32
          %dma_wait3A_248 = tpu.memref_slice %arg20[%dma_wait3A_246, %dma_wait3A_247] : memref<10240x64xf32, #tpu.memory_space<vmem_shared>> -> memref<10240x64xf32, #tpu.memory_space<vmem_shared>>
          tpu.wait_indirect_dma semaphore(%arg27 : memref<!tpu.dma_semaphore, #tpu.memory_space<semaphore_mem>>) src(%arg19 : memref<80x64xf32, #tpu.memory_space<vmem>>) dst(%dma_wait3A_248 : memref<10240x64xf32, #tpu.memory_space<vmem_shared>>)
          %dma_wait3A_249 = arith.constant 0 : i32
          %dma_wait3A_250 = arith.constant 0 : i32
          %dma_wait3A_251 = tpu.memref_slice %arg6[%arg1, %add3A_180, %dma_wait3A_249, %dma_wait3A_250] : memref<16x5x50x80xi32, #tpu.memory_space<hbm>> -> memref<1x1x50x80xi32, #tpu.memory_space<hbm>>
          %dma_wait3A_252 = tpu.memref_squeeze %dma_wait3A_251 : memref<1x1x50x80xi32, #tpu.memory_space<hbm>> -> memref<50x80xi32, #tpu.memory_space<hbm>>
          %dma_wait3A_253 = arith.constant 0 : i32
          %dma_wait3A_254 = arith.constant 0 : i32
          %dma_wait3A_255 = tpu.memref_slice %arg6[%arg1, %add3A_180, %dma_wait3A_253, %dma_wait3A_254] : memref<16x5x50x80xi32, #tpu.memory_space<hbm>> -> memref<1x1x50x80xi32, #tpu.memory_space<hbm>>
          %dma_wait3A_256 = tpu.memref_squeeze %dma_wait3A_255 : memref<1x1x50x80xi32, #tpu.memory_space<hbm>> -> memref<50x80xi32, #tpu.memory_space<hbm>>
          tpu.wait_dma2 semaphore(%arg28 : memref<!tpu.dma_semaphore, #tpu.memory_space<semaphore_mem>>) src(%dma_wait3A_256 : memref<50x80xi32, #tpu.memory_space<hbm>>) dst(%arg11 : memref<50x80xi32, #tpu.memory_space<vmem>>)
          %dma_wait3A_257 = arith.constant 0 : i32
          %dma_wait3A_258 = arith.constant 0 : i32
          %dma_wait3A_259 = tpu.memref_slice %arg7[%arg1, %add3A_180, %dma_wait3A_257, %dma_wait3A_258] : memref<16x5x50x80xi32, #tpu.memory_space<hbm>> -> memref<1x1x50x80xi32, #tpu.memory_space<hbm>>
          %dma_wait3A_260 = tpu.memref_squeeze %dma_wait3A_259 : memref<1x1x50x80xi32, #tpu.memory_space<hbm>> -> memref<50x80xi32, #tpu.memory_space<hbm>>
          %dma_wait3A_261 = arith.constant 0 : i32
          %dma_wait3A_262 = arith.constant 0 : i32
          %dma_wait3A_263 = tpu.memref_slice %arg7[%arg1, %add3A_180, %dma_wait3A_261, %dma_wait3A_262] : memref<16x5x50x80xi32, #tpu.memory_space<hbm>> -> memref<1x1x50x80xi32, #tpu.memory_space<hbm>>
          %dma_wait3A_264 = tpu.memref_squeeze %dma_wait3A_263 : memref<1x1x50x80xi32, #tpu.memory_space<hbm>> -> memref<50x80xi32, #tpu.memory_space<hbm>>
          tpu.wait_dma2 semaphore(%arg29 : memref<!tpu.dma_semaphore, #tpu.memory_space<semaphore_mem>>) src(%dma_wait3A_264 : memref<50x80xi32, #tpu.memory_space<hbm>>) dst(%arg13 : memref<50x80xi32, #tpu.memory_space<vmem>>)
        } else {
        }
        %add3A_186 = arith.constant 1 : i32
        %add3A_187 = arith.addi %add3A_180, %add3A_186 : i32
        %lt3A_188 = arith.constant 5 : i32
        %lt3A_189 = arith.cmpi slt, %add3A_187, %lt3A_188 : i32
        %convert_element_type3A_190 = arith.extui %lt3A_189 : i1 to i32
        %cond3A_191 = arith.constant 0 : i32
        %cond3A_192 = arith.cmpi ne, %convert_element_type3A_190, %cond3A_191 : i32
        scf.if %cond3A_192 {
          %add3A_235 = arith.constant 1 : i32
          %add3A_236 = arith.addi %add3A_180, %add3A_235 : i32
          %dma_start3A_237 = arith.constant 0 : i32
          %dma_start3A_238 = arith.constant 0 : i32
          %dma_start3A_239 = tpu.memref_slice %arg6[%arg1, %add3A_236, %dma_start3A_237, %dma_start3A_238] : memref<16x5x50x80xi32, #tpu.memory_space<hbm>> -> memref<1x1x50x80xi32, #tpu.memory_space<hbm>>
          %dma_start3A_240 = tpu.memref_squeeze %dma_start3A_239 : memref<1x1x50x80xi32, #tpu.memory_space<hbm>> -> memref<50x80xi32, #tpu.memory_space<hbm>>
          %dma_start3A_241 = arith.constant 0 : i32
          %dma_start3A_242 = arith.constant 0 : i32
          %dma_start3A_243 = tpu.memref_slice %arg6[%arg1, %add3A_236, %dma_start3A_241, %dma_start3A_242] : memref<16x5x50x80xi32, #tpu.memory_space<hbm>> -> memref<1x1x50x80xi32, #tpu.memory_space<hbm>>
          %dma_start3A_244 = tpu.memref_squeeze %dma_start3A_243 : memref<1x1x50x80xi32, #tpu.memory_space<hbm>> -> memref<50x80xi32, #tpu.memory_space<hbm>>
          tpu.enqueue_dma source(%dma_start3A_244 : memref<50x80xi32, #tpu.memory_space<hbm>>) target(%arg10 : memref<50x80xi32, #tpu.memory_space<vmem>>) target_semaphore(%arg28 : memref<!tpu.dma_semaphore, #tpu.memory_space<semaphore_mem>>)
          %add3A_245 = arith.constant 1 : i32
          %add3A_246 = arith.addi %add3A_180, %add3A_245 : i32
          %dma_start3A_247 = arith.constant 0 : i32
          %dma_start3A_248 = arith.constant 0 : i32
          %dma_start3A_249 = tpu.memref_slice %arg7[%arg1, %add3A_246, %dma_start3A_247, %dma_start3A_248] : memref<16x5x50x80xi32, #tpu.memory_space<hbm>> -> memref<1x1x50x80xi32, #tpu.memory_space<hbm>>
          %dma_start3A_250 = tpu.memref_squeeze %dma_start3A_249 : memref<1x1x50x80xi32, #tpu.memory_space<hbm>> -> memref<50x80xi32, #tpu.memory_space<hbm>>
          %dma_start3A_251 = arith.constant 0 : i32
          %dma_start3A_252 = arith.constant 0 : i32
          %dma_start3A_253 = tpu.memref_slice %arg7[%arg1, %add3A_246, %dma_start3A_251, %dma_start3A_252] : memref<16x5x50x80xi32, #tpu.memory_space<hbm>> -> memref<1x1x50x80xi32, #tpu.memory_space<hbm>>
          %dma_start3A_254 = tpu.memref_squeeze %dma_start3A_253 : memref<1x1x50x80xi32, #tpu.memory_space<hbm>> -> memref<50x80xi32, #tpu.memory_space<hbm>>
          tpu.enqueue_dma source(%dma_start3A_254 : memref<50x80xi32, #tpu.memory_space<hbm>>) target(%arg12 : memref<50x80xi32, #tpu.memory_space<vmem>>) target_semaphore(%arg29 : memref<!tpu.dma_semaphore, #tpu.memory_space<semaphore_mem>>)
        } else {
        }
        %mul3A_193 = arith.constant 50 : i32
        %mul3A_194 = arith.muli %add3A_180, %mul3A_193 : i32
        %add3A_195 = arith.constant 0 : i32
        %add3A_196 = arith.addi %mul3A_194, %add3A_195 : i32
        %dma_start3A_197 = arith.constant 0 : i32
        %dma_start3A_198 = arith.constant 0 : i32
        %dma_start3A_199 = tpu.memref_slice %arg11[%dma_start3A_197, %dma_start3A_198] : memref<50x80xi32, #tpu.memory_space<vmem>> -> memref<1x80xi32, #tpu.memory_space<vmem>>
        %dma_start3A_200 = tpu.memref_squeeze %dma_start3A_199 : memref<1x80xi32, #tpu.memory_space<vmem>> -> memref<80xi32, #tpu.memory_space<vmem>>
        %dma_start3A_201 = arith.constant 0 : i32
        %dma_start3A_202 = arith.constant 0 : i32
        %dma_start3A_203 = tpu.memref_slice %arg21[%dma_start3A_201, %dma_start3A_202] : memref<10240x64xf32, #tpu.memory_space<vmem_shared>> -> memref<10240x64xf32, #tpu.memory_space<vmem_shared>>
        tpu.enqueue_indirect_dma source(%dma_start3A_203 : memref<10240x64xf32, #tpu.memory_space<vmem_shared>>) target(%arg14 : memref<80x64xf32, #tpu.memory_space<vmem>>) offsets(%dma_start3A_200 : memref<80xi32, #tpu.memory_space<vmem>>) semaphore(%arg22 : memref<!tpu.dma_semaphore, #tpu.memory_space<semaphore_mem>>)
        %mul3A_204 = arith.constant 80 : i32
        %mul3A_205 = arith.muli %add3A_196, %mul3A_204 : i32
        %add3A_206 = arith.addi %mul3A_20, %mul3A_205 : i32
        %dma_start3A_207 = arith.constant 0 : i32
        %dma_start3A_208 = tpu.memref_slice %arg5[%add3A_206, %dma_start3A_207] : memref<320000x64xf32, #tpu.memory_space<hbm>> -> memref<80x64xf32, #tpu.memory_space<hbm>>
        %dma_start3A_209 = arith.constant 0 : i32
        %dma_start3A_210 = tpu.memref_slice %arg5[%add3A_206, %dma_start3A_209] : memref<320000x64xf32, #tpu.memory_space<hbm>> -> memref<80x64xf32, #tpu.memory_space<hbm>>
        tpu.enqueue_dma source(%dma_start3A_210 : memref<80x64xf32, #tpu.memory_space<hbm>>) target(%arg16 : memref<80x64xf32, #tpu.memory_space<vmem>>) target_semaphore(%arg24 : memref<!tpu.dma_semaphore, #tpu.memory_space<semaphore_mem>>)
        %mul3A_211 = arith.constant 50 : i32
        %mul3A_212 = arith.muli %add3A_180, %mul3A_211 : i32
        %add3A_213 = arith.constant 1 : i32
        %add3A_214 = arith.addi %mul3A_212, %add3A_213 : i32
        %dma_start3A_215 = arith.constant 1 : i32
        %dma_start3A_216 = arith.constant 0 : i32
        %dma_start3A_217 = tpu.memref_slice %arg11[%dma_start3A_215, %dma_start3A_216] : memref<50x80xi32, #tpu.memory_space<vmem>> -> memref<1x80xi32, #tpu.memory_space<vmem>>
        %dma_start3A_218 = tpu.memref_squeeze %dma_start3A_217 : memref<1x80xi32, #tpu.memory_space<vmem>> -> memref<80xi32, #tpu.memory_space<vmem>>
        %dma_start3A_219 = arith.constant 0 : i32
        %dma_start3A_220 = arith.constant 0 : i32
        %dma_start3A_221 = tpu.memref_slice %arg21[%dma_start3A_219, %dma_start3A_220] : memref<10240x64xf32, #tpu.memory_space<vmem_shared>> -> memref<10240x64xf32, #tpu.memory_space<vmem_shared>>
        tpu.enqueue_indirect_dma source(%dma_start3A_221 : memref<10240x64xf32, #tpu.memory_space<vmem_shared>>) target(%arg15 : memref<80x64xf32, #tpu.memory_space<vmem>>) offsets(%dma_start3A_218 : memref<80xi32, #tpu.memory_space<vmem>>) semaphore(%arg23 : memref<!tpu.dma_semaphore, #tpu.memory_space<semaphore_mem>>)
        %mul3A_222 = arith.constant 80 : i32
        %mul3A_223 = arith.muli %add3A_214, %mul3A_222 : i32
        %add3A_224 = arith.addi %mul3A_20, %mul3A_223 : i32
        %dma_start3A_225 = arith.constant 0 : i32
        %dma_start3A_226 = tpu.memref_slice %arg5[%add3A_224, %dma_start3A_225] : memref<320000x64xf32, #tpu.memory_space<hbm>> -> memref<80x64xf32, #tpu.memory_space<hbm>>
        %dma_start3A_227 = arith.constant 0 : i32
        %dma_start3A_228 = tpu.memref_slice %arg5[%add3A_224, %dma_start3A_227] : memref<320000x64xf32, #tpu.memory_space<hbm>> -> memref<80x64xf32, #tpu.memory_space<hbm>>
        tpu.enqueue_dma source(%dma_start3A_228 : memref<80x64xf32, #tpu.memory_space<hbm>>) target(%arg17 : memref<80x64xf32, #tpu.memory_space<vmem>>) target_semaphore(%arg25 : memref<!tpu.dma_semaphore, #tpu.memory_space<semaphore_mem>>)
        %scan3A_229 = arith.constant 0 : i32
        %scan3A_230 = arith.constant 0 : i32
        %scan3A_231 = arith.constant 25 : i32
        %scan3A_232 = arith.addi %scan3A_230, %scan3A_231 : i32
        %scan3A_233 = arith.constant 1 : i32
        scf.for %scan3A_235 = %scan3A_230 to %scan3A_232 step %scan3A_233  : i32 {
          %mul3A_236 = arith.constant 2 : i32
          %mul3A_237 = arith.muli %scan3A_235, %mul3A_236 : i32
          %add3A_238 = arith.constant 0 : i32
          %add3A_239 = arith.addi %mul3A_237, %add3A_238 : i32
          %mul3A_240 = arith.constant 50 : i32
          %mul3A_241 = arith.muli %add3A_180, %mul3A_240 : i32
          %add3A_242 = arith.addi %mul3A_241, %add3A_239 : i32
          %dma_wait3A_243 = arith.constant 0 : i32
          %dma_wait3A_244 = tpu.memref_slice %arg11[%add3A_239, %dma_wait3A_243] : memref<50x80xi32, #tpu.memory_space<vmem>> -> memref<1x80xi32, #tpu.memory_space<vmem>>
          %dma_wait3A_245 = tpu.memref_squeeze %dma_wait3A_244 : memref<1x80xi32, #tpu.memory_space<vmem>> -> memref<80xi32, #tpu.memory_space<vmem>>
          %dma_wait3A_246 = arith.constant 0 : i32
          %dma_wait3A_247 = arith.constant 0 : i32
          %dma_wait3A_248 = tpu.memref_slice %arg21[%dma_wait3A_246, %dma_wait3A_247] : memref<10240x64xf32, #tpu.memory_space<vmem_shared>> -> memref<10240x64xf32, #tpu.memory_space<vmem_shared>>
          tpu.wait_indirect_dma semaphore(%arg22 : memref<!tpu.dma_semaphore, #tpu.memory_space<semaphore_mem>>) src(%dma_wait3A_248 : memref<10240x64xf32, #tpu.memory_space<vmem_shared>>) dst(%arg14 : memref<80x64xf32, #tpu.memory_space<vmem>>)
          %mul3A_249 = arith.constant 80 : i32
          %mul3A_250 = arith.muli %add3A_242, %mul3A_249 : i32
          %add3A_251 = arith.addi %mul3A_20, %mul3A_250 : i32
          %dma_wait3A_252 = arith.constant 0 : i32
          %dma_wait3A_253 = tpu.memref_slice %arg5[%add3A_251, %dma_wait3A_252] : memref<320000x64xf32, #tpu.memory_space<hbm>> -> memref<80x64xf32, #tpu.memory_space<hbm>>
          %dma_wait3A_254 = arith.constant 0 : i32
          %dma_wait3A_255 = tpu.memref_slice %arg5[%add3A_251, %dma_wait3A_254] : memref<320000x64xf32, #tpu.memory_space<hbm>> -> memref<80x64xf32, #tpu.memory_space<hbm>>
          tpu.wait_dma2 semaphore(%arg24 : memref<!tpu.dma_semaphore, #tpu.memory_space<semaphore_mem>>) src(%dma_wait3A_255 : memref<80x64xf32, #tpu.memory_space<hbm>>) dst(%arg16 : memref<80x64xf32, #tpu.memory_space<vmem>>)
          %ge3A = arith.constant 1 : i32
          %ge3A_256 = arith.cmpi sge, %scan3A_235, %ge3A : i32
          %convert_element_type3A_257 = arith.extui %ge3A_256 : i1 to i32
          %cond3A_258 = arith.constant 0 : i32
          %cond3A_259 = arith.cmpi ne, %convert_element_type3A_257, %cond3A_258 : i32
          scf.if %cond3A_259 {
            %dma_wait3A_323 = arith.constant 0 : i32
            %dma_wait3A_324 = arith.constant 0 : i32
            %dma_wait3A_325 = tpu.memref_slice %arg12[%dma_wait3A_323, %dma_wait3A_324] : memref<50x80xi32, #tpu.memory_space<vmem>> -> memref<1x80xi32, #tpu.memory_space<vmem>>
            %dma_wait3A_326 = tpu.memref_squeeze %dma_wait3A_325 : memref<1x80xi32, #tpu.memory_space<vmem>> -> memref<80xi32, #tpu.memory_space<vmem>>
            %dma_wait3A_327 = arith.constant 0 : i32
            %dma_wait3A_328 = arith.constant 0 : i32
            %dma_wait3A_329 = tpu.memref_slice %arg20[%dma_wait3A_327, %dma_wait3A_328] : memref<10240x64xf32, #tpu.memory_space<vmem_shared>> -> memref<10240x64xf32, #tpu.memory_space<vmem_shared>>
            tpu.wait_indirect_dma semaphore(%arg26 : memref<!tpu.dma_semaphore, #tpu.memory_space<semaphore_mem>>) src(%arg18 : memref<80x64xf32, #tpu.memory_space<vmem>>) dst(%dma_wait3A_329 : memref<10240x64xf32, #tpu.memory_space<vmem_shared>>)
          } else {
          }
          %scan3A_260 = arith.constant 0 : i32
          %scan3A_261 = arith.constant 0 : i32
          %scan3A_262 = arith.constant 80 : i32
          %scan3A_263 = arith.addi %scan3A_261, %scan3A_262 : i32
          %scan3A_264 = arith.constant 1 : i32
          scf.for %scan3A_323 = %scan3A_261 to %scan3A_263 step %scan3A_264  : i32 {
            %get3A = arith.index_cast %scan3A_323 : i32 to index
            %get3A_324 = arith.constant 0 : index
            %get3A_325 = tpu.vector_load %arg14[%get3A, %get3A_324] {strides = array<i32>} : memref<80x64xf32, #tpu.memory_space<vmem>>, vector<1x16xf32>,
            %get3A_326 = vector.shape_cast %get3A_325 : vector<1x16xf32> to vector<16xf32>
            %get3A_327 = arith.index_cast %scan3A_323 : i32 to index
            %get3A_328 = arith.constant 0 : index
            %get3A_329 = tpu.vector_load %arg16[%get3A_327, %get3A_328] {strides = array<i32>} : memref<80x64xf32, #tpu.memory_space<vmem>>, vector<1x16xf32>,
            %get3A_330 = vector.shape_cast %get3A_329 : vector<1x16xf32> to vector<16xf32>
            %mul3A_331 = arith.mulf %get3A_326, %get3A_330 : vector<16xf32>
            %swap3A = arith.index_cast %scan3A_323 : i32 to index
            %swap3A_332 = arith.constant 0 : index
            %swap3A_333 = tpu.vector_load %arg18[%swap3A, %swap3A_332] {strides = array<i32>} : memref<80x64xf32, #tpu.memory_space<vmem>>, vector<1x16xf32>,
            %swap3A_334 = vector.shape_cast %swap3A_333 : vector<1x16xf32> to vector<16xf32>
            %swap3A_335 = vector.shape_cast %mul3A_331 : vector<16xf32> to vector<1x16xf32>
            tpu.vector_store %arg18[%swap3A, %swap3A_332], %swap3A_335 {strides = array<i32>} : memref<80x64xf32, #tpu.memory_space<vmem>>, vector<1x16xf32>,
            %get3A_336 = arith.index_cast %scan3A_323 : i32 to index
            %get3A_337 = arith.constant 16 : index
            %get3A_338 = tpu.vector_load %arg14[%get3A_336, %get3A_337] {strides = array<i32>} : memref<80x64xf32, #tpu.memory_space<vmem>>, vector<1x16xf32>,
            %get3A_339 = vector.shape_cast %get3A_338 : vector<1x16xf32> to vector<16xf32>
            %get3A_340 = arith.index_cast %scan3A_323 : i32 to index
            %get3A_341 = arith.constant 16 : index
            %get3A_342 = tpu.vector_load %arg16[%get3A_340, %get3A_341] {strides = array<i32>} : memref<80x64xf32, #tpu.memory_space<vmem>>, vector<1x16xf32>,
            %get3A_343 = vector.shape_cast %get3A_342 : vector<1x16xf32> to vector<16xf32>
            %mul3A_344 = arith.mulf %get3A_339, %get3A_343 : vector<16xf32>
            %swap3A_345 = arith.index_cast %scan3A_323 : i32 to index
            %swap3A_346 = arith.constant 16 : index
            %swap3A_347 = tpu.vector_load %arg18[%swap3A_345, %swap3A_346] {strides = array<i32>} : memref<80x64xf32, #tpu.memory_space<vmem>>, vector<1x16xf32>,
            %swap3A_348 = vector.shape_cast %swap3A_347 : vector<1x16xf32> to vector<16xf32>
            %swap3A_349 = vector.shape_cast %mul3A_344 : vector<16xf32> to vector<1x16xf32>
            tpu.vector_store %arg18[%swap3A_345, %swap3A_346], %swap3A_349 {strides = array<i32>} : memref<80x64xf32, #tpu.memory_space<vmem>>, vector<1x16xf32>,
            %get3A_350 = arith.index_cast %scan3A_323 : i32 to index
            %get3A_351 = arith.constant 32 : index
            %get3A_352 = tpu.vector_load %arg14[%get3A_350, %get3A_351] {strides = array<i32>} : memref<80x64xf32, #tpu.memory_space<vmem>>, vector<1x16xf32>,
            %get3A_353 = vector.shape_cast %get3A_352 : vector<1x16xf32> to vector<16xf32>
            %get3A_354 = arith.index_cast %scan3A_323 : i32 to index
            %get3A_355 = arith.constant 32 : index
            %get3A_356 = tpu.vector_load %arg16[%get3A_354, %get3A_355] {strides = array<i32>} : memref<80x64xf32, #tpu.memory_space<vmem>>, vector<1x16xf32>,
            %get3A_357 = vector.shape_cast %get3A_356 : vector<1x16xf32> to vector<16xf32>
            %mul3A_358 = arith.mulf %get3A_353, %get3A_357 : vector<16xf32>
            %swap3A_359 = arith.index_cast %scan3A_323 : i32 to index
            %swap3A_360 = arith.constant 32 : index
            %swap3A_361 = tpu.vector_load %arg18[%swap3A_359, %swap3A_360] {strides = array<i32>} : memref<80x64xf32, #tpu.memory_space<vmem>>, vector<1x16xf32>,
            %swap3A_362 = vector.shape_cast %swap3A_361 : vector<1x16xf32> to vector<16xf32>
            %swap3A_363 = vector.shape_cast %mul3A_358 : vector<16xf32> to vector<1x16xf32>
            tpu.vector_store %arg18[%swap3A_359, %swap3A_360], %swap3A_363 {strides = array<i32>} : memref<80x64xf32, #tpu.memory_space<vmem>>, vector<1x16xf32>,
            %get3A_364 = arith.index_cast %scan3A_323 : i32 to index
            %get3A_365 = arith.constant 48 : index
            %get3A_366 = tpu.vector_load %arg14[%get3A_364, %get3A_365] {strides = array<i32>} : memref<80x64xf32, #tpu.memory_space<vmem>>, vector<1x16xf32>,
            %get3A_367 = vector.shape_cast %get3A_366 : vector<1x16xf32> to vector<16xf32>
            %get3A_368 = arith.index_cast %scan3A_323 : i32 to index
            %get3A_369 = arith.constant 48 : index
            %get3A_370 = tpu.vector_load %arg16[%get3A_368, %get3A_369] {strides = array<i32>} : memref<80x64xf32, #tpu.memory_space<vmem>>, vector<1x16xf32>,
            %get3A_371 = vector.shape_cast %get3A_370 : vector<1x16xf32> to vector<16xf32>
            %mul3A_372 = arith.mulf %get3A_367, %get3A_371 : vector<16xf32>
            %swap3A_373 = arith.index_cast %scan3A_323 : i32 to index
            %swap3A_374 = arith.constant 48 : index
            %swap3A_375 = tpu.vector_load %arg18[%swap3A_373, %swap3A_374] {strides = array<i32>} : memref<80x64xf32, #tpu.memory_space<vmem>>, vector<1x16xf32>,
            %swap3A_376 = vector.shape_cast %swap3A_375 : vector<1x16xf32> to vector<16xf32>
            %swap3A_377 = vector.shape_cast %mul3A_372 : vector<16xf32> to vector<1x16xf32>
            tpu.vector_store %arg18[%swap3A_373, %swap3A_374], %swap3A_377 {strides = array<i32>} : memref<80x64xf32, #tpu.memory_space<vmem>>, vector<1x16xf32>,
          }
          %scan3A_265 = arith.constant 80 : i32
          %dma_start3A_266 = arith.constant 0 : i32
          %dma_start3A_267 = tpu.memref_slice %arg13[%add3A_239, %dma_start3A_266] : memref<50x80xi32, #tpu.memory_space<vmem>> -> memref<1x80xi32, #tpu.memory_space<vmem>>
          %dma_start3A_268 = tpu.memref_squeeze %dma_start3A_267 : memref<1x80xi32, #tpu.memory_space<vmem>> -> memref<80xi32, #tpu.memory_space<vmem>>
          %dma_start3A_269 = arith.constant 0 : i32
          %dma_start3A_270 = arith.constant 0 : i32
          %dma_start3A_271 = tpu.memref_slice %arg20[%dma_start3A_269, %dma_start3A_270] : memref<10240x64xf32, #tpu.memory_space<vmem_shared>> -> memref<10240x64xf32, #tpu.memory_space<vmem_shared>>
          tpu.enqueue_indirect_dma source(%arg18 : memref<80x64xf32, #tpu.memory_space<vmem>>) target(%dma_start3A_271 : memref<10240x64xf32, #tpu.memory_space<vmem_shared>>) offsets(%dma_start3A_268 : memref<80xi32, #tpu.memory_space<vmem>>) semaphore(%arg26 : memref<!tpu.dma_semaphore, #tpu.memory_space<semaphore_mem>>) {add = true}
          %add3A_272 = arith.constant 2 : i32
          %add3A_273 = arith.addi %add3A_239, %add3A_272 : i32
          %lt3A_274 = arith.constant 50 : i32
          %lt3A_275 = arith.cmpi slt, %add3A_273, %lt3A_274 : i32
          %convert_element_type3A_276 = arith.extui %lt3A_275 : i1 to i32
          %cond3A_277 = arith.constant 0 : i32
          %cond3A_278 = arith.cmpi ne, %convert_element_type3A_276, %cond3A_277 : i32
          scf.if %cond3A_278 {
            %add3A_323 = arith.constant 2 : i32
            %add3A_324 = arith.addi %add3A_239, %add3A_323 : i32
            %add3A_325 = arith.constant 2 : i32
            %add3A_326 = arith.addi %add3A_242, %add3A_325 : i32
            %dma_start3A_327 = arith.constant 0 : i32
            %dma_start3A_328 = tpu.memref_slice %arg11[%add3A_324, %dma_start3A_327] : memref<50x80xi32, #tpu.memory_space<vmem>> -> memref<1x80xi32, #tpu.memory_space<vmem>>
            %dma_start3A_329 = tpu.memref_squeeze %dma_start3A_328 : memref<1x80xi32, #tpu.memory_space<vmem>> -> memref<80xi32, #tpu.memory_space<vmem>>
            %dma_start3A_330 = arith.constant 0 : i32
            %dma_start3A_331 = arith.constant 0 : i32
            %dma_start3A_332 = tpu.memref_slice %arg21[%dma_start3A_330, %dma_start3A_331] : memref<10240x64xf32, #tpu.memory_space<vmem_shared>> -> memref<10240x64xf32, #tpu.memory_space<vmem_shared>>
            tpu.enqueue_indirect_dma source(%dma_start3A_332 : memref<10240x64xf32, #tpu.memory_space<vmem_shared>>) target(%arg14 : memref<80x64xf32, #tpu.memory_space<vmem>>) offsets(%dma_start3A_329 : memref<80xi32, #tpu.memory_space<vmem>>) semaphore(%arg22 : memref<!tpu.dma_semaphore, #tpu.memory_space<semaphore_mem>>)
            %mul3A_333 = arith.constant 80 : i32
            %mul3A_334 = arith.muli %add3A_326, %mul3A_333 : i32
            %add3A_335 = arith.addi %mul3A_20, %mul3A_334 : i32
            %dma_start3A_336 = arith.constant 0 : i32
            %dma_start3A_337 = tpu.memref_slice %arg5[%add3A_335, %dma_start3A_336] : memref<320000x64xf32, #tpu.memory_space<hbm>> -> memref<80x64xf32, #tpu.memory_space<hbm>>
            %dma_start3A_338 = arith.constant 0 : i32
            %dma_start3A_339 = tpu.memref_slice %arg5[%add3A_335, %dma_start3A_338] : memref<320000x64xf32, #tpu.memory_space<hbm>> -> memref<80x64xf32, #tpu.memory_space<hbm>>
            tpu.enqueue_dma source(%dma_start3A_339 : memref<80x64xf32, #tpu.memory_space<hbm>>) target(%arg16 : memref<80x64xf32, #tpu.memory_space<vmem>>) target_semaphore(%arg24 : memref<!tpu.dma_semaphore, #tpu.memory_space<semaphore_mem>>)
          } else {
          }
          %mul3A_279 = arith.constant 2 : i32
          %mul3A_280 = arith.muli %scan3A_235, %mul3A_279 : i32
          %add3A_281 = arith.constant 1 : i32
          %add3A_282 = arith.addi %mul3A_280, %add3A_281 : i32
          %mul3A_283 = arith.constant 50 : i32
          %mul3A_284 = arith.muli %add3A_180, %mul3A_283 : i32
          %add3A_285 = arith.addi %mul3A_284, %add3A_282 : i32
          %dma_wait3A_286 = arith.constant 0 : i32
          %dma_wait3A_287 = tpu.memref_slice %arg11[%add3A_282, %dma_wait3A_286] : memref<50x80xi32, #tpu.memory_space<vmem>> -> memref<1x80xi32, #tpu.memory_space<vmem>>
          %dma_wait3A_288 = tpu.memref_squeeze %dma_wait3A_287 : memref<1x80xi32, #tpu.memory_space<vmem>> -> memref<80xi32, #tpu.memory_space<vmem>>
          %dma_wait3A_289 = arith.constant 0 : i32
          %dma_wait3A_290 = arith.constant 0 : i32
          %dma_wait3A_291 = tpu.memref_slice %arg21[%dma_wait3A_289, %dma_wait3A_290] : memref<10240x64xf32, #tpu.memory_space<vmem_shared>> -> memref<10240x64xf32, #tpu.memory_space<vmem_shared>>
          tpu.wait_indirect_dma semaphore(%arg23 : memref<!tpu.dma_semaphore, #tpu.memory_space<semaphore_mem>>) src(%dma_wait3A_291 : memref<10240x64xf32, #tpu.memory_space<vmem_shared>>) dst(%arg15 : memref<80x64xf32, #tpu.memory_space<vmem>>)
          %mul3A_292 = arith.constant 80 : i32
          %mul3A_293 = arith.muli %add3A_285, %mul3A_292 : i32
          %add3A_294 = arith.addi %mul3A_20, %mul3A_293 : i32
          %dma_wait3A_295 = arith.constant 0 : i32
          %dma_wait3A_296 = tpu.memref_slice %arg5[%add3A_294, %dma_wait3A_295] : memref<320000x64xf32, #tpu.memory_space<hbm>> -> memref<80x64xf32, #tpu.memory_space<hbm>>
          %dma_wait3A_297 = arith.constant 0 : i32
          %dma_wait3A_298 = tpu.memref_slice %arg5[%add3A_294, %dma_wait3A_297] : memref<320000x64xf32, #tpu.memory_space<hbm>> -> memref<80x64xf32, #tpu.memory_space<hbm>>
          tpu.wait_dma2 semaphore(%arg25 : memref<!tpu.dma_semaphore, #tpu.memory_space<semaphore_mem>>) src(%dma_wait3A_298 : memref<80x64xf32, #tpu.memory_space<hbm>>) dst(%arg17 : memref<80x64xf32, #tpu.memory_space<vmem>>)
          %ge3A_299 = arith.constant 1 : i32
          %ge3A_300 = arith.cmpi sge, %scan3A_235, %ge3A_299 : i32
          %convert_element_type3A_301 = arith.extui %ge3A_300 : i1 to i32
          %cond3A_302 = arith.constant 0 : i32
          %cond3A_303 = arith.cmpi ne, %convert_element_type3A_301, %cond3A_302 : i32
          scf.if %cond3A_303 {
            %dma_wait3A_323 = arith.constant 0 : i32
            %dma_wait3A_324 = arith.constant 0 : i32
            %dma_wait3A_325 = tpu.memref_slice %arg12[%dma_wait3A_323, %dma_wait3A_324] : memref<50x80xi32, #tpu.memory_space<vmem>> -> memref<1x80xi32, #tpu.memory_space<vmem>>
            %dma_wait3A_326 = tpu.memref_squeeze %dma_wait3A_325 : memref<1x80xi32, #tpu.memory_space<vmem>> -> memref<80xi32, #tpu.memory_space<vmem>>
            %dma_wait3A_327 = arith.constant 0 : i32
            %dma_wait3A_328 = arith.constant 0 : i32
            %dma_wait3A_329 = tpu.memref_slice %arg20[%dma_wait3A_327, %dma_wait3A_328] : memref<10240x64xf32, #tpu.memory_space<vmem_shared>> -> memref<10240x64xf32, #tpu.memory_space<vmem_shared>>
            tpu.wait_indirect_dma semaphore(%arg27 : memref<!tpu.dma_semaphore, #tpu.memory_space<semaphore_mem>>) src(%arg19 : memref<80x64xf32, #tpu.memory_space<vmem>>) dst(%dma_wait3A_329 : memref<10240x64xf32, #tpu.memory_space<vmem_shared>>)
          } else {
          }
          %scan3A_304 = arith.constant 0 : i32
          %scan3A_305 = arith.constant 0 : i32
          %scan3A_306 = arith.constant 80 : i32
          %scan3A_307 = arith.addi %scan3A_305, %scan3A_306 : i32
          %scan3A_308 = arith.constant 1 : i32
          scf.for %scan3A_323 = %scan3A_305 to %scan3A_307 step %scan3A_308  : i32 {
            %get3A = arith.index_cast %scan3A_323 : i32 to index
            %get3A_324 = arith.constant 0 : index
            %get3A_325 = tpu.vector_load %arg15[%get3A, %get3A_324] {strides = array<i32>} : memref<80x64xf32, #tpu.memory_space<vmem>>, vector<1x16xf32>,
            %get3A_326 = vector.shape_cast %get3A_325 : vector<1x16xf32> to vector<16xf32>
            %get3A_327 = arith.index_cast %scan3A_323 : i32 to index
            %get3A_328 = arith.constant 0 : index
            %get3A_329 = tpu.vector_load %arg17[%get3A_327, %get3A_328] {strides = array<i32>} : memref<80x64xf32, #tpu.memory_space<vmem>>, vector<1x16xf32>,
            %get3A_330 = vector.shape_cast %get3A_329 : vector<1x16xf32> to vector<16xf32>
            %mul3A_331 = arith.mulf %get3A_326, %get3A_330 : vector<16xf32>
            %swap3A = arith.index_cast %scan3A_323 : i32 to index
            %swap3A_332 = arith.constant 0 : index
            %swap3A_333 = tpu.vector_load %arg19[%swap3A, %swap3A_332] {strides = array<i32>} : memref<80x64xf32, #tpu.memory_space<vmem>>, vector<1x16xf32>,
            %swap3A_334 = vector.shape_cast %swap3A_333 : vector<1x16xf32> to vector<16xf32>
            %swap3A_335 = vector.shape_cast %mul3A_331 : vector<16xf32> to vector<1x16xf32>
            tpu.vector_store %arg19[%swap3A, %swap3A_332], %swap3A_335 {strides = array<i32>} : memref<80x64xf32, #tpu.memory_space<vmem>>, vector<1x16xf32>,
            %get3A_336 = arith.index_cast %scan3A_323 : i32 to index
            %get3A_337 = arith.constant 16 : index
            %get3A_338 = tpu.vector_load %arg15[%get3A_336, %get3A_337] {strides = array<i32>} : memref<80x64xf32, #tpu.memory_space<vmem>>, vector<1x16xf32>,
            %get3A_339 = vector.shape_cast %get3A_338 : vector<1x16xf32> to vector<16xf32>
            %get3A_340 = arith.index_cast %scan3A_323 : i32 to index
            %get3A_341 = arith.constant 16 : index
            %get3A_342 = tpu.vector_load %arg17[%get3A_340, %get3A_341] {strides = array<i32>} : memref<80x64xf32, #tpu.memory_space<vmem>>, vector<1x16xf32>,
            %get3A_343 = vector.shape_cast %get3A_342 : vector<1x16xf32> to vector<16xf32>
            %mul3A_344 = arith.mulf %get3A_339, %get3A_343 : vector<16xf32>
            %swap3A_345 = arith.index_cast %scan3A_323 : i32 to index
            %swap3A_346 = arith.constant 16 : index
            %swap3A_347 = tpu.vector_load %arg19[%swap3A_345, %swap3A_346] {strides = array<i32>} : memref<80x64xf32, #tpu.memory_space<vmem>>, vector<1x16xf32>,
            %swap3A_348 = vector.shape_cast %swap3A_347 : vector<1x16xf32> to vector<16xf32>
            %swap3A_349 = vector.shape_cast %mul3A_344 : vector<16xf32> to vector<1x16xf32>
            tpu.vector_store %arg19[%swap3A_345, %swap3A_346], %swap3A_349 {strides = array<i32>} : memref<80x64xf32, #tpu.memory_space<vmem>>, vector<1x16xf32>,
            %get3A_350 = arith.index_cast %scan3A_323 : i32 to index
            %get3A_351 = arith.constant 32 : index
            %get3A_352 = tpu.vector_load %arg15[%get3A_350, %get3A_351] {strides = array<i32>} : memref<80x64xf32, #tpu.memory_space<vmem>>, vector<1x16xf32>,
            %get3A_353 = vector.shape_cast %get3A_352 : vector<1x16xf32> to vector<16xf32>
            %get3A_354 = arith.index_cast %scan3A_323 : i32 to index
            %get3A_355 = arith.constant 32 : index
            %get3A_356 = tpu.vector_load %arg17[%get3A_354, %get3A_355] {strides = array<i32>} : memref<80x64xf32, #tpu.memory_space<vmem>>, vector<1x16xf32>,
            %get3A_357 = vector.shape_cast %get3A_356 : vector<1x16xf32> to vector<16xf32>
            %mul3A_358 = arith.mulf %get3A_353, %get3A_357 : vector<16xf32>
            %swap3A_359 = arith.index_cast %scan3A_323 : i32 to index
            %swap3A_360 = arith.constant 32 : index
            %swap3A_361 = tpu.vector_load %arg19[%swap3A_359, %swap3A_360] {strides = array<i32>} : memref<80x64xf32, #tpu.memory_space<vmem>>, vector<1x16xf32>,
            %swap3A_362 = vector.shape_cast %swap3A_361 : vector<1x16xf32> to vector<16xf32>
            %swap3A_363 = vector.shape_cast %mul3A_358 : vector<16xf32> to vector<1x16xf32>
            tpu.vector_store %arg19[%swap3A_359, %swap3A_360], %swap3A_363 {strides = array<i32>} : memref<80x64xf32, #tpu.memory_space<vmem>>, vector<1x16xf32>,
            %get3A_364 = arith.index_cast %scan3A_323 : i32 to index
            %get3A_365 = arith.constant 48 : index
            %get3A_366 = tpu.vector_load %arg15[%get3A_364, %get3A_365] {strides = array<i32>} : memref<80x64xf32, #tpu.memory_space<vmem>>, vector<1x16xf32>,
            %get3A_367 = vector.shape_cast %get3A_366 : vector<1x16xf32> to vector<16xf32>
            %get3A_368 = arith.index_cast %scan3A_323 : i32 to index
            %get3A_369 = arith.constant 48 : index
            %get3A_370 = tpu.vector_load %arg17[%get3A_368, %get3A_369] {strides = array<i32>} : memref<80x64xf32, #tpu.memory_space<vmem>>, vector<1x16xf32>,
            %get3A_371 = vector.shape_cast %get3A_370 : vector<1x16xf32> to vector<16xf32>
            %mul3A_372 = arith.mulf %get3A_367, %get3A_371 : vector<16xf32>
            %swap3A_373 = arith.index_cast %scan3A_323 : i32 to index
            %swap3A_374 = arith.constant 48 : index
            %swap3A_375 = tpu.vector_load %arg19[%swap3A_373, %swap3A_374] {strides = array<i32>} : memref<80x64xf32, #tpu.memory_space<vmem>>, vector<1x16xf32>,
            %swap3A_376 = vector.shape_cast %swap3A_375 : vector<1x16xf32> to vector<16xf32>
            %swap3A_377 = vector.shape_cast %mul3A_372 : vector<16xf32> to vector<1x16xf32>
            tpu.vector_store %arg19[%swap3A_373, %swap3A_374], %swap3A_377 {strides = array<i32>} : memref<80x64xf32, #tpu.memory_space<vmem>>, vector<1x16xf32>,
          }
          %scan3A_309 = arith.constant 80 : i32
          %dma_start3A_310 = arith.constant 0 : i32
          %dma_start3A_311 = tpu.memref_slice %arg13[%add3A_282, %dma_start3A_310] : memref<50x80xi32, #tpu.memory_space<vmem>> -> memref<1x80xi32, #tpu.memory_space<vmem>>
          %dma_start3A_312 = tpu.memref_squeeze %dma_start3A_311 : memref<1x80xi32, #tpu.memory_space<vmem>> -> memref<80xi32, #tpu.memory_space<vmem>>
          %dma_start3A_313 = arith.constant 0 : i32
          %dma_start3A_314 = arith.constant 0 : i32
          %dma_start3A_315 = tpu.memref_slice %arg20[%dma_start3A_313, %dma_start3A_314] : memref<10240x64xf32, #tpu.memory_space<vmem_shared>> -> memref<10240x64xf32, #tpu.memory_space<vmem_shared>>
          tpu.enqueue_indirect_dma source(%arg19 : memref<80x64xf32, #tpu.memory_space<vmem>>) target(%dma_start3A_315 : memref<10240x64xf32, #tpu.memory_space<vmem_shared>>) offsets(%dma_start3A_312 : memref<80xi32, #tpu.memory_space<vmem>>) semaphore(%arg27 : memref<!tpu.dma_semaphore, #tpu.memory_space<semaphore_mem>>) {add = true}
          %add3A_316 = arith.constant 2 : i32
          %add3A_317 = arith.addi %add3A_282, %add3A_316 : i32
          %lt3A_318 = arith.constant 50 : i32
          %lt3A_319 = arith.cmpi slt, %add3A_317, %lt3A_318 : i32
          %convert_element_type3A_320 = arith.extui %lt3A_319 : i1 to i32
          %cond3A_321 = arith.constant 0 : i32
          %cond3A_322 = arith.cmpi ne, %convert_element_type3A_320, %cond3A_321 : i32
          scf.if %cond3A_322 {
            %add3A_323 = arith.constant 2 : i32
            %add3A_324 = arith.addi %add3A_282, %add3A_323 : i32
            %add3A_325 = arith.constant 2 : i32
            %add3A_326 = arith.addi %add3A_285, %add3A_325 : i32
            %dma_start3A_327 = arith.constant 0 : i32
            %dma_start3A_328 = tpu.memref_slice %arg11[%add3A_324, %dma_start3A_327] : memref<50x80xi32, #tpu.memory_space<vmem>> -> memref<1x80xi32, #tpu.memory_space<vmem>>
            %dma_start3A_329 = tpu.memref_squeeze %dma_start3A_328 : memref<1x80xi32, #tpu.memory_space<vmem>> -> memref<80xi32, #tpu.memory_space<vmem>>
            %dma_start3A_330 = arith.constant 0 : i32
            %dma_start3A_331 = arith.constant 0 : i32
            %dma_start3A_332 = tpu.memref_slice %arg21[%dma_start3A_330, %dma_start3A_331] : memref<10240x64xf32, #tpu.memory_space<vmem_shared>> -> memref<10240x64xf32, #tpu.memory_space<vmem_shared>>
            tpu.enqueue_indirect_dma source(%dma_start3A_332 : memref<10240x64xf32, #tpu.memory_space<vmem_shared>>) target(%arg15 : memref<80x64xf32, #tpu.memory_space<vmem>>) offsets(%dma_start3A_329 : memref<80xi32, #tpu.memory_space<vmem>>) semaphore(%arg23 : memref<!tpu.dma_semaphore, #tpu.memory_space<semaphore_mem>>)
            %mul3A_333 = arith.constant 80 : i32
            %mul3A_334 = arith.muli %add3A_326, %mul3A_333 : i32
            %add3A_335 = arith.addi %mul3A_20, %mul3A_334 : i32
            %dma_start3A_336 = arith.constant 0 : i32
            %dma_start3A_337 = tpu.memref_slice %arg5[%add3A_335, %dma_start3A_336] : memref<320000x64xf32, #tpu.memory_space<hbm>> -> memref<80x64xf32, #tpu.memory_space<hbm>>
            %dma_start3A_338 = arith.constant 0 : i32
            %dma_start3A_339 = tpu.memref_slice %arg5[%add3A_335, %dma_start3A_338] : memref<320000x64xf32, #tpu.memory_space<hbm>> -> memref<80x64xf32, #tpu.memory_space<hbm>>
            tpu.enqueue_dma source(%dma_start3A_339 : memref<80x64xf32, #tpu.memory_space<hbm>>) target(%arg17 : memref<80x64xf32, #tpu.memory_space<vmem>>) target_semaphore(%arg25 : memref<!tpu.dma_semaphore, #tpu.memory_space<semaphore_mem>>)
          } else {
          }
        }
        %scan3A_234 = arith.constant 25 : i32
      }
      %scan3A_47 = arith.constant 2 : i32
      %gt3A = arith.constant 4 : i32
      %gt3A_48 = arith.constant 0 : i32
      %gt3A_49 = arith.cmpi sgt, %gt3A, %gt3A_48 : i32
      %convert_element_type3A_50 = arith.extui %gt3A_49 : i1 to i32
      %cond3A_51 = arith.constant 4 : i32
      %cond3A_52 = arith.constant 0 : i32
      %cond3A_53 = arith.cmpi ne, %convert_element_type3A_50, %cond3A_52 : i32
      scf.if %cond3A_53 {
        %dma_wait3A_118 = arith.constant 0 : i32
        %dma_wait3A_119 = arith.constant 0 : i32
        %dma_wait3A_120 = tpu.memref_slice %arg12[%dma_wait3A_118, %dma_wait3A_119] : memref<50x80xi32, #tpu.memory_space<vmem>> -> memref<1x80xi32, #tpu.memory_space<vmem>>
        %dma_wait3A_121 = tpu.memref_squeeze %dma_wait3A_120 : memref<1x80xi32, #tpu.memory_space<vmem>> -> memref<80xi32, #tpu.memory_space<vmem>>
        %dma_wait3A_122 = arith.constant 0 : i32
        %dma_wait3A_123 = arith.constant 0 : i32
        %dma_wait3A_124 = tpu.memref_slice %arg20[%dma_wait3A_122, %dma_wait3A_123] : memref<10240x64xf32, #tpu.memory_space<vmem_shared>> -> memref<10240x64xf32, #tpu.memory_space<vmem_shared>>
        tpu.wait_indirect_dma semaphore(%arg26 : memref<!tpu.dma_semaphore, #tpu.memory_space<semaphore_mem>>) src(%arg18 : memref<80x64xf32, #tpu.memory_space<vmem>>) dst(%dma_wait3A_124 : memref<10240x64xf32, #tpu.memory_space<vmem_shared>>)
        %dma_wait3A_125 = arith.constant 0 : i32
        %dma_wait3A_126 = arith.constant 0 : i32
        %dma_wait3A_127 = tpu.memref_slice %arg12[%dma_wait3A_125, %dma_wait3A_126] : memref<50x80xi32, #tpu.memory_space<vmem>> -> memref<1x80xi32, #tpu.memory_space<vmem>>
        %dma_wait3A_128 = tpu.memref_squeeze %dma_wait3A_127 : memref<1x80xi32, #tpu.memory_space<vmem>> -> memref<80xi32, #tpu.memory_space<vmem>>
        %dma_wait3A_129 = arith.constant 0 : i32
        %dma_wait3A_130 = arith.constant 0 : i32
        %dma_wait3A_131 = tpu.memref_slice %arg20[%dma_wait3A_129, %dma_wait3A_130] : memref<10240x64xf32, #tpu.memory_space<vmem_shared>> -> memref<10240x64xf32, #tpu.memory_space<vmem_shared>>
        tpu.wait_indirect_dma semaphore(%arg27 : memref<!tpu.dma_semaphore, #tpu.memory_space<semaphore_mem>>) src(%arg19 : memref<80x64xf32, #tpu.memory_space<vmem>>) dst(%dma_wait3A_131 : memref<10240x64xf32, #tpu.memory_space<vmem_shared>>)
        %dma_wait3A_132 = arith.constant 0 : i32
        %dma_wait3A_133 = arith.constant 0 : i32
        %dma_wait3A_134 = tpu.memref_slice %arg6[%arg1, %cond3A_51, %dma_wait3A_132, %dma_wait3A_133] : memref<16x5x50x80xi32, #tpu.memory_space<hbm>> -> memref<1x1x50x80xi32, #tpu.memory_space<hbm>>
        %dma_wait3A_135 = tpu.memref_squeeze %dma_wait3A_134 : memref<1x1x50x80xi32, #tpu.memory_space<hbm>> -> memref<50x80xi32, #tpu.memory_space<hbm>>
        %dma_wait3A_136 = arith.constant 0 : i32
        %dma_wait3A_137 = arith.constant 0 : i32
        %dma_wait3A_138 = tpu.memref_slice %arg6[%arg1, %cond3A_51, %dma_wait3A_136, %dma_wait3A_137] : memref<16x5x50x80xi32, #tpu.memory_space<hbm>> -> memref<1x1x50x80xi32, #tpu.memory_space<hbm>>
        %dma_wait3A_139 = tpu.memref_squeeze %dma_wait3A_138 : memref<1x1x50x80xi32, #tpu.memory_space<hbm>> -> memref<50x80xi32, #tpu.memory_space<hbm>>
        tpu.wait_dma2 semaphore(%arg28 : memref<!tpu.dma_semaphore, #tpu.memory_space<semaphore_mem>>) src(%dma_wait3A_139 : memref<50x80xi32, #tpu.memory_space<hbm>>) dst(%arg10 : memref<50x80xi32, #tpu.memory_space<vmem>>)
        %dma_wait3A_140 = arith.constant 0 : i32
        %dma_wait3A_141 = arith.constant 0 : i32
        %dma_wait3A_142 = tpu.memref_slice %arg7[%arg1, %cond3A_51, %dma_wait3A_140, %dma_wait3A_141] : memref<16x5x50x80xi32, #tpu.memory_space<hbm>> -> memref<1x1x50x80xi32, #tpu.memory_space<hbm>>
        %dma_wait3A_143 = tpu.memref_squeeze %dma_wait3A_142 : memref<1x1x50x80xi32, #tpu.memory_space<hbm>> -> memref<50x80xi32, #tpu.memory_space<hbm>>
        %dma_wait3A_144 = arith.constant 0 : i32
        %dma_wait3A_145 = arith.constant 0 : i32
        %dma_wait3A_146 = tpu.memref_slice %arg7[%arg1, %cond3A_51, %dma_wait3A_144, %dma_wait3A_145] : memref<16x5x50x80xi32, #tpu.memory_space<hbm>> -> memref<1x1x50x80xi32, #tpu.memory_space<hbm>>
        %dma_wait3A_147 = tpu.memref_squeeze %dma_wait3A_146 : memref<1x1x50x80xi32, #tpu.memory_space<hbm>> -> memref<50x80xi32, #tpu.memory_space<hbm>>
        tpu.wait_dma2 semaphore(%arg29 : memref<!tpu.dma_semaphore, #tpu.memory_space<semaphore_mem>>) src(%dma_wait3A_147 : memref<50x80xi32, #tpu.memory_space<hbm>>) dst(%arg12 : memref<50x80xi32, #tpu.memory_space<vmem>>)
      } else {
      }
      %add3A = arith.constant 4 : i32
      %add3A_54 = arith.constant 1 : i32
      %add3A_55 = arith.addi %add3A, %add3A_54 : i32
      %lt3A = arith.constant 5 : i32
      %lt3A_56 = arith.cmpi slt, %add3A_55, %lt3A : i32
      %convert_element_type3A_57 = arith.extui %lt3A_56 : i1 to i32
      %cond3A_58 = arith.constant 4 : i32
      %cond3A_59 = arith.constant 0 : i32
      %cond3A_60 = arith.cmpi ne, %convert_element_type3A_57, %cond3A_59 : i32
      scf.if %cond3A_60 {
        %add3A_118 = arith.constant 1 : i32
        %add3A_119 = arith.addi %cond3A_58, %add3A_118 : i32
        %dma_start3A_120 = arith.constant 0 : i32
        %dma_start3A_121 = arith.constant 0 : i32
        %dma_start3A_122 = tpu.memref_slice %arg6[%arg1, %add3A_119, %dma_start3A_120, %dma_start3A_121] : memref<16x5x50x80xi32, #tpu.memory_space<hbm>> -> memref<1x1x50x80xi32, #tpu.memory_space<hbm>>
        %dma_start3A_123 = tpu.memref_squeeze %dma_start3A_122 : memref<1x1x50x80xi32, #tpu.memory_space<hbm>> -> memref<50x80xi32, #tpu.memory_space<hbm>>
        %dma_start3A_124 = arith.constant 0 : i32
        %dma_start3A_125 = arith.constant 0 : i32
        %dma_start3A_126 = tpu.memref_slice %arg6[%arg1, %add3A_119, %dma_start3A_124, %dma_start3A_125] : memref<16x5x50x80xi32, #tpu.memory_space<hbm>> -> memref<1x1x50x80xi32, #tpu.memory_space<hbm>>
        %dma_start3A_127 = tpu.memref_squeeze %dma_start3A_126 : memref<1x1x50x80xi32, #tpu.memory_space<hbm>> -> memref<50x80xi32, #tpu.memory_space<hbm>>
        tpu.enqueue_dma source(%dma_start3A_127 : memref<50x80xi32, #tpu.memory_space<hbm>>) target(%arg11 : memref<50x80xi32, #tpu.memory_space<vmem>>) target_semaphore(%arg28 : memref<!tpu.dma_semaphore, #tpu.memory_space<semaphore_mem>>)
        %add3A_128 = arith.constant 1 : i32
        %add3A_129 = arith.addi %cond3A_58, %add3A_128 : i32
        %dma_start3A_130 = arith.constant 0 : i32
        %dma_start3A_131 = arith.constant 0 : i32
        %dma_start3A_132 = tpu.memref_slice %arg7[%arg1, %add3A_129, %dma_start3A_130, %dma_start3A_131] : memref<16x5x50x80xi32, #tpu.memory_space<hbm>> -> memref<1x1x50x80xi32, #tpu.memory_space<hbm>>
        %dma_start3A_133 = tpu.memref_squeeze %dma_start3A_132 : memref<1x1x50x80xi32, #tpu.memory_space<hbm>> -> memref<50x80xi32, #tpu.memory_space<hbm>>
        %dma_start3A_134 = arith.constant 0 : i32
        %dma_start3A_135 = arith.constant 0 : i32
        %dma_start3A_136 = tpu.memref_slice %arg7[%arg1, %add3A_129, %dma_start3A_134, %dma_start3A_135] : memref<16x5x50x80xi32, #tpu.memory_space<hbm>> -> memref<1x1x50x80xi32, #tpu.memory_space<hbm>>
        %dma_start3A_137 = tpu.memref_squeeze %dma_start3A_136 : memref<1x1x50x80xi32, #tpu.memory_space<hbm>> -> memref<50x80xi32, #tpu.memory_space<hbm>>
        tpu.enqueue_dma source(%dma_start3A_137 : memref<50x80xi32, #tpu.memory_space<hbm>>) target(%arg13 : memref<50x80xi32, #tpu.memory_space<vmem>>) target_semaphore(%arg29 : memref<!tpu.dma_semaphore, #tpu.memory_space<semaphore_mem>>)
      } else {
      }
      %mul3A_61 = arith.constant 4 : i32
      %mul3A_62 = arith.constant 50 : i32
      %mul3A_63 = arith.muli %mul3A_61, %mul3A_62 : i32
      %add3A_64 = arith.constant 0 : i32
      %add3A_65 = arith.addi %mul3A_63, %add3A_64 : i32
      %dma_start3A = arith.constant 0 : i32
      %dma_start3A_66 = arith.constant 0 : i32
      %dma_start3A_67 = tpu.memref_slice %arg10[%dma_start3A, %dma_start3A_66] : memref<50x80xi32, #tpu.memory_space<vmem>> -> memref<1x80xi32, #tpu.memory_space<vmem>>
      %dma_start3A_68 = tpu.memref_squeeze %dma_start3A_67 : memref<1x80xi32, #tpu.memory_space<vmem>> -> memref<80xi32, #tpu.memory_space<vmem>>
      %dma_start3A_69 = arith.constant 0 : i32
      %dma_start3A_70 = arith.constant 0 : i32
      %dma_start3A_71 = tpu.memref_slice %arg21[%dma_start3A_69, %dma_start3A_70] : memref<10240x64xf32, #tpu.memory_space<vmem_shared>> -> memref<10240x64xf32, #tpu.memory_space<vmem_shared>>
      tpu.enqueue_indirect_dma source(%dma_start3A_71 : memref<10240x64xf32, #tpu.memory_space<vmem_shared>>) target(%arg14 : memref<80x64xf32, #tpu.memory_space<vmem>>) offsets(%dma_start3A_68 : memref<80xi32, #tpu.memory_space<vmem>>) semaphore(%arg22 : memref<!tpu.dma_semaphore, #tpu.memory_space<semaphore_mem>>)
      %mul3A_72 = arith.constant 80 : i32
      %mul3A_73 = arith.muli %add3A_65, %mul3A_72 : i32
      %add3A_74 = arith.addi %mul3A_20, %mul3A_73 : i32
      %dma_start3A_75 = arith.constant 0 : i32
      %dma_start3A_76 = tpu.memref_slice %arg5[%add3A_74, %dma_start3A_75] : memref<320000x64xf32, #tpu.memory_space<hbm>> -> memref<80x64xf32, #tpu.memory_space<hbm>>
      %dma_start3A_77 = arith.constant 0 : i32
      %dma_start3A_78 = tpu.memref_slice %arg5[%add3A_74, %dma_start3A_77] : memref<320000x64xf32, #tpu.memory_space<hbm>> -> memref<80x64xf32, #tpu.memory_space<hbm>>
      tpu.enqueue_dma source(%dma_start3A_78 : memref<80x64xf32, #tpu.memory_space<hbm>>) target(%arg16 : memref<80x64xf32, #tpu.memory_space<vmem>>) target_semaphore(%arg24 : memref<!tpu.dma_semaphore, #tpu.memory_space<semaphore_mem>>)
      %mul3A_79 = arith.constant 4 : i32
      %mul3A_80 = arith.constant 50 : i32
      %mul3A_81 = arith.muli %mul3A_79, %mul3A_80 : i32
      %add3A_82 = arith.constant 1 : i32
      %add3A_83 = arith.addi %mul3A_81, %add3A_82 : i32
      %dma_start3A_84 = arith.constant 1 : i32
      %dma_start3A_85 = arith.constant 0 : i32
      %dma_start3A_86 = tpu.memref_slice %arg10[%dma_start3A_84, %dma_start3A_85] : memref<50x80xi32, #tpu.memory_space<vmem>> -> memref<1x80xi32, #tpu.memory_space<vmem>>
      %dma_start3A_87 = tpu.memref_squeeze %dma_start3A_86 : memref<1x80xi32, #tpu.memory_space<vmem>> -> memref<80xi32, #tpu.memory_space<vmem>>
      %dma_start3A_88 = arith.constant 0 : i32
      %dma_start3A_89 = arith.constant 0 : i32
      %dma_start3A_90 = tpu.memref_slice %arg21[%dma_start3A_88, %dma_start3A_89] : memref<10240x64xf32, #tpu.memory_space<vmem_shared>> -> memref<10240x64xf32, #tpu.memory_space<vmem_shared>>
      tpu.enqueue_indirect_dma source(%dma_start3A_90 : memref<10240x64xf32, #tpu.memory_space<vmem_shared>>) target(%arg15 : memref<80x64xf32, #tpu.memory_space<vmem>>) offsets(%dma_start3A_87 : memref<80xi32, #tpu.memory_space<vmem>>) semaphore(%arg23 : memref<!tpu.dma_semaphore, #tpu.memory_space<semaphore_mem>>)
      %mul3A_91 = arith.constant 80 : i32
      %mul3A_92 = arith.muli %add3A_83, %mul3A_91 : i32
      %add3A_93 = arith.addi %mul3A_20, %mul3A_92 : i32
      %dma_start3A_94 = arith.constant 0 : i32
      %dma_start3A_95 = tpu.memref_slice %arg5[%add3A_93, %dma_start3A_94] : memref<320000x64xf32, #tpu.memory_space<hbm>> -> memref<80x64xf32, #tpu.memory_space<hbm>>
      %dma_start3A_96 = arith.constant 0 : i32
      %dma_start3A_97 = tpu.memref_slice %arg5[%add3A_93, %dma_start3A_96] : memref<320000x64xf32, #tpu.memory_space<hbm>> -> memref<80x64xf32, #tpu.memory_space<hbm>>
      tpu.enqueue_dma source(%dma_start3A_97 : memref<80x64xf32, #tpu.memory_space<hbm>>) target(%arg17 : memref<80x64xf32, #tpu.memory_space<vmem>>) target_semaphore(%arg25 : memref<!tpu.dma_semaphore, #tpu.memory_space<semaphore_mem>>)
      %scan3A_98 = arith.constant 0 : i32
      %scan3A_99 = arith.constant 4 : i32
      %scan3A_100 = arith.constant 0 : i32
      %scan3A_101 = arith.constant 25 : i32
      %scan3A_102 = arith.addi %scan3A_100, %scan3A_101 : i32
      %scan3A_103 = arith.constant 1 : i32
      scf.for %scan3A_118 = %scan3A_100 to %scan3A_102 step %scan3A_103  : i32 {
        %mul3A_119 = arith.constant 2 : i32
        %mul3A_120 = arith.muli %scan3A_118, %mul3A_119 : i32
        %add3A_121 = arith.constant 0 : i32
        %add3A_122 = arith.addi %mul3A_120, %add3A_121 : i32
        %mul3A_123 = arith.constant 50 : i32
        %mul3A_124 = arith.muli %scan3A_99, %mul3A_123 : i32
        %add3A_125 = arith.addi %mul3A_124, %add3A_122 : i32
        %dma_wait3A_126 = arith.constant 0 : i32
        %dma_wait3A_127 = tpu.memref_slice %arg10[%add3A_122, %dma_wait3A_126] : memref<50x80xi32, #tpu.memory_space<vmem>> -> memref<1x80xi32, #tpu.memory_space<vmem>>
        %dma_wait3A_128 = tpu.memref_squeeze %dma_wait3A_127 : memref<1x80xi32, #tpu.memory_space<vmem>> -> memref<80xi32, #tpu.memory_space<vmem>>
        %dma_wait3A_129 = arith.constant 0 : i32
        %dma_wait3A_130 = arith.constant 0 : i32
        %dma_wait3A_131 = tpu.memref_slice %arg21[%dma_wait3A_129, %dma_wait3A_130] : memref<10240x64xf32, #tpu.memory_space<vmem_shared>> -> memref<10240x64xf32, #tpu.memory_space<vmem_shared>>
        tpu.wait_indirect_dma semaphore(%arg22 : memref<!tpu.dma_semaphore, #tpu.memory_space<semaphore_mem>>) src(%dma_wait3A_131 : memref<10240x64xf32, #tpu.memory_space<vmem_shared>>) dst(%arg14 : memref<80x64xf32, #tpu.memory_space<vmem>>)
        %mul3A_132 = arith.constant 80 : i32
        %mul3A_133 = arith.muli %add3A_125, %mul3A_132 : i32
        %add3A_134 = arith.addi %mul3A_20, %mul3A_133 : i32
        %dma_wait3A_135 = arith.constant 0 : i32
        %dma_wait3A_136 = tpu.memref_slice %arg5[%add3A_134, %dma_wait3A_135] : memref<320000x64xf32, #tpu.memory_space<hbm>> -> memref<80x64xf32, #tpu.memory_space<hbm>>
        %dma_wait3A_137 = arith.constant 0 : i32
        %dma_wait3A_138 = tpu.memref_slice %arg5[%add3A_134, %dma_wait3A_137] : memref<320000x64xf32, #tpu.memory_space<hbm>> -> memref<80x64xf32, #tpu.memory_space<hbm>>
        tpu.wait_dma2 semaphore(%arg24 : memref<!tpu.dma_semaphore, #tpu.memory_space<semaphore_mem>>) src(%dma_wait3A_138 : memref<80x64xf32, #tpu.memory_space<hbm>>) dst(%arg16 : memref<80x64xf32, #tpu.memory_space<vmem>>)
        %ge3A = arith.constant 1 : i32
        %ge3A_139 = arith.cmpi sge, %scan3A_118, %ge3A : i32
        %convert_element_type3A_140 = arith.extui %ge3A_139 : i1 to i32
        %cond3A_141 = arith.constant 0 : i32
        %cond3A_142 = arith.cmpi ne, %convert_element_type3A_140, %cond3A_141 : i32
        scf.if %cond3A_142 {
          %dma_wait3A_206 = arith.constant 0 : i32
          %dma_wait3A_207 = arith.constant 0 : i32
          %dma_wait3A_208 = tpu.memref_slice %arg12[%dma_wait3A_206, %dma_wait3A_207] : memref<50x80xi32, #tpu.memory_space<vmem>> -> memref<1x80xi32, #tpu.memory_space<vmem>>
          %dma_wait3A_209 = tpu.memref_squeeze %dma_wait3A_208 : memref<1x80xi32, #tpu.memory_space<vmem>> -> memref<80xi32, #tpu.memory_space<vmem>>
          %dma_wait3A_210 = arith.constant 0 : i32
          %dma_wait3A_211 = arith.constant 0 : i32
          %dma_wait3A_212 = tpu.memref_slice %arg20[%dma_wait3A_210, %dma_wait3A_211] : memref<10240x64xf32, #tpu.memory_space<vmem_shared>> -> memref<10240x64xf32, #tpu.memory_space<vmem_shared>>
          tpu.wait_indirect_dma semaphore(%arg26 : memref<!tpu.dma_semaphore, #tpu.memory_space<semaphore_mem>>) src(%arg18 : memref<80x64xf32, #tpu.memory_space<vmem>>) dst(%dma_wait3A_212 : memref<10240x64xf32, #tpu.memory_space<vmem_shared>>)
        } else {
        }
        %scan3A_143 = arith.constant 0 : i32
        %scan3A_144 = arith.constant 0 : i32
        %scan3A_145 = arith.constant 80 : i32
        %scan3A_146 = arith.addi %scan3A_144, %scan3A_145 : i32
        %scan3A_147 = arith.constant 1 : i32
        scf.for %scan3A_206 = %scan3A_144 to %scan3A_146 step %scan3A_147  : i32 {
          %get3A = arith.index_cast %scan3A_206 : i32 to index
          %get3A_207 = arith.constant 0 : index
          %get3A_208 = tpu.vector_load %arg14[%get3A, %get3A_207] {strides = array<i32>} : memref<80x64xf32, #tpu.memory_space<vmem>>, vector<1x16xf32>,
          %get3A_209 = vector.shape_cast %get3A_208 : vector<1x16xf32> to vector<16xf32>
          %get3A_210 = arith.index_cast %scan3A_206 : i32 to index
          %get3A_211 = arith.constant 0 : index
          %get3A_212 = tpu.vector_load %arg16[%get3A_210, %get3A_211] {strides = array<i32>} : memref<80x64xf32, #tpu.memory_space<vmem>>, vector<1x16xf32>,
          %get3A_213 = vector.shape_cast %get3A_212 : vector<1x16xf32> to vector<16xf32>
          %mul3A_214 = arith.mulf %get3A_209, %get3A_213 : vector<16xf32>
          %swap3A = arith.index_cast %scan3A_206 : i32 to index
          %swap3A_215 = arith.constant 0 : index
          %swap3A_216 = tpu.vector_load %arg18[%swap3A, %swap3A_215] {strides = array<i32>} : memref<80x64xf32, #tpu.memory_space<vmem>>, vector<1x16xf32>,
          %swap3A_217 = vector.shape_cast %swap3A_216 : vector<1x16xf32> to vector<16xf32>
          %swap3A_218 = vector.shape_cast %mul3A_214 : vector<16xf32> to vector<1x16xf32>
          tpu.vector_store %arg18[%swap3A, %swap3A_215], %swap3A_218 {strides = array<i32>} : memref<80x64xf32, #tpu.memory_space<vmem>>, vector<1x16xf32>,
          %get3A_219 = arith.index_cast %scan3A_206 : i32 to index
          %get3A_220 = arith.constant 16 : index
          %get3A_221 = tpu.vector_load %arg14[%get3A_219, %get3A_220] {strides = array<i32>} : memref<80x64xf32, #tpu.memory_space<vmem>>, vector<1x16xf32>,
          %get3A_222 = vector.shape_cast %get3A_221 : vector<1x16xf32> to vector<16xf32>
          %get3A_223 = arith.index_cast %scan3A_206 : i32 to index
          %get3A_224 = arith.constant 16 : index
          %get3A_225 = tpu.vector_load %arg16[%get3A_223, %get3A_224] {strides = array<i32>} : memref<80x64xf32, #tpu.memory_space<vmem>>, vector<1x16xf32>,
          %get3A_226 = vector.shape_cast %get3A_225 : vector<1x16xf32> to vector<16xf32>
          %mul3A_227 = arith.mulf %get3A_222, %get3A_226 : vector<16xf32>
          %swap3A_228 = arith.index_cast %scan3A_206 : i32 to index
          %swap3A_229 = arith.constant 16 : index
          %swap3A_230 = tpu.vector_load %arg18[%swap3A_228, %swap3A_229] {strides = array<i32>} : memref<80x64xf32, #tpu.memory_space<vmem>>, vector<1x16xf32>,
          %swap3A_231 = vector.shape_cast %swap3A_230 : vector<1x16xf32> to vector<16xf32>
          %swap3A_232 = vector.shape_cast %mul3A_227 : vector<16xf32> to vector<1x16xf32>
          tpu.vector_store %arg18[%swap3A_228, %swap3A_229], %swap3A_232 {strides = array<i32>} : memref<80x64xf32, #tpu.memory_space<vmem>>, vector<1x16xf32>,
          %get3A_233 = arith.index_cast %scan3A_206 : i32 to index
          %get3A_234 = arith.constant 32 : index
          %get3A_235 = tpu.vector_load %arg14[%get3A_233, %get3A_234] {strides = array<i32>} : memref<80x64xf32, #tpu.memory_space<vmem>>, vector<1x16xf32>,
          %get3A_236 = vector.shape_cast %get3A_235 : vector<1x16xf32> to vector<16xf32>
          %get3A_237 = arith.index_cast %scan3A_206 : i32 to index
          %get3A_238 = arith.constant 32 : index
          %get3A_239 = tpu.vector_load %arg16[%get3A_237, %get3A_238] {strides = array<i32>} : memref<80x64xf32, #tpu.memory_space<vmem>>, vector<1x16xf32>,
          %get3A_240 = vector.shape_cast %get3A_239 : vector<1x16xf32> to vector<16xf32>
          %mul3A_241 = arith.mulf %get3A_236, %get3A_240 : vector<16xf32>
          %swap3A_242 = arith.index_cast %scan3A_206 : i32 to index
          %swap3A_243 = arith.constant 32 : index
          %swap3A_244 = tpu.vector_load %arg18[%swap3A_242, %swap3A_243] {strides = array<i32>} : memref<80x64xf32, #tpu.memory_space<vmem>>, vector<1x16xf32>,
          %swap3A_245 = vector.shape_cast %swap3A_244 : vector<1x16xf32> to vector<16xf32>
          %swap3A_246 = vector.shape_cast %mul3A_241 : vector<16xf32> to vector<1x16xf32>
          tpu.vector_store %arg18[%swap3A_242, %swap3A_243], %swap3A_246 {strides = array<i32>} : memref<80x64xf32, #tpu.memory_space<vmem>>, vector<1x16xf32>,
          %get3A_247 = arith.index_cast %scan3A_206 : i32 to index
          %get3A_248 = arith.constant 48 : index
          %get3A_249 = tpu.vector_load %arg14[%get3A_247, %get3A_248] {strides = array<i32>} : memref<80x64xf32, #tpu.memory_space<vmem>>, vector<1x16xf32>,
          %get3A_250 = vector.shape_cast %get3A_249 : vector<1x16xf32> to vector<16xf32>
          %get3A_251 = arith.index_cast %scan3A_206 : i32 to index
          %get3A_252 = arith.constant 48 : index
          %get3A_253 = tpu.vector_load %arg16[%get3A_251, %get3A_252] {strides = array<i32>} : memref<80x64xf32, #tpu.memory_space<vmem>>, vector<1x16xf32>,
          %get3A_254 = vector.shape_cast %get3A_253 : vector<1x16xf32> to vector<16xf32>
          %mul3A_255 = arith.mulf %get3A_250, %get3A_254 : vector<16xf32>
          %swap3A_256 = arith.index_cast %scan3A_206 : i32 to index
          %swap3A_257 = arith.constant 48 : index
          %swap3A_258 = tpu.vector_load %arg18[%swap3A_256, %swap3A_257] {strides = array<i32>} : memref<80x64xf32, #tpu.memory_space<vmem>>, vector<1x16xf32>,
          %swap3A_259 = vector.shape_cast %swap3A_258 : vector<1x16xf32> to vector<16xf32>
          %swap3A_260 = vector.shape_cast %mul3A_255 : vector<16xf32> to vector<1x16xf32>
          tpu.vector_store %arg18[%swap3A_256, %swap3A_257], %swap3A_260 {strides = array<i32>} : memref<80x64xf32, #tpu.memory_space<vmem>>, vector<1x16xf32>,
        }
        %scan3A_148 = arith.constant 80 : i32
        %dma_start3A_149 = arith.constant 0 : i32
        %dma_start3A_150 = tpu.memref_slice %arg12[%add3A_122, %dma_start3A_149] : memref<50x80xi32, #tpu.memory_space<vmem>> -> memref<1x80xi32, #tpu.memory_space<vmem>>
        %dma_start3A_151 = tpu.memref_squeeze %dma_start3A_150 : memref<1x80xi32, #tpu.memory_space<vmem>> -> memref<80xi32, #tpu.memory_space<vmem>>
        %dma_start3A_152 = arith.constant 0 : i32
        %dma_start3A_153 = arith.constant 0 : i32
        %dma_start3A_154 = tpu.memref_slice %arg20[%dma_start3A_152, %dma_start3A_153] : memref<10240x64xf32, #tpu.memory_space<vmem_shared>> -> memref<10240x64xf32, #tpu.memory_space<vmem_shared>>
        tpu.enqueue_indirect_dma source(%arg18 : memref<80x64xf32, #tpu.memory_space<vmem>>) target(%dma_start3A_154 : memref<10240x64xf32, #tpu.memory_space<vmem_shared>>) offsets(%dma_start3A_151 : memref<80xi32, #tpu.memory_space<vmem>>) semaphore(%arg26 : memref<!tpu.dma_semaphore, #tpu.memory_space<semaphore_mem>>) {add = true}
        %add3A_155 = arith.constant 2 : i32
        %add3A_156 = arith.addi %add3A_122, %add3A_155 : i32
        %lt3A_157 = arith.constant 50 : i32
        %lt3A_158 = arith.cmpi slt, %add3A_156, %lt3A_157 : i32
        %convert_element_type3A_159 = arith.extui %lt3A_158 : i1 to i32
        %cond3A_160 = arith.constant 0 : i32
        %cond3A_161 = arith.cmpi ne, %convert_element_type3A_159, %cond3A_160 : i32
        scf.if %cond3A_161 {
          %add3A_206 = arith.constant 2 : i32
          %add3A_207 = arith.addi %add3A_122, %add3A_206 : i32
          %add3A_208 = arith.constant 2 : i32
          %add3A_209 = arith.addi %add3A_125, %add3A_208 : i32
          %dma_start3A_210 = arith.constant 0 : i32
          %dma_start3A_211 = tpu.memref_slice %arg10[%add3A_207, %dma_start3A_210] : memref<50x80xi32, #tpu.memory_space<vmem>> -> memref<1x80xi32, #tpu.memory_space<vmem>>
          %dma_start3A_212 = tpu.memref_squeeze %dma_start3A_211 : memref<1x80xi32, #tpu.memory_space<vmem>> -> memref<80xi32, #tpu.memory_space<vmem>>
          %dma_start3A_213 = arith.constant 0 : i32
          %dma_start3A_214 = arith.constant 0 : i32
          %dma_start3A_215 = tpu.memref_slice %arg21[%dma_start3A_213, %dma_start3A_214] : memref<10240x64xf32, #tpu.memory_space<vmem_shared>> -> memref<10240x64xf32, #tpu.memory_space<vmem_shared>>
          tpu.enqueue_indirect_dma source(%dma_start3A_215 : memref<10240x64xf32, #tpu.memory_space<vmem_shared>>) target(%arg14 : memref<80x64xf32, #tpu.memory_space<vmem>>) offsets(%dma_start3A_212 : memref<80xi32, #tpu.memory_space<vmem>>) semaphore(%arg22 : memref<!tpu.dma_semaphore, #tpu.memory_space<semaphore_mem>>)
          %mul3A_216 = arith.constant 80 : i32
          %mul3A_217 = arith.muli %add3A_209, %mul3A_216 : i32
          %add3A_218 = arith.addi %mul3A_20, %mul3A_217 : i32
          %dma_start3A_219 = arith.constant 0 : i32
          %dma_start3A_220 = tpu.memref_slice %arg5[%add3A_218, %dma_start3A_219] : memref<320000x64xf32, #tpu.memory_space<hbm>> -> memref<80x64xf32, #tpu.memory_space<hbm>>
          %dma_start3A_221 = arith.constant 0 : i32
          %dma_start3A_222 = tpu.memref_slice %arg5[%add3A_218, %dma_start3A_221] : memref<320000x64xf32, #tpu.memory_space<hbm>> -> memref<80x64xf32, #tpu.memory_space<hbm>>
          tpu.enqueue_dma source(%dma_start3A_222 : memref<80x64xf32, #tpu.memory_space<hbm>>) target(%arg16 : memref<80x64xf32, #tpu.memory_space<vmem>>) target_semaphore(%arg24 : memref<!tpu.dma_semaphore, #tpu.memory_space<semaphore_mem>>)
        } else {
        }
        %mul3A_162 = arith.constant 2 : i32
        %mul3A_163 = arith.muli %scan3A_118, %mul3A_162 : i32
        %add3A_164 = arith.constant 1 : i32
        %add3A_165 = arith.addi %mul3A_163, %add3A_164 : i32
        %mul3A_166 = arith.constant 50 : i32
        %mul3A_167 = arith.muli %scan3A_99, %mul3A_166 : i32
        %add3A_168 = arith.addi %mul3A_167, %add3A_165 : i32
        %dma_wait3A_169 = arith.constant 0 : i32
        %dma_wait3A_170 = tpu.memref_slice %arg10[%add3A_165, %dma_wait3A_169] : memref<50x80xi32, #tpu.memory_space<vmem>> -> memref<1x80xi32, #tpu.memory_space<vmem>>
        %dma_wait3A_171 = tpu.memref_squeeze %dma_wait3A_170 : memref<1x80xi32, #tpu.memory_space<vmem>> -> memref<80xi32, #tpu.memory_space<vmem>>
        %dma_wait3A_172 = arith.constant 0 : i32
        %dma_wait3A_173 = arith.constant 0 : i32
        %dma_wait3A_174 = tpu.memref_slice %arg21[%dma_wait3A_172, %dma_wait3A_173] : memref<10240x64xf32, #tpu.memory_space<vmem_shared>> -> memref<10240x64xf32, #tpu.memory_space<vmem_shared>>
        tpu.wait_indirect_dma semaphore(%arg23 : memref<!tpu.dma_semaphore, #tpu.memory_space<semaphore_mem>>) src(%dma_wait3A_174 : memref<10240x64xf32, #tpu.memory_space<vmem_shared>>) dst(%arg15 : memref<80x64xf32, #tpu.memory_space<vmem>>)
        %mul3A_175 = arith.constant 80 : i32
        %mul3A_176 = arith.muli %add3A_168, %mul3A_175 : i32
        %add3A_177 = arith.addi %mul3A_20, %mul3A_176 : i32
        %dma_wait3A_178 = arith.constant 0 : i32
        %dma_wait3A_179 = tpu.memref_slice %arg5[%add3A_177, %dma_wait3A_178] : memref<320000x64xf32, #tpu.memory_space<hbm>> -> memref<80x64xf32, #tpu.memory_space<hbm>>
        %dma_wait3A_180 = arith.constant 0 : i32
        %dma_wait3A_181 = tpu.memref_slice %arg5[%add3A_177, %dma_wait3A_180] : memref<320000x64xf32, #tpu.memory_space<hbm>> -> memref<80x64xf32, #tpu.memory_space<hbm>>
        tpu.wait_dma2 semaphore(%arg25 : memref<!tpu.dma_semaphore, #tpu.memory_space<semaphore_mem>>) src(%dma_wait3A_181 : memref<80x64xf32, #tpu.memory_space<hbm>>) dst(%arg17 : memref<80x64xf32, #tpu.memory_space<vmem>>)
        %ge3A_182 = arith.constant 1 : i32
        %ge3A_183 = arith.cmpi sge, %scan3A_118, %ge3A_182 : i32
        %convert_element_type3A_184 = arith.extui %ge3A_183 : i1 to i32
        %cond3A_185 = arith.constant 0 : i32
        %cond3A_186 = arith.cmpi ne, %convert_element_type3A_184, %cond3A_185 : i32
        scf.if %cond3A_186 {
          %dma_wait3A_206 = arith.constant 0 : i32
          %dma_wait3A_207 = arith.constant 0 : i32
          %dma_wait3A_208 = tpu.memref_slice %arg12[%dma_wait3A_206, %dma_wait3A_207] : memref<50x80xi32, #tpu.memory_space<vmem>> -> memref<1x80xi32, #tpu.memory_space<vmem>>
          %dma_wait3A_209 = tpu.memref_squeeze %dma_wait3A_208 : memref<1x80xi32, #tpu.memory_space<vmem>> -> memref<80xi32, #tpu.memory_space<vmem>>
          %dma_wait3A_210 = arith.constant 0 : i32
          %dma_wait3A_211 = arith.constant 0 : i32
          %dma_wait3A_212 = tpu.memref_slice %arg20[%dma_wait3A_210, %dma_wait3A_211] : memref<10240x64xf32, #tpu.memory_space<vmem_shared>> -> memref<10240x64xf32, #tpu.memory_space<vmem_shared>>
          tpu.wait_indirect_dma semaphore(%arg27 : memref<!tpu.dma_semaphore, #tpu.memory_space<semaphore_mem>>) src(%arg19 : memref<80x64xf32, #tpu.memory_space<vmem>>) dst(%dma_wait3A_212 : memref<10240x64xf32, #tpu.memory_space<vmem_shared>>)
        } else {
        }
        %scan3A_187 = arith.constant 0 : i32
        %scan3A_188 = arith.constant 0 : i32
        %scan3A_189 = arith.constant 80 : i32
        %scan3A_190 = arith.addi %scan3A_188, %scan3A_189 : i32
        %scan3A_191 = arith.constant 1 : i32
        scf.for %scan3A_206 = %scan3A_188 to %scan3A_190 step %scan3A_191  : i32 {
          %get3A = arith.index_cast %scan3A_206 : i32 to index
          %get3A_207 = arith.constant 0 : index
          %get3A_208 = tpu.vector_load %arg15[%get3A, %get3A_207] {strides = array<i32>} : memref<80x64xf32, #tpu.memory_space<vmem>>, vector<1x16xf32>,
          %get3A_209 = vector.shape_cast %get3A_208 : vector<1x16xf32> to vector<16xf32>
          %get3A_210 = arith.index_cast %scan3A_206 : i32 to index
          %get3A_211 = arith.constant 0 : index
          %get3A_212 = tpu.vector_load %arg17[%get3A_210, %get3A_211] {strides = array<i32>} : memref<80x64xf32, #tpu.memory_space<vmem>>, vector<1x16xf32>,
          %get3A_213 = vector.shape_cast %get3A_212 : vector<1x16xf32> to vector<16xf32>
          %mul3A_214 = arith.mulf %get3A_209, %get3A_213 : vector<16xf32>
          %swap3A = arith.index_cast %scan3A_206 : i32 to index
          %swap3A_215 = arith.constant 0 : index
          %swap3A_216 = tpu.vector_load %arg19[%swap3A, %swap3A_215] {strides = array<i32>} : memref<80x64xf32, #tpu.memory_space<vmem>>, vector<1x16xf32>,
          %swap3A_217 = vector.shape_cast %swap3A_216 : vector<1x16xf32> to vector<16xf32>
          %swap3A_218 = vector.shape_cast %mul3A_214 : vector<16xf32> to vector<1x16xf32>
          tpu.vector_store %arg19[%swap3A, %swap3A_215], %swap3A_218 {strides = array<i32>} : memref<80x64xf32, #tpu.memory_space<vmem>>, vector<1x16xf32>,
          %get3A_219 = arith.index_cast %scan3A_206 : i32 to index
          %get3A_220 = arith.constant 16 : index
          %get3A_221 = tpu.vector_load %arg15[%get3A_219, %get3A_220] {strides = array<i32>} : memref<80x64xf32, #tpu.memory_space<vmem>>, vector<1x16xf32>,
          %get3A_222 = vector.shape_cast %get3A_221 : vector<1x16xf32> to vector<16xf32>
          %get3A_223 = arith.index_cast %scan3A_206 : i32 to index
          %get3A_224 = arith.constant 16 : index
          %get3A_225 = tpu.vector_load %arg17[%get3A_223, %get3A_224] {strides = array<i32>} : memref<80x64xf32, #tpu.memory_space<vmem>>, vector<1x16xf32>,
          %get3A_226 = vector.shape_cast %get3A_225 : vector<1x16xf32> to vector<16xf32>
          %mul3A_227 = arith.mulf %get3A_222, %get3A_226 : vector<16xf32>
          %swap3A_228 = arith.index_cast %scan3A_206 : i32 to index
          %swap3A_229 = arith.constant 16 : index
          %swap3A_230 = tpu.vector_load %arg19[%swap3A_228, %swap3A_229] {strides = array<i32>} : memref<80x64xf32, #tpu.memory_space<vmem>>, vector<1x16xf32>,
          %swap3A_231 = vector.shape_cast %swap3A_230 : vector<1x16xf32> to vector<16xf32>
          %swap3A_232 = vector.shape_cast %mul3A_227 : vector<16xf32> to vector<1x16xf32>
          tpu.vector_store %arg19[%swap3A_228, %swap3A_229], %swap3A_232 {strides = array<i32>} : memref<80x64xf32, #tpu.memory_space<vmem>>, vector<1x16xf32>,
          %get3A_233 = arith.index_cast %scan3A_206 : i32 to index
          %get3A_234 = arith.constant 32 : index
          %get3A_235 = tpu.vector_load %arg15[%get3A_233, %get3A_234] {strides = array<i32>} : memref<80x64xf32, #tpu.memory_space<vmem>>, vector<1x16xf32>,
          %get3A_236 = vector.shape_cast %get3A_235 : vector<1x16xf32> to vector<16xf32>
          %get3A_237 = arith.index_cast %scan3A_206 : i32 to index
          %get3A_238 = arith.constant 32 : index
          %get3A_239 = tpu.vector_load %arg17[%get3A_237, %get3A_238] {strides = array<i32>} : memref<80x64xf32, #tpu.memory_space<vmem>>, vector<1x16xf32>,
          %get3A_240 = vector.shape_cast %get3A_239 : vector<1x16xf32> to vector<16xf32>
          %mul3A_241 = arith.mulf %get3A_236, %get3A_240 : vector<16xf32>
          %swap3A_242 = arith.index_cast %scan3A_206 : i32 to index
          %swap3A_243 = arith.constant 32 : index
          %swap3A_244 = tpu.vector_load %arg19[%swap3A_242, %swap3A_243] {strides = array<i32>} : memref<80x64xf32, #tpu.memory_space<vmem>>, vector<1x16xf32>,
          %swap3A_245 = vector.shape_cast %swap3A_244 : vector<1x16xf32> to vector<16xf32>
          %swap3A_246 = vector.shape_cast %mul3A_241 : vector<16xf32> to vector<1x16xf32>
          tpu.vector_store %arg19[%swap3A_242, %swap3A_243], %swap3A_246 {strides = array<i32>} : memref<80x64xf32, #tpu.memory_space<vmem>>, vector<1x16xf32>,
          %get3A_247 = arith.index_cast %scan3A_206 : i32 to index
          %get3A_248 = arith.constant 48 : index
          %get3A_249 = tpu.vector_load %arg15[%get3A_247, %get3A_248] {strides = array<i32>} : memref<80x64xf32, #tpu.memory_space<vmem>>, vector<1x16xf32>,
          %get3A_250 = vector.shape_cast %get3A_249 : vector<1x16xf32> to vector<16xf32>
          %get3A_251 = arith.index_cast %scan3A_206 : i32 to index
          %get3A_252 = arith.constant 48 : index
          %get3A_253 = tpu.vector_load %arg17[%get3A_251, %get3A_252] {strides = array<i32>} : memref<80x64xf32, #tpu.memory_space<vmem>>, vector<1x16xf32>,
          %get3A_254 = vector.shape_cast %get3A_253 : vector<1x16xf32> to vector<16xf32>
          %mul3A_255 = arith.mulf %get3A_250, %get3A_254 : vector<16xf32>
          %swap3A_256 = arith.index_cast %scan3A_206 : i32 to index
          %swap3A_257 = arith.constant 48 : index
          %swap3A_258 = tpu.vector_load %arg19[%swap3A_256, %swap3A_257] {strides = array<i32>} : memref<80x64xf32, #tpu.memory_space<vmem>>, vector<1x16xf32>,
          %swap3A_259 = vector.shape_cast %swap3A_258 : vector<1x16xf32> to vector<16xf32>
          %swap3A_260 = vector.shape_cast %mul3A_255 : vector<16xf32> to vector<1x16xf32>
          tpu.vector_store %arg19[%swap3A_256, %swap3A_257], %swap3A_260 {strides = array<i32>} : memref<80x64xf32, #tpu.memory_space<vmem>>, vector<1x16xf32>,
        }
        %scan3A_192 = arith.constant 80 : i32
        %dma_start3A_193 = arith.constant 0 : i32
        %dma_start3A_194 = tpu.memref_slice %arg12[%add3A_165, %dma_start3A_193] : memref<50x80xi32, #tpu.memory_space<vmem>> -> memref<1x80xi32, #tpu.memory_space<vmem>>
        %dma_start3A_195 = tpu.memref_squeeze %dma_start3A_194 : memref<1x80xi32, #tpu.memory_space<vmem>> -> memref<80xi32, #tpu.memory_space<vmem>>
        %dma_start3A_196 = arith.constant 0 : i32
        %dma_start3A_197 = arith.constant 0 : i32
        %dma_start3A_198 = tpu.memref_slice %arg20[%dma_start3A_196, %dma_start3A_197] : memref<10240x64xf32, #tpu.memory_space<vmem_shared>> -> memref<10240x64xf32, #tpu.memory_space<vmem_shared>>
        tpu.enqueue_indirect_dma source(%arg19 : memref<80x64xf32, #tpu.memory_space<vmem>>) target(%dma_start3A_198 : memref<10240x64xf32, #tpu.memory_space<vmem_shared>>) offsets(%dma_start3A_195 : memref<80xi32, #tpu.memory_space<vmem>>) semaphore(%arg27 : memref<!tpu.dma_semaphore, #tpu.memory_space<semaphore_mem>>) {add = true}
        %add3A_199 = arith.constant 2 : i32
        %add3A_200 = arith.addi %add3A_165, %add3A_199 : i32
        %lt3A_201 = arith.constant 50 : i32
        %lt3A_202 = arith.cmpi slt, %add3A_200, %lt3A_201 : i32
        %convert_element_type3A_203 = arith.extui %lt3A_202 : i1 to i32
        %cond3A_204 = arith.constant 0 : i32
        %cond3A_205 = arith.cmpi ne, %convert_element_type3A_203, %cond3A_204 : i32
        scf.if %cond3A_205 {
          %add3A_206 = arith.constant 2 : i32
          %add3A_207 = arith.addi %add3A_165, %add3A_206 : i32
          %add3A_208 = arith.constant 2 : i32
          %add3A_209 = arith.addi %add3A_168, %add3A_208 : i32
          %dma_start3A_210 = arith.constant 0 : i32
          %dma_start3A_211 = tpu.memref_slice %arg10[%add3A_207, %dma_start3A_210] : memref<50x80xi32, #tpu.memory_space<vmem>> -> memref<1x80xi32, #tpu.memory_space<vmem>>
          %dma_start3A_212 = tpu.memref_squeeze %dma_start3A_211 : memref<1x80xi32, #tpu.memory_space<vmem>> -> memref<80xi32, #tpu.memory_space<vmem>>
          %dma_start3A_213 = arith.constant 0 : i32
          %dma_start3A_214 = arith.constant 0 : i32
          %dma_start3A_215 = tpu.memref_slice %arg21[%dma_start3A_213, %dma_start3A_214] : memref<10240x64xf32, #tpu.memory_space<vmem_shared>> -> memref<10240x64xf32, #tpu.memory_space<vmem_shared>>
          tpu.enqueue_indirect_dma source(%dma_start3A_215 : memref<10240x64xf32, #tpu.memory_space<vmem_shared>>) target(%arg15 : memref<80x64xf32, #tpu.memory_space<vmem>>) offsets(%dma_start3A_212 : memref<80xi32, #tpu.memory_space<vmem>>) semaphore(%arg23 : memref<!tpu.dma_semaphore, #tpu.memory_space<semaphore_mem>>)
          %mul3A_216 = arith.constant 80 : i32
          %mul3A_217 = arith.muli %add3A_209, %mul3A_216 : i32
          %add3A_218 = arith.addi %mul3A_20, %mul3A_217 : i32
          %dma_start3A_219 = arith.constant 0 : i32
          %dma_start3A_220 = tpu.memref_slice %arg5[%add3A_218, %dma_start3A_219] : memref<320000x64xf32, #tpu.memory_space<hbm>> -> memref<80x64xf32, #tpu.memory_space<hbm>>
          %dma_start3A_221 = arith.constant 0 : i32
          %dma_start3A_222 = tpu.memref_slice %arg5[%add3A_218, %dma_start3A_221] : memref<320000x64xf32, #tpu.memory_space<hbm>> -> memref<80x64xf32, #tpu.memory_space<hbm>>
          tpu.enqueue_dma source(%dma_start3A_222 : memref<80x64xf32, #tpu.memory_space<hbm>>) target(%arg17 : memref<80x64xf32, #tpu.memory_space<vmem>>) target_semaphore(%arg25 : memref<!tpu.dma_semaphore, #tpu.memory_space<semaphore_mem>>)
        } else {
        }
      }
      %scan3A_104 = arith.constant 25 : i32
      %dma_wait3A = arith.constant 0 : i32
      %dma_wait3A_105 = arith.constant 0 : i32
      %dma_wait3A_106 = tpu.memref_slice %arg12[%dma_wait3A, %dma_wait3A_105] : memref<50x80xi32, #tpu.memory_space<vmem>> -> memref<1x80xi32, #tpu.memory_space<vmem>>
      %dma_wait3A_107 = tpu.memref_squeeze %dma_wait3A_106 : memref<1x80xi32, #tpu.memory_space<vmem>> -> memref<80xi32, #tpu.memory_space<vmem>>
      %dma_wait3A_108 = arith.constant 0 : i32
      %dma_wait3A_109 = arith.constant 0 : i32
      %dma_wait3A_110 = tpu.memref_slice %arg20[%dma_wait3A_108, %dma_wait3A_109] : memref<10240x64xf32, #tpu.memory_space<vmem_shared>> -> memref<10240x64xf32, #tpu.memory_space<vmem_shared>>
      tpu.wait_indirect_dma semaphore(%arg26 : memref<!tpu.dma_semaphore, #tpu.memory_space<semaphore_mem>>) src(%arg18 : memref<80x64xf32, #tpu.memory_space<vmem>>) dst(%dma_wait3A_110 : memref<10240x64xf32, #tpu.memory_space<vmem_shared>>)
      %dma_wait3A_111 = arith.constant 0 : i32
      %dma_wait3A_112 = arith.constant 0 : i32
      %dma_wait3A_113 = tpu.memref_slice %arg12[%dma_wait3A_111, %dma_wait3A_112] : memref<50x80xi32, #tpu.memory_space<vmem>> -> memref<1x80xi32, #tpu.memory_space<vmem>>
      %dma_wait3A_114 = tpu.memref_squeeze %dma_wait3A_113 : memref<1x80xi32, #tpu.memory_space<vmem>> -> memref<80xi32, #tpu.memory_space<vmem>>
      %dma_wait3A_115 = arith.constant 0 : i32
      %dma_wait3A_116 = arith.constant 0 : i32
      %dma_wait3A_117 = tpu.memref_slice %arg20[%dma_wait3A_115, %dma_wait3A_116] : memref<10240x64xf32, #tpu.memory_space<vmem_shared>> -> memref<10240x64xf32, #tpu.memory_space<vmem_shared>>
      tpu.wait_indirect_dma semaphore(%arg27 : memref<!tpu.dma_semaphore, #tpu.memory_space<semaphore_mem>>) src(%arg19 : memref<80x64xf32, #tpu.memory_space<vmem>>) dst(%dma_wait3A_117 : memref<10240x64xf32, #tpu.memory_space<vmem_shared>>)
    } else {
    }
    %barrier3A_31 = arith.constant 0 : index
    tpu.barrier barrier_id(%barrier3A_31)
    %eq3A_32 = arith.constant 0 : i32
    %eq3A_33 = arith.cmpi eq, %arg0, %eq3A_32 : i32
    %convert_element_type3A_34 = arith.extui %eq3A_33 : i1 to i32
    %cond3A_35 = arith.constant 0 : i32
    %cond3A_36 = arith.cmpi ne, %convert_element_type3A_34, %cond3A_35 : i32
    scf.if %cond3A_36 {
      %mul3A_42 = arith.constant 640 : i32
      %mul3A_43 = arith.muli %arg1, %mul3A_42 : i32
      %add3A = arith.constant 0 : i32
      %add3A_44 = arith.addi %mul3A_43, %add3A : i32
      "tpu.region"() ({
        %run_scoped3A_105 = tpu.sem_alloc : memref<!tpu.dma_semaphore, #tpu.memory_space<semaphore_mem>>
        %dma_start3A = arith.constant 0 : i32
        %dma_start3A_106 = tpu.memref_slice %arg20[%add3A_44, %dma_start3A] : memref<10240x64xf32, #tpu.memory_space<vmem_shared>> -> memref<80x64xf32, #tpu.memory_space<vmem_shared>>
        %dma_start3A_107 = arith.constant 0 : i32
        %dma_start3A_108 = tpu.memref_slice %arg20[%add3A_44, %dma_start3A_107] : memref<10240x64xf32, #tpu.memory_space<vmem_shared>> -> memref<80x64xf32, #tpu.memory_space<vmem_shared>>
        tpu.enqueue_dma source(%dma_start3A_108 : memref<80x64xf32, #tpu.memory_space<vmem_shared>>) target(%arg18 : memref<80x64xf32, #tpu.memory_space<vmem>>) target_semaphore(%run_scoped3A_105 : memref<!tpu.dma_semaphore, #tpu.memory_space<semaphore_mem>>)
        %dma_wait3A = arith.constant 0 : i32
        %dma_wait3A_109 = tpu.memref_slice %arg20[%add3A_44, %dma_wait3A] : memref<10240x64xf32, #tpu.memory_space<vmem_shared>> -> memref<80x64xf32, #tpu.memory_space<vmem_shared>>
        %dma_wait3A_110 = arith.constant 0 : i32
        %dma_wait3A_111 = tpu.memref_slice %arg20[%add3A_44, %dma_wait3A_110] : memref<10240x64xf32, #tpu.memory_space<vmem_shared>> -> memref<80x64xf32, #tpu.memory_space<vmem_shared>>
        tpu.wait_dma2 semaphore(%run_scoped3A_105 : memref<!tpu.dma_semaphore, #tpu.memory_space<semaphore_mem>>) src(%dma_wait3A_111 : memref<80x64xf32, #tpu.memory_space<vmem_shared>>) dst(%arg18 : memref<80x64xf32, #tpu.memory_space<vmem>>)
        tpu.yield
      }) : () -> ()
      %mul3A_45 = arith.constant 640 : i32
      %mul3A_46 = arith.muli %arg1, %mul3A_45 : i32
      %add3A_47 = arith.constant 0 : i32
      %add3A_48 = arith.addi %mul3A_46, %add3A_47 : i32
      "tpu.region"() ({
        %run_scoped3A_105 = tpu.sem_alloc : memref<!tpu.dma_semaphore, #tpu.memory_space<semaphore_mem>>
        %dma_start3A = arith.constant 0 : i32
        %dma_start3A_106 = tpu.memref_slice %arg8[%add3A_48, %dma_start3A] : memref<10240x64xf32, #tpu.memory_space<hbm>> -> memref<80x64xf32, #tpu.memory_space<hbm>>
        %dma_start3A_107 = arith.constant 0 : i32
        %dma_start3A_108 = tpu.memref_slice %arg8[%add3A_48, %dma_start3A_107] : memref<10240x64xf32, #tpu.memory_space<hbm>> -> memref<80x64xf32, #tpu.memory_space<hbm>>
        tpu.enqueue_dma source(%arg18 : memref<80x64xf32, #tpu.memory_space<vmem>>) target(%dma_start3A_108 : memref<80x64xf32, #tpu.memory_space<hbm>>) target_semaphore(%run_scoped3A_105 : memref<!tpu.dma_semaphore, #tpu.memory_space<semaphore_mem>>)
        %dma_wait3A = arith.constant 0 : i32
        %dma_wait3A_109 = tpu.memref_slice %arg8[%add3A_48, %dma_wait3A] : memref<10240x64xf32, #tpu.memory_space<hbm>> -> memref<80x64xf32, #tpu.memory_space<hbm>>
        %dma_wait3A_110 = arith.constant 0 : i32
        %dma_wait3A_111 = tpu.memref_slice %arg8[%add3A_48, %dma_wait3A_110] : memref<10240x64xf32, #tpu.memory_space<hbm>> -> memref<80x64xf32, #tpu.memory_space<hbm>>
        tpu.wait_dma2 semaphore(%run_scoped3A_105 : memref<!tpu.dma_semaphore, #tpu.memory_space<semaphore_mem>>) src(%arg18 : memref<80x64xf32, #tpu.memory_space<vmem>>) dst(%dma_wait3A_111 : memref<80x64xf32, #tpu.memory_space<hbm>>)
        tpu.yield
      }) : () -> ()
      %mul3A_49 = arith.constant 640 : i32
      %mul3A_50 = arith.muli %arg1, %mul3A_49 : i32
      %add3A_51 = arith.constant 80 : i32
      %add3A_52 = arith.addi %mul3A_50, %add3A_51 : i32
      "tpu.region"() ({
        %run_scoped3A_105 = tpu.sem_alloc : memref<!tpu.dma_semaphore, #tpu.memory_space<semaphore_mem>>
        %dma_start3A = arith.constant 0 : i32
        %dma_start3A_106 = tpu.memref_slice %arg20[%add3A_52, %dma_start3A] : memref<10240x64xf32, #tpu.memory_space<vmem_shared>> -> memref<80x64xf32, #tpu.memory_space<vmem_shared>>
        %dma_start3A_107 = arith.constant 0 : i32
        %dma_start3A_108 = tpu.memref_slice %arg20[%add3A_52, %dma_start3A_107] : memref<10240x64xf32, #tpu.memory_space<vmem_shared>> -> memref<80x64xf32, #tpu.memory_space<vmem_shared>>
        tpu.enqueue_dma source(%dma_start3A_108 : memref<80x64xf32, #tpu.memory_space<vmem_shared>>) target(%arg18 : memref<80x64xf32, #tpu.memory_space<vmem>>) target_semaphore(%run_scoped3A_105 : memref<!tpu.dma_semaphore, #tpu.memory_space<semaphore_mem>>)
        %dma_wait3A = arith.constant 0 : i32
        %dma_wait3A_109 = tpu.memref_slice %arg20[%add3A_52, %dma_wait3A] : memref<10240x64xf32, #tpu.memory_space<vmem_shared>> -> memref<80x64xf32, #tpu.memory_space<vmem_shared>>
        %dma_wait3A_110 = arith.constant 0 : i32
        %dma_wait3A_111 = tpu.memref_slice %arg20[%add3A_52, %dma_wait3A_110] : memref<10240x64xf32, #tpu.memory_space<vmem_shared>> -> memref<80x64xf32, #tpu.memory_space<vmem_shared>>
        tpu.wait_dma2 semaphore(%run_scoped3A_105 : memref<!tpu.dma_semaphore, #tpu.memory_space<semaphore_mem>>) src(%dma_wait3A_111 : memref<80x64xf32, #tpu.memory_space<vmem_shared>>) dst(%arg18 : memref<80x64xf32, #tpu.memory_space<vmem>>)
        tpu.yield
      }) : () -> ()
      %mul3A_53 = arith.constant 640 : i32
      %mul3A_54 = arith.muli %arg1, %mul3A_53 : i32
      %add3A_55 = arith.constant 80 : i32
      %add3A_56 = arith.addi %mul3A_54, %add3A_55 : i32
      "tpu.region"() ({
        %run_scoped3A_105 = tpu.sem_alloc : memref<!tpu.dma_semaphore, #tpu.memory_space<semaphore_mem>>
        %dma_start3A = arith.constant 0 : i32
        %dma_start3A_106 = tpu.memref_slice %arg8[%add3A_56, %dma_start3A] : memref<10240x64xf32, #tpu.memory_space<hbm>> -> memref<80x64xf32, #tpu.memory_space<hbm>>
        %dma_start3A_107 = arith.constant 0 : i32
        %dma_start3A_108 = tpu.memref_slice %arg8[%add3A_56, %dma_start3A_107] : memref<10240x64xf32, #tpu.memory_space<hbm>> -> memref<80x64xf32, #tpu.memory_space<hbm>>
        tpu.enqueue_dma source(%arg18 : memref<80x64xf32, #tpu.memory_space<vmem>>) target(%dma_start3A_108 : memref<80x64xf32, #tpu.memory_space<hbm>>) target_semaphore(%run_scoped3A_105 : memref<!tpu.dma_semaphore, #tpu.memory_space<semaphore_mem>>)
        %dma_wait3A = arith.constant 0 : i32
        %dma_wait3A_109 = tpu.memref_slice %arg8[%add3A_56, %dma_wait3A] : memref<10240x64xf32, #tpu.memory_space<hbm>> -> memref<80x64xf32, #tpu.memory_space<hbm>>
        %dma_wait3A_110 = arith.constant 0 : i32
        %dma_wait3A_111 = tpu.memref_slice %arg8[%add3A_56, %dma_wait3A_110] : memref<10240x64xf32, #tpu.memory_space<hbm>> -> memref<80x64xf32, #tpu.memory_space<hbm>>
        tpu.wait_dma2 semaphore(%run_scoped3A_105 : memref<!tpu.dma_semaphore, #tpu.memory_space<semaphore_mem>>) src(%arg18 : memref<80x64xf32, #tpu.memory_space<vmem>>) dst(%dma_wait3A_111 : memref<80x64xf32, #tpu.memory_space<hbm>>)
        tpu.yield
      }) : () -> ()
      %mul3A_57 = arith.constant 640 : i32
      %mul3A_58 = arith.muli %arg1, %mul3A_57 : i32
      %add3A_59 = arith.constant 160 : i32
      %add3A_60 = arith.addi %mul3A_58, %add3A_59 : i32
      "tpu.region"() ({
        %run_scoped3A_105 = tpu.sem_alloc : memref<!tpu.dma_semaphore, #tpu.memory_space<semaphore_mem>>
        %dma_start3A = arith.constant 0 : i32
        %dma_start3A_106 = tpu.memref_slice %arg20[%add3A_60, %dma_start3A] : memref<10240x64xf32, #tpu.memory_space<vmem_shared>> -> memref<80x64xf32, #tpu.memory_space<vmem_shared>>
        %dma_start3A_107 = arith.constant 0 : i32
        %dma_start3A_108 = tpu.memref_slice %arg20[%add3A_60, %dma_start3A_107] : memref<10240x64xf32, #tpu.memory_space<vmem_shared>> -> memref<80x64xf32, #tpu.memory_space<vmem_shared>>
        tpu.enqueue_dma source(%dma_start3A_108 : memref<80x64xf32, #tpu.memory_space<vmem_shared>>) target(%arg18 : memref<80x64xf32, #tpu.memory_space<vmem>>) target_semaphore(%run_scoped3A_105 : memref<!tpu.dma_semaphore, #tpu.memory_space<semaphore_mem>>)
        %dma_wait3A = arith.constant 0 : i32
        %dma_wait3A_109 = tpu.memref_slice %arg20[%add3A_60, %dma_wait3A] : memref<10240x64xf32, #tpu.memory_space<vmem_shared>> -> memref<80x64xf32, #tpu.memory_space<vmem_shared>>
        %dma_wait3A_110 = arith.constant 0 : i32
        %dma_wait3A_111 = tpu.memref_slice %arg20[%add3A_60, %dma_wait3A_110] : memref<10240x64xf32, #tpu.memory_space<vmem_shared>> -> memref<80x64xf32, #tpu.memory_space<vmem_shared>>
        tpu.wait_dma2 semaphore(%run_scoped3A_105 : memref<!tpu.dma_semaphore, #tpu.memory_space<semaphore_mem>>) src(%dma_wait3A_111 : memref<80x64xf32, #tpu.memory_space<vmem_shared>>) dst(%arg18 : memref<80x64xf32, #tpu.memory_space<vmem>>)
        tpu.yield
      }) : () -> ()
      %mul3A_61 = arith.constant 640 : i32
      %mul3A_62 = arith.muli %arg1, %mul3A_61 : i32
      %add3A_63 = arith.constant 160 : i32
      %add3A_64 = arith.addi %mul3A_62, %add3A_63 : i32
      "tpu.region"() ({
        %run_scoped3A_105 = tpu.sem_alloc : memref<!tpu.dma_semaphore, #tpu.memory_space<semaphore_mem>>
        %dma_start3A = arith.constant 0 : i32
        %dma_start3A_106 = tpu.memref_slice %arg8[%add3A_64, %dma_start3A] : memref<10240x64xf32, #tpu.memory_space<hbm>> -> memref<80x64xf32, #tpu.memory_space<hbm>>
        %dma_start3A_107 = arith.constant 0 : i32
        %dma_start3A_108 = tpu.memref_slice %arg8[%add3A_64, %dma_start3A_107] : memref<10240x64xf32, #tpu.memory_space<hbm>> -> memref<80x64xf32, #tpu.memory_space<hbm>>
        tpu.enqueue_dma source(%arg18 : memref<80x64xf32, #tpu.memory_space<vmem>>) target(%dma_start3A_108 : memref<80x64xf32, #tpu.memory_space<hbm>>) target_semaphore(%run_scoped3A_105 : memref<!tpu.dma_semaphore, #tpu.memory_space<semaphore_mem>>)
        %dma_wait3A = arith.constant 0 : i32
        %dma_wait3A_109 = tpu.memref_slice %arg8[%add3A_64, %dma_wait3A] : memref<10240x64xf32, #tpu.memory_space<hbm>> -> memref<80x64xf32, #tpu.memory_space<hbm>>
        %dma_wait3A_110 = arith.constant 0 : i32
        %dma_wait3A_111 = tpu.memref_slice %arg8[%add3A_64, %dma_wait3A_110] : memref<10240x64xf32, #tpu.memory_space<hbm>> -> memref<80x64xf32, #tpu.memory_space<hbm>>
        tpu.wait_dma2 semaphore(%run_scoped3A_105 : memref<!tpu.dma_semaphore, #tpu.memory_space<semaphore_mem>>) src(%arg18 : memref<80x64xf32, #tpu.memory_space<vmem>>) dst(%dma_wait3A_111 : memref<80x64xf32, #tpu.memory_space<hbm>>)
        tpu.yield
      }) : () -> ()
      %mul3A_65 = arith.constant 640 : i32
      %mul3A_66 = arith.muli %arg1, %mul3A_65 : i32
      %add3A_67 = arith.constant 240 : i32
      %add3A_68 = arith.addi %mul3A_66, %add3A_67 : i32
      "tpu.region"() ({
        %run_scoped3A_105 = tpu.sem_alloc : memref<!tpu.dma_semaphore, #tpu.memory_space<semaphore_mem>>
        %dma_start3A = arith.constant 0 : i32
        %dma_start3A_106 = tpu.memref_slice %arg20[%add3A_68, %dma_start3A] : memref<10240x64xf32, #tpu.memory_space<vmem_shared>> -> memref<80x64xf32, #tpu.memory_space<vmem_shared>>
        %dma_start3A_107 = arith.constant 0 : i32
        %dma_start3A_108 = tpu.memref_slice %arg20[%add3A_68, %dma_start3A_107] : memref<10240x64xf32, #tpu.memory_space<vmem_shared>> -> memref<80x64xf32, #tpu.memory_space<vmem_shared>>
        tpu.enqueue_dma source(%dma_start3A_108 : memref<80x64xf32, #tpu.memory_space<vmem_shared>>) target(%arg18 : memref<80x64xf32, #tpu.memory_space<vmem>>) target_semaphore(%run_scoped3A_105 : memref<!tpu.dma_semaphore, #tpu.memory_space<semaphore_mem>>)
        %dma_wait3A = arith.constant 0 : i32
        %dma_wait3A_109 = tpu.memref_slice %arg20[%add3A_68, %dma_wait3A] : memref<10240x64xf32, #tpu.memory_space<vmem_shared>> -> memref<80x64xf32, #tpu.memory_space<vmem_shared>>
        %dma_wait3A_110 = arith.constant 0 : i32
        %dma_wait3A_111 = tpu.memref_slice %arg20[%add3A_68, %dma_wait3A_110] : memref<10240x64xf32, #tpu.memory_space<vmem_shared>> -> memref<80x64xf32, #tpu.memory_space<vmem_shared>>
        tpu.wait_dma2 semaphore(%run_scoped3A_105 : memref<!tpu.dma_semaphore, #tpu.memory_space<semaphore_mem>>) src(%dma_wait3A_111 : memref<80x64xf32, #tpu.memory_space<vmem_shared>>) dst(%arg18 : memref<80x64xf32, #tpu.memory_space<vmem>>)
        tpu.yield
      }) : () -> ()
      %mul3A_69 = arith.constant 640 : i32
      %mul3A_70 = arith.muli %arg1, %mul3A_69 : i32
      %add3A_71 = arith.constant 240 : i32
      %add3A_72 = arith.addi %mul3A_70, %add3A_71 : i32
      "tpu.region"() ({
        %run_scoped3A_105 = tpu.sem_alloc : memref<!tpu.dma_semaphore, #tpu.memory_space<semaphore_mem>>
        %dma_start3A = arith.constant 0 : i32
        %dma_start3A_106 = tpu.memref_slice %arg8[%add3A_72, %dma_start3A] : memref<10240x64xf32, #tpu.memory_space<hbm>> -> memref<80x64xf32, #tpu.memory_space<hbm>>
        %dma_start3A_107 = arith.constant 0 : i32
        %dma_start3A_108 = tpu.memref_slice %arg8[%add3A_72, %dma_start3A_107] : memref<10240x64xf32, #tpu.memory_space<hbm>> -> memref<80x64xf32, #tpu.memory_space<hbm>>
        tpu.enqueue_dma source(%arg18 : memref<80x64xf32, #tpu.memory_space<vmem>>) target(%dma_start3A_108 : memref<80x64xf32, #tpu.memory_space<hbm>>) target_semaphore(%run_scoped3A_105 : memref<!tpu.dma_semaphore, #tpu.memory_space<semaphore_mem>>)
        %dma_wait3A = arith.constant 0 : i32
        %dma_wait3A_109 = tpu.memref_slice %arg8[%add3A_72, %dma_wait3A] : memref<10240x64xf32, #tpu.memory_space<hbm>> -> memref<80x64xf32, #tpu.memory_space<hbm>>
        %dma_wait3A_110 = arith.constant 0 : i32
        %dma_wait3A_111 = tpu.memref_slice %arg8[%add3A_72, %dma_wait3A_110] : memref<10240x64xf32, #tpu.memory_space<hbm>> -> memref<80x64xf32, #tpu.memory_space<hbm>>
        tpu.wait_dma2 semaphore(%run_scoped3A_105 : memref<!tpu.dma_semaphore, #tpu.memory_space<semaphore_mem>>) src(%arg18 : memref<80x64xf32, #tpu.memory_space<vmem>>) dst(%dma_wait3A_111 : memref<80x64xf32, #tpu.memory_space<hbm>>)
        tpu.yield
      }) : () -> ()
      %mul3A_73 = arith.constant 640 : i32
      %mul3A_74 = arith.muli %arg1, %mul3A_73 : i32
      %add3A_75 = arith.constant 320 : i32
      %add3A_76 = arith.addi %mul3A_74, %add3A_75 : i32
      "tpu.region"() ({
        %run_scoped3A_105 = tpu.sem_alloc : memref<!tpu.dma_semaphore, #tpu.memory_space<semaphore_mem>>
        %dma_start3A = arith.constant 0 : i32
        %dma_start3A_106 = tpu.memref_slice %arg20[%add3A_76, %dma_start3A] : memref<10240x64xf32, #tpu.memory_space<vmem_shared>> -> memref<80x64xf32, #tpu.memory_space<vmem_shared>>
        %dma_start3A_107 = arith.constant 0 : i32
        %dma_start3A_108 = tpu.memref_slice %arg20[%add3A_76, %dma_start3A_107] : memref<10240x64xf32, #tpu.memory_space<vmem_shared>> -> memref<80x64xf32, #tpu.memory_space<vmem_shared>>
        tpu.enqueue_dma source(%dma_start3A_108 : memref<80x64xf32, #tpu.memory_space<vmem_shared>>) target(%arg18 : memref<80x64xf32, #tpu.memory_space<vmem>>) target_semaphore(%run_scoped3A_105 : memref<!tpu.dma_semaphore, #tpu.memory_space<semaphore_mem>>)
        %dma_wait3A = arith.constant 0 : i32
        %dma_wait3A_109 = tpu.memref_slice %arg20[%add3A_76, %dma_wait3A] : memref<10240x64xf32, #tpu.memory_space<vmem_shared>> -> memref<80x64xf32, #tpu.memory_space<vmem_shared>>
        %dma_wait3A_110 = arith.constant 0 : i32
        %dma_wait3A_111 = tpu.memref_slice %arg20[%add3A_76, %dma_wait3A_110] : memref<10240x64xf32, #tpu.memory_space<vmem_shared>> -> memref<80x64xf32, #tpu.memory_space<vmem_shared>>
        tpu.wait_dma2 semaphore(%run_scoped3A_105 : memref<!tpu.dma_semaphore, #tpu.memory_space<semaphore_mem>>) src(%dma_wait3A_111 : memref<80x64xf32, #tpu.memory_space<vmem_shared>>) dst(%arg18 : memref<80x64xf32, #tpu.memory_space<vmem>>)
        tpu.yield
      }) : () -> ()
      %mul3A_77 = arith.constant 640 : i32
      %mul3A_78 = arith.muli %arg1, %mul3A_77 : i32
      %add3A_79 = arith.constant 320 : i32
      %add3A_80 = arith.addi %mul3A_78, %add3A_79 : i32
      "tpu.region"() ({
        %run_scoped3A_105 = tpu.sem_alloc : memref<!tpu.dma_semaphore, #tpu.memory_space<semaphore_mem>>
        %dma_start3A = arith.constant 0 : i32
        %dma_start3A_106 = tpu.memref_slice %arg8[%add3A_80, %dma_start3A] : memref<10240x64xf32, #tpu.memory_space<hbm>> -> memref<80x64xf32, #tpu.memory_space<hbm>>
        %dma_start3A_107 = arith.constant 0 : i32
        %dma_start3A_108 = tpu.memref_slice %arg8[%add3A_80, %dma_start3A_107] : memref<10240x64xf32, #tpu.memory_space<hbm>> -> memref<80x64xf32, #tpu.memory_space<hbm>>
        tpu.enqueue_dma source(%arg18 : memref<80x64xf32, #tpu.memory_space<vmem>>) target(%dma_start3A_108 : memref<80x64xf32, #tpu.memory_space<hbm>>) target_semaphore(%run_scoped3A_105 : memref<!tpu.dma_semaphore, #tpu.memory_space<semaphore_mem>>)
        %dma_wait3A = arith.constant 0 : i32
        %dma_wait3A_109 = tpu.memref_slice %arg8[%add3A_80, %dma_wait3A] : memref<10240x64xf32, #tpu.memory_space<hbm>> -> memref<80x64xf32, #tpu.memory_space<hbm>>
        %dma_wait3A_110 = arith.constant 0 : i32
        %dma_wait3A_111 = tpu.memref_slice %arg8[%add3A_80, %dma_wait3A_110] : memref<10240x64xf32, #tpu.memory_space<hbm>> -> memref<80x64xf32, #tpu.memory_space<hbm>>
        tpu.wait_dma2 semaphore(%run_scoped3A_105 : memref<!tpu.dma_semaphore, #tpu.memory_space<semaphore_mem>>) src(%arg18 : memref<80x64xf32, #tpu.memory_space<vmem>>) dst(%dma_wait3A_111 : memref<80x64xf32, #tpu.memory_space<hbm>>)
        tpu.yield
      }) : () -> ()
      %mul3A_81 = arith.constant 640 : i32
      %mul3A_82 = arith.muli %arg1, %mul3A_81 : i32
      %add3A_83 = arith.constant 400 : i32
      %add3A_84 = arith.addi %mul3A_82, %add3A_83 : i32
      "tpu.region"() ({
        %run_scoped3A_105 = tpu.sem_alloc : memref<!tpu.dma_semaphore, #tpu.memory_space<semaphore_mem>>
        %dma_start3A = arith.constant 0 : i32
        %dma_start3A_106 = tpu.memref_slice %arg20[%add3A_84, %dma_start3A] : memref<10240x64xf32, #tpu.memory_space<vmem_shared>> -> memref<80x64xf32, #tpu.memory_space<vmem_shared>>
        %dma_start3A_107 = arith.constant 0 : i32
        %dma_start3A_108 = tpu.memref_slice %arg20[%add3A_84, %dma_start3A_107] : memref<10240x64xf32, #tpu.memory_space<vmem_shared>> -> memref<80x64xf32, #tpu.memory_space<vmem_shared>>
        tpu.enqueue_dma source(%dma_start3A_108 : memref<80x64xf32, #tpu.memory_space<vmem_shared>>) target(%arg18 : memref<80x64xf32, #tpu.memory_space<vmem>>) target_semaphore(%run_scoped3A_105 : memref<!tpu.dma_semaphore, #tpu.memory_space<semaphore_mem>>)
        %dma_wait3A = arith.constant 0 : i32
        %dma_wait3A_109 = tpu.memref_slice %arg20[%add3A_84, %dma_wait3A] : memref<10240x64xf32, #tpu.memory_space<vmem_shared>> -> memref<80x64xf32, #tpu.memory_space<vmem_shared>>
        %dma_wait3A_110 = arith.constant 0 : i32
        %dma_wait3A_111 = tpu.memref_slice %arg20[%add3A_84, %dma_wait3A_110] : memref<10240x64xf32, #tpu.memory_space<vmem_shared>> -> memref<80x64xf32, #tpu.memory_space<vmem_shared>>
        tpu.wait_dma2 semaphore(%run_scoped3A_105 : memref<!tpu.dma_semaphore, #tpu.memory_space<semaphore_mem>>) src(%dma_wait3A_111 : memref<80x64xf32, #tpu.memory_space<vmem_shared>>) dst(%arg18 : memref<80x64xf32, #tpu.memory_space<vmem>>)
        tpu.yield
      }) : () -> ()
      %mul3A_85 = arith.constant 640 : i32
      %mul3A_86 = arith.muli %arg1, %mul3A_85 : i32
      %add3A_87 = arith.constant 400 : i32
      %add3A_88 = arith.addi %mul3A_86, %add3A_87 : i32
      "tpu.region"() ({
        %run_scoped3A_105 = tpu.sem_alloc : memref<!tpu.dma_semaphore, #tpu.memory_space<semaphore_mem>>
        %dma_start3A = arith.constant 0 : i32
        %dma_start3A_106 = tpu.memref_slice %arg8[%add3A_88, %dma_start3A] : memref<10240x64xf32, #tpu.memory_space<hbm>> -> memref<80x64xf32, #tpu.memory_space<hbm>>
        %dma_start3A_107 = arith.constant 0 : i32
        %dma_start3A_108 = tpu.memref_slice %arg8[%add3A_88, %dma_start3A_107] : memref<10240x64xf32, #tpu.memory_space<hbm>> -> memref<80x64xf32, #tpu.memory_space<hbm>>
        tpu.enqueue_dma source(%arg18 : memref<80x64xf32, #tpu.memory_space<vmem>>) target(%dma_start3A_108 : memref<80x64xf32, #tpu.memory_space<hbm>>) target_semaphore(%run_scoped3A_105 : memref<!tpu.dma_semaphore, #tpu.memory_space<semaphore_mem>>)
        %dma_wait3A = arith.constant 0 : i32
        %dma_wait3A_109 = tpu.memref_slice %arg8[%add3A_88, %dma_wait3A] : memref<10240x64xf32, #tpu.memory_space<hbm>> -> memref<80x64xf32, #tpu.memory_space<hbm>>
        %dma_wait3A_110 = arith.constant 0 : i32
        %dma_wait3A_111 = tpu.memref_slice %arg8[%add3A_88, %dma_wait3A_110] : memref<10240x64xf32, #tpu.memory_space<hbm>> -> memref<80x64xf32, #tpu.memory_space<hbm>>
        tpu.wait_dma2 semaphore(%run_scoped3A_105 : memref<!tpu.dma_semaphore, #tpu.memory_space<semaphore_mem>>) src(%arg18 : memref<80x64xf32, #tpu.memory_space<vmem>>) dst(%dma_wait3A_111 : memref<80x64xf32, #tpu.memory_space<hbm>>)
        tpu.yield
      }) : () -> ()
      %mul3A_89 = arith.constant 640 : i32
      %mul3A_90 = arith.muli %arg1, %mul3A_89 : i32
      %add3A_91 = arith.constant 480 : i32
      %add3A_92 = arith.addi %mul3A_90, %add3A_91 : i32
      "tpu.region"() ({
        %run_scoped3A_105 = tpu.sem_alloc : memref<!tpu.dma_semaphore, #tpu.memory_space<semaphore_mem>>
        %dma_start3A = arith.constant 0 : i32
        %dma_start3A_106 = tpu.memref_slice %arg20[%add3A_92, %dma_start3A] : memref<10240x64xf32, #tpu.memory_space<vmem_shared>> -> memref<80x64xf32, #tpu.memory_space<vmem_shared>>
        %dma_start3A_107 = arith.constant 0 : i32
        %dma_start3A_108 = tpu.memref_slice %arg20[%add3A_92, %dma_start3A_107] : memref<10240x64xf32, #tpu.memory_space<vmem_shared>> -> memref<80x64xf32, #tpu.memory_space<vmem_shared>>
        tpu.enqueue_dma source(%dma_start3A_108 : memref<80x64xf32, #tpu.memory_space<vmem_shared>>) target(%arg18 : memref<80x64xf32, #tpu.memory_space<vmem>>) target_semaphore(%run_scoped3A_105 : memref<!tpu.dma_semaphore, #tpu.memory_space<semaphore_mem>>)
        %dma_wait3A = arith.constant 0 : i32
        %dma_wait3A_109 = tpu.memref_slice %arg20[%add3A_92, %dma_wait3A] : memref<10240x64xf32, #tpu.memory_space<vmem_shared>> -> memref<80x64xf32, #tpu.memory_space<vmem_shared>>
        %dma_wait3A_110 = arith.constant 0 : i32
        %dma_wait3A_111 = tpu.memref_slice %arg20[%add3A_92, %dma_wait3A_110] : memref<10240x64xf32, #tpu.memory_space<vmem_shared>> -> memref<80x64xf32, #tpu.memory_space<vmem_shared>>
        tpu.wait_dma2 semaphore(%run_scoped3A_105 : memref<!tpu.dma_semaphore, #tpu.memory_space<semaphore_mem>>) src(%dma_wait3A_111 : memref<80x64xf32, #tpu.memory_space<vmem_shared>>) dst(%arg18 : memref<80x64xf32, #tpu.memory_space<vmem>>)
        tpu.yield
      }) : () -> ()
      %mul3A_93 = arith.constant 640 : i32
      %mul3A_94 = arith.muli %arg1, %mul3A_93 : i32
      %add3A_95 = arith.constant 480 : i32
      %add3A_96 = arith.addi %mul3A_94, %add3A_95 : i32
      "tpu.region"() ({
        %run_scoped3A_105 = tpu.sem_alloc : memref<!tpu.dma_semaphore, #tpu.memory_space<semaphore_mem>>
        %dma_start3A = arith.constant 0 : i32
        %dma_start3A_106 = tpu.memref_slice %arg8[%add3A_96, %dma_start3A] : memref<10240x64xf32, #tpu.memory_space<hbm>> -> memref<80x64xf32, #tpu.memory_space<hbm>>
        %dma_start3A_107 = arith.constant 0 : i32
        %dma_start3A_108 = tpu.memref_slice %arg8[%add3A_96, %dma_start3A_107] : memref<10240x64xf32, #tpu.memory_space<hbm>> -> memref<80x64xf32, #tpu.memory_space<hbm>>
        tpu.enqueue_dma source(%arg18 : memref<80x64xf32, #tpu.memory_space<vmem>>) target(%dma_start3A_108 : memref<80x64xf32, #tpu.memory_space<hbm>>) target_semaphore(%run_scoped3A_105 : memref<!tpu.dma_semaphore, #tpu.memory_space<semaphore_mem>>)
        %dma_wait3A = arith.constant 0 : i32
        %dma_wait3A_109 = tpu.memref_slice %arg8[%add3A_96, %dma_wait3A] : memref<10240x64xf32, #tpu.memory_space<hbm>> -> memref<80x64xf32, #tpu.memory_space<hbm>>
        %dma_wait3A_110 = arith.constant 0 : i32
        %dma_wait3A_111 = tpu.memref_slice %arg8[%add3A_96, %dma_wait3A_110] : memref<10240x64xf32, #tpu.memory_space<hbm>> -> memref<80x64xf32, #tpu.memory_space<hbm>>
        tpu.wait_dma2 semaphore(%run_scoped3A_105 : memref<!tpu.dma_semaphore, #tpu.memory_space<semaphore_mem>>) src(%arg18 : memref<80x64xf32, #tpu.memory_space<vmem>>) dst(%dma_wait3A_111 : memref<80x64xf32, #tpu.memory_space<hbm>>)
        tpu.yield
      }) : () -> ()
      %mul3A_97 = arith.constant 640 : i32
      %mul3A_98 = arith.muli %arg1, %mul3A_97 : i32
      %add3A_99 = arith.constant 560 : i32
      %add3A_100 = arith.addi %mul3A_98, %add3A_99 : i32
      "tpu.region"() ({
        %run_scoped3A_105 = tpu.sem_alloc : memref<!tpu.dma_semaphore, #tpu.memory_space<semaphore_mem>>
        %dma_start3A = arith.constant 0 : i32
        %dma_start3A_106 = tpu.memref_slice %arg20[%add3A_100, %dma_start3A] : memref<10240x64xf32, #tpu.memory_space<vmem_shared>> -> memref<80x64xf32, #tpu.memory_space<vmem_shared>>
        %dma_start3A_107 = arith.constant 0 : i32
        %dma_start3A_108 = tpu.memref_slice %arg20[%add3A_100, %dma_start3A_107] : memref<10240x64xf32, #tpu.memory_space<vmem_shared>> -> memref<80x64xf32, #tpu.memory_space<vmem_shared>>
        tpu.enqueue_dma source(%dma_start3A_108 : memref<80x64xf32, #tpu.memory_space<vmem_shared>>) target(%arg18 : memref<80x64xf32, #tpu.memory_space<vmem>>) target_semaphore(%run_scoped3A_105 : memref<!tpu.dma_semaphore, #tpu.memory_space<semaphore_mem>>)
        %dma_wait3A = arith.constant 0 : i32
        %dma_wait3A_109 = tpu.memref_slice %arg20[%add3A_100, %dma_wait3A] : memref<10240x64xf32, #tpu.memory_space<vmem_shared>> -> memref<80x64xf32, #tpu.memory_space<vmem_shared>>
        %dma_wait3A_110 = arith.constant 0 : i32
        %dma_wait3A_111 = tpu.memref_slice %arg20[%add3A_100, %dma_wait3A_110] : memref<10240x64xf32, #tpu.memory_space<vmem_shared>> -> memref<80x64xf32, #tpu.memory_space<vmem_shared>>
        tpu.wait_dma2 semaphore(%run_scoped3A_105 : memref<!tpu.dma_semaphore, #tpu.memory_space<semaphore_mem>>) src(%dma_wait3A_111 : memref<80x64xf32, #tpu.memory_space<vmem_shared>>) dst(%arg18 : memref<80x64xf32, #tpu.memory_space<vmem>>)
        tpu.yield
      }) : () -> ()
      %mul3A_101 = arith.constant 640 : i32
      %mul3A_102 = arith.muli %arg1, %mul3A_101 : i32
      %add3A_103 = arith.constant 560 : i32
      %add3A_104 = arith.addi %mul3A_102, %add3A_103 : i32
      "tpu.region"() ({
        %run_scoped3A_105 = tpu.sem_alloc : memref<!tpu.dma_semaphore, #tpu.memory_space<semaphore_mem>>
        %dma_start3A = arith.constant 0 : i32
        %dma_start3A_106 = tpu.memref_slice %arg8[%add3A_104, %dma_start3A] : memref<10240x64xf32, #tpu.memory_space<hbm>> -> memref<80x64xf32, #tpu.memory_space<hbm>>
        %dma_start3A_107 = arith.constant 0 : i32
        %dma_start3A_108 = tpu.memref_slice %arg8[%add3A_104, %dma_start3A_107] : memref<10240x64xf32, #tpu.memory_space<hbm>> -> memref<80x64xf32, #tpu.memory_space<hbm>>
        tpu.enqueue_dma source(%arg18 : memref<80x64xf32, #tpu.memory_space<vmem>>) target(%dma_start3A_108 : memref<80x64xf32, #tpu.memory_space<hbm>>) target_semaphore(%run_scoped3A_105 : memref<!tpu.dma_semaphore, #tpu.memory_space<semaphore_mem>>)
        %dma_wait3A = arith.constant 0 : i32
        %dma_wait3A_109 = tpu.memref_slice %arg8[%add3A_104, %dma_wait3A] : memref<10240x64xf32, #tpu.memory_space<hbm>> -> memref<80x64xf32, #tpu.memory_space<hbm>>
        %dma_wait3A_110 = arith.constant 0 : i32
        %dma_wait3A_111 = tpu.memref_slice %arg8[%add3A_104, %dma_wait3A_110] : memref<10240x64xf32, #tpu.memory_space<hbm>> -> memref<80x64xf32, #tpu.memory_space<hbm>>
        tpu.wait_dma2 semaphore(%run_scoped3A_105 : memref<!tpu.dma_semaphore, #tpu.memory_space<semaphore_mem>>) src(%arg18 : memref<80x64xf32, #tpu.memory_space<vmem>>) dst(%dma_wait3A_111 : memref<80x64xf32, #tpu.memory_space<hbm>>)
        tpu.yield
      }) : () -> ()
    } else {
    }
    %eq3A_37 = arith.constant 1 : i32
    %eq3A_38 = arith.cmpi eq, %arg0, %eq3A_37 : i32
    %convert_element_type3A_39 = arith.extui %eq3A_38 : i1 to i32
    %cond3A_40 = arith.constant 0 : i32
    %cond3A_41 = arith.cmpi ne, %convert_element_type3A_39, %cond3A_40 : i32
    scf.if %cond3A_41 {
      %mul3A_42 = arith.constant 640 : i32
      %mul3A_43 = arith.muli %arg1, %mul3A_42 : i32
      %add3A = arith.constant 0 : i32
      %add3A_44 = arith.addi %mul3A_43, %add3A : i32
      "tpu.region"() ({
        %run_scoped3A_105 = tpu.sem_alloc : memref<!tpu.dma_semaphore, #tpu.memory_space<semaphore_mem>>
        %dma_start3A = arith.constant 0 : i32
        %dma_start3A_106 = tpu.memref_slice %arg20[%add3A_44, %dma_start3A] : memref<10240x64xf32, #tpu.memory_space<vmem_shared>> -> memref<80x64xf32, #tpu.memory_space<vmem_shared>>
        %dma_start3A_107 = arith.constant 0 : i32
        %dma_start3A_108 = tpu.memref_slice %arg20[%add3A_44, %dma_start3A_107] : memref<10240x64xf32, #tpu.memory_space<vmem_shared>> -> memref<80x64xf32, #tpu.memory_space<vmem_shared>>
        tpu.enqueue_dma source(%dma_start3A_108 : memref<80x64xf32, #tpu.memory_space<vmem_shared>>) target(%arg18 : memref<80x64xf32, #tpu.memory_space<vmem>>) target_semaphore(%run_scoped3A_105 : memref<!tpu.dma_semaphore, #tpu.memory_space<semaphore_mem>>)
        %dma_wait3A = arith.constant 0 : i32
        %dma_wait3A_109 = tpu.memref_slice %arg20[%add3A_44, %dma_wait3A] : memref<10240x64xf32, #tpu.memory_space<vmem_shared>> -> memref<80x64xf32, #tpu.memory_space<vmem_shared>>
        %dma_wait3A_110 = arith.constant 0 : i32
        %dma_wait3A_111 = tpu.memref_slice %arg20[%add3A_44, %dma_wait3A_110] : memref<10240x64xf32, #tpu.memory_space<vmem_shared>> -> memref<80x64xf32, #tpu.memory_space<vmem_shared>>
        tpu.wait_dma2 semaphore(%run_scoped3A_105 : memref<!tpu.dma_semaphore, #tpu.memory_space<semaphore_mem>>) src(%dma_wait3A_111 : memref<80x64xf32, #tpu.memory_space<vmem_shared>>) dst(%arg18 : memref<80x64xf32, #tpu.memory_space<vmem>>)
        tpu.yield
      }) : () -> ()
      %mul3A_45 = arith.constant 640 : i32
      %mul3A_46 = arith.muli %arg1, %mul3A_45 : i32
      %add3A_47 = arith.constant 0 : i32
      %add3A_48 = arith.addi %mul3A_46, %add3A_47 : i32
      "tpu.region"() ({
        %run_scoped3A_105 = tpu.sem_alloc : memref<!tpu.dma_semaphore, #tpu.memory_space<semaphore_mem>>
        %dma_start3A = arith.constant 0 : i32
        %dma_start3A_106 = tpu.memref_slice %arg9[%add3A_48, %dma_start3A] : memref<10240x64xf32, #tpu.memory_space<hbm>> -> memref<80x64xf32, #tpu.memory_space<hbm>>
        %dma_start3A_107 = arith.constant 0 : i32
        %dma_start3A_108 = tpu.memref_slice %arg9[%add3A_48, %dma_start3A_107] : memref<10240x64xf32, #tpu.memory_space<hbm>> -> memref<80x64xf32, #tpu.memory_space<hbm>>
        tpu.enqueue_dma source(%arg18 : memref<80x64xf32, #tpu.memory_space<vmem>>) target(%dma_start3A_108 : memref<80x64xf32, #tpu.memory_space<hbm>>) target_semaphore(%run_scoped3A_105 : memref<!tpu.dma_semaphore, #tpu.memory_space<semaphore_mem>>)
        %dma_wait3A = arith.constant 0 : i32
        %dma_wait3A_109 = tpu.memref_slice %arg9[%add3A_48, %dma_wait3A] : memref<10240x64xf32, #tpu.memory_space<hbm>> -> memref<80x64xf32, #tpu.memory_space<hbm>>
        %dma_wait3A_110 = arith.constant 0 : i32
        %dma_wait3A_111 = tpu.memref_slice %arg9[%add3A_48, %dma_wait3A_110] : memref<10240x64xf32, #tpu.memory_space<hbm>> -> memref<80x64xf32, #tpu.memory_space<hbm>>
        tpu.wait_dma2 semaphore(%run_scoped3A_105 : memref<!tpu.dma_semaphore, #tpu.memory_space<semaphore_mem>>) src(%arg18 : memref<80x64xf32, #tpu.memory_space<vmem>>) dst(%dma_wait3A_111 : memref<80x64xf32, #tpu.memory_space<hbm>>)
        tpu.yield
      }) : () -> ()
      %mul3A_49 = arith.constant 640 : i32
      %mul3A_50 = arith.muli %arg1, %mul3A_49 : i32
      %add3A_51 = arith.constant 80 : i32
      %add3A_52 = arith.addi %mul3A_50, %add3A_51 : i32
      "tpu.region"() ({
        %run_scoped3A_105 = tpu.sem_alloc : memref<!tpu.dma_semaphore, #tpu.memory_space<semaphore_mem>>
        %dma_start3A = arith.constant 0 : i32
        %dma_start3A_106 = tpu.memref_slice %arg20[%add3A_52, %dma_start3A] : memref<10240x64xf32, #tpu.memory_space<vmem_shared>> -> memref<80x64xf32, #tpu.memory_space<vmem_shared>>
        %dma_start3A_107 = arith.constant 0 : i32
        %dma_start3A_108 = tpu.memref_slice %arg20[%add3A_52, %dma_start3A_107] : memref<10240x64xf32, #tpu.memory_space<vmem_shared>> -> memref<80x64xf32, #tpu.memory_space<vmem_shared>>
        tpu.enqueue_dma source(%dma_start3A_108 : memref<80x64xf32, #tpu.memory_space<vmem_shared>>) target(%arg18 : memref<80x64xf32, #tpu.memory_space<vmem>>) target_semaphore(%run_scoped3A_105 : memref<!tpu.dma_semaphore, #tpu.memory_space<semaphore_mem>>)
        %dma_wait3A = arith.constant 0 : i32
        %dma_wait3A_109 = tpu.memref_slice %arg20[%add3A_52, %dma_wait3A] : memref<10240x64xf32, #tpu.memory_space<vmem_shared>> -> memref<80x64xf32, #tpu.memory_space<vmem_shared>>
        %dma_wait3A_110 = arith.constant 0 : i32
        %dma_wait3A_111 = tpu.memref_slice %arg20[%add3A_52, %dma_wait3A_110] : memref<10240x64xf32, #tpu.memory_space<vmem_shared>> -> memref<80x64xf32, #tpu.memory_space<vmem_shared>>
        tpu.wait_dma2 semaphore(%run_scoped3A_105 : memref<!tpu.dma_semaphore, #tpu.memory_space<semaphore_mem>>) src(%dma_wait3A_111 : memref<80x64xf32, #tpu.memory_space<vmem_shared>>) dst(%arg18 : memref<80x64xf32, #tpu.memory_space<vmem>>)
        tpu.yield
      }) : () -> ()
      %mul3A_53 = arith.constant 640 : i32
      %mul3A_54 = arith.muli %arg1, %mul3A_53 : i32
      %add3A_55 = arith.constant 80 : i32
      %add3A_56 = arith.addi %mul3A_54, %add3A_55 : i32
      "tpu.region"() ({
        %run_scoped3A_105 = tpu.sem_alloc : memref<!tpu.dma_semaphore, #tpu.memory_space<semaphore_mem>>
        %dma_start3A = arith.constant 0 : i32
        %dma_start3A_106 = tpu.memref_slice %arg9[%add3A_56, %dma_start3A] : memref<10240x64xf32, #tpu.memory_space<hbm>> -> memref<80x64xf32, #tpu.memory_space<hbm>>
        %dma_start3A_107 = arith.constant 0 : i32
        %dma_start3A_108 = tpu.memref_slice %arg9[%add3A_56, %dma_start3A_107] : memref<10240x64xf32, #tpu.memory_space<hbm>> -> memref<80x64xf32, #tpu.memory_space<hbm>>
        tpu.enqueue_dma source(%arg18 : memref<80x64xf32, #tpu.memory_space<vmem>>) target(%dma_start3A_108 : memref<80x64xf32, #tpu.memory_space<hbm>>) target_semaphore(%run_scoped3A_105 : memref<!tpu.dma_semaphore, #tpu.memory_space<semaphore_mem>>)
        %dma_wait3A = arith.constant 0 : i32
        %dma_wait3A_109 = tpu.memref_slice %arg9[%add3A_56, %dma_wait3A] : memref<10240x64xf32, #tpu.memory_space<hbm>> -> memref<80x64xf32, #tpu.memory_space<hbm>>
        %dma_wait3A_110 = arith.constant 0 : i32
        %dma_wait3A_111 = tpu.memref_slice %arg9[%add3A_56, %dma_wait3A_110] : memref<10240x64xf32, #tpu.memory_space<hbm>> -> memref<80x64xf32, #tpu.memory_space<hbm>>
        tpu.wait_dma2 semaphore(%run_scoped3A_105 : memref<!tpu.dma_semaphore, #tpu.memory_space<semaphore_mem>>) src(%arg18 : memref<80x64xf32, #tpu.memory_space<vmem>>) dst(%dma_wait3A_111 : memref<80x64xf32, #tpu.memory_space<hbm>>)
        tpu.yield
      }) : () -> ()
      %mul3A_57 = arith.constant 640 : i32
      %mul3A_58 = arith.muli %arg1, %mul3A_57 : i32
      %add3A_59 = arith.constant 160 : i32
      %add3A_60 = arith.addi %mul3A_58, %add3A_59 : i32
      "tpu.region"() ({
        %run_scoped3A_105 = tpu.sem_alloc : memref<!tpu.dma_semaphore, #tpu.memory_space<semaphore_mem>>
        %dma_start3A = arith.constant 0 : i32
        %dma_start3A_106 = tpu.memref_slice %arg20[%add3A_60, %dma_start3A] : memref<10240x64xf32, #tpu.memory_space<vmem_shared>> -> memref<80x64xf32, #tpu.memory_space<vmem_shared>>
        %dma_start3A_107 = arith.constant 0 : i32
        %dma_start3A_108 = tpu.memref_slice %arg20[%add3A_60, %dma_start3A_107] : memref<10240x64xf32, #tpu.memory_space<vmem_shared>> -> memref<80x64xf32, #tpu.memory_space<vmem_shared>>
        tpu.enqueue_dma source(%dma_start3A_108 : memref<80x64xf32, #tpu.memory_space<vmem_shared>>) target(%arg18 : memref<80x64xf32, #tpu.memory_space<vmem>>) target_semaphore(%run_scoped3A_105 : memref<!tpu.dma_semaphore, #tpu.memory_space<semaphore_mem>>)
        %dma_wait3A = arith.constant 0 : i32
        %dma_wait3A_109 = tpu.memref_slice %arg20[%add3A_60, %dma_wait3A] : memref<10240x64xf32, #tpu.memory_space<vmem_shared>> -> memref<80x64xf32, #tpu.memory_space<vmem_shared>>
        %dma_wait3A_110 = arith.constant 0 : i32
        %dma_wait3A_111 = tpu.memref_slice %arg20[%add3A_60, %dma_wait3A_110] : memref<10240x64xf32, #tpu.memory_space<vmem_shared>> -> memref<80x64xf32, #tpu.memory_space<vmem_shared>>
        tpu.wait_dma2 semaphore(%run_scoped3A_105 : memref<!tpu.dma_semaphore, #tpu.memory_space<semaphore_mem>>) src(%dma_wait3A_111 : memref<80x64xf32, #tpu.memory_space<vmem_shared>>) dst(%arg18 : memref<80x64xf32, #tpu.memory_space<vmem>>)
        tpu.yield
      }) : () -> ()
      %mul3A_61 = arith.constant 640 : i32
      %mul3A_62 = arith.muli %arg1, %mul3A_61 : i32
      %add3A_63 = arith.constant 160 : i32
      %add3A_64 = arith.addi %mul3A_62, %add3A_63 : i32
      "tpu.region"() ({
        %run_scoped3A_105 = tpu.sem_alloc : memref<!tpu.dma_semaphore, #tpu.memory_space<semaphore_mem>>
        %dma_start3A = arith.constant 0 : i32
        %dma_start3A_106 = tpu.memref_slice %arg9[%add3A_64, %dma_start3A] : memref<10240x64xf32, #tpu.memory_space<hbm>> -> memref<80x64xf32, #tpu.memory_space<hbm>>
        %dma_start3A_107 = arith.constant 0 : i32
        %dma_start3A_108 = tpu.memref_slice %arg9[%add3A_64, %dma_start3A_107] : memref<10240x64xf32, #tpu.memory_space<hbm>> -> memref<80x64xf32, #tpu.memory_space<hbm>>
        tpu.enqueue_dma source(%arg18 : memref<80x64xf32, #tpu.memory_space<vmem>>) target(%dma_start3A_108 : memref<80x64xf32, #tpu.memory_space<hbm>>) target_semaphore(%run_scoped3A_105 : memref<!tpu.dma_semaphore, #tpu.memory_space<semaphore_mem>>)
        %dma_wait3A = arith.constant 0 : i32
        %dma_wait3A_109 = tpu.memref_slice %arg9[%add3A_64, %dma_wait3A] : memref<10240x64xf32, #tpu.memory_space<hbm>> -> memref<80x64xf32, #tpu.memory_space<hbm>>
        %dma_wait3A_110 = arith.constant 0 : i32
        %dma_wait3A_111 = tpu.memref_slice %arg9[%add3A_64, %dma_wait3A_110] : memref<10240x64xf32, #tpu.memory_space<hbm>> -> memref<80x64xf32, #tpu.memory_space<hbm>>
        tpu.wait_dma2 semaphore(%run_scoped3A_105 : memref<!tpu.dma_semaphore, #tpu.memory_space<semaphore_mem>>) src(%arg18 : memref<80x64xf32, #tpu.memory_space<vmem>>) dst(%dma_wait3A_111 : memref<80x64xf32, #tpu.memory_space<hbm>>)
        tpu.yield
      }) : () -> ()
      %mul3A_65 = arith.constant 640 : i32
      %mul3A_66 = arith.muli %arg1, %mul3A_65 : i32
      %add3A_67 = arith.constant 240 : i32
      %add3A_68 = arith.addi %mul3A_66, %add3A_67 : i32
      "tpu.region"() ({
        %run_scoped3A_105 = tpu.sem_alloc : memref<!tpu.dma_semaphore, #tpu.memory_space<semaphore_mem>>
        %dma_start3A = arith.constant 0 : i32
        %dma_start3A_106 = tpu.memref_slice %arg20[%add3A_68, %dma_start3A] : memref<10240x64xf32, #tpu.memory_space<vmem_shared>> -> memref<80x64xf32, #tpu.memory_space<vmem_shared>>
        %dma_start3A_107 = arith.constant 0 : i32
        %dma_start3A_108 = tpu.memref_slice %arg20[%add3A_68, %dma_start3A_107] : memref<10240x64xf32, #tpu.memory_space<vmem_shared>> -> memref<80x64xf32, #tpu.memory_space<vmem_shared>>
        tpu.enqueue_dma source(%dma_start3A_108 : memref<80x64xf32, #tpu.memory_space<vmem_shared>>) target(%arg18 : memref<80x64xf32, #tpu.memory_space<vmem>>) target_semaphore(%run_scoped3A_105 : memref<!tpu.dma_semaphore, #tpu.memory_space<semaphore_mem>>)
        %dma_wait3A = arith.constant 0 : i32
        %dma_wait3A_109 = tpu.memref_slice %arg20[%add3A_68, %dma_wait3A] : memref<10240x64xf32, #tpu.memory_space<vmem_shared>> -> memref<80x64xf32, #tpu.memory_space<vmem_shared>>
        %dma_wait3A_110 = arith.constant 0 : i32
        %dma_wait3A_111 = tpu.memref_slice %arg20[%add3A_68, %dma_wait3A_110] : memref<10240x64xf32, #tpu.memory_space<vmem_shared>> -> memref<80x64xf32, #tpu.memory_space<vmem_shared>>
        tpu.wait_dma2 semaphore(%run_scoped3A_105 : memref<!tpu.dma_semaphore, #tpu.memory_space<semaphore_mem>>) src(%dma_wait3A_111 : memref<80x64xf32, #tpu.memory_space<vmem_shared>>) dst(%arg18 : memref<80x64xf32, #tpu.memory_space<vmem>>)
        tpu.yield
      }) : () -> ()
      %mul3A_69 = arith.constant 640 : i32
      %mul3A_70 = arith.muli %arg1, %mul3A_69 : i32
      %add3A_71 = arith.constant 240 : i32
      %add3A_72 = arith.addi %mul3A_70, %add3A_71 : i32
      "tpu.region"() ({
        %run_scoped3A_105 = tpu.sem_alloc : memref<!tpu.dma_semaphore, #tpu.memory_space<semaphore_mem>>
        %dma_start3A = arith.constant 0 : i32
        %dma_start3A_106 = tpu.memref_slice %arg9[%add3A_72, %dma_start3A] : memref<10240x64xf32, #tpu.memory_space<hbm>> -> memref<80x64xf32, #tpu.memory_space<hbm>>
        %dma_start3A_107 = arith.constant 0 : i32
        %dma_start3A_108 = tpu.memref_slice %arg9[%add3A_72, %dma_start3A_107] : memref<10240x64xf32, #tpu.memory_space<hbm>> -> memref<80x64xf32, #tpu.memory_space<hbm>>
        tpu.enqueue_dma source(%arg18 : memref<80x64xf32, #tpu.memory_space<vmem>>) target(%dma_start3A_108 : memref<80x64xf32, #tpu.memory_space<hbm>>) target_semaphore(%run_scoped3A_105 : memref<!tpu.dma_semaphore, #tpu.memory_space<semaphore_mem>>)
        %dma_wait3A = arith.constant 0 : i32
        %dma_wait3A_109 = tpu.memref_slice %arg9[%add3A_72, %dma_wait3A] : memref<10240x64xf32, #tpu.memory_space<hbm>> -> memref<80x64xf32, #tpu.memory_space<hbm>>
        %dma_wait3A_110 = arith.constant 0 : i32
        %dma_wait3A_111 = tpu.memref_slice %arg9[%add3A_72, %dma_wait3A_110] : memref<10240x64xf32, #tpu.memory_space<hbm>> -> memref<80x64xf32, #tpu.memory_space<hbm>>
        tpu.wait_dma2 semaphore(%run_scoped3A_105 : memref<!tpu.dma_semaphore, #tpu.memory_space<semaphore_mem>>) src(%arg18 : memref<80x64xf32, #tpu.memory_space<vmem>>) dst(%dma_wait3A_111 : memref<80x64xf32, #tpu.memory_space<hbm>>)
        tpu.yield
      }) : () -> ()
      %mul3A_73 = arith.constant 640 : i32
      %mul3A_74 = arith.muli %arg1, %mul3A_73 : i32
      %add3A_75 = arith.constant 320 : i32
      %add3A_76 = arith.addi %mul3A_74, %add3A_75 : i32
      "tpu.region"() ({
        %run_scoped3A_105 = tpu.sem_alloc : memref<!tpu.dma_semaphore, #tpu.memory_space<semaphore_mem>>
        %dma_start3A = arith.constant 0 : i32
        %dma_start3A_106 = tpu.memref_slice %arg20[%add3A_76, %dma_start3A] : memref<10240x64xf32, #tpu.memory_space<vmem_shared>> -> memref<80x64xf32, #tpu.memory_space<vmem_shared>>
        %dma_start3A_107 = arith.constant 0 : i32
        %dma_start3A_108 = tpu.memref_slice %arg20[%add3A_76, %dma_start3A_107] : memref<10240x64xf32, #tpu.memory_space<vmem_shared>> -> memref<80x64xf32, #tpu.memory_space<vmem_shared>>
        tpu.enqueue_dma source(%dma_start3A_108 : memref<80x64xf32, #tpu.memory_space<vmem_shared>>) target(%arg18 : memref<80x64xf32, #tpu.memory_space<vmem>>) target_semaphore(%run_scoped3A_105 : memref<!tpu.dma_semaphore, #tpu.memory_space<semaphore_mem>>)
        %dma_wait3A = arith.constant 0 : i32
        %dma_wait3A_109 = tpu.memref_slice %arg20[%add3A_76, %dma_wait3A] : memref<10240x64xf32, #tpu.memory_space<vmem_shared>> -> memref<80x64xf32, #tpu.memory_space<vmem_shared>>
        %dma_wait3A_110 = arith.constant 0 : i32
        %dma_wait3A_111 = tpu.memref_slice %arg20[%add3A_76, %dma_wait3A_110] : memref<10240x64xf32, #tpu.memory_space<vmem_shared>> -> memref<80x64xf32, #tpu.memory_space<vmem_shared>>
        tpu.wait_dma2 semaphore(%run_scoped3A_105 : memref<!tpu.dma_semaphore, #tpu.memory_space<semaphore_mem>>) src(%dma_wait3A_111 : memref<80x64xf32, #tpu.memory_space<vmem_shared>>) dst(%arg18 : memref<80x64xf32, #tpu.memory_space<vmem>>)
        tpu.yield
      }) : () -> ()
      %mul3A_77 = arith.constant 640 : i32
      %mul3A_78 = arith.muli %arg1, %mul3A_77 : i32
      %add3A_79 = arith.constant 320 : i32
      %add3A_80 = arith.addi %mul3A_78, %add3A_79 : i32
      "tpu.region"() ({
        %run_scoped3A_105 = tpu.sem_alloc : memref<!tpu.dma_semaphore, #tpu.memory_space<semaphore_mem>>
        %dma_start3A = arith.constant 0 : i32
        %dma_start3A_106 = tpu.memref_slice %arg9[%add3A_80, %dma_start3A] : memref<10240x64xf32, #tpu.memory_space<hbm>> -> memref<80x64xf32, #tpu.memory_space<hbm>>
        %dma_start3A_107 = arith.constant 0 : i32
        %dma_start3A_108 = tpu.memref_slice %arg9[%add3A_80, %dma_start3A_107] : memref<10240x64xf32, #tpu.memory_space<hbm>> -> memref<80x64xf32, #tpu.memory_space<hbm>>
        tpu.enqueue_dma source(%arg18 : memref<80x64xf32, #tpu.memory_space<vmem>>) target(%dma_start3A_108 : memref<80x64xf32, #tpu.memory_space<hbm>>) target_semaphore(%run_scoped3A_105 : memref<!tpu.dma_semaphore, #tpu.memory_space<semaphore_mem>>)
        %dma_wait3A = arith.constant 0 : i32
        %dma_wait3A_109 = tpu.memref_slice %arg9[%add3A_80, %dma_wait3A] : memref<10240x64xf32, #tpu.memory_space<hbm>> -> memref<80x64xf32, #tpu.memory_space<hbm>>
        %dma_wait3A_110 = arith.constant 0 : i32
        %dma_wait3A_111 = tpu.memref_slice %arg9[%add3A_80, %dma_wait3A_110] : memref<10240x64xf32, #tpu.memory_space<hbm>> -> memref<80x64xf32, #tpu.memory_space<hbm>>
        tpu.wait_dma2 semaphore(%run_scoped3A_105 : memref<!tpu.dma_semaphore, #tpu.memory_space<semaphore_mem>>) src(%arg18 : memref<80x64xf32, #tpu.memory_space<vmem>>) dst(%dma_wait3A_111 : memref<80x64xf32, #tpu.memory_space<hbm>>)
        tpu.yield
      }) : () -> ()
      %mul3A_81 = arith.constant 640 : i32
      %mul3A_82 = arith.muli %arg1, %mul3A_81 : i32
      %add3A_83 = arith.constant 400 : i32
      %add3A_84 = arith.addi %mul3A_82, %add3A_83 : i32
      "tpu.region"() ({
        %run_scoped3A_105 = tpu.sem_alloc : memref<!tpu.dma_semaphore, #tpu.memory_space<semaphore_mem>>
        %dma_start3A = arith.constant 0 : i32
        %dma_start3A_106 = tpu.memref_slice %arg20[%add3A_84, %dma_start3A] : memref<10240x64xf32, #tpu.memory_space<vmem_shared>> -> memref<80x64xf32, #tpu.memory_space<vmem_shared>>
        %dma_start3A_107 = arith.constant 0 : i32
        %dma_start3A_108 = tpu.memref_slice %arg20[%add3A_84, %dma_start3A_107] : memref<10240x64xf32, #tpu.memory_space<vmem_shared>> -> memref<80x64xf32, #tpu.memory_space<vmem_shared>>
        tpu.enqueue_dma source(%dma_start3A_108 : memref<80x64xf32, #tpu.memory_space<vmem_shared>>) target(%arg18 : memref<80x64xf32, #tpu.memory_space<vmem>>) target_semaphore(%run_scoped3A_105 : memref<!tpu.dma_semaphore, #tpu.memory_space<semaphore_mem>>)
        %dma_wait3A = arith.constant 0 : i32
        %dma_wait3A_109 = tpu.memref_slice %arg20[%add3A_84, %dma_wait3A] : memref<10240x64xf32, #tpu.memory_space<vmem_shared>> -> memref<80x64xf32, #tpu.memory_space<vmem_shared>>
        %dma_wait3A_110 = arith.constant 0 : i32
        %dma_wait3A_111 = tpu.memref_slice %arg20[%add3A_84, %dma_wait3A_110] : memref<10240x64xf32, #tpu.memory_space<vmem_shared>> -> memref<80x64xf32, #tpu.memory_space<vmem_shared>>
        tpu.wait_dma2 semaphore(%run_scoped3A_105 : memref<!tpu.dma_semaphore, #tpu.memory_space<semaphore_mem>>) src(%dma_wait3A_111 : memref<80x64xf32, #tpu.memory_space<vmem_shared>>) dst(%arg18 : memref<80x64xf32, #tpu.memory_space<vmem>>)
        tpu.yield
      }) : () -> ()
      %mul3A_85 = arith.constant 640 : i32
      %mul3A_86 = arith.muli %arg1, %mul3A_85 : i32
      %add3A_87 = arith.constant 400 : i32
      %add3A_88 = arith.addi %mul3A_86, %add3A_87 : i32
      "tpu.region"() ({
        %run_scoped3A_105 = tpu.sem_alloc : memref<!tpu.dma_semaphore, #tpu.memory_space<semaphore_mem>>
        %dma_start3A = arith.constant 0 : i32
        %dma_start3A_106 = tpu.memref_slice %arg9[%add3A_88, %dma_start3A] : memref<10240x64xf32, #tpu.memory_space<hbm>> -> memref<80x64xf32, #tpu.memory_space<hbm>>
        %dma_start3A_107 = arith.constant 0 : i32
        %dma_start3A_108 = tpu.memref_slice %arg9[%add3A_88, %dma_start3A_107] : memref<10240x64xf32, #tpu.memory_space<hbm>> -> memref<80x64xf32, #tpu.memory_space<hbm>>
        tpu.enqueue_dma source(%arg18 : memref<80x64xf32, #tpu.memory_space<vmem>>) target(%dma_start3A_108 : memref<80x64xf32, #tpu.memory_space<hbm>>) target_semaphore(%run_scoped3A_105 : memref<!tpu.dma_semaphore, #tpu.memory_space<semaphore_mem>>)
        %dma_wait3A = arith.constant 0 : i32
        %dma_wait3A_109 = tpu.memref_slice %arg9[%add3A_88, %dma_wait3A] : memref<10240x64xf32, #tpu.memory_space<hbm>> -> memref<80x64xf32, #tpu.memory_space<hbm>>
        %dma_wait3A_110 = arith.constant 0 : i32
        %dma_wait3A_111 = tpu.memref_slice %arg9[%add3A_88, %dma_wait3A_110] : memref<10240x64xf32, #tpu.memory_space<hbm>> -> memref<80x64xf32, #tpu.memory_space<hbm>>
        tpu.wait_dma2 semaphore(%run_scoped3A_105 : memref<!tpu.dma_semaphore, #tpu.memory_space<semaphore_mem>>) src(%arg18 : memref<80x64xf32, #tpu.memory_space<vmem>>) dst(%dma_wait3A_111 : memref<80x64xf32, #tpu.memory_space<hbm>>)
        tpu.yield
      }) : () -> ()
      %mul3A_89 = arith.constant 640 : i32
      %mul3A_90 = arith.muli %arg1, %mul3A_89 : i32
      %add3A_91 = arith.constant 480 : i32
      %add3A_92 = arith.addi %mul3A_90, %add3A_91 : i32
      "tpu.region"() ({
        %run_scoped3A_105 = tpu.sem_alloc : memref<!tpu.dma_semaphore, #tpu.memory_space<semaphore_mem>>
        %dma_start3A = arith.constant 0 : i32
        %dma_start3A_106 = tpu.memref_slice %arg20[%add3A_92, %dma_start3A] : memref<10240x64xf32, #tpu.memory_space<vmem_shared>> -> memref<80x64xf32, #tpu.memory_space<vmem_shared>>
        %dma_start3A_107 = arith.constant 0 : i32
        %dma_start3A_108 = tpu.memref_slice %arg20[%add3A_92, %dma_start3A_107] : memref<10240x64xf32, #tpu.memory_space<vmem_shared>> -> memref<80x64xf32, #tpu.memory_space<vmem_shared>>
        tpu.enqueue_dma source(%dma_start3A_108 : memref<80x64xf32, #tpu.memory_space<vmem_shared>>) target(%arg18 : memref<80x64xf32, #tpu.memory_space<vmem>>) target_semaphore(%run_scoped3A_105 : memref<!tpu.dma_semaphore, #tpu.memory_space<semaphore_mem>>)
        %dma_wait3A = arith.constant 0 : i32
        %dma_wait3A_109 = tpu.memref_slice %arg20[%add3A_92, %dma_wait3A] : memref<10240x64xf32, #tpu.memory_space<vmem_shared>> -> memref<80x64xf32, #tpu.memory_space<vmem_shared>>
        %dma_wait3A_110 = arith.constant 0 : i32
        %dma_wait3A_111 = tpu.memref_slice %arg20[%add3A_92, %dma_wait3A_110] : memref<10240x64xf32, #tpu.memory_space<vmem_shared>> -> memref<80x64xf32, #tpu.memory_space<vmem_shared>>
        tpu.wait_dma2 semaphore(%run_scoped3A_105 : memref<!tpu.dma_semaphore, #tpu.memory_space<semaphore_mem>>) src(%dma_wait3A_111 : memref<80x64xf32, #tpu.memory_space<vmem_shared>>) dst(%arg18 : memref<80x64xf32, #tpu.memory_space<vmem>>)
        tpu.yield
      }) : () -> ()
      %mul3A_93 = arith.constant 640 : i32
      %mul3A_94 = arith.muli %arg1, %mul3A_93 : i32
      %add3A_95 = arith.constant 480 : i32
      %add3A_96 = arith.addi %mul3A_94, %add3A_95 : i32
      "tpu.region"() ({
        %run_scoped3A_105 = tpu.sem_alloc : memref<!tpu.dma_semaphore, #tpu.memory_space<semaphore_mem>>
        %dma_start3A = arith.constant 0 : i32
        %dma_start3A_106 = tpu.memref_slice %arg9[%add3A_96, %dma_start3A] : memref<10240x64xf32, #tpu.memory_space<hbm>> -> memref<80x64xf32, #tpu.memory_space<hbm>>
        %dma_start3A_107 = arith.constant 0 : i32
        %dma_start3A_108 = tpu.memref_slice %arg9[%add3A_96, %dma_start3A_107] : memref<10240x64xf32, #tpu.memory_space<hbm>> -> memref<80x64xf32, #tpu.memory_space<hbm>>
        tpu.enqueue_dma source(%arg18 : memref<80x64xf32, #tpu.memory_space<vmem>>) target(%dma_start3A_108 : memref<80x64xf32, #tpu.memory_space<hbm>>) target_semaphore(%run_scoped3A_105 : memref<!tpu.dma_semaphore, #tpu.memory_space<semaphore_mem>>)
        %dma_wait3A = arith.constant 0 : i32
        %dma_wait3A_109 = tpu.memref_slice %arg9[%add3A_96, %dma_wait3A] : memref<10240x64xf32, #tpu.memory_space<hbm>> -> memref<80x64xf32, #tpu.memory_space<hbm>>
        %dma_wait3A_110 = arith.constant 0 : i32
        %dma_wait3A_111 = tpu.memref_slice %arg9[%add3A_96, %dma_wait3A_110] : memref<10240x64xf32, #tpu.memory_space<hbm>> -> memref<80x64xf32, #tpu.memory_space<hbm>>
        tpu.wait_dma2 semaphore(%run_scoped3A_105 : memref<!tpu.dma_semaphore, #tpu.memory_space<semaphore_mem>>) src(%arg18 : memref<80x64xf32, #tpu.memory_space<vmem>>) dst(%dma_wait3A_111 : memref<80x64xf32, #tpu.memory_space<hbm>>)
        tpu.yield
      }) : () -> ()
      %mul3A_97 = arith.constant 640 : i32
      %mul3A_98 = arith.muli %arg1, %mul3A_97 : i32
      %add3A_99 = arith.constant 560 : i32
      %add3A_100 = arith.addi %mul3A_98, %add3A_99 : i32
      "tpu.region"() ({
        %run_scoped3A_105 = tpu.sem_alloc : memref<!tpu.dma_semaphore, #tpu.memory_space<semaphore_mem>>
        %dma_start3A = arith.constant 0 : i32
        %dma_start3A_106 = tpu.memref_slice %arg20[%add3A_100, %dma_start3A] : memref<10240x64xf32, #tpu.memory_space<vmem_shared>> -> memref<80x64xf32, #tpu.memory_space<vmem_shared>>
        %dma_start3A_107 = arith.constant 0 : i32
        %dma_start3A_108 = tpu.memref_slice %arg20[%add3A_100, %dma_start3A_107] : memref<10240x64xf32, #tpu.memory_space<vmem_shared>> -> memref<80x64xf32, #tpu.memory_space<vmem_shared>>
        tpu.enqueue_dma source(%dma_start3A_108 : memref<80x64xf32, #tpu.memory_space<vmem_shared>>) target(%arg18 : memref<80x64xf32, #tpu.memory_space<vmem>>) target_semaphore(%run_scoped3A_105 : memref<!tpu.dma_semaphore, #tpu.memory_space<semaphore_mem>>)
        %dma_wait3A = arith.constant 0 : i32
        %dma_wait3A_109 = tpu.memref_slice %arg20[%add3A_100, %dma_wait3A] : memref<10240x64xf32, #tpu.memory_space<vmem_shared>> -> memref<80x64xf32, #tpu.memory_space<vmem_shared>>
        %dma_wait3A_110 = arith.constant 0 : i32
        %dma_wait3A_111 = tpu.memref_slice %arg20[%add3A_100, %dma_wait3A_110] : memref<10240x64xf32, #tpu.memory_space<vmem_shared>> -> memref<80x64xf32, #tpu.memory_space<vmem_shared>>
        tpu.wait_dma2 semaphore(%run_scoped3A_105 : memref<!tpu.dma_semaphore, #tpu.memory_space<semaphore_mem>>) src(%dma_wait3A_111 : memref<80x64xf32, #tpu.memory_space<vmem_shared>>) dst(%arg18 : memref<80x64xf32, #tpu.memory_space<vmem>>)
        tpu.yield
      }) : () -> ()
      %mul3A_101 = arith.constant 640 : i32
      %mul3A_102 = arith.muli %arg1, %mul3A_101 : i32
      %add3A_103 = arith.constant 560 : i32
      %add3A_104 = arith.addi %mul3A_102, %add3A_103 : i32
      "tpu.region"() ({
        %run_scoped3A_105 = tpu.sem_alloc : memref<!tpu.dma_semaphore, #tpu.memory_space<semaphore_mem>>
        %dma_start3A = arith.constant 0 : i32
        %dma_start3A_106 = tpu.memref_slice %arg9[%add3A_104, %dma_start3A] : memref<10240x64xf32, #tpu.memory_space<hbm>> -> memref<80x64xf32, #tpu.memory_space<hbm>>
        %dma_start3A_107 = arith.constant 0 : i32
        %dma_start3A_108 = tpu.memref_slice %arg9[%add3A_104, %dma_start3A_107] : memref<10240x64xf32, #tpu.memory_space<hbm>> -> memref<80x64xf32, #tpu.memory_space<hbm>>
        tpu.enqueue_dma source(%arg18 : memref<80x64xf32, #tpu.memory_space<vmem>>) target(%dma_start3A_108 : memref<80x64xf32, #tpu.memory_space<hbm>>) target_semaphore(%run_scoped3A_105 : memref<!tpu.dma_semaphore, #tpu.memory_space<semaphore_mem>>)
        %dma_wait3A = arith.constant 0 : i32
        %dma_wait3A_109 = tpu.memref_slice %arg9[%add3A_104, %dma_wait3A] : memref<10240x64xf32, #tpu.memory_space<hbm>> -> memref<80x64xf32, #tpu.memory_space<hbm>>
        %dma_wait3A_110 = arith.constant 0 : i32
        %dma_wait3A_111 = tpu.memref_slice %arg9[%add3A_104, %dma_wait3A_110] : memref<10240x64xf32, #tpu.memory_space<hbm>> -> memref<80x64xf32, #tpu.memory_space<hbm>>
        tpu.wait_dma2 semaphore(%run_scoped3A_105 : memref<!tpu.dma_semaphore, #tpu.memory_space<semaphore_mem>>) src(%arg18 : memref<80x64xf32, #tpu.memory_space<vmem>>) dst(%dma_wait3A_111 : memref<80x64xf32, #tpu.memory_space<hbm>>)
        tpu.yield
      }) : () -> ()
    } else {
    }
    return
  }
}

module attributes {stable_mosaic.version = 14 : i64} {
  func.func @_filt_body(%arg0: i32, %arg1: memref<2000x16xf32, #tpu.memory_space<vmem>>, %arg2: memref<2000x1xf32, #tpu.memory_space<vmem>>, %arg3: memref<16x128xf32, #tpu.memory_space<vmem>>, %arg4: memref<1x128xf32, #tpu.memory_space<vmem>>, %arg5: memref<128x128xf32, #tpu.memory_space<vmem>>, %arg6: memref<1x128xf32, #tpu.memory_space<vmem>>, %arg7: memref<2000x64xf32, #tpu.memory_space<vmem>>, %arg8: memref<2000x64xf32, #tpu.memory_space<vmem>>) attributes {dimension_semantics = [#tpu.dimension_semantics<arbitrary>], iteration_bounds = array<i64: 160>, scalar_prefetch = 0 : i64, scratch_operands = 0 : i64, tpu.core_type = #tpu.core_type<tc>, window_params = [{transform_indices = @transform_0, window_bounds = array<i64: 2000, 16>}, {transform_indices = @transform_1, window_bounds = array<i64: 2000, 1>}, {pipeline_mode = #tpu.pipeline_mode<synchronous>, transform_indices = @transform_2, window_bounds = array<i64: 16, 128>}, {pipeline_mode = #tpu.pipeline_mode<synchronous>, transform_indices = @transform_3, window_bounds = array<i64: 1, 128>}, {pipeline_mode = #tpu.pipeline_mode<synchronous>, transform_indices = @transform_4, window_bounds = array<i64: 128, 128>}, {pipeline_mode = #tpu.pipeline_mode<synchronous>, transform_indices = @transform_5, window_bounds = array<i64: 1, 128>}, {transform_indices = @transform_6, window_bounds = array<i64: 2000, 64>}, {transform_indices = @transform_7, window_bounds = array<i64: 2000, 64>}]} {
    %get3A = arith.constant 0 : index
    %get3A_0 = arith.constant 0 : index
    %get3A_1 = vector.load %arg1[%get3A, %get3A_0] : memref<2000x16xf32, #tpu.memory_space<vmem>>, vector<2000x16xf32>
    %get3A_2 = arith.constant 0 : index
    %get3A_3 = arith.constant 0 : index
    %get3A_4 = vector.load %arg3[%get3A_2, %get3A_3] : memref<16x128xf32, #tpu.memory_space<vmem>>, vector<16x128xf32>
    %dot_general3A = arith.constant dense<0.000000e+00> : vector<2000x128xf32>
    %dot_general3A_5 = tpu.matmul %get3A_1, %get3A_4, %dot_general3A {dimension_numbers = #tpu.dot_dimension_numbers<[1], [0], [0], [1], [0, 0, 1, 1], [], []>, transpose_lhs_hint = false} : vector<2000x16xf32>, vector<16x128xf32>, vector<2000x128xf32> -> vector<2000x128xf32>
    %get3A_6 = arith.constant 0 : index
    %get3A_7 = arith.constant 0 : index
    %get3A_8 = vector.load %arg4[%get3A_6, %get3A_7] : memref<1x128xf32, #tpu.memory_space<vmem>>, vector<1x128xf32>
    %add3A = vector.broadcast %get3A_8 : vector<1x128xf32> to vector<2000x128xf32>
    %add3A_9 = arith.addf %dot_general3A_5, %add3A : vector<2000x128xf32>
    %mul3A = arith.constant 4.471500e-02 : f32
    %mul3A_10 = vector.broadcast %mul3A : f32 to vector<2000x128xf32>
    %mul3A_11 = arith.mulf %mul3A_10, %add3A_9 : vector<2000x128xf32>
    %mul3A_12 = arith.mulf %mul3A_11, %add3A_9 : vector<2000x128xf32>
    %mul3A_13 = arith.mulf %mul3A_12, %add3A_9 : vector<2000x128xf32>
    %add3A_14 = arith.addf %add3A_9, %mul3A_13 : vector<2000x128xf32>
    %mul3A_15 = arith.constant 0.797884583 : f32
    %mul3A_16 = vector.broadcast %mul3A_15 : f32 to vector<2000x128xf32>
    %mul3A_17 = arith.mulf %mul3A_16, %add3A_14 : vector<2000x128xf32>
    %abs3A = math.absf %mul3A_17 : vector<2000x128xf32>
    %mul3A_18 = arith.constant -2.000000e+00 : f32
    %mul3A_19 = vector.broadcast %mul3A_18 : f32 to vector<2000x128xf32>
    %mul3A_20 = arith.mulf %mul3A_19, %abs3A : vector<2000x128xf32>
    %exp3A = math.exp %mul3A_20 : vector<2000x128xf32>
    %sub3A = arith.constant 1.000000e+00 : f32
    %sub3A_21 = vector.broadcast %sub3A : f32 to vector<2000x128xf32>
    %sub3A_22 = arith.subf %sub3A_21, %exp3A : vector<2000x128xf32>
    %add3A_23 = arith.constant 1.000000e+00 : f32
    %add3A_24 = vector.broadcast %add3A_23 : f32 to vector<2000x128xf32>
    %add3A_25 = arith.addf %add3A_24, %exp3A : vector<2000x128xf32>
    %div3A = arith.divf %sub3A_22, %add3A_25 : vector<2000x128xf32>
    %lt3A = arith.constant 0.000000e+00 : f32
    %lt3A_26 = vector.broadcast %lt3A : f32 to vector<2000x128xf32>
    %lt3A_27 = arith.cmpf olt, %mul3A_17, %lt3A_26 : vector<2000x128xf32>
    %neg3A = arith.constant 0.000000e+00 : f32
    %neg3A_28 = vector.broadcast %neg3A : f32 to vector<2000x128xf32>
    %neg3A_29 = arith.subf %neg3A_28, %div3A : vector<2000x128xf32>
    %select_n3A = arith.select %lt3A_27, %neg3A_29, %div3A : vector<2000x128xi1>, vector<2000x128xf32>
    %mul3A_30 = arith.constant 5.000000e-01 : f32
    %mul3A_31 = vector.broadcast %mul3A_30 : f32 to vector<2000x128xf32>
    %mul3A_32 = arith.mulf %mul3A_31, %add3A_9 : vector<2000x128xf32>
    %add3A_33 = arith.constant 1.000000e+00 : f32
    %add3A_34 = vector.broadcast %add3A_33 : f32 to vector<2000x128xf32>
    %add3A_35 = arith.addf %add3A_34, %select_n3A : vector<2000x128xf32>
    %mul3A_36 = arith.mulf %mul3A_32, %add3A_35 : vector<2000x128xf32>
    %get3A_37 = arith.constant 0 : index
    %get3A_38 = arith.constant 0 : index
    %get3A_39 = vector.load %arg5[%get3A_37, %get3A_38] : memref<128x128xf32, #tpu.memory_space<vmem>>, vector<128x128xf32>
    %dot_general3A_40 = arith.constant dense<0.000000e+00> : vector<2000x128xf32>
    %dot_general3A_41 = tpu.matmul %mul3A_36, %get3A_39, %dot_general3A_40 {dimension_numbers = #tpu.dot_dimension_numbers<[1], [0], [0], [1], [0, 0, 1, 1], [], []>, transpose_lhs_hint = false} : vector<2000x128xf32>, vector<128x128xf32>, vector<2000x128xf32> -> vector<2000x128xf32>
    %get3A_42 = arith.constant 0 : index
    %get3A_43 = arith.constant 0 : index
    %get3A_44 = vector.load %arg6[%get3A_42, %get3A_43] : memref<1x128xf32, #tpu.memory_space<vmem>>, vector<1x128xf32>
    %add3A_45 = vector.broadcast %get3A_44 : vector<1x128xf32> to vector<2000x128xf32>
    %add3A_46 = arith.addf %dot_general3A_41, %add3A_45 : vector<2000x128xf32>
    %get3A_47 = arith.constant 0 : index
    %get3A_48 = arith.constant 0 : index
    %get3A_49 = vector.load %arg2[%get3A_47, %get3A_48] : memref<2000x1xf32, #tpu.memory_space<vmem>>, vector<2000x1xf32>
    %mul3A_50 = arith.constant 0.314159274 : f32
    %mul3A_51 = vector.broadcast %mul3A_50 : f32 to vector<2000x1xf32>
    %mul3A_52 = arith.mulf %get3A_49, %mul3A_51 : vector<2000x1xf32>
    %mul3A_53 = arith.mulf %mul3A_52, %mul3A_52 : vector<2000x1xf32>
    %broadcast_in_dim3A = arith.constant -9.77499591E-12 : f32
    %broadcast_in_dim3A_54 = vector.broadcast %broadcast_in_dim3A : f32 to vector<2000x1xf32>
    %mul3A_55 = arith.mulf %broadcast_in_dim3A_54, %mul3A_53 : vector<2000x1xf32>
    %add3A_56 = arith.constant 2.06207273E-9 : f32
    %add3A_57 = vector.broadcast %add3A_56 : f32 to vector<2000x1xf32>
    %add3A_58 = arith.addf %mul3A_55, %add3A_57 : vector<2000x1xf32>
    %mul3A_59 = arith.mulf %add3A_58, %mul3A_53 : vector<2000x1xf32>
    %add3A_60 = arith.constant -2.75369899E-7 : f32
    %add3A_61 = vector.broadcast %add3A_60 : f32 to vector<2000x1xf32>
    %add3A_62 = arith.addf %mul3A_59, %add3A_61 : vector<2000x1xf32>
    %mul3A_63 = arith.mulf %add3A_62, %mul3A_53 : vector<2000x1xf32>
    %add3A_64 = arith.constant 2.48006909E-5 : f32
    %add3A_65 = vector.broadcast %add3A_64 : f32 to vector<2000x1xf32>
    %add3A_66 = arith.addf %mul3A_63, %add3A_65 : vector<2000x1xf32>
    %mul3A_67 = arith.mulf %add3A_66, %mul3A_53 : vector<2000x1xf32>
    %add3A_68 = arith.constant -0.00138888671 : f32
    %add3A_69 = vector.broadcast %add3A_68 : f32 to vector<2000x1xf32>
    %add3A_70 = arith.addf %mul3A_67, %add3A_69 : vector<2000x1xf32>
    %mul3A_71 = arith.mulf %add3A_70, %mul3A_53 : vector<2000x1xf32>
    %add3A_72 = arith.constant 0.0416666642 : f32
    %add3A_73 = vector.broadcast %add3A_72 : f32 to vector<2000x1xf32>
    %add3A_74 = arith.addf %mul3A_71, %add3A_73 : vector<2000x1xf32>
    %mul3A_75 = arith.mulf %add3A_74, %mul3A_53 : vector<2000x1xf32>
    %add3A_76 = arith.constant -5.000000e-01 : f32
    %add3A_77 = vector.broadcast %add3A_76 : f32 to vector<2000x1xf32>
    %add3A_78 = arith.addf %mul3A_75, %add3A_77 : vector<2000x1xf32>
    %mul3A_79 = arith.mulf %add3A_78, %mul3A_53 : vector<2000x1xf32>
    %add3A_80 = arith.constant 1.000000e+00 : f32
    %add3A_81 = vector.broadcast %add3A_80 : f32 to vector<2000x1xf32>
    %add3A_82 = arith.addf %mul3A_79, %add3A_81 : vector<2000x1xf32>
    %add3A_83 = arith.constant 1.000000e+00 : f32
    %add3A_84 = vector.broadcast %add3A_83 : f32 to vector<2000x1xf32>
    %add3A_85 = arith.addf %add3A_82, %add3A_84 : vector<2000x1xf32>
    %mul3A_86 = arith.constant 5.000000e-01 : f32
    %mul3A_87 = vector.broadcast %mul3A_86 : f32 to vector<2000x1xf32>
    %mul3A_88 = arith.mulf %mul3A_87, %add3A_85 : vector<2000x1xf32>
    %le3A = arith.constant 1.000000e+01 : f32
    %le3A_89 = vector.broadcast %le3A : f32 to vector<2000x1xf32>
    %le3A_90 = arith.cmpf ole, %get3A_49, %le3A_89 : vector<2000x1xf32>
    %ge3A = arith.constant 0.000000e+00 : f32
    %ge3A_91 = vector.broadcast %ge3A : f32 to vector<2000x1xf32>
    %ge3A_92 = arith.cmpf oge, %get3A_49, %ge3A_91 : vector<2000x1xf32>
    %and3A = arith.andi %le3A_90, %ge3A_92 : vector<2000x1xi1>
    %jit3A = arith.constant 0.000000e+00 : f32
    %broadcast_in_dim3A_93 = vector.broadcast %jit3A : f32 to vector<2000x1xf32>
    %select_n3A_94 = arith.select %and3A, %mul3A_88, %broadcast_in_dim3A_93 : vector<2000x1xi1>, vector<2000x1xf32>
    %mul3A_95 = vector.broadcast %select_n3A_94 : vector<2000x1xf32> to vector<2000x128xf32>
    %mul3A_96 = arith.mulf %add3A_46, %mul3A_95 : vector<2000x128xf32>
    %slice3A = vector.extract_strided_slice %mul3A_96 {offsets = [0, 0], sizes = [2000, 64], strides = [1, 1]} : vector<2000x128xf32> to vector<2000x64xf32>
    %swap3A = arith.constant 0 : index
    %swap3A_97 = arith.constant 0 : index
    %swap3A_98 = vector.load %arg7[%swap3A, %swap3A_97] : memref<2000x64xf32, #tpu.memory_space<vmem>>, vector<2000x64xf32>
    tpu.vector_store %arg7[%swap3A, %swap3A_97], %slice3A {strides = array<i32>} : memref<2000x64xf32, #tpu.memory_space<vmem>>, vector<2000x64xf32>,
    %slice3A_99 = vector.extract_strided_slice %mul3A_96 {offsets = [0, 64], sizes = [2000, 64], strides = [1, 1]} : vector<2000x128xf32> to vector<2000x64xf32>
    %swap3A_100 = arith.constant 0 : index
    %swap3A_101 = arith.constant 0 : index
    %swap3A_102 = vector.load %arg8[%swap3A_100, %swap3A_101] : memref<2000x64xf32, #tpu.memory_space<vmem>>, vector<2000x64xf32>
    tpu.vector_store %arg8[%swap3A_100, %swap3A_101], %slice3A_99 {strides = array<i32>} : memref<2000x64xf32, #tpu.memory_space<vmem>>, vector<2000x64xf32>,
    return
  }
  func.func @transform_0(%arg0: i32) -> (i32, i32) {
    %c0_i32 = arith.constant 0 : i32
    %c0_i32_0 = arith.constant 0 : i32
    return %arg0, %c0_i32 : i32, i32
  }
  func.func @transform_1(%arg0: i32) -> (i32, i32) {
    %c0_i32 = arith.constant 0 : i32
    %c0_i32_0 = arith.constant 0 : i32
    return %arg0, %c0_i32 : i32, i32
  }
  func.func @transform_2(%arg0: i32) -> (i32, i32) {
    %c0_i32 = arith.constant 0 : i32
    %c0_i32_0 = arith.constant 0 : i32
    %c0_i32_1 = arith.constant 0 : i32
    return %c0_i32, %c0_i32_0 : i32, i32
  }
  func.func @transform_3(%arg0: i32) -> (i32, i32) {
    %c0_i32 = arith.constant 0 : i32
    %c0_i32_0 = arith.constant 0 : i32
    %c0_i32_1 = arith.constant 0 : i32
    return %c0_i32, %c0_i32_0 : i32, i32
  }
  func.func @transform_4(%arg0: i32) -> (i32, i32) {
    %c0_i32 = arith.constant 0 : i32
    %c0_i32_0 = arith.constant 0 : i32
    %c0_i32_1 = arith.constant 0 : i32
    return %c0_i32, %c0_i32_0 : i32, i32
  }
  func.func @transform_5(%arg0: i32) -> (i32, i32) {
    %c0_i32 = arith.constant 0 : i32
    %c0_i32_0 = arith.constant 0 : i32
    %c0_i32_1 = arith.constant 0 : i32
    return %c0_i32, %c0_i32_0 : i32, i32
  }
  func.func @transform_6(%arg0: i32) -> (i32, i32) {
    %c0_i32 = arith.constant 0 : i32
    %c0_i32_0 = arith.constant 0 : i32
    return %arg0, %c0_i32 : i32, i32
  }
  func.func @transform_7(%arg0: i32) -> (i32, i32) {
    %c0_i32 = arith.constant 0 : i32
    %c0_i32_0 = arith.constant 0 : i32
    return %arg0, %c0_i32 : i32, i32
  }
}

module attributes {stable_mosaic.version = 14 : i64} {
  func.func @_x1_body(%arg0: i32, %arg1: memref<1000x128xf32, #tpu.memory_space<vmem>>, %arg2: memref<128x128xf32, #tpu.memory_space<vmem>>, %arg3: memref<1000x64xf32, #tpu.memory_space<vmem>>, %arg4: memref<1000x64xf32, #tpu.memory_space<vmem>>) attributes {dimension_semantics = [#tpu.dimension_semantics<arbitrary>], iteration_bounds = array<i64: 10>, scalar_prefetch = 0 : i64, scratch_operands = 0 : i64, tpu.core_type = #tpu.core_type<tc>, window_params = [{transform_indices = @transform_0, window_bounds = array<i64: 1000, 128>}, {pipeline_mode = #tpu.pipeline_mode<synchronous>, transform_indices = @transform_1, window_bounds = array<i64: 128, 128>}, {transform_indices = @transform_2, window_bounds = array<i64: 1000, 64>}, {transform_indices = @transform_3, window_bounds = array<i64: 1000, 64>}]} {
    %get3A = arith.constant 0 : index
    %get3A_0 = arith.constant 0 : index
    %get3A_1 = vector.load %arg1[%get3A, %get3A_0] : memref<1000x128xf32, #tpu.memory_space<vmem>>, vector<1000x128xf32>
    %get3A_2 = arith.constant 0 : index
    %get3A_3 = arith.constant 0 : index
    %get3A_4 = vector.load %arg2[%get3A_2, %get3A_3] : memref<128x128xf32, #tpu.memory_space<vmem>>, vector<128x128xf32>
    %dot_general3A = arith.constant dense<0.000000e+00> : vector<1000x128xf32>
    %dot_general3A_5 = tpu.matmul %get3A_1, %get3A_4, %dot_general3A {dimension_numbers = #tpu.dot_dimension_numbers<[1], [0], [0], [1], [0, 0, 1, 1], [], []>, transpose_lhs_hint = false} : vector<1000x128xf32>, vector<128x128xf32>, vector<1000x128xf32> -> vector<1000x128xf32>
    %slice3A = vector.extract_strided_slice %dot_general3A_5 {offsets = [0, 0], sizes = [1000, 64], strides = [1, 1]} : vector<1000x128xf32> to vector<1000x64xf32>
    %swap3A = arith.constant 0 : index
    %swap3A_6 = arith.constant 0 : index
    %swap3A_7 = vector.load %arg3[%swap3A, %swap3A_6] : memref<1000x64xf32, #tpu.memory_space<vmem>>, vector<1000x64xf32>
    tpu.vector_store %arg3[%swap3A, %swap3A_6], %slice3A {strides = array<i32>} : memref<1000x64xf32, #tpu.memory_space<vmem>>, vector<1000x64xf32>,
    %slice3A_8 = vector.extract_strided_slice %dot_general3A_5 {offsets = [0, 64], sizes = [1000, 64], strides = [1, 1]} : vector<1000x128xf32> to vector<1000x64xf32>
    %swap3A_9 = arith.constant 0 : index
    %swap3A_10 = arith.constant 0 : index
    %swap3A_11 = vector.load %arg4[%swap3A_9, %swap3A_10] : memref<1000x64xf32, #tpu.memory_space<vmem>>, vector<1000x64xf32>
    tpu.vector_store %arg4[%swap3A_9, %swap3A_10], %slice3A_8 {strides = array<i32>} : memref<1000x64xf32, #tpu.memory_space<vmem>>, vector<1000x64xf32>,
    return
  }
  func.func @transform_0(%arg0: i32) -> (i32, i32) {
    %c0_i32 = arith.constant 0 : i32
    %c0_i32_0 = arith.constant 0 : i32
    return %arg0, %c0_i32 : i32, i32
  }
  func.func @transform_1(%arg0: i32) -> (i32, i32) {
    %c0_i32 = arith.constant 0 : i32
    %c0_i32_0 = arith.constant 0 : i32
    %c0_i32_1 = arith.constant 0 : i32
    return %c0_i32, %c0_i32_0 : i32, i32
  }
  func.func @transform_2(%arg0: i32) -> (i32, i32) {
    %c0_i32 = arith.constant 0 : i32
    %c0_i32_0 = arith.constant 0 : i32
    return %arg0, %c0_i32 : i32, i32
  }
  func.func @transform_3(%arg0: i32) -> (i32, i32) {
    %c0_i32 = arith.constant 0 : i32
    %c0_i32_0 = arith.constant 0 : i32
    return %arg0, %c0_i32 : i32, i32
  }
}

module attributes {stable_mosaic.version = 14 : i64} {
  func.func @_out_body(%arg0: i32, %arg1: memref<1000x64xf32, #tpu.memory_space<vmem>>, %arg2: memref<1000x64xf32, #tpu.memory_space<vmem>>, %arg3: memref<128x128xf32, #tpu.memory_space<vmem>>, %arg4: memref<1x128xf32, #tpu.memory_space<vmem>>, %arg5: memref<128x128xf32, #tpu.memory_space<vmem>>, %arg6: memref<1x128xf32, #tpu.memory_space<vmem>>, %arg7: memref<1000x128xf32, #tpu.memory_space<vmem>>) attributes {dimension_semantics = [#tpu.dimension_semantics<arbitrary>], iteration_bounds = array<i64: 10>, scalar_prefetch = 0 : i64, scratch_operands = 0 : i64, tpu.core_type = #tpu.core_type<tc>, window_params = [{transform_indices = @transform_0, window_bounds = array<i64: 1000, 64>}, {transform_indices = @transform_1, window_bounds = array<i64: 1000, 64>}, {pipeline_mode = #tpu.pipeline_mode<synchronous>, transform_indices = @transform_2, window_bounds = array<i64: 128, 128>}, {pipeline_mode = #tpu.pipeline_mode<synchronous>, transform_indices = @transform_3, window_bounds = array<i64: 1, 128>}, {pipeline_mode = #tpu.pipeline_mode<synchronous>, transform_indices = @transform_4, window_bounds = array<i64: 128, 128>}, {pipeline_mode = #tpu.pipeline_mode<synchronous>, transform_indices = @transform_5, window_bounds = array<i64: 1, 128>}, {transform_indices = @transform_6, window_bounds = array<i64: 1000, 128>}]} {
    %get3A = arith.constant 0 : index
    %get3A_0 = arith.constant 0 : index
    %get3A_1 = vector.load %arg1[%get3A, %get3A_0] : memref<1000x64xf32, #tpu.memory_space<vmem>>, vector<1000x64xf32>
    %get3A_2 = arith.constant 0 : index
    %get3A_3 = arith.constant 0 : index
    %get3A_4 = vector.load %arg2[%get3A_2, %get3A_3] : memref<1000x64xf32, #tpu.memory_space<vmem>>, vector<1000x64xf32>
    %concatenate3A = tpu.concatenate %get3A_1, %get3A_4 in 1 : vector<1000x64xf32>, vector<1000x64xf32> -> vector<1000x128xf32>
    %get3A_5 = arith.constant 0 : index
    %get3A_6 = arith.constant 0 : index
    %get3A_7 = vector.load %arg3[%get3A_5, %get3A_6] : memref<128x128xf32, #tpu.memory_space<vmem>>, vector<128x128xf32>
    %dot_general3A = arith.constant dense<0.000000e+00> : vector<1000x128xf32>
    %dot_general3A_8 = tpu.matmul %concatenate3A, %get3A_7, %dot_general3A {dimension_numbers = #tpu.dot_dimension_numbers<[1], [0], [0], [1], [0, 0, 1, 1], [], []>, transpose_lhs_hint = false} : vector<1000x128xf32>, vector<128x128xf32>, vector<1000x128xf32> -> vector<1000x128xf32>
    %get3A_9 = arith.constant 0 : index
    %get3A_10 = arith.constant 0 : index
    %get3A_11 = vector.load %arg4[%get3A_9, %get3A_10] : memref<1x128xf32, #tpu.memory_space<vmem>>, vector<1x128xf32>
    %add3A = vector.broadcast %get3A_11 : vector<1x128xf32> to vector<1000x128xf32>
    %add3A_12 = arith.addf %dot_general3A_8, %add3A : vector<1000x128xf32>
    %mul3A = arith.constant 4.471500e-02 : f32
    %mul3A_13 = vector.broadcast %mul3A : f32 to vector<1000x128xf32>
    %mul3A_14 = arith.mulf %mul3A_13, %add3A_12 : vector<1000x128xf32>
    %mul3A_15 = arith.mulf %mul3A_14, %add3A_12 : vector<1000x128xf32>
    %mul3A_16 = arith.mulf %mul3A_15, %add3A_12 : vector<1000x128xf32>
    %add3A_17 = arith.addf %add3A_12, %mul3A_16 : vector<1000x128xf32>
    %mul3A_18 = arith.constant 0.797884583 : f32
    %mul3A_19 = vector.broadcast %mul3A_18 : f32 to vector<1000x128xf32>
    %mul3A_20 = arith.mulf %mul3A_19, %add3A_17 : vector<1000x128xf32>
    %abs3A = math.absf %mul3A_20 : vector<1000x128xf32>
    %mul3A_21 = arith.constant -2.000000e+00 : f32
    %mul3A_22 = vector.broadcast %mul3A_21 : f32 to vector<1000x128xf32>
    %mul3A_23 = arith.mulf %mul3A_22, %abs3A : vector<1000x128xf32>
    %exp3A = math.exp %mul3A_23 : vector<1000x128xf32>
    %sub3A = arith.constant 1.000000e+00 : f32
    %sub3A_24 = vector.broadcast %sub3A : f32 to vector<1000x128xf32>
    %sub3A_25 = arith.subf %sub3A_24, %exp3A : vector<1000x128xf32>
    %add3A_26 = arith.constant 1.000000e+00 : f32
    %add3A_27 = vector.broadcast %add3A_26 : f32 to vector<1000x128xf32>
    %add3A_28 = arith.addf %add3A_27, %exp3A : vector<1000x128xf32>
    %div3A = arith.divf %sub3A_25, %add3A_28 : vector<1000x128xf32>
    %lt3A = arith.constant 0.000000e+00 : f32
    %lt3A_29 = vector.broadcast %lt3A : f32 to vector<1000x128xf32>
    %lt3A_30 = arith.cmpf olt, %mul3A_20, %lt3A_29 : vector<1000x128xf32>
    %neg3A = arith.constant 0.000000e+00 : f32
    %neg3A_31 = vector.broadcast %neg3A : f32 to vector<1000x128xf32>
    %neg3A_32 = arith.subf %neg3A_31, %div3A : vector<1000x128xf32>
    %select_n3A = arith.select %lt3A_30, %neg3A_32, %div3A : vector<1000x128xi1>, vector<1000x128xf32>
    %mul3A_33 = arith.constant 5.000000e-01 : f32
    %mul3A_34 = vector.broadcast %mul3A_33 : f32 to vector<1000x128xf32>
    %mul3A_35 = arith.mulf %mul3A_34, %add3A_12 : vector<1000x128xf32>
    %add3A_36 = arith.constant 1.000000e+00 : f32
    %add3A_37 = vector.broadcast %add3A_36 : f32 to vector<1000x128xf32>
    %add3A_38 = arith.addf %add3A_37, %select_n3A : vector<1000x128xf32>
    %mul3A_39 = arith.mulf %mul3A_35, %add3A_38 : vector<1000x128xf32>
    %get3A_40 = arith.constant 0 : index
    %get3A_41 = arith.constant 0 : index
    %get3A_42 = vector.load %arg5[%get3A_40, %get3A_41] : memref<128x128xf32, #tpu.memory_space<vmem>>, vector<128x128xf32>
    %dot_general3A_43 = arith.constant dense<0.000000e+00> : vector<1000x128xf32>
    %dot_general3A_44 = tpu.matmul %mul3A_39, %get3A_42, %dot_general3A_43 {dimension_numbers = #tpu.dot_dimension_numbers<[1], [0], [0], [1], [0, 0, 1, 1], [], []>, transpose_lhs_hint = false} : vector<1000x128xf32>, vector<128x128xf32>, vector<1000x128xf32> -> vector<1000x128xf32>
    %get3A_45 = arith.constant 0 : index
    %get3A_46 = arith.constant 0 : index
    %get3A_47 = vector.load %arg6[%get3A_45, %get3A_46] : memref<1x128xf32, #tpu.memory_space<vmem>>, vector<1x128xf32>
    %add3A_48 = vector.broadcast %get3A_47 : vector<1x128xf32> to vector<1000x128xf32>
    %add3A_49 = arith.addf %dot_general3A_44, %add3A_48 : vector<1000x128xf32>
    %swap3A = arith.constant 0 : index
    %swap3A_50 = arith.constant 0 : index
    %swap3A_51 = vector.load %arg7[%swap3A, %swap3A_50] : memref<1000x128xf32, #tpu.memory_space<vmem>>, vector<1000x128xf32>
    tpu.vector_store %arg7[%swap3A, %swap3A_50], %add3A_49 {strides = array<i32>} : memref<1000x128xf32, #tpu.memory_space<vmem>>, vector<1000x128xf32>,
    return
  }
  func.func @transform_0(%arg0: i32) -> (i32, i32) {
    %c0_i32 = arith.constant 0 : i32
    %c0_i32_0 = arith.constant 0 : i32
    return %arg0, %c0_i32 : i32, i32
  }
  func.func @transform_1(%arg0: i32) -> (i32, i32) {
    %c0_i32 = arith.constant 0 : i32
    %c0_i32_0 = arith.constant 0 : i32
    return %arg0, %c0_i32 : i32, i32
  }
  func.func @transform_2(%arg0: i32) -> (i32, i32) {
    %c0_i32 = arith.constant 0 : i32
    %c0_i32_0 = arith.constant 0 : i32
    %c0_i32_1 = arith.constant 0 : i32
    return %c0_i32, %c0_i32_0 : i32, i32
  }
  func.func @transform_3(%arg0: i32) -> (i32, i32) {
    %c0_i32 = arith.constant 0 : i32
    %c0_i32_0 = arith.constant 0 : i32
    %c0_i32_1 = arith.constant 0 : i32
    return %c0_i32, %c0_i32_0 : i32, i32
  }
  func.func @transform_4(%arg0: i32) -> (i32, i32) {
    %c0_i32 = arith.constant 0 : i32
    %c0_i32_0 = arith.constant 0 : i32
    %c0_i32_1 = arith.constant 0 : i32
    return %c0_i32, %c0_i32_0 : i32, i32
  }
  func.func @transform_5(%arg0: i32) -> (i32, i32) {
    %c0_i32 = arith.constant 0 : i32
    %c0_i32_0 = arith.constant 0 : i32
    %c0_i32_1 = arith.constant 0 : i32
    return %c0_i32, %c0_i32_0 : i32, i32
  }
  func.func @transform_6(%arg0: i32) -> (i32, i32) {
    %c0_i32 = arith.constant 0 : i32
    %c0_i32_0 = arith.constant 0 : i32
    return %arg0, %c0_i32 : i32, i32
  }
}

</mosaic_0001>

<sc_bundles>
// kernel: kernel.6.cloned.1.call-start
scs
__scs_entry_jumppad:
0x0: {  	(pc) =	sbr.rel $0x88, $3  }
0x1: {  	(tag) =	ssettag $0x0;
	lr =	simm.s32 $0x1  }
0x2: {  	[smem:$0x3F94] =	sst lr;
	_ =	strace $0xD0000000  }
0x3: {  	_ = 	snop  }
0x4: {  	_ = 	snop  }
0x5: {  	_ = 	snop  }
0x6: {  	_ = 	snop  }
0x7: {  	_ = 	snop  }
__scs_overlays_trampoline_lowered:
0x8: {  	[smem:$0x3FA3] =	sst s0  }
0x9: {  	[smem:$0x3FA4] =	sst s1  }
0xa: {  	[smem:$0x3FA5] =	sst s2  }
0xb: {  	[smem:$0x3FA6] =	sst s3  }
0xc: {  	[smem:$0x3FA7] =	sst s4  }
0xd: {  	[smem:$0x3FA8] =	sst s5  }
0xe: {  	[smem:$0x3FA9] =	sst s6  }
0xf: {  	[smem:$0x3FAA] =	sst s7  }
0x10: {  	[smem:$0x3FAB] =	sst s8  }
0x11: {  	[smem:$0x3FAC] =	sst s9;
	s0 =	simm.s32 @!p0 $0x0  }
0x12: {  	s1 =	sld [smem:$0x3F92];
	s0 =	simm.s32 @p0 $0x1  }
0x13: {  	[smem:$0x3FAD] =	sst s0;
	s0 =	simm.s32 @!p1 $0x0  }
0x14: {  	s2 =	sld [smem:$0x3F91];
	s0 =	simm.s32 @p1 $0x1  }
0x15: {  	[smem:$0x3FAE] =	sst s0;
	s0 =	simm.s32 @!p2 $0x0  }
0x16: {  	s3 =	sld [smem:$0x3FDB];
	s0 =	simm.s32 @p2 $0x1  }
0x17: {  	s4 =	simm.s32 $0x1BF5;
	[smem:$0x3FB0] =	sst s0  }
0x18: {  	s0 =	sld [smem:$0x3F93];
	_ =	swait.ge [sflag:s4], $0x0  }
0x19: {  	s7 =	sld [smem:$0x3F94]  }
0x1a: {  	s8 =	sadd.s32 $0xFFFFE003, lr  }
0x1b: {  	s9 =	sadd.s32 $0xFFFFFEF7, lr;
	s5 =	simm.s32 $0xFFFFFFFF;
	p2 =	slt.u32 s8, $0xFFFFF086  }
0x1c: {  	p1 =	slt.u32 s9, $0xF7A;
	s5 =	simm.s32 @!p2 $0x0  }
0x1d: {  	s5 =	simm.s32 @p1 $0x1;
	p0 =	seq.s32 s7, s2  }
0x1e: {  	s7 =	smul.u32 @!p0 $0xF7A, s2;
	p2 =	seq.s32 @!p0 s5, $0x0  }
0x1f: {  	s9 =	smul.u32 $0xF7A, s1;
	s8 =	simm.s32 @!p0 $0x1BF5;
	p2 =	por !p2, p0  }
0x20: {  	[sflag:s8] =	ssyncset.s32 @!p0 $0xFFFFF086;
	s6 =	sadd.s32 @!p0 s3, s7;
	s7 =	simm.s32 @!p0 $0x108  }
0x21: {  	s3 =	sadd.s32 s3, s9;
	s6 =	sadd.s32 @!p0 $0x88, s6;
	s7 =	simm.s32 @p2 $0x1082  }
0x22: {  	[simem:s7], [sflag:s8] =	dma.local @!p0 [hbm:s6], $0xF7A  }
0x23: {  	s9 =	sor.u32 $0xD0000000, s2;
	s6 =	simm.s32 $0x108;
	_ =	swait.ge @!p0 [sflag:s8], $0x0  }
0x24: {  	s3 =	sadd.s32 $0x88, s3;
	s6 =	simm.s32 @!p1 $0x1082;
	[sflag:s4] =	ssyncset.s32 $0xFFFFF086  }
0x25: {  	[simem:s6], [sflag:s4] =	dma.local [hbm:s3], $0xF7A  }
0x26: {  	[smem:$0x3F94] =	sst s1;
	(tag) =	ssettag s2;
	_ =	strace s9  }
0x27: {  	s1 =	sld [smem:$0x3FA4]  }
0x28: {  	s2 =	sld [smem:$0x3FA5]  }
0x29: {  	s4 =	sld [smem:$0x3FA7]  }
0x2a: {  	p0 =	seq.s32 s5, $0x0;
	s5 =	sld [smem:$0x3FA8]  }
0x2b: {  	s6 =	sld [smem:$0x3FA9]  }
0x2c: {  	s7 =	sld [smem:$0x3FAA]  }
0x2d: {  	s3 =	simm.s32 $0x108;
	s8 =	sld [smem:$0x3FAB]  }
0x2e: {  	s3 =	simm.s32 @!p0 $0x1082;
	s9 =	sld [smem:$0x3FAC]  }
0x2f: {  	lr =	sadd.s32 s0, s3;
	s0 =	sld [smem:$0x3FA3]  }
0x30: {  	s3 =	sld [smem:$0x3FA6]  }
0x31: {  	[smem:$0x3FAF] =	sst s10  }
0x32: {  	s10 =	sld [smem:$0x3FAD];
	_ =	sdelay $0x3  }
0x33: {  	p0 =	seq.s32 s10, $0x1;
	s10 =	sld [smem:$0x3FAF];
	_ =	sdelay $0x3  }
0x34: {  	[smem:$0x3FAF] =	sst s10  }
0x35: {  	s10 =	sld [smem:$0x3FAE];
	_ =	sdelay $0x3  }
0x36: {  	p1 =	seq.s32 s10, $0x1;
	s10 =	sld [smem:$0x3FAF];
	_ =	sdelay $0x3  }
0x37: {  	[smem:$0x3FAF] =	sst s10  }
0x38: {  	s10 =	sld [smem:$0x3FB0]  }
0x39: {  	_ = 	snop;
	(pc) =	sbr.ind lr, $3  }
0x3a: {  	_ = 	snop  }
0x3b: {  	_ = 	snop  }
0x3c: {  	p2 =	seq.s32 s10, $0x1;
	s10 =	sld [smem:$0x3FAF]  }
0x3d: {  	_ =	shalt  }
0x3e: {  	_ =	shalt  }
0x3f: {  	_ =	shalt  }
0x40: {  	_ =	shalt  }
0x41: {  	_ =	shalt  }
0x42: {  	_ =	shalt  }
0x43: {  	_ =	shalt  }
0x44: {  	_ =	shalt  }
0x45: {  	_ =	shalt  }
0x46: {  	_ =	shalt  }
0x47: {  	_ =	shalt  }
0x48: {  	_ =	shalt  }
0x49: {  	_ =	shalt  }
0x4a: {  	_ =	shalt  }
0x4b: {  	_ =	shalt  }
0x4c: {  	_ =	shalt  }
0x4d: {  	_ =	shalt  }
0x4e: {  	_ =	shalt  }
0x4f: {  	_ =	shalt  }
0x50: {  	_ =	shalt  }
0x51: {  	_ =	shalt  }
0x52: {  	_ =	shalt  }
0x53: {  	_ =	shalt  }
0x54: {  	_ =	shalt  }
0x55: {  	_ =	shalt  }
0x56: {  	_ =	shalt  }
0x57: {  	_ =	shalt  }
0x58: {  	_ =	shalt  }
0x59: {  	_ =	shalt  }
0x5a: {  	_ =	shalt  }
0x5b: {  	_ =	shalt  }
0x5c: {  	_ =	shalt  }
0x5d: {  	_ =	shalt  }
0x5e: {  	_ =	shalt  }
0x5f: {  	_ =	shalt  }
0x60: {  	_ =	shalt  }
0x61: {  	_ =	shalt  }
0x62: {  	_ =	shalt  }
0x63: {  	_ =	shalt  }
0x64: {  	_ =	shalt  }
0x65: {  	_ =	shalt  }
0x66: {  	_ =	shalt  }
0x67: {  	_ =	shalt  }
0x68: {  	_ =	shalt  }
0x69: {  	_ =	shalt  }
0x6a: {  	_ =	shalt  }
0x6b: {  	_ =	shalt  }
0x6c: {  	_ =	shalt  }
0x6d: {  	_ =	shalt  }
0x6e: {  	_ =	shalt  }
0x6f: {  	_ =	shalt  }
0x70: {  	_ =	shalt  }
0x71: {  	_ =	shalt  }
0x72: {  	_ =	shalt  }
0x73: {  	_ =	shalt  }
0x74: {  	_ =	shalt  }
0x75: {  	_ =	shalt  }
0x76: {  	_ =	shalt  }
0x77: {  	_ =	shalt  }
0x78: {  	_ =	shalt  }
0x79: {  	_ =	shalt  }
0x7a: {  	_ =	shalt  }
0x7b: {  	_ =	shalt  }
0x7c: {  	_ =	shalt  }
0x7d: {  	_ =	shalt  }
0x7e: {  	_ =	shalt  }
0x7f: {  	_ =	shalt  }
0x80: {  	_ =	shalt  }
0x81: {  	_ =	shalt  }
0x82: {  	_ =	shalt  }
0x83: {  	_ =	shalt  }
0x84: {  	_ =	shalt  }
0x85: {  	_ =	shalt  }
0x86: {  	_ =	shalt  }
0x87: {  	_ =	shalt  }
.Lfunc_end0:
.L_simem_size_0:
called_computation_lowered:
.L_overlay_start_0:
0x88: {  	s2 =	sld [smem:$0x3FD9]  }
0x89: {  	s3 =	sld [smem:$0x3FFE];
	_ =	sdelay $0x1  }
0x8a: {  	s1 =	srdreg.scid  }
0x8b: {  	s0 =	sand.u32 $0x1, s1  }
0x8c: {  	s17 =	sshll.u32 s0, $0xA;
	s2 =	sadd.s32 s3, s2  }
0x8d: {  	s2 =	sadd.s32 s2, s17  }
0x8e: {  	[smem:$0x3FBB] =	sst s2  }
0x8f: {  	_ = 	snop  }
0x90: {  	s2 =	sld [smem:$0x3FD0];
	(tm) =	ssettm $0x1  }
0x91: {  	s18 =	sld [smem:$0x3FFB];
	_ =	sdelay $0x3  }
0x92: {  	_ =	strace s18  }
0x93: {  	s3 =	sld [smem:$0x3FFC];
	_ =	sdelay $0x3  }
0x94: {  	_ =	strace s3  }
0x95: {  	s3 =	sld [smem:$0x3FFD];
	_ =	sdelay $0x3  }
0x96: {  	_ =	strace s3  }
0x97: {  	_ =	strace $0x8FFFFFFF  }
0x98: {  	s19 =	sld [smem:$0x3FDB];
	_ =	sdelay $0x1  }
0x99: {  	s4 =	simm.s32 $_scs_section_size  }
0x9a: {  	s5 =	simm.s32 $_size__tile_overlayer_lowered;
	s6 =	simm.s32 $_tile_overlayer_lowered  }
0x9b: {  	s22 =	simm.s32 $0x1BFF;
	s21 =	sshll.u32 s6, $0x1;
	s3 =	sadd.s32 s4, s19  }
0x9c: {  	s7 =	simm.s32 $0x0;
	s20 =	sshll.u32 s5, $0x1;
	s5 =	sadd.s32 s21, s3  }
0x9d: {  	[timem:s7], [sflag:s22] =	dma.local [hbm:s5], s20  }
0x9e: {  	_ =	swait.ge [sflag:s22], s20  }
0x9f: {  	s4 =	ssub.s32 $0x0, s20;
	[sflag:s22] =	ssyncset.done $0x0  }
0xa0: {  	[sflag:s22] =	ssyncadd.s32 s4;
	_ =	sdelay $0x1  }
0xa1: {  	s23 =	simm.s32 $0x1B8B  }
0xa2: {  	_ =	swait.ge [sflag:s23], $0x1  }
0xa3: {  	[sflag:s23] =	ssyncset.done $0x0  }
0xa4: {  	s25 =	simm.s32 $0x1B8E;
	s24 =	sld [smem:$0x3FFE];
	[sflag:s23] =	ssyncadd.s32 $0xFFFFFFFF  }
0xa5: {  	s26 =	simm.s32 $execute0_lowered;
	[smem:$0x3FD2] =	sst s25  }
0xa6: {  	s5 =	sshll.u32 s26, $0x1;
	_ =	strace $0x80000046;
	[dreg:$0x1] =	wrdreg $0xFFFFFFFF  }
0xa7: {  	s28 =	simm.s32 $_size_execute0_lowered;
	s3 =	sadd.s32 s3, s5;
	[dreg:$0x0] =	wrdreg $0x0  }
0xa8: {  	s5 =	sshll.u32 s28, $0x1;
	[dreg:$0x2] =	wrdreg s3  }
0xa9: {  	[dreg:$0x3] =	wrdreg s5  }
0xaa: {  	[dreg:$0x4] =	wrdreg $0xC0  }
0xab: {  	_ =	task [dreg:s7], $0x5FFFF  }
0xac: {  	[dreg:$0x1] =	wrdreg $0xFFFFFFFF  }
0xad: {  	[dreg:$0x0] =	wrdreg $0x60  }
0xae: {  	[dreg:$0x2] =	wrdreg s24  }
0xaf: {  	[dreg:$0x3] =	wrdreg s2  }
0xb0: {  	[dreg:$0x4] =	wrdreg $0xB6800  }
0xb1: {  	[dreg:$0x5] =	wrdreg $0x156800  }
0xb2: {  	[dreg:$0x6] =	wrdreg $0x9  }
0xb3: {  	_ =	task.clear_ibuf [dreg:s7], $0x7FFFF;
	_ =	strace $0x90000046  }
0xb4: {  	s29 =	simm.s32 $0x9;
	_ =	strace $0x80000048  }
0xb5: {  	_ =	swait.ge [sflag:s29], $0x1  }
0xb6: {  	[sflag:s29] =	ssyncadd.s32 $0xFFFFFFFF  }
0xb7: {  	_ =	strace $0x90000048  }
0xb8: {  	_ =	sfence  }
0xb9: {  	s30 =	sld [smem:$0x0];
	_ =	sdelay $0x2  }
0xba: {  	s31 =	sshll.u32 s1, $0xD;
	s1 =	sshrl.u32 s1, $0x2  }
0xbb: {  	s3 =	sand.u32 $0x4000, s31;
	s1 =	sadd.s32 s1, s30  }
0xbc: {  	s0 =	sor.u32 s3, s0;
	s1 =	sshll.u32 s1, $0x11  }
0xbd: {  	s0 =	sor.u32 s1, s0  }
0xbe: {  	s0 =	sadd.s32 $0x8F2B, s0  }
0xbf: {  	[sflag:s0] =	ssyncadd.remote.s32 $0x1  }
0xc0: {  	_ =	sfence.sel $0xFFFF  }
0xc1: {  	[dreg:$0x0] =	wrdreg $0xFFFFFFFF;
	(pc) =	sbr.abs _section_cstart, $3  }
0xc2: {  	[dreg:$0x1] =	wrdreg $0xFFFFFFFF  }
0xc3: {  	_ =	task.clear_ibuf [dreg:s7], $0x2FFFF;
	_ =	strace $0x9FFFFFFF  }
0xc4: {  	(tm) =	ssettm $0x7FFFFFFF  }
0xc5: {  	_ =	shalt  }
tec
execute0_lowered:
.L_overlay_start_1:
0x0: {  	(tag) =	ssettag $0x1  }
0x1: {  	s0 =	rddreg [dreg:$0x0]  }
0x2: {  	s2 =	rddreg [dreg:$0x2]  }
0x3: {  	s3 =	rddreg [dreg:$0x3];
	s18 =	sadd.s32 $0x4F7E00, s0  }
0x4: {  	s4 =	simm.s32 $0x0;
	s20 =	sadd.s32 $0x4E4400, s0;
	s8 =	sadd.s32 $0x273400, s0  }
0x5: {  	[smem:$0x7FF] =	sst s4;
	s9 =	sadd.s32 $0x2400, s0;
	s24 =	sadd.s32 $0x515600, s0  }
0x6: {  	s1 =	srdreg.scid;
	s11 =	sadd.s32 $0x50B800, s0;
	s0 =	sadd.s32 $0x51F400, s0  }
0x7: {  	s19 =	stileid.u32;
	_ =	strace $0x80000047;
	[dreg:$0x8] =	wrdreg s0  }
0x8: {  	s1 =	sand.u32 $0x1, s1;
	s6 =	smul.u32 $0xA000, s19;
	[dreg:$0x6] =	wrdreg s20  }
0x9: {  	s14 =	smul.u32 $0x4E20, s19;
	s5 =	ssub.s32 $0x2, s1;
	[dreg:$0x5] =	wrdreg s18  }
0xa: {  	[dreg:$0x7] =	wrdreg s24;
	s23 =	sshrl.u32 s5, $0x1;
	s25 =	sadd.s32 s6, s3  }
0xb: {  	s21 =	sshrl.u32 s6, $0x3;
	s13 =	sshrl.u32 s14, $0x3;
	[dreg:$0xa] =	wrdreg s25  }
0xc: {  	s26 =	sor.u32 $0x1400, s6;
	s16 =	sadd.s32 s24, s13;
	[dreg:$0x9] =	wrdreg s21  }
0xd: {  	s10 =	sadd.s32 $0x2800, s6;
	s13 =	sadd.s32 s11, s13;
	[dreg:$0xb] =	wrdreg s16  }
0xe: {  	s12 =	sadd.s32 $0x3C00, s6;
	s22 =	sadd.s32 s26, s3;
	[dreg:$0xc] =	wrdreg s13  }
0xf: {  	s0 =	ssub.s32 s5, s23;
	s5 =	sadd.s32 s26, s2;
	[dreg:$0xf] =	wrdreg s22  }
0x10: {  	s15 =	sadd.s32 $0x5000, s6;
	s28 =	sadd.s32 s10, s3;
	[dreg:$0x10] =	wrdreg s5  }
0x11: {  	s17 =	sadd.s32 $0x8C00, s6;
	s23 =	sadd.s32 s10, s2;
	[dreg:$0x12] =	wrdreg s28  }
0x12: {  	s25 =	sadd.s32 s12, s3;
	s13 =	sadd.s32 $0x6400, s6;
	[dreg:$0x13] =	wrdreg s23  }
0x13: {  	s16 =	sadd.s32 $0x7800, s6;
	s6 =	sadd.s32 s6, s2;
	[dreg:$0x15] =	wrdreg s25  }
0x14: {  	s28 =	sadd.s32 s15, s3;
	[dreg:$0xd] =	wrdreg s6  }
0x15: {  	s0 =	smax.u32 s0, $0x1;
	[dreg:$0x18] =	wrdreg s28  }
0x16: {  	s5 =	sadd.s32 s18, s21;
	[smem:$0x7E8] =	sst s0  }
0x17: {  	s22 =	sshrl.u32 s10, $0x3;
	[smem:$0x7EE] =	sst s5  }
0x18: {  	s10 =	sshrl.u32 s12, $0x3;
	[dreg:$0x11] =	wrdreg s22  }
0x19: {  	s6 =	sshrl.u32 s26, $0x3;
	s26 =	sadd.s32 s12, s2;
	[dreg:$0x14] =	wrdreg s10  }
0x1a: {  	s12 =	sshrl.u32 s15, $0x3;
	s15 =	sadd.s32 s15, s2;
	[dreg:$0x16] =	wrdreg s26  }
0x1b: {  	s23 =	sshrl.u32 s13, $0x3;
	[dreg:$0x19] =	wrdreg s15  }
0x1c: {  	s25 =	sadd.s32 s13, s3;
	[dreg:$0x1a] =	wrdreg s23  }
0x1d: {  	s28 =	sshrl.u32 s16, $0x3;
	[dreg:$0x1b] =	wrdreg s25  }
0x1e: {  	[dreg:$0x1d] =	wrdreg s28  }
0x1f: {  	[dreg:$0xe] =	wrdreg s6  }
0x20: {  	s26 =	sadd.s32 s13, s2;
	[dreg:$0x17] =	wrdreg s12  }
0x21: {  	s13 =	sadd.s32 s16, s3;
	[dreg:$0x1c] =	wrdreg s26  }
0x22: {  	s7 =	smul.u32 $0x138800, s19;
	s15 =	sadd.s32 s16, s2;
	[dreg:$0x1e] =	wrdreg s13  }
0x23: {  	p0 =	sne.s32 s1, $0x0;
	s16 =	sshrl.u32 s17, $0x3;
	[dreg:$0x1f] =	wrdreg s15  }
0x24: {  	s7 =	sshrl.u32 s7, $0x3;
	s23 =	sadd.s32 s17, s3;
	[smem:$0x7E1] =	sst s16  }
0x25: {  	s1 =	sadd.s32 $0x1F400, s7;
	s25 =	sadd.s32 s17, s2;
	[smem:$0x7E2] =	sst s23  }
0x26: {  	s28 =	sadd.s32 s9, s1;
	[smem:$0x7E3] =	sst s25  }
0x27: {  	s7 =	sadd.s32 $0x1F680, s7;
	s1 =	sadd.s32 s8, s1;
	[smem:$0x7E4] =	sst s28  }
0x28: {  	[smem:$0x7E5] =	sst s1;
	s15 =	sadd.s32 s9, s7  }
0x29: {  	p1 =	seq.s32 s19, $0xF;
	s16 =	sadd.s32 s8, s7;
	[smem:$0x7E6] =	sst s15  }
0x2a: {  	s26 =	smul.u32 $0x28000, s19;
	s19 =	sadd.s32 s20, s21;
	[smem:$0x7E7] =	sst s16  }
0x2b: {  	s23 =	sadd.s32 s20, s6;
	[smem:$0x7E9] =	sst s19  }
0x2c: {  	s25 =	sadd.s32 s20, s22;
	[smem:$0x7EA] =	sst s23  }
0x2d: {  	s28 =	sadd.s32 s20, s12;
	[smem:$0x7EB] =	sst s25  }
0x2e: {  	s6 =	sadd.s32 s18, s6;
	[smem:$0x7ED] =	sst s28  }
0x2f: {  	s7 =	sadd.s32 s18, s22;
	[smem:$0x7EF] =	sst s6  }
0x30: {  	s13 =	sadd.s32 s18, s10;
	[smem:$0x7F0] =	sst s7  }
0x31: {  	[smem:$0x7F1] =	sst s13;
	s15 =	sadd.s32 s18, s12  }
0x32: {  	s30 =	simm.s32 $0x3E80;
	s16 =	sadd.s32 $0x1F40, s14;
	[smem:$0x7F2] =	sst s15  }
0x33: {  	s31 =	simm.s32 $0x50;
	s19 =	sadd.s32 $0x3F20, s14;
	[smem:$0x7F3] =	sst s16  }
0x34: {  	s17 =	sshrl.u32 s26, $0x2;
	s26 =	sadd.s32 s20, s10;
	[smem:$0x7F4] =	sst s19  }
0x35: {  	s29 =	simm.s32 $0x4;
	s20 =	sadd.s32 $0x3F70, s14;
	[smem:$0x7EC] =	sst s26  }
0x36: {  	s5 =	simm.s32 $0x0;
	s0 =	sadd.s32 s17, s2;
	[smem:$0x7F5] =	sst s20  }
0x37: {  	s18 =	sadd.s32 $0xA0, s14;
	s21 =	sadd.s32 $0x1400, s0;
	[smem:$0x7FC] =	sst s0  }
0x38: {  	s7 =	simm.s32 $0x8E80;
	s22 =	sadd.s32 $0x2800, s0;
	[smem:$0x7F6] =	sst s21  }
0x39: {  	s6 =	simm.s32 $0x5280;
	s23 =	sadd.s32 $0x3C00, s0;
	[smem:$0x7F7] =	sst s22  }
0x3a: {  	s13 =	simm.s32 $0x7A80;
	s25 =	sadd.s32 $0x5000, s0;
	[smem:$0x7F8] =	sst s23  }
.Ltmp0:
0x3b: {  	s26 =	sadd.s32 $0x6400, s0;
	[smem:$0x7F9] =	sst s25;
	(pc) =	sbr.rel .LBB2_1-.Ltmp0, $4  }
0x3c: {  	s10 =	simm.s32 $0x9;
	s28 =	sadd.s32 $0x7800, s0;
	[smem:$0x7FA] =	sst s26  }
0x3d: {  	s19 =	simm.s32 $0x1;
	s0 =	sadd.s32 $0x8C00, s0;
	[smem:$0x7FB] =	sst s28  }
0x3e: {  	s16 =	simm.s32 $0xA280;
	s17 =	sadd.s32 $0x50, s14;
	[smem:$0x7FD] =	sst s0  }
0x3f: {  	v0 =	vimm.f32 $0.0e+00;
	s22 =	simm.s32 $0x3;
	s25 =	simm.s32 $0x2;
	s26 =	simm.s32 $0x0  }
.LBB2_52:
0x40: {  	s1 =	rddreg [dreg:$0x8]  }
0x41: {  	s5 =	sld [smem:$0x7E0]  }
.LBB2_53:
0x42: {  	s0 =	simm.s32 $0x5  }
0x43: {  	_ =	swait.ge [sflag:s0], $0x1400  }
0x44: {  	[sflag:s0] =	ssyncset.done $0x0  }
0x45: {  	s12 =	simm.s32 $0x6;
	[sflag:s0] =	ssyncadd.s32 $0xFFFFEC00  }
0x46: {  	_ =	swait.ge [sflag:s12], $0x1400  }
0x47: {  	[sflag:s12] =	ssyncset.done $0x0  }
0x48: {  	[sflag:s12] =	ssyncadd.s32 $0xFFFFEC00  }
0x49: {  	[bflag:$0x0] =	sbarrier.arrive $0xFFFF  }
0x4a: {  	s10 =	simm.s32 $0x9;
	s15 =	rddreg [dreg:$0xd]  }
0x4b: {  	[tilespmem:s7], [sflag:$0x9] =	stream.linear.gather [spmem:s15], $0x1400, $0x38;
	[tilespmem:$0x1F680] =	vst v63  }
0x4c: {  	_ =	swait.ge [sflag:s10], $0x1400  }
0x4d: {  	[sflag:s10] =	ssyncset.done $0x0;
	s20 =	rddreg [dreg:$0x9]  }
0x4e: {  	s0 =	sadd.s32 s1, s20;
	[sflag:s10] =	ssyncadd.s32 $0xFFFFEC00  }
0x4f: {  	[hbm4b:s0+s4] =	stream.linear.scatter [tilespmem:s7], [sflag:$0x9], $0x1400, $0x38;
	[tilespmem:$0x1F680] =	vst v63  }
0x50: {  	_ =	swait.ge [sflag:s10], $0x1400  }
0x51: {  	[sflag:s10] =	ssyncset.done $0x0  }
0x52: {  	s21 =	rddreg [dreg:$0x10];
	[sflag:s10] =	ssyncadd.s32 $0xFFFFEC00  }
0x53: {  	[tilespmem:s7], [sflag:$0x9] =	stream.linear.gather [spmem:s21], $0x1400, $0x38;
	[tilespmem:$0x1F680] =	vst v63  }
0x54: {  	_ =	swait.ge [sflag:s10], $0x1400  }
0x55: {  	[sflag:s10] =	ssyncset.done $0x0;
	s23 =	rddreg [dreg:$0xe]  }
0x56: {  	s0 =	sadd.s32 s1, s23;
	[sflag:s10] =	ssyncadd.s32 $0xFFFFEC00  }
0x57: {  	[hbm4b:s0+s4] =	stream.linear.scatter [tilespmem:s7], [sflag:$0x9], $0x1400, $0x38;
	[tilespmem:$0x1F680] =	vst v63  }
0x58: {  	_ =	swait.ge [sflag:s10], $0x1400  }
0x59: {  	[sflag:s10] =	ssyncset.done $0x0  }
0x5a: {  	s28 =	rddreg [dreg:$0x13];
	[sflag:s10] =	ssyncadd.s32 $0xFFFFEC00  }
0x5b: {  	[tilespmem:s7], [sflag:$0x9] =	stream.linear.gather [spmem:s28], $0x1400, $0x38;
	[tilespmem:$0x1F680] =	vst v63  }
0x5c: {  	_ =	swait.ge [sflag:s10], $0x1400  }
0x5d: {  	[sflag:s10] =	ssyncset.done $0x0;
	s12 =	rddreg [dreg:$0x11]  }
0x5e: {  	s0 =	sadd.s32 s1, s12;
	[sflag:s10] =	ssyncadd.s32 $0xFFFFEC00  }
0x5f: {  	[hbm4b:s0+s4] =	stream.linear.scatter [tilespmem:s7], [sflag:$0x9], $0x1400, $0x38;
	[tilespmem:$0x1F680] =	vst v63  }
0x60: {  	_ =	swait.ge [sflag:s10], $0x1400  }
0x61: {  	[sflag:s10] =	ssyncset.done $0x0  }
0x62: {  	s15 =	rddreg [dreg:$0x16];
	[sflag:s10] =	ssyncadd.s32 $0xFFFFEC00  }
0x63: {  	[tilespmem:s7], [sflag:$0x9] =	stream.linear.gather [spmem:s15], $0x1400, $0x38;
	[tilespmem:$0x1F680] =	vst v63  }
0x64: {  	_ =	swait.ge [sflag:s10], $0x1400  }
0x65: {  	[sflag:s10] =	ssyncset.done $0x0;
	s20 =	rddreg [dreg:$0x14]  }
0x66: {  	s0 =	sadd.s32 s1, s20;
	[sflag:s10] =	ssyncadd.s32 $0xFFFFEC00  }
0x67: {  	[hbm4b:s0+s4] =	stream.linear.scatter [tilespmem:s7], [sflag:$0x9], $0x1400, $0x38;
	[tilespmem:$0x1F680] =	vst v63  }
0x68: {  	_ =	swait.ge [sflag:s10], $0x1400  }
0x69: {  	[sflag:s10] =	ssyncset.done $0x0  }
0x6a: {  	s21 =	rddreg [dreg:$0x19];
	[sflag:s10] =	ssyncadd.s32 $0xFFFFEC00  }
0x6b: {  	[tilespmem:s7], [sflag:$0x9] =	stream.linear.gather [spmem:s21], $0x1400, $0x38;
	[tilespmem:$0x1F680] =	vst v63  }
0x6c: {  	_ =	swait.ge [sflag:s10], $0x1400  }
0x6d: {  	[sflag:s10] =	ssyncset.done $0x0;
	s23 =	rddreg [dreg:$0x17]  }
0x6e: {  	s0 =	sadd.s32 s1, s23;
	[sflag:s10] =	ssyncadd.s32 $0xFFFFEC00  }
0x6f: {  	[hbm4b:s0+s4] =	stream.linear.scatter [tilespmem:s7], [sflag:$0x9], $0x1400, $0x38;
	[tilespmem:$0x1F680] =	vst v63  }
0x70: {  	_ =	swait.ge [sflag:s10], $0x1400  }
0x71: {  	[sflag:s10] =	ssyncset.done $0x0  }
0x72: {  	s28 =	rddreg [dreg:$0x1c];
	[sflag:s10] =	ssyncadd.s32 $0xFFFFEC00  }
0x73: {  	[tilespmem:s7], [sflag:$0x9] =	stream.linear.gather [spmem:s28], $0x1400, $0x38;
	[tilespmem:$0x1F680] =	vst v63  }
0x74: {  	_ =	swait.ge [sflag:s10], $0x1400  }
0x75: {  	[sflag:s10] =	ssyncset.done $0x0;
	s12 =	rddreg [dreg:$0x1a]  }
0x76: {  	s0 =	sadd.s32 s1, s12;
	[sflag:s10] =	ssyncadd.s32 $0xFFFFEC00  }
0x77: {  	[hbm4b:s0+s4] =	stream.linear.scatter [tilespmem:s7], [sflag:$0x9], $0x1400, $0x38;
	[tilespmem:$0x1F680] =	vst v63  }
0x78: {  	_ =	swait.ge [sflag:s10], $0x1400  }
0x79: {  	[sflag:s10] =	ssyncset.done $0x0  }
0x7a: {  	s15 =	rddreg [dreg:$0x1f];
	[sflag:s10] =	ssyncadd.s32 $0xFFFFEC00  }
0x7b: {  	[tilespmem:s7], [sflag:$0x9] =	stream.linear.gather [spmem:s15], $0x1400, $0x38;
	[tilespmem:$0x1F680] =	vst v63  }
0x7c: {  	_ =	swait.ge [sflag:s10], $0x1400  }
0x7d: {  	[sflag:s10] =	ssyncset.done $0x0;
	s20 =	rddreg [dreg:$0x1d]  }
0x7e: {  	s0 =	sadd.s32 s1, s20;
	[sflag:s10] =	ssyncadd.s32 $0xFFFFEC00  }
0x7f: {  	[hbm4b:s0+s4] =	stream.linear.scatter [tilespmem:s7], [sflag:$0x9], $0x1400, $0x38;
	[tilespmem:$0x1F680] =	vst v63  }
0x80: {  	_ =	swait.ge [sflag:s10], $0x1400  }
0x81: {  	s21 =	sld [smem:$0x7E3]  }
0x82: {  	[sflag:s10] =	ssyncset.done $0x0  }
0x83: {  	[sflag:s10] =	ssyncadd.s32 $0xFFFFEC00  }
0x84: {  	[tilespmem:s7], [sflag:$0x9] =	stream.linear.gather [spmem:s21], $0x1400, $0x38;
	[tilespmem:$0x1F680] =	vst v63  }
0x85: {  	_ =	swait.ge [sflag:s10], $0x1400  }
0x86: {  	s23 =	sld [smem:$0x7E1];
	_ =	sdelay $0x1  }
0x87: {  	[sflag:s10] =	ssyncset.done $0x0  }
0x88: {  	[sflag:s10] =	ssyncadd.s32 $0xFFFFEC00;
	s0 =	sadd.s32 s1, s23  }
0x89: {  	[hbm4b:s0+s4] =	stream.linear.scatter [tilespmem:s7], [sflag:$0x9], $0x1400, $0x38;
	[tilespmem:$0x1F680] =	vst v63  }
0x8a: {  	_ =	swait.ge [sflag:s10], $0x1400  }
0x8b: {  	s28 =	sld [smem:$0x7E8];
	_ =	sdelay $0x1  }
0x8c: {  	s5 =	sadd.s32 $0x1, s5  }
0x8d: {  	p2 =	sne.s32 s5, s28  }
.Ltmp1:
0x8e: {  	_ = 	snop;
	(pc) =	sbr.rel @!p2 .LBB2_54-.Ltmp1, $3  }
0x8f: {  	_ =	sdelay $0x1  }
0x90: {  	[sflag:s10] =	ssyncset.done $0x0  }
0x91: {  	[sflag:s10] =	ssyncadd.s32 $0xFFFFEC00  }
.LBB2_1:
0x92: {  	[smem:$0x7E0] =	sst s5;
	s1 =	simm.s32 $0x100;
	s0 =	simm.s32 $0x0  }
.LBB2_2:
0x93: {  	p2 =	sne.s32 s1, $0x4F00;
	[tilespmem:s0+$0x8EB0] =	vst v0;
	s5 =	smov.u32 s1;
	s1 =	sadd.s32 $0x100, s1  }
.Ltmp2:
0x94: {  	[tilespmem:s0+$0x8EA0] =	vst v0;
	(pc) =	sbr.rel @p2 .LBB2_2-.Ltmp2, $3  }
0x95: {  	[tilespmem:s0+$0x8E80] =	vst v0  }
0x96: {  	[tilespmem:s0+$0x8E90] =	vst v0;
	_ =	sdelay $0x1  }
0x97: {  	s0 =	sshra.s32 s5, $0x2  }
0x98: {  	[tilespmem:s0+$0x8EB0] =	vst v0  }
0x99: {  	[tilespmem:s0+$0x8EA0] =	vst v0;
	s1 =	sld [smem:$0x7FC]  }
0x9a: {  	[tilespmem:s0+$0x8E80] =	vst v0  }
0x9b: {  	[tilespmem:s0+$0x8E90] =	vst v0  }
0x9c: {  	[spmem:s1] =	stream.linear.scatter [tilespmem:s7], [sflag:$0x9], $0x1400, $0x38;
	[tilespmem:$0x1F680] =	vst v63  }
0x9d: {  	_ =	swait.ge [sflag:s10], $0x1400  }
0x9e: {  	s5 =	sld [smem:$0x7F6]  }
0x9f: {  	[sflag:s10] =	ssyncset.done $0x0  }
0xa0: {  	[sflag:s10] =	ssyncadd.s32 $0xFFFFEC00  }
0xa1: {  	[spmem:s5] =	stream.linear.scatter [tilespmem:s7], [sflag:$0x9], $0x1400, $0x38;
	[tilespmem:$0x1F680] =	vst v63  }
0xa2: {  	_ =	swait.ge [sflag:s10], $0x1400  }
0xa3: {  	s12 =	sld [smem:$0x7F7]  }
0xa4: {  	[sflag:s10] =	ssyncset.done $0x0  }
0xa5: {  	[sflag:s10] =	ssyncadd.s32 $0xFFFFEC00  }
0xa6: {  	[spmem:s12] =	stream.linear.scatter [tilespmem:s7], [sflag:$0x9], $0x1400, $0x38;
	[tilespmem:$0x1F680] =	vst v63  }
0xa7: {  	_ =	swait.ge [sflag:s10], $0x1400  }
0xa8: {  	s15 =	sld [smem:$0x7F8]  }
0xa9: {  	[sflag:s10] =	ssyncset.done $0x0  }
0xaa: {  	[sflag:s10] =	ssyncadd.s32 $0xFFFFEC00  }
0xab: {  	[spmem:s15] =	stream.linear.scatter [tilespmem:s7], [sflag:$0x9], $0x1400, $0x38;
	[tilespmem:$0x1F680] =	vst v63  }
0xac: {  	_ =	swait.ge [sflag:s10], $0x1400  }
0xad: {  	s20 =	sld [smem:$0x7F9]  }
0xae: {  	[sflag:s10] =	ssyncset.done $0x0  }
0xaf: {  	[sflag:s10] =	ssyncadd.s32 $0xFFFFEC00  }
0xb0: {  	[spmem:s20] =	stream.linear.scatter [tilespmem:s7], [sflag:$0x9], $0x1400, $0x38;
	[tilespmem:$0x1F680] =	vst v63  }
0xb1: {  	_ =	swait.ge [sflag:s10], $0x1400  }
0xb2: {  	s21 =	sld [smem:$0x7FA]  }
0xb3: {  	[sflag:s10] =	ssyncset.done $0x0  }
0xb4: {  	[sflag:s10] =	ssyncadd.s32 $0xFFFFEC00  }
0xb5: {  	[spmem:s21] =	stream.linear.scatter [tilespmem:s7], [sflag:$0x9], $0x1400, $0x38;
	[tilespmem:$0x1F680] =	vst v63  }
0xb6: {  	_ =	swait.ge [sflag:s10], $0x1400  }
0xb7: {  	s23 =	sld [smem:$0x7FB]  }
0xb8: {  	[sflag:s10] =	ssyncset.done $0x0  }
0xb9: {  	[sflag:s10] =	ssyncadd.s32 $0xFFFFEC00  }
0xba: {  	[spmem:s23] =	stream.linear.scatter [tilespmem:s7], [sflag:$0x9], $0x1400, $0x38;
	[tilespmem:$0x1F680] =	vst v63  }
0xbb: {  	_ =	swait.ge [sflag:s10], $0x1400  }
0xbc: {  	s28 =	sld [smem:$0x7FD]  }
0xbd: {  	[sflag:s10] =	ssyncset.done $0x0  }
.Ltmp3:
0xbe: {  	[sflag:s10] =	ssyncadd.s32 $0xFFFFEC00;
	(pc) =	sbr.rel @p0 .LBB2_5-.Ltmp3, $4  }
0xbf: {  	[spmem:s28] =	stream.linear.scatter [tilespmem:s7], [sflag:$0x9], $0x1400, $0x38;
	[tilespmem:$0x1F680] =	vst v63  }
0xc0: {  	_ =	swait.ge [sflag:s10], $0x1400  }
0xc1: {  	[sflag:s10] =	ssyncset.done $0x0  }
0xc2: {  	[sflag:s10] =	ssyncadd.s32 $0xFFFFEC00  }
0xc3: {  	s0 =	sld [smem:$0x7EE];
	_ =	sdelay $0x2  }
0xc4: {  	[tilespmem:s30], [sflag:$0x9] =	stream.linear.gather [hbm4b:s0+s4], $0x1400, $0x38;
	[tilespmem:$0x1F680] =	vst v63  }
0xc5: {  	_ =	swait.ge [sflag:s10], $0x1400  }
0xc6: {  	[sflag:s10] =	ssyncset.done $0x0  }
0xc7: {  	s28 =	rddreg [dreg:$0xa];
	[sflag:s10] =	ssyncadd.s32 $0xFFFFEC00  }
0xc8: {  	[spmem:s28] =	stream.linear.scatter [tilespmem:s30], [sflag:$0x9], $0x1400, $0x38;
	[tilespmem:$0x1F680] =	vst v63  }
0xc9: {  	_ =	swait.ge [sflag:s10], $0x1400  }
0xca: {  	s1 =	sld [smem:$0x7EF]  }
0xcb: {  	[sflag:s10] =	ssyncset.done $0x0  }
0xcc: {  	[sflag:s10] =	ssyncadd.s32 $0xFFFFEC00  }
0xcd: {  	[tilespmem:s30], [sflag:$0x9] =	stream.linear.gather [hbm4b:s1+s4], $0x1400, $0x38;
	[tilespmem:$0x1F680] =	vst v63  }
0xce: {  	_ =	swait.ge [sflag:s10], $0x1400  }
0xcf: {  	[sflag:s10] =	ssyncset.done $0x0  }
0xd0: {  	s5 =	rddreg [dreg:$0xf];
	[sflag:s10] =	ssyncadd.s32 $0xFFFFEC00  }
0xd1: {  	[spmem:s5] =	stream.linear.scatter [tilespmem:s30], [sflag:$0x9], $0x1400, $0x38;
	[tilespmem:$0x1F680] =	vst v63  }
0xd2: {  	_ =	swait.ge [sflag:s10], $0x1400  }
0xd3: {  	s12 =	sld [smem:$0x7F0]  }
0xd4: {  	[sflag:s10] =	ssyncset.done $0x0  }
0xd5: {  	[sflag:s10] =	ssyncadd.s32 $0xFFFFEC00  }
0xd6: {  	[tilespmem:s30], [sflag:$0x9] =	stream.linear.gather [hbm4b:s12+s4], $0x1400, $0x38;
	[tilespmem:$0x1F680] =	vst v63  }
0xd7: {  	_ =	swait.ge [sflag:s10], $0x1400  }
0xd8: {  	[sflag:s10] =	ssyncset.done $0x0  }
0xd9: {  	s15 =	rddreg [dreg:$0x12];
	[sflag:s10] =	ssyncadd.s32 $0xFFFFEC00  }
0xda: {  	[spmem:s15] =	stream.linear.scatter [tilespmem:s30], [sflag:$0x9], $0x1400, $0x38;
	[tilespmem:$0x1F680] =	vst v63  }
0xdb: {  	_ =	swait.ge [sflag:s10], $0x1400  }
0xdc: {  	s20 =	sld [smem:$0x7F1]  }
0xdd: {  	[sflag:s10] =	ssyncset.done $0x0  }
0xde: {  	[sflag:s10] =	ssyncadd.s32 $0xFFFFEC00  }
0xdf: {  	[tilespmem:s30], [sflag:$0x9] =	stream.linear.gather [hbm4b:s20+s4], $0x1400, $0x38;
	[tilespmem:$0x1F680] =	vst v63  }
0xe0: {  	_ =	swait.ge [sflag:s10], $0x1400  }
0xe1: {  	[sflag:s10] =	ssyncset.done $0x0  }
0xe2: {  	s21 =	rddreg [dreg:$0x15];
	[sflag:s10] =	ssyncadd.s32 $0xFFFFEC00  }
0xe3: {  	[spmem:s21] =	stream.linear.scatter [tilespmem:s30], [sflag:$0x9], $0x1400, $0x38;
	[tilespmem:$0x1F680] =	vst v63  }
0xe4: {  	_ =	swait.ge [sflag:s10], $0x1400  }
0xe5: {  	s23 =	sld [smem:$0x7F2]  }
0xe6: {  	[sflag:s10] =	ssyncset.done $0x0  }
0xe7: {  	[sflag:s10] =	ssyncadd.s32 $0xFFFFEC00  }
0xe8: {  	[tilespmem:s30], [sflag:$0x9] =	stream.linear.gather [hbm4b:s23+s4], $0x1400, $0x38;
	[tilespmem:$0x1F680] =	vst v63  }
0xe9: {  	_ =	swait.ge [sflag:s10], $0x1400  }
0xea: {  	[sflag:s10] =	ssyncset.done $0x0  }
0xeb: {  	s28 =	rddreg [dreg:$0x18];
	[sflag:s10] =	ssyncadd.s32 $0xFFFFEC00  }
0xec: {  	[spmem:s28] =	stream.linear.scatter [tilespmem:s30], [sflag:$0x9], $0x1400, $0x38;
	[tilespmem:$0x1F680] =	vst v63  }
.Ltmp4:
0xed: {  	_ = 	snop;
	(pc) =	sbr.rel @p1 .LBB2_7-.Ltmp4, $4  }
.Ltmp5:
0xee: {  	_ = 	snop;
	(pc) =	sbr.rel @!p1 .LBB2_6-.Ltmp5, $4  }
0xef: {  	_ =	swait.ge [sflag:s10], $0x1400  }
0xf0: {  	[sflag:s10] =	ssyncset.done $0x0  }
0xf1: {  	s0 =	rddreg [dreg:$0x5];
	[sflag:s10] =	ssyncadd.s32 $0xFFFFEC00  }
0xf2: {  	_ = 	snop  }
.LBB2_5:
0xf3: {  	s0 =	sld [smem:$0x7E9];
	_ =	sdelay $0x2  }
0xf4: {  	[tilespmem:s30], [sflag:$0x9] =	stream.linear.gather [hbm4b:s0+s4], $0x1400, $0x38;
	[tilespmem:$0x1F680] =	vst v63  }
0xf5: {  	_ =	swait.ge [sflag:s10], $0x1400  }
0xf6: {  	[sflag:s10] =	ssyncset.done $0x0  }
0xf7: {  	s28 =	rddreg [dreg:$0xa];
	[sflag:s10] =	ssyncadd.s32 $0xFFFFEC00  }
0xf8: {  	[spmem:s28] =	stream.linear.scatter [tilespmem:s30], [sflag:$0x9], $0x1400, $0x38;
	[tilespmem:$0x1F680] =	vst v63  }
0xf9: {  	_ =	swait.ge [sflag:s10], $0x1400  }
0xfa: {  	s1 =	sld [smem:$0x7EA]  }
0xfb: {  	[sflag:s10] =	ssyncset.done $0x0  }
0xfc: {  	[sflag:s10] =	ssyncadd.s32 $0xFFFFEC00  }
0xfd: {  	[tilespmem:s30], [sflag:$0x9] =	stream.linear.gather [hbm4b:s1+s4], $0x1400, $0x38;
	[tilespmem:$0x1F680] =	vst v63  }
0xfe: {  	_ =	swait.ge [sflag:s10], $0x1400  }
0xff: {  	[sflag:s10] =	ssyncset.done $0x0  }
0x100: {  	s5 =	rddreg [dreg:$0xf];
	[sflag:s10] =	ssyncadd.s32 $0xFFFFEC00  }
0x101: {  	[spmem:s5] =	stream.linear.scatter [tilespmem:s30], [sflag:$0x9], $0x1400, $0x38;
	[tilespmem:$0x1F680] =	vst v63  }
0x102: {  	_ =	swait.ge [sflag:s10], $0x1400  }
0x103: {  	s12 =	sld [smem:$0x7EB]  }
0x104: {  	[sflag:s10] =	ssyncset.done $0x0  }
0x105: {  	[sflag:s10] =	ssyncadd.s32 $0xFFFFEC00  }
0x106: {  	[tilespmem:s30], [sflag:$0x9] =	stream.linear.gather [hbm4b:s12+s4], $0x1400, $0x38;
	[tilespmem:$0x1F680] =	vst v63  }
0x107: {  	_ =	swait.ge [sflag:s10], $0x1400  }
0x108: {  	[sflag:s10] =	ssyncset.done $0x0  }
0x109: {  	s15 =	rddreg [dreg:$0x12];
	[sflag:s10] =	ssyncadd.s32 $0xFFFFEC00  }
0x10a: {  	[spmem:s15] =	stream.linear.scatter [tilespmem:s30], [sflag:$0x9], $0x1400, $0x38;
	[tilespmem:$0x1F680] =	vst v63  }
0x10b: {  	_ =	swait.ge [sflag:s10], $0x1400  }
0x10c: {  	s20 =	sld [smem:$0x7EC]  }
0x10d: {  	[sflag:s10] =	ssyncset.done $0x0  }
0x10e: {  	[sflag:s10] =	ssyncadd.s32 $0xFFFFEC00  }
0x10f: {  	[tilespmem:s30], [sflag:$0x9] =	stream.linear.gather [hbm4b:s20+s4], $0x1400, $0x38;
	[tilespmem:$0x1F680] =	vst v63  }
0x110: {  	_ =	swait.ge [sflag:s10], $0x1400  }
0x111: {  	[sflag:s10] =	ssyncset.done $0x0  }
0x112: {  	s21 =	rddreg [dreg:$0x15];
	[sflag:s10] =	ssyncadd.s32 $0xFFFFEC00  }
0x113: {  	[spmem:s21] =	stream.linear.scatter [tilespmem:s30], [sflag:$0x9], $0x1400, $0x38;
	[tilespmem:$0x1F680] =	vst v63  }
0x114: {  	_ =	swait.ge [sflag:s10], $0x1400  }
0x115: {  	s23 =	sld [smem:$0x7ED]  }
0x116: {  	[sflag:s10] =	ssyncset.done $0x0  }
0x117: {  	[sflag:s10] =	ssyncadd.s32 $0xFFFFEC00  }
0x118: {  	[tilespmem:s30], [sflag:$0x9] =	stream.linear.gather [hbm4b:s23+s4], $0x1400, $0x38;
	[tilespmem:$0x1F680] =	vst v63  }
0x119: {  	_ =	swait.ge [sflag:s10], $0x1400  }
0x11a: {  	[sflag:s10] =	ssyncset.done $0x0  }
.Ltmp6:
0x11b: {  	s28 =	rddreg [dreg:$0x18];
	[sflag:s10] =	ssyncadd.s32 $0xFFFFEC00;
	(pc) =	sbr.rel @p1 .LBB2_7-.Ltmp6, $4  }
0x11c: {  	[spmem:s28] =	stream.linear.scatter [tilespmem:s30], [sflag:$0x9], $0x1400, $0x38;
	[tilespmem:$0x1F680] =	vst v63  }
0x11d: {  	_ =	swait.ge [sflag:s10], $0x1400  }
0x11e: {  	[sflag:s10] =	ssyncset.done $0x0  }
0x11f: {  	s0 =	rddreg [dreg:$0x6];
	[sflag:s10] =	ssyncadd.s32 $0xFFFFEC00  }
.LBB2_6:
0x120: {  	s1 =	rddreg [dreg:$0x1a]  }
0x121: {  	s1 =	sadd.s32 s0, s1  }
0x122: {  	[tilespmem:s30], [sflag:$0x9] =	stream.linear.gather [hbm4b:s1+s4], $0x1400, $0x38;
	[tilespmem:$0x1F680] =	vst v63  }
0x123: {  	_ =	swait.ge [sflag:s10], $0x1400  }
0x124: {  	[sflag:s10] =	ssyncset.done $0x0  }
0x125: {  	s12 =	rddreg [dreg:$0x1b];
	[sflag:s10] =	ssyncadd.s32 $0xFFFFEC00  }
0x126: {  	[spmem:s12] =	stream.linear.scatter [tilespmem:s30], [sflag:$0x9], $0x1400, $0x38;
	[tilespmem:$0x1F680] =	vst v63  }
0x127: {  	_ =	swait.ge [sflag:s10], $0x1400  }
0x128: {  	[sflag:s10] =	ssyncset.done $0x0;
	s15 =	rddreg [dreg:$0x1d]  }
0x129: {  	s1 =	sadd.s32 s0, s15;
	[sflag:s10] =	ssyncadd.s32 $0xFFFFEC00  }
0x12a: {  	[tilespmem:s30], [sflag:$0x9] =	stream.linear.gather [hbm4b:s1+s4], $0x1400, $0x38;
	[tilespmem:$0x1F680] =	vst v63  }
0x12b: {  	_ =	swait.ge [sflag:s10], $0x1400  }
0x12c: {  	[sflag:s10] =	ssyncset.done $0x0  }
0x12d: {  	s20 =	rddreg [dreg:$0x1e];
	[sflag:s10] =	ssyncadd.s32 $0xFFFFEC00  }
0x12e: {  	[spmem:s20] =	stream.linear.scatter [tilespmem:s30], [sflag:$0x9], $0x1400, $0x38;
	[tilespmem:$0x1F680] =	vst v63  }
0x12f: {  	_ =	swait.ge [sflag:s10], $0x1400  }
0x130: {  	s21 =	sld [smem:$0x7E1];
	_ =	sdelay $0x1  }
0x131: {  	[sflag:s10] =	ssyncset.done $0x0  }
0x132: {  	[sflag:s10] =	ssyncadd.s32 $0xFFFFEC00;
	s23 =	sadd.s32 s0, s21  }
0x133: {  	[tilespmem:s30], [sflag:$0x9] =	stream.linear.gather [hbm4b:s23+s4], $0x1400, $0x38;
	[tilespmem:$0x1F680] =	vst v63  }
0x134: {  	_ =	swait.ge [sflag:s10], $0x1400  }
0x135: {  	s28 =	sld [smem:$0x7E2]  }
0x136: {  	[sflag:s10] =	ssyncset.done $0x0  }
0x137: {  	[sflag:s10] =	ssyncadd.s32 $0xFFFFEC00  }
0x138: {  	[spmem:s28] =	stream.linear.scatter [tilespmem:s30], [sflag:$0x9], $0x1400, $0x38;
	[tilespmem:$0x1F680] =	vst v63  }
0x139: {  	_ =	swait.ge [sflag:s10], $0x1400  }
0x13a: {  	[sflag:s10] =	ssyncset.done $0x0  }
0x13b: {  	[sflag:s10] =	ssyncadd.s32 $0xFFFFEC00  }
.LBB2_7:
0x13c: {  	s0 =	rddreg [dreg:$0xb]  }
0x13d: {  	[tilespmem:s26], [sflag:$0x9] =	stream.linear.gather [hbm4b:s0+s26], $0xFA0, $0x38;
	[tilespmem:$0x1F680] =	vst v63  }
0x13e: {  	_ =	swait.ge [sflag:s10], $0xFA0  }
0x13f: {  	[sflag:s10] =	ssyncset.done $0x0  }
0x140: {  	s1 =	simm.s32 $0x1F40;
	s28 =	rddreg [dreg:$0xc];
	[sflag:s10] =	ssyncadd.s32 $0xFFFFF060  }
0x141: {  	[tilespmem:s1], [sflag:$0x9] =	stream.linear.gather [hbm4b:s28+s26], $0xFA0, $0x38;
	[tilespmem:$0x1F680] =	vst v63  }
.Ltmp7:
0x142: {  	_ =	swait.ge [sflag:s10], $0xFA0;
	(pc) =	sbr.rel @p0 .LBB2_31-.Ltmp7, $4  }
.Ltmp8:
0x143: {  	[sflag:s10] =	ssyncset.done $0x0;
	(pc) =	sbr.rel @!p0 .LBB2_8-.Ltmp8, $4  }
0x144: {  	[sflag:s10] =	ssyncadd.s32 $0xFFFFF060  }
0x145: {  	[bflag:$0x0] =	sbarrier.arrive $0xFFFF  }
0x146: {  	p3 =	por $0x1, $0x1;
	s0 =	simm.s32 $0x0;
	s1 =	simm.s32 $0x0  }
0x147: {  	_ = 	snop  }
.LBB2_22:
.Ltmp9:
0x148: {  	(pc) =	sbr.rel @!p2 .LBB2_23-.Ltmp9, $2  }
0x149: {  	_ =	sdelay $0x2  }
0x14a: {  	s0 =	simm.s32 $0x1;
	p3 =	por $0x0, $0x0  }
.LBB2_8:
0x14b: {  	s1 =	simm.s32 @!p3 $0x5  }
0x14c: {  	_ =	swait.ge @!p3 [sflag:s1], $0x1400  }
0x14d: {  	[sflag:s1] =	ssyncset.done @!p3 $0x0  }
0x14e: {  	[sflag:s1] =	ssyncadd.s32 @!p3 $0xFFFFEC00;
	s1 =	simm.s32 @!p3 $0x6  }
0x14f: {  	_ =	swait.ge @!p3 [sflag:s1], $0x1400  }
0x150: {  	[sflag:s1] =	ssyncset.done @!p3 $0x0  }
0x151: {  	s5 =	sshll.u32 s0, $0x1;
	[sflag:s1] =	ssyncadd.s32 @!p3 $0xFFFFEC00;
	s1 =	simm.s32 @!p3 $0x7  }
0x152: {  	s23 =	sor.u32 $0x1, s5;
	_ =	swait.ge @!p3 [sflag:s1], $0xFA0  }
0x153: {  	s20 =	smul.u32 $0xFA0, s23;
	[sflag:s1] =	ssyncset.done @!p3 $0x0  }
0x154: {  	[sflag:s1] =	ssyncadd.s32 @!p3 $0xFFFFF060;
	s1 =	simm.s32 @!p3 $0x8  }
0x155: {  	s21 =	sadd.s32 s14, s20;
	_ =	swait.ge @!p3 [sflag:s1], $0xFA0  }
0x156: {  	s10 =	simm.s32 $0xFA0;
	s15 =	sshrl.u32 s21, $0x3;
	[sflag:s1] =	ssyncset.done @!p3 $0x0  }
0x157: {  	s28 =	smul.u32 $0x1F40, s0;
	s24 =	sadd.s32 s24, s15;
	[sflag:s1] =	ssyncadd.s32 @!p3 $0xFFFFF060  }
0x158: {  	[tilespmem:s10], [sflag:$0x7] =	stream.linear.gather [hbm4b:s24+s26], $0xFA0, $0x38;
	[tilespmem:$0x1F680] =	vst v63  }
0x159: {  	s12 =	simm.s32 $0x2EE0;
	s10 =	sadd.s32 s11, s15;
	s15 =	sadd.s32 s14, s28  }
0x15a: {  	[tilespmem:s12], [sflag:$0x8] =	stream.linear.gather [hbm4b:s10+s26], $0xFA0, $0x38;
	[tilespmem:$0x1F680] =	vst v63  }
0x15b: {  	s1 =	sshll.u32 s15, $0x3  }
0x15c: {  	[tilespmem:s30], [sflag:$0x1] =	stream.indirect.gather [spmem:s3], $0x40, s26, s31, $0xb8;
	[tilespmem:$0x1F680] =	vst v63  }
0x15d: {  	s24 =	simm.s32 $0x6680;
	s1 =	sadd.s32 s8, s1;
	s30 =	sadd.s32 s28, s17  }
0x15e: {  	[tilespmem:s24], [sflag:$0x3] =	stream.linear.gather [hbm4b:s1+s26], $0x1400, $0x38;
	[tilespmem:$0x1F680] =	vst v63  }
0x15f: {  	s1 =	sshll.u32 s30, $0x3  }
0x160: {  	[tilespmem:s6], [sflag:$0x2] =	stream.indirect.gather [spmem:s3], $0x40, s31, s31, $0xb8;
	[tilespmem:$0x1F680] =	vst v63  }
0x161: {  	s1 =	sadd.s32 s8, s1  }
0x162: {  	[tilespmem:s13], [sflag:$0x4] =	stream.linear.gather [hbm4b:s1+s26], $0x1400, $0x38;
	[tilespmem:$0x1F680] =	vst v63  }
0x163: {  	p2 =	por p3, p3;
	s24 =	simm.s32 $0x0;
	s1 =	smul.u32 $0x64, s0  }
.LBB2_9:
0x164: {  	_ =	swait.ge [sflag:s19], $0x1400  }
0x165: {  	[sflag:s19] =	ssyncset.done $0x0  }
0x166: {  	[sflag:s19] =	ssyncadd.s32 $0xFFFFEC00  }
0x167: {  	_ =	swait.ge [sflag:s22], $0x1400  }
0x168: {  	p3 =	seq.s32 s24, $0x0;
	[sflag:s22] =	ssyncset.done $0x0  }
0x169: {  	s0 =	simm.s32 @!p3 $0x5;
	[sflag:s22] =	ssyncadd.s32 $0xFFFFEC00  }
0x16a: {  	_ =	swait.ge @!p3 [sflag:s0], $0x1400  }
0x16b: {  	[sflag:s0] =	ssyncset.done @!p3 $0x0  }
0x16c: {  	s5 =	simm.s32 $0x0;
	[sflag:s0] =	ssyncadd.s32 @!p3 $0xFFFFEC00  }
0x16d: {  	v3 =	vld [tilespmem:s5+$0x3EB0]  }
0x16e: {  	v5 =	vld [tilespmem:s5+$0x66B0]  }
0x16f: {  	v6 =	vld [tilespmem:s5+$0x3E80]  }
0x170: {  	v7 =	vld [tilespmem:s5+$0x6680]  }
0x171: {  	v2 =	vld [tilespmem:s5+$0x3E90]  }
0x172: {  	v4 =	vld [tilespmem:s5+$0x6690]  }
0x173: {  	v1 =	vld [tilespmem:s5+$0x3EA0];
	v8 =	vmul.f32 v5, v3  }
0x174: {  	s12 =	simm.s32 $0x40;
	s30 =	sshll.u32 s24, $0x1;
	v5 =	vld [tilespmem:s5+$0x66A0]  }
0x175: {  	s15 =	simm.s32 $0x200;
	s0 =	sadd.s32 s1, s30;
	v3 =	vld [tilespmem:s12+$0x3EB0];
	v6 =	vmul.f32 v7, v6;
	[tilespmem:s5+$0x8EB0] =	vst v8  }
.LBB2_10:
0x176: {  	p4 =	sne.s32 s15, $0x4F00;
	v7 =	vld [tilespmem:s12+$0x66B0]  }
0x177: {  	v8 =	vld [tilespmem:s12+$0x3E80];
	[tilespmem:s5+$0x8E80] =	vst v6;
	v4 =	vmul.f32 v4, v2  }
0x178: {  	v6 =	vld [tilespmem:s12+$0x6680]  }
.Ltmp10:
0x179: {  	v2 =	vld [tilespmem:s12+$0x3E90];
	[tilespmem:s5+$0x8E90] =	vst v4;
	v5 =	vmul.f32 v5, v1;
	(pc) =	sbr.rel @p4 .LBB2_10-.Ltmp10, $4  }
0x17a: {  	v4 =	vld [tilespmem:s12+$0x6690]  }
0x17b: {  	v1 =	vld [tilespmem:s12+$0x3EA0];
	v7 =	vmul.f32 v7, v3;
	[tilespmem:s5+$0x8EA0] =	vst v5;
	s5 =	smov.u32 s12  }
0x17c: {  	s12 =	sshra.s32 s15, $0x2;
	v5 =	vld [tilespmem:s5+$0x66A0]  }
0x17d: {  	s15 =	sadd.s32 $0x100, s15;
	v3 =	vld [tilespmem:s12+$0x3EB0];
	v6 =	vmul.f32 v6, v8;
	[tilespmem:s5+$0x8EB0] =	vst v7  }
0x17e: {  	v7 =	vld [tilespmem:s12+$0x66B0]  }
0x17f: {  	v8 =	vld [tilespmem:s12+$0x3E80];
	[tilespmem:s5+$0x8E80] =	vst v6;
	v2 =	vmul.f32 v4, v2  }
0x180: {  	v4 =	vld [tilespmem:s12+$0x6680]  }
0x181: {  	v6 =	vld [tilespmem:s12+$0x3E90];
	[tilespmem:s5+$0x8E90] =	vst v2;
	v1 =	vmul.f32 v5, v1  }
0x182: {  	v2 =	vld [tilespmem:s12+$0x6690]  }
0x183: {  	v5 =	vld [tilespmem:s12+$0x3EA0];
	[tilespmem:s5+$0x8EA0] =	vst v1  }
0x184: {  	v1 =	vld [tilespmem:s12+$0x66A0];
	_ =	sdelay $0x1  }
0x185: {  	v3 =	vmul.f32 v7, v3  }
0x186: {  	s10 =	smul.u32 $0x280, s24;
	p4 =	seq.s32 s24, $0x18;
	v4 =	vmul.f32 v4, v8  }
0x187: {  	s0 =	smul.u32 @!p4 $0x50, s0;
	[tilespmem:s12+$0x8EB0] =	vst v3;
	v2 =	vmul.f32 v2, v6  }
0x188: {  	[tilespmem:s12+$0x8E80] =	vst v4;
	v1 =	vmul.f32 v1, v5  }
0x189: {  	s0 =	sadd.s32 @!p4 s0, s18;
	s5 =	sshra.s32 s10, $0x2;
	[tilespmem:s12+$0x8E90] =	vst v2  }
0x18a: {  	s0 =	sshll.u32 @!p4 s0, $0x3;
	s10 =	sshra.s32 @!p4 s10, $0x2;
	s15 =	sadd.s32 $0x1F40, s5;
	[tilespmem:s12+$0x8EA0] =	vst v1  }
0x18b: {  	[spmem:s2] =	stream.indirect.scatter.add.f32 [tilespmem:s7], [sflag:$0x5], $0x40, s15, s31, $0xb8;
	[tilespmem:$0x1F680] =	vst v63  }
0x18c: {  	s10 =	sadd.s32 @!p4 $0xA0, s10;
	s12 =	simm.s32 @!p4 $0x50;
	s15 =	simm.s32 @!p4 $0x3E80  }
0x18d: {  	[tilespmem:s15], [sflag:$0x1] =	stream.indirect.gather @!p4 [spmem:s3], $0x40, s10, s12, $0xb8;
	[tilespmem:$0x1F680] =	vst v63  }
0x18e: {  	s0 =	sadd.s32 @!p4 s8, s0;
	s10 =	simm.s32 @!p4 $0x0;
	s12 =	simm.s32 @!p4 $0x6680  }
0x18f: {  	[tilespmem:s12], [sflag:$0x3] =	stream.linear.gather @!p4 [hbm4b:s0+s10], $0x1400, $0x38;
	[tilespmem:$0x1F680] =	vst v63  }
0x190: {  	_ =	swait.ge [sflag:s25], $0x1400  }
0x191: {  	[sflag:s25] =	ssyncset.done $0x0  }
0x192: {  	[sflag:s25] =	ssyncadd.s32 $0xFFFFEC00  }
0x193: {  	_ =	swait.ge [sflag:s29], $0x1400  }
0x194: {  	[sflag:s29] =	ssyncset.done $0x0  }
0x195: {  	s0 =	simm.s32 @!p3 $0x6;
	[sflag:s29] =	ssyncadd.s32 $0xFFFFEC00  }
0x196: {  	_ =	swait.ge @!p3 [sflag:s0], $0x1400  }
0x197: {  	[sflag:s0] =	ssyncset.done @!p3 $0x0  }
0x198: {  	s15 =	simm.s32 $0x0;
	[sflag:s0] =	ssyncadd.s32 @!p3 $0xFFFFEC00  }
0x199: {  	v3 =	vld [tilespmem:s15+$0x52B0]  }
0x19a: {  	v5 =	vld [tilespmem:s15+$0x7AB0]  }
0x19b: {  	v6 =	vld [tilespmem:s15+$0x5280]  }
0x19c: {  	v7 =	vld [tilespmem:s15+$0x7A80]  }
0x19d: {  	v2 =	vld [tilespmem:s15+$0x5290]  }
0x19e: {  	v4 =	vld [tilespmem:s15+$0x7A90]  }
0x19f: {  	v1 =	vld [tilespmem:s15+$0x52A0];
	v8 =	vmul.f32 v5, v3  }
0x1a0: {  	s30 =	sor.u32 $0x1, s30;
	s12 =	simm.s32 $0x40;
	v5 =	vld [tilespmem:s15+$0x7AA0]  }
0x1a1: {  	s10 =	simm.s32 $0x200;
	s0 =	sadd.s32 s1, s30;
	v3 =	vld [tilespmem:s12+$0x52B0];
	v6 =	vmul.f32 v7, v6;
	[tilespmem:s15+$0xA2B0] =	vst v8  }
.LBB2_12:
0x1a2: {  	p3 =	sne.s32 s10, $0x4F00;
	v7 =	vld [tilespmem:s12+$0x7AB0]  }
0x1a3: {  	v8 =	vld [tilespmem:s12+$0x5280];
	[tilespmem:s15+$0xA280] =	vst v6;
	v4 =	vmul.f32 v4, v2  }
0x1a4: {  	v6 =	vld [tilespmem:s12+$0x7A80]  }
.Ltmp11:
0x1a5: {  	v2 =	vld [tilespmem:s12+$0x5290];
	[tilespmem:s15+$0xA290] =	vst v4;
	v5 =	vmul.f32 v5, v1;
	(pc) =	sbr.rel @p3 .LBB2_12-.Ltmp11, $4  }
0x1a6: {  	v4 =	vld [tilespmem:s12+$0x7A90]  }
0x1a7: {  	v1 =	vld [tilespmem:s12+$0x52A0];
	v7 =	vmul.f32 v7, v3;
	[tilespmem:s15+$0xA2A0] =	vst v5;
	s15 =	smov.u32 s12  }
0x1a8: {  	s12 =	sshra.s32 s10, $0x2;
	v5 =	vld [tilespmem:s15+$0x7AA0]  }
0x1a9: {  	s10 =	sadd.s32 $0x100, s10;
	v3 =	vld [tilespmem:s12+$0x52B0];
	v6 =	vmul.f32 v6, v8;
	[tilespmem:s15+$0xA2B0] =	vst v7  }
0x1aa: {  	v7 =	vld [tilespmem:s12+$0x7AB0]  }
0x1ab: {  	v8 =	vld [tilespmem:s12+$0x5280];
	[tilespmem:s15+$0xA280] =	vst v6;
	v2 =	vmul.f32 v4, v2  }
0x1ac: {  	v62 =	vld [tilespmem:s12+$0x7A80]  }
0x1ad: {  	v6 =	vld [tilespmem:s12+$0x5290];
	[tilespmem:s15+$0xA290] =	vst v2;
	v1 =	vmul.f32 v5, v1  }
0x1ae: {  	v2 =	vld [tilespmem:s12+$0x7A90]  }
0x1af: {  	v63 =	vld [tilespmem:s12+$0x52A0];
	[tilespmem:s15+$0xA2A0] =	vst v1  }
0x1b0: {  	v1 =	vld [tilespmem:s12+$0x7AA0];
	_ =	sdelay $0x1  }
0x1b1: {  	v3 =	vmul.f32 v7, v3  }
0x1b2: {  	s10 =	smul.u32 $0x140, s30;
	v4 =	vmul.f32 v62, v8  }
.Ltmp12:
0x1b3: {  	[tilespmem:s12+$0xA2B0] =	vst v3;
	v2 =	vmul.f32 v2, v6;
	(pc) =	sbr.rel @p4 .LBB2_15-.Ltmp12, $4  }
0x1b4: {  	[tilespmem:s12+$0xA280] =	vst v4;
	v1 =	vmul.f32 v1, v63  }
0x1b5: {  	s10 =	sshra.s32 s10, $0x2;
	[tilespmem:s12+$0xA290] =	vst v2  }
0x1b6: {  	s10 =	sadd.s32 $0x1F40, s10;
	[tilespmem:s12+$0xA2A0] =	vst v1  }
0x1b7: {  	[spmem:s2] =	stream.indirect.scatter.add.f32 [tilespmem:s16], [sflag:$0x6], $0x40, s10, s31, $0xb8;
	[tilespmem:$0x1F680] =	vst v63  }
0x1b8: {  	s5 =	sadd.s32 $0xF0, s5;
	s0 =	smul.u32 $0x50, s0  }
0x1b9: {  	[tilespmem:s6], [sflag:$0x2] =	stream.indirect.gather [spmem:s3], $0x40, s5, s31, $0xb8;
	[tilespmem:$0x1F680] =	vst v63  }
.Ltmp13:
0x1ba: {  	_ = 	snop;
	(pc) =	sbr.rel .LBB2_9-.Ltmp13, $4  }
0x1bb: {  	s0 =	sadd.s32 s0, s18  }
0x1bc: {  	s0 =	sshll.u32 s0, $0x3  }
0x1bd: {  	s24 =	sadd.s32 $0x1, s24;
	s0 =	sadd.s32 s8, s0  }
0x1be: {  	[tilespmem:s13], [sflag:$0x4] =	stream.linear.gather [hbm4b:s0+s4], $0x1400, $0x38;
	[tilespmem:$0x1F680] =	vst v63  }
.LBB2_15:
0x1bf: {  	s0 =	simm.s32 $0x5  }
0x1c0: {  	_ =	swait.ge [sflag:s0], $0x1400  }
0x1c1: {  	[sflag:s0] =	ssyncset.done $0x0  }
0x1c2: {  	s1 =	simm.s32 $0x6;
	[sflag:s0] =	ssyncadd.s32 $0xFFFFEC00  }
0x1c3: {  	_ =	swait.ge [sflag:s1], $0x1400  }
0x1c4: {  	[sflag:s1] =	ssyncset.done $0x0  }
0x1c5: {  	s5 =	simm.s32 $0x7;
	[sflag:s1] =	ssyncadd.s32 $0xFFFFEC00  }
0x1c6: {  	_ =	swait.ge [sflag:s5], $0xFA0  }
0x1c7: {  	[sflag:s5] =	ssyncset.done $0x0  }
0x1c8: {  	s1 =	simm.s32 $0x8;
	[sflag:s5] =	ssyncadd.s32 $0xFFFFF060  }
0x1c9: {  	_ =	swait.ge [sflag:s1], $0xFA0  }
0x1ca: {  	s10 =	sld [smem:$0x7F3];
	_ =	sdelay $0x2  }
0x1cb: {  	s0 =	sadd.s32 s28, s10  }
0x1cc: {  	[sflag:s1] =	ssyncset.done $0x0;
	s24 =	rddreg [dreg:$0x7];
	s0 =	sshrl.u32 s0, $0x3  }
0x1cd: {  	[sflag:s1] =	ssyncadd.s32 $0xFFFFF060;
	s28 =	simm.s32 $0x0;
	s12 =	sadd.s32 s24, s0  }
0x1ce: {  	[tilespmem:s28], [sflag:$0x7] =	stream.linear.gather [hbm4b:s12+s28], $0xFA0, $0x38;
	[tilespmem:$0x1F680] =	vst v63  }
0x1cf: {  	s15 =	simm.s32 $0x1F40;
	s0 =	sadd.s32 s11, s0  }
0x1d0: {  	[tilespmem:s15], [sflag:$0x8] =	stream.linear.gather [hbm4b:s0+s28], $0xFA0, $0x38;
	[tilespmem:$0x1F680] =	vst v63  }
0x1d1: {  	s30 =	simm.s32 $0x3E80;
	s5 =	simm.s32 $0xFA0;
	s10 =	sshll.u32 s21, $0x3  }
0x1d2: {  	[tilespmem:s30], [sflag:$0x1] =	stream.indirect.gather [spmem:s3], $0x40, s5, s31, $0xb8;
	[tilespmem:$0x1F680] =	vst v63  }
0x1d3: {  	s21 =	sadd.s32 s20, s17;
	s12 =	simm.s32 $0x6680;
	s0 =	sadd.s32 s8, s10  }
0x1d4: {  	[tilespmem:s12], [sflag:$0x3] =	stream.linear.gather [hbm4b:s0+s28], $0x1400, $0x38;
	[tilespmem:$0x1F680] =	vst v63  }
0x1d5: {  	s15 =	simm.s32 $0xFF0;
	s0 =	sshll.u32 s21, $0x3  }
0x1d6: {  	[tilespmem:s6], [sflag:$0x2] =	stream.indirect.gather [spmem:s3], $0x40, s15, s31, $0xb8;
	[tilespmem:$0x1F680] =	vst v63  }
0x1d7: {  	s1 =	smul.u32 $0x32, s23;
	s0 =	sadd.s32 s8, s0  }
0x1d8: {  	[tilespmem:s13], [sflag:$0x4] =	stream.linear.gather [hbm4b:s0+s28], $0x1400, $0x38;
	[tilespmem:$0x1F680] =	vst v63  }
.LBB2_16:
0x1d9: {  	_ =	swait.ge [sflag:s19], $0x1400  }
0x1da: {  	[sflag:s19] =	ssyncset.done $0x0  }
0x1db: {  	[sflag:s19] =	ssyncadd.s32 $0xFFFFEC00  }
0x1dc: {  	_ =	swait.ge [sflag:s22], $0x1400  }
0x1dd: {  	p3 =	seq.s32 s28, $0x0;
	[sflag:s22] =	ssyncset.done $0x0  }
0x1de: {  	s0 =	simm.s32 @!p3 $0x5;
	[sflag:s22] =	ssyncadd.s32 $0xFFFFEC00  }
0x1df: {  	_ =	swait.ge @!p3 [sflag:s0], $0x1400  }
0x1e0: {  	[sflag:s0] =	ssyncset.done @!p3 $0x0  }
0x1e1: {  	s5 =	simm.s32 $0x0;
	[sflag:s0] =	ssyncadd.s32 @!p3 $0xFFFFEC00  }
0x1e2: {  	v3 =	vld [tilespmem:s5+$0x3EB0]  }
0x1e3: {  	v5 =	vld [tilespmem:s5+$0x66B0]  }
0x1e4: {  	v6 =	vld [tilespmem:s5+$0x3E80]  }
0x1e5: {  	v7 =	vld [tilespmem:s5+$0x6680]  }
0x1e6: {  	v2 =	vld [tilespmem:s5+$0x3E90]  }
0x1e7: {  	v4 =	vld [tilespmem:s5+$0x6690]  }
0x1e8: {  	v1 =	vld [tilespmem:s5+$0x3EA0];
	v8 =	vmul.f32 v5, v3  }
0x1e9: {  	s12 =	simm.s32 $0x40;
	s20 =	sshll.u32 s28, $0x1;
	v5 =	vld [tilespmem:s5+$0x66A0]  }
0x1ea: {  	s10 =	simm.s32 $0x200;
	s0 =	sadd.s32 s1, s20;
	v3 =	vld [tilespmem:s12+$0x3EB0];
	v6 =	vmul.f32 v7, v6;
	[tilespmem:s5+$0x8EB0] =	vst v8  }
.LBB2_17:
0x1eb: {  	p4 =	sne.s32 s10, $0x4F00;
	v7 =	vld [tilespmem:s12+$0x66B0]  }
0x1ec: {  	v8 =	vld [tilespmem:s12+$0x3E80];
	[tilespmem:s5+$0x8E80] =	vst v6;
	v4 =	vmul.f32 v4, v2  }
0x1ed: {  	v6 =	vld [tilespmem:s12+$0x6680]  }
.Ltmp14:
0x1ee: {  	v2 =	vld [tilespmem:s12+$0x3E90];
	[tilespmem:s5+$0x8E90] =	vst v4;
	v5 =	vmul.f32 v5, v1;
	(pc) =	sbr.rel @p4 .LBB2_17-.Ltmp14, $4  }
0x1ef: {  	v4 =	vld [tilespmem:s12+$0x6690]  }
0x1f0: {  	v1 =	vld [tilespmem:s12+$0x3EA0];
	v7 =	vmul.f32 v7, v3;
	[tilespmem:s5+$0x8EA0] =	vst v5;
	s5 =	smov.u32 s12  }
0x1f1: {  	s12 =	sshra.s32 s10, $0x2;
	v5 =	vld [tilespmem:s5+$0x66A0]  }
0x1f2: {  	s10 =	sadd.s32 $0x100, s10;
	v3 =	vld [tilespmem:s12+$0x3EB0];
	v6 =	vmul.f32 v6, v8;
	[tilespmem:s5+$0x8EB0] =	vst v7  }
0x1f3: {  	v7 =	vld [tilespmem:s12+$0x66B0]  }
0x1f4: {  	v8 =	vld [tilespmem:s12+$0x3E80];
	[tilespmem:s5+$0x8E80] =	vst v6;
	v2 =	vmul.f32 v4, v2  }
0x1f5: {  	v4 =	vld [tilespmem:s12+$0x6680]  }
0x1f6: {  	v6 =	vld [tilespmem:s12+$0x3E90];
	[tilespmem:s5+$0x8E90] =	vst v2;
	v1 =	vmul.f32 v5, v1  }
0x1f7: {  	v2 =	vld [tilespmem:s12+$0x6690]  }
0x1f8: {  	v5 =	vld [tilespmem:s12+$0x3EA0];
	[tilespmem:s5+$0x8EA0] =	vst v1  }
0x1f9: {  	v1 =	vld [tilespmem:s12+$0x66A0];
	_ =	sdelay $0x1  }
0x1fa: {  	v3 =	vmul.f32 v7, v3  }
0x1fb: {  	v4 =	vmul.f32 v4, v8  }
0x1fc: {  	s10 =	smul.u32 $0x280, s28;
	p4 =	seq.s32 s28, $0x18;
	[tilespmem:s12+$0x8EB0] =	vst v3;
	v2 =	vmul.f32 v2, v6  }
0x1fd: {  	s0 =	smul.u32 @!p4 $0x50, s0;
	[tilespmem:s12+$0x8E80] =	vst v4;
	v1 =	vmul.f32 v1, v5  }
0x1fe: {  	s15 =	simm.s32 @!p4 $0x3E80;
	s5 =	sshra.s32 s10, $0x2;
	[tilespmem:s12+$0x8E90] =	vst v2  }
0x1ff: {  	s0 =	sadd.s32 @!p4 s0, s18;
	s10 =	sshra.s32 @!p4 s10, $0x2;
	s23 =	sadd.s32 $0x2EE0, s5;
	[tilespmem:s12+$0x8EA0] =	vst v1  }
0x200: {  	[spmem:s2] =	stream.indirect.scatter.add.f32 [tilespmem:s7], [sflag:$0x5], $0x40, s23, s31, $0xb8;
	[tilespmem:$0x1F680] =	vst v63  }
0x201: {  	s0 =	sshll.u32 @!p4 s0, $0x3;
	s10 =	sadd.s32 @!p4 $0x1040, s10;
	s12 =	simm.s32 @!p4 $0x50  }
0x202: {  	[tilespmem:s15], [sflag:$0x1] =	stream.indirect.gather @!p4 [spmem:s3], $0x40, s10, s12, $0xb8;
	[tilespmem:$0x1F680] =	vst v63  }
0x203: {  	s0 =	sadd.s32 @!p4 s8, s0;
	s10 =	simm.s32 @!p4 $0x0;
	s12 =	simm.s32 @!p4 $0x6680  }
0x204: {  	[tilespmem:s12], [sflag:$0x3] =	stream.linear.gather @!p4 [hbm4b:s0+s10], $0x1400, $0x38;
	[tilespmem:$0x1F680] =	vst v63  }
0x205: {  	_ =	swait.ge [sflag:s25], $0x1400  }
0x206: {  	[sflag:s25] =	ssyncset.done $0x0  }
0x207: {  	[sflag:s25] =	ssyncadd.s32 $0xFFFFEC00  }
0x208: {  	_ =	swait.ge [sflag:s29], $0x1400  }
0x209: {  	[sflag:s29] =	ssyncset.done $0x0  }
0x20a: {  	s0 =	simm.s32 @!p3 $0x6;
	[sflag:s29] =	ssyncadd.s32 $0xFFFFEC00  }
0x20b: {  	_ =	swait.ge @!p3 [sflag:s0], $0x1400  }
0x20c: {  	[sflag:s0] =	ssyncset.done @!p3 $0x0  }
0x20d: {  	s15 =	simm.s32 $0x0;
	[sflag:s0] =	ssyncadd.s32 @!p3 $0xFFFFEC00  }
0x20e: {  	v3 =	vld [tilespmem:s15+$0x52B0]  }
0x20f: {  	v5 =	vld [tilespmem:s15+$0x7AB0]  }
0x210: {  	v6 =	vld [tilespmem:s15+$0x5280]  }
0x211: {  	v7 =	vld [tilespmem:s15+$0x7A80]  }
0x212: {  	v2 =	vld [tilespmem:s15+$0x5290]  }
0x213: {  	v4 =	vld [tilespmem:s15+$0x7A90]  }
0x214: {  	v1 =	vld [tilespmem:s15+$0x52A0];
	v8 =	vmul.f32 v5, v3  }
0x215: {  	s20 =	sor.u32 $0x1, s20;
	s12 =	simm.s32 $0x40;
	v5 =	vld [tilespmem:s15+$0x7AA0]  }
0x216: {  	s10 =	simm.s32 $0x200;
	s0 =	sadd.s32 s1, s20;
	v3 =	vld [tilespmem:s12+$0x52B0];
	v6 =	vmul.f32 v7, v6;
	[tilespmem:s15+$0xA2B0] =	vst v8  }
.LBB2_19:
0x217: {  	p3 =	sne.s32 s10, $0x4F00;
	v7 =	vld [tilespmem:s12+$0x7AB0]  }
0x218: {  	v8 =	vld [tilespmem:s12+$0x5280];
	[tilespmem:s15+$0xA280] =	vst v6;
	v4 =	vmul.f32 v4, v2  }
0x219: {  	v6 =	vld [tilespmem:s12+$0x7A80]  }
.Ltmp15:
0x21a: {  	v2 =	vld [tilespmem:s12+$0x5290];
	[tilespmem:s15+$0xA290] =	vst v4;
	v5 =	vmul.f32 v5, v1;
	(pc) =	sbr.rel @p3 .LBB2_19-.Ltmp15, $4  }
0x21b: {  	v4 =	vld [tilespmem:s12+$0x7A90]  }
0x21c: {  	v1 =	vld [tilespmem:s12+$0x52A0];
	v7 =	vmul.f32 v7, v3;
	[tilespmem:s15+$0xA2A0] =	vst v5;
	s15 =	smov.u32 s12  }
0x21d: {  	s12 =	sshra.s32 s10, $0x2;
	v5 =	vld [tilespmem:s15+$0x7AA0]  }
0x21e: {  	s10 =	sadd.s32 $0x100, s10;
	v3 =	vld [tilespmem:s12+$0x52B0];
	v6 =	vmul.f32 v6, v8;
	[tilespmem:s15+$0xA2B0] =	vst v7  }
0x21f: {  	v7 =	vld [tilespmem:s12+$0x7AB0]  }
0x220: {  	v8 =	vld [tilespmem:s12+$0x5280];
	[tilespmem:s15+$0xA280] =	vst v6;
	v2 =	vmul.f32 v4, v2  }
0x221: {  	v62 =	vld [tilespmem:s12+$0x7A80]  }
0x222: {  	v6 =	vld [tilespmem:s12+$0x5290];
	[tilespmem:s15+$0xA290] =	vst v2;
	v1 =	vmul.f32 v5, v1  }
0x223: {  	v2 =	vld [tilespmem:s12+$0x7A90]  }
0x224: {  	v63 =	vld [tilespmem:s12+$0x52A0];
	[tilespmem:s15+$0xA2A0] =	vst v1  }
0x225: {  	v1 =	vld [tilespmem:s12+$0x7AA0];
	_ =	sdelay $0x1  }
0x226: {  	v3 =	vmul.f32 v7, v3  }
0x227: {  	s10 =	smul.u32 $0x140, s20;
	v4 =	vmul.f32 v62, v8  }
.Ltmp16:
0x228: {  	[tilespmem:s12+$0xA2B0] =	vst v3;
	v2 =	vmul.f32 v2, v6;
	(pc) =	sbr.rel @p4 .LBB2_22-.Ltmp16, $4  }
0x229: {  	[tilespmem:s12+$0xA280] =	vst v4;
	v1 =	vmul.f32 v1, v63  }
0x22a: {  	s10 =	sshra.s32 s10, $0x2;
	[tilespmem:s12+$0xA290] =	vst v2  }
0x22b: {  	s10 =	sadd.s32 $0x2EE0, s10;
	[tilespmem:s12+$0xA2A0] =	vst v1  }
0x22c: {  	[spmem:s2] =	stream.indirect.scatter.add.f32 [tilespmem:s16], [sflag:$0x6], $0x40, s10, s31, $0xb8;
	[tilespmem:$0x1F680] =	vst v63  }
0x22d: {  	s5 =	sadd.s32 $0x1090, s5;
	s0 =	smul.u32 $0x50, s0  }
0x22e: {  	[tilespmem:s6], [sflag:$0x2] =	stream.indirect.gather [spmem:s3], $0x40, s5, s31, $0xb8;
	[tilespmem:$0x1F680] =	vst v63  }
.Ltmp17:
0x22f: {  	_ = 	snop;
	(pc) =	sbr.rel .LBB2_16-.Ltmp17, $4  }
0x230: {  	s0 =	sadd.s32 s0, s18  }
0x231: {  	s0 =	sshll.u32 s0, $0x3  }
0x232: {  	s28 =	sadd.s32 $0x1, s28;
	s0 =	sadd.s32 s8, s0  }
0x233: {  	[tilespmem:s13], [sflag:$0x4] =	stream.linear.gather [hbm4b:s0+s4], $0x1400, $0x38;
	[tilespmem:$0x1F680] =	vst v63  }
.LBB2_45:
.Ltmp18:
0x234: {  	(pc) =	sbr.rel @!p2 .LBB2_46-.Ltmp18, $2  }
0x235: {  	_ =	sdelay $0x2  }
0x236: {  	s1 =	simm.s32 $0x1;
	p3 =	por $0x0, $0x0  }
.LBB2_31:
0x237: {  	s0 =	simm.s32 @!p3 $0x5  }
0x238: {  	_ =	swait.ge @!p3 [sflag:s0], $0x1400  }
0x239: {  	[sflag:s0] =	ssyncset.done @!p3 $0x0  }
0x23a: {  	[sflag:s0] =	ssyncadd.s32 @!p3 $0xFFFFEC00;
	s0 =	simm.s32 @!p3 $0x6  }
0x23b: {  	_ =	swait.ge @!p3 [sflag:s0], $0x1400  }
0x23c: {  	[sflag:s0] =	ssyncset.done @!p3 $0x0  }
0x23d: {  	s5 =	sshll.u32 s1, $0x1;
	[sflag:s0] =	ssyncadd.s32 @!p3 $0xFFFFEC00;
	s0 =	simm.s32 @!p3 $0x7  }
0x23e: {  	s23 =	sor.u32 $0x1, s5;
	_ =	swait.ge @!p3 [sflag:s0], $0xFA0  }
0x23f: {  	s20 =	smul.u32 $0xFA0, s23;
	[sflag:s0] =	ssyncset.done @!p3 $0x0  }
0x240: {  	[sflag:s0] =	ssyncadd.s32 @!p3 $0xFFFFF060;
	s0 =	simm.s32 @!p3 $0x8  }
0x241: {  	s21 =	sadd.s32 s14, s20;
	_ =	swait.ge @!p3 [sflag:s0], $0xFA0  }
0x242: {  	s10 =	simm.s32 $0xFA0;
	s15 =	sshrl.u32 s21, $0x3;
	[sflag:s0] =	ssyncset.done @!p3 $0x0  }
0x243: {  	s28 =	smul.u32 $0x1F40, s1;
	s24 =	sadd.s32 s24, s15;
	[sflag:s0] =	ssyncadd.s32 @!p3 $0xFFFFF060  }
0x244: {  	[tilespmem:s10], [sflag:$0x7] =	stream.linear.gather [hbm4b:s24+s26], $0xFA0, $0x38;
	[tilespmem:$0x1F680] =	vst v63  }
0x245: {  	s12 =	simm.s32 $0x2EE0;
	s10 =	sadd.s32 s11, s15;
	s15 =	sadd.s32 s14, s28  }
0x246: {  	[tilespmem:s12], [sflag:$0x8] =	stream.linear.gather [hbm4b:s10+s26], $0xFA0, $0x38;
	[tilespmem:$0x1F680] =	vst v63  }
0x247: {  	s0 =	sshll.u32 s15, $0x3  }
0x248: {  	[tilespmem:s30], [sflag:$0x1] =	stream.indirect.gather [spmem:s3], $0x40, s26, s31, $0xb8;
	[tilespmem:$0x1F680] =	vst v63  }
0x249: {  	s24 =	simm.s32 $0x6680;
	s0 =	sadd.s32 s9, s0;
	s30 =	sadd.s32 s28, s17  }
0x24a: {  	[tilespmem:s24], [sflag:$0x3] =	stream.linear.gather [hbm4b:s0+s26], $0x1400, $0x38;
	[tilespmem:$0x1F680] =	vst v63  }
0x24b: {  	p2 =	por p3, p3;
	s0 =	sshll.u32 s30, $0x3  }
0x24c: {  	[tilespmem:s6], [sflag:$0x2] =	stream.indirect.gather [spmem:s3], $0x40, s31, s31, $0xb8;
	[tilespmem:$0x1F680] =	vst v63  }
0x24d: {  	s1 =	smul.u32 $0x64, s1;
	s24 =	simm.s32 $0x0;
	s0 =	sadd.s32 s9, s0  }
0x24e: {  	[tilespmem:s13], [sflag:$0x4] =	stream.linear.gather [hbm4b:s0+s26], $0x1400, $0x38;
	[tilespmem:$0x1F680] =	vst v63  }
.LBB2_32:
0x24f: {  	_ =	swait.ge [sflag:s19], $0x1400  }
0x250: {  	[sflag:s19] =	ssyncset.done $0x0  }
0x251: {  	[sflag:s19] =	ssyncadd.s32 $0xFFFFEC00  }
0x252: {  	_ =	swait.ge [sflag:s22], $0x1400  }
0x253: {  	p3 =	seq.s32 s24, $0x0;
	[sflag:s22] =	ssyncset.done $0x0  }
0x254: {  	s0 =	simm.s32 @!p3 $0x5;
	[sflag:s22] =	ssyncadd.s32 $0xFFFFEC00  }
0x255: {  	_ =	swait.ge @!p3 [sflag:s0], $0x1400  }
0x256: {  	[sflag:s0] =	ssyncset.done @!p3 $0x0  }
0x257: {  	s5 =	simm.s32 $0x0;
	[sflag:s0] =	ssyncadd.s32 @!p3 $0xFFFFEC00  }
0x258: {  	v3 =	vld [tilespmem:s5+$0x3EB0]  }
0x259: {  	v5 =	vld [tilespmem:s5+$0x66B0]  }
0x25a: {  	v6 =	vld [tilespmem:s5+$0x3E80]  }
0x25b: {  	v7 =	vld [tilespmem:s5+$0x6680]  }
0x25c: {  	v2 =	vld [tilespmem:s5+$0x3E90]  }
0x25d: {  	v4 =	vld [tilespmem:s5+$0x6690]  }
0x25e: {  	v1 =	vld [tilespmem:s5+$0x3EA0];
	v8 =	vmul.f32 v5, v3  }
0x25f: {  	s12 =	simm.s32 $0x40;
	s30 =	sshll.u32 s24, $0x1;
	v5 =	vld [tilespmem:s5+$0x66A0]  }
0x260: {  	s10 =	simm.s32 $0x200;
	s0 =	sadd.s32 s1, s30;
	v3 =	vld [tilespmem:s12+$0x3EB0];
	v6 =	vmul.f32 v7, v6;
	[tilespmem:s5+$0x8EB0] =	vst v8  }
.LBB2_33:
0x261: {  	p4 =	sne.s32 s10, $0x4F00;
	v7 =	vld [tilespmem:s12+$0x66B0]  }
0x262: {  	v8 =	vld [tilespmem:s12+$0x3E80];
	[tilespmem:s5+$0x8E80] =	vst v6;
	v4 =	vmul.f32 v4, v2  }
0x263: {  	v6 =	vld [tilespmem:s12+$0x6680]  }
.Ltmp19:
0x264: {  	v2 =	vld [tilespmem:s12+$0x3E90];
	[tilespmem:s5+$0x8E90] =	vst v4;
	v5 =	vmul.f32 v5, v1;
	(pc) =	sbr.rel @p4 .LBB2_33-.Ltmp19, $4  }
0x265: {  	v4 =	vld [tilespmem:s12+$0x6690]  }
0x266: {  	v1 =	vld [tilespmem:s12+$0x3EA0];
	v7 =	vmul.f32 v7, v3;
	[tilespmem:s5+$0x8EA0] =	vst v5;
	s5 =	smov.u32 s12  }
0x267: {  	s12 =	sshra.s32 s10, $0x2;
	v5 =	vld [tilespmem:s5+$0x66A0]  }
0x268: {  	s10 =	sadd.s32 $0x100, s10;
	v3 =	vld [tilespmem:s12+$0x3EB0];
	v6 =	vmul.f32 v6, v8;
	[tilespmem:s5+$0x8EB0] =	vst v7  }
0x269: {  	v7 =	vld [tilespmem:s12+$0x66B0]  }
0x26a: {  	v8 =	vld [tilespmem:s12+$0x3E80];
	[tilespmem:s5+$0x8E80] =	vst v6;
	v2 =	vmul.f32 v4, v2  }
0x26b: {  	v4 =	vld [tilespmem:s12+$0x6680]  }
0x26c: {  	v6 =	vld [tilespmem:s12+$0x3E90];
	[tilespmem:s5+$0x8E90] =	vst v2;
	v1 =	vmul.f32 v5, v1  }
0x26d: {  	v2 =	vld [tilespmem:s12+$0x6690]  }
0x26e: {  	v5 =	vld [tilespmem:s12+$0x3EA0];
	[tilespmem:s5+$0x8EA0] =	vst v1  }
0x26f: {  	v1 =	vld [tilespmem:s12+$0x66A0];
	_ =	sdelay $0x1  }
0x270: {  	v3 =	vmul.f32 v7, v3  }
0x271: {  	s10 =	smul.u32 $0x280, s24;
	p4 =	seq.s32 s24, $0x18;
	v4 =	vmul.f32 v4, v8  }
0x272: {  	s0 =	smul.u32 @!p4 $0x50, s0;
	[tilespmem:s12+$0x8EB0] =	vst v3;
	v2 =	vmul.f32 v2, v6  }
0x273: {  	[tilespmem:s12+$0x8E80] =	vst v4;
	v1 =	vmul.f32 v1, v5  }
0x274: {  	s0 =	sadd.s32 @!p4 s0, s18;
	s5 =	sshra.s32 s10, $0x2;
	[tilespmem:s12+$0x8E90] =	vst v2  }
0x275: {  	s0 =	sshll.u32 @!p4 s0, $0x3;
	s10 =	sshra.s32 @!p4 s10, $0x2;
	s15 =	sadd.s32 $0x1F40, s5;
	[tilespmem:s12+$0x8EA0] =	vst v1  }
0x276: {  	[spmem:s2] =	stream.indirect.scatter.add.f32 [tilespmem:s7], [sflag:$0x5], $0x40, s15, s31, $0xb8;
	[tilespmem:$0x1F680] =	vst v63  }
0x277: {  	s10 =	sadd.s32 @!p4 $0xA0, s10;
	s12 =	simm.s32 @!p4 $0x50;
	s15 =	simm.s32 @!p4 $0x3E80  }
0x278: {  	[tilespmem:s15], [sflag:$0x1] =	stream.indirect.gather @!p4 [spmem:s3], $0x40, s10, s12, $0xb8;
	[tilespmem:$0x1F680] =	vst v63  }
0x279: {  	s0 =	sadd.s32 @!p4 s9, s0;
	s10 =	simm.s32 @!p4 $0x0;
	s12 =	simm.s32 @!p4 $0x6680  }
0x27a: {  	[tilespmem:s12], [sflag:$0x3] =	stream.linear.gather @!p4 [hbm4b:s0+s10], $0x1400, $0x38;
	[tilespmem:$0x1F680] =	vst v63  }
0x27b: {  	_ =	swait.ge [sflag:s25], $0x1400  }
0x27c: {  	[sflag:s25] =	ssyncset.done $0x0  }
0x27d: {  	[sflag:s25] =	ssyncadd.s32 $0xFFFFEC00  }
0x27e: {  	_ =	swait.ge [sflag:s29], $0x1400  }
0x27f: {  	[sflag:s29] =	ssyncset.done $0x0  }
0x280: {  	s0 =	simm.s32 @!p3 $0x6;
	[sflag:s29] =	ssyncadd.s32 $0xFFFFEC00  }
0x281: {  	_ =	swait.ge @!p3 [sflag:s0], $0x1400  }
0x282: {  	[sflag:s0] =	ssyncset.done @!p3 $0x0  }
0x283: {  	s15 =	simm.s32 $0x0;
	[sflag:s0] =	ssyncadd.s32 @!p3 $0xFFFFEC00  }
0x284: {  	v3 =	vld [tilespmem:s15+$0x52B0]  }
0x285: {  	v5 =	vld [tilespmem:s15+$0x7AB0]  }
0x286: {  	v6 =	vld [tilespmem:s15+$0x5280]  }
0x287: {  	v7 =	vld [tilespmem:s15+$0x7A80]  }
0x288: {  	v2 =	vld [tilespmem:s15+$0x5290]  }
0x289: {  	v4 =	vld [tilespmem:s15+$0x7A90]  }
0x28a: {  	v1 =	vld [tilespmem:s15+$0x52A0];
	v8 =	vmul.f32 v5, v3  }
0x28b: {  	s30 =	sor.u32 $0x1, s30;
	s12 =	simm.s32 $0x40;
	v5 =	vld [tilespmem:s15+$0x7AA0]  }
0x28c: {  	s10 =	simm.s32 $0x200;
	s0 =	sadd.s32 s1, s30;
	v3 =	vld [tilespmem:s12+$0x52B0];
	v6 =	vmul.f32 v7, v6;
	[tilespmem:s15+$0xA2B0] =	vst v8  }
.LBB2_35:
0x28d: {  	p3 =	sne.s32 s10, $0x4F00;
	v7 =	vld [tilespmem:s12+$0x7AB0]  }
0x28e: {  	v8 =	vld [tilespmem:s12+$0x5280];
	[tilespmem:s15+$0xA280] =	vst v6;
	v4 =	vmul.f32 v4, v2  }
0x28f: {  	v6 =	vld [tilespmem:s12+$0x7A80]  }
.Ltmp20:
0x290: {  	v2 =	vld [tilespmem:s12+$0x5290];
	[tilespmem:s15+$0xA290] =	vst v4;
	v5 =	vmul.f32 v5, v1;
	(pc) =	sbr.rel @p3 .LBB2_35-.Ltmp20, $4  }
0x291: {  	v4 =	vld [tilespmem:s12+$0x7A90]  }
0x292: {  	v1 =	vld [tilespmem:s12+$0x52A0];
	v7 =	vmul.f32 v7, v3;
	[tilespmem:s15+$0xA2A0] =	vst v5;
	s15 =	smov.u32 s12  }
0x293: {  	s12 =	sshra.s32 s10, $0x2;
	v5 =	vld [tilespmem:s15+$0x7AA0]  }
0x294: {  	s10 =	sadd.s32 $0x100, s10;
	v3 =	vld [tilespmem:s12+$0x52B0];
	v6 =	vmul.f32 v6, v8;
	[tilespmem:s15+$0xA2B0] =	vst v7  }
0x295: {  	v7 =	vld [tilespmem:s12+$0x7AB0]  }
0x296: {  	v8 =	vld [tilespmem:s12+$0x5280];
	[tilespmem:s15+$0xA280] =	vst v6;
	v2 =	vmul.f32 v4, v2  }
0x297: {  	v62 =	vld [tilespmem:s12+$0x7A80]  }
0x298: {  	v6 =	vld [tilespmem:s12+$0x5290];
	[tilespmem:s15+$0xA290] =	vst v2;
	v1 =	vmul.f32 v5, v1  }
0x299: {  	v2 =	vld [tilespmem:s12+$0x7A90]  }
0x29a: {  	v63 =	vld [tilespmem:s12+$0x52A0];
	[tilespmem:s15+$0xA2A0] =	vst v1  }
0x29b: {  	v1 =	vld [tilespmem:s12+$0x7AA0];
	_ =	sdelay $0x1  }
0x29c: {  	v3 =	vmul.f32 v7, v3  }
0x29d: {  	s10 =	smul.u32 $0x140, s30;
	v4 =	vmul.f32 v62, v8  }
.Ltmp21:
0x29e: {  	[tilespmem:s12+$0xA2B0] =	vst v3;
	v2 =	vmul.f32 v2, v6;
	(pc) =	sbr.rel @p4 .LBB2_38-.Ltmp21, $4  }
0x29f: {  	[tilespmem:s12+$0xA280] =	vst v4;
	v1 =	vmul.f32 v1, v63  }
0x2a0: {  	s10 =	sshra.s32 s10, $0x2;
	[tilespmem:s12+$0xA290] =	vst v2  }
0x2a1: {  	s10 =	sadd.s32 $0x1F40, s10;
	[tilespmem:s12+$0xA2A0] =	vst v1  }
0x2a2: {  	[spmem:s2] =	stream.indirect.scatter.add.f32 [tilespmem:s16], [sflag:$0x6], $0x40, s10, s31, $0xb8;
	[tilespmem:$0x1F680] =	vst v63  }
0x2a3: {  	s5 =	sadd.s32 $0xF0, s5;
	s0 =	smul.u32 $0x50, s0  }
0x2a4: {  	[tilespmem:s6], [sflag:$0x2] =	stream.indirect.gather [spmem:s3], $0x40, s5, s31, $0xb8;
	[tilespmem:$0x1F680] =	vst v63  }
.Ltmp22:
0x2a5: {  	_ = 	snop;
	(pc) =	sbr.rel .LBB2_32-.Ltmp22, $4  }
0x2a6: {  	s0 =	sadd.s32 s0, s18  }
0x2a7: {  	s0 =	sshll.u32 s0, $0x3  }
0x2a8: {  	s24 =	sadd.s32 $0x1, s24;
	s0 =	sadd.s32 s9, s0  }
0x2a9: {  	[tilespmem:s13], [sflag:$0x4] =	stream.linear.gather [hbm4b:s0+s4], $0x1400, $0x38;
	[tilespmem:$0x1F680] =	vst v63  }
.LBB2_38:
0x2aa: {  	s0 =	simm.s32 $0x5  }
0x2ab: {  	_ =	swait.ge [sflag:s0], $0x1400  }
0x2ac: {  	[sflag:s0] =	ssyncset.done $0x0  }
0x2ad: {  	s1 =	simm.s32 $0x6;
	[sflag:s0] =	ssyncadd.s32 $0xFFFFEC00  }
0x2ae: {  	_ =	swait.ge [sflag:s1], $0x1400  }
0x2af: {  	[sflag:s1] =	ssyncset.done $0x0  }
0x2b0: {  	s5 =	simm.s32 $0x7;
	[sflag:s1] =	ssyncadd.s32 $0xFFFFEC00  }
0x2b1: {  	_ =	swait.ge [sflag:s5], $0xFA0  }
0x2b2: {  	[sflag:s5] =	ssyncset.done $0x0  }
0x2b3: {  	s1 =	simm.s32 $0x8;
	[sflag:s5] =	ssyncadd.s32 $0xFFFFF060  }
0x2b4: {  	_ =	swait.ge [sflag:s1], $0xFA0  }
0x2b5: {  	s10 =	sld [smem:$0x7F3];
	_ =	sdelay $0x2  }
0x2b6: {  	s0 =	sadd.s32 s28, s10  }
0x2b7: {  	[sflag:s1] =	ssyncset.done $0x0;
	s24 =	rddreg [dreg:$0x7];
	s0 =	sshrl.u32 s0, $0x3  }
0x2b8: {  	[sflag:s1] =	ssyncadd.s32 $0xFFFFF060;
	s28 =	simm.s32 $0x0;
	s12 =	sadd.s32 s24, s0  }
0x2b9: {  	[tilespmem:s28], [sflag:$0x7] =	stream.linear.gather [hbm4b:s12+s28], $0xFA0, $0x38;
	[tilespmem:$0x1F680] =	vst v63  }
0x2ba: {  	s15 =	simm.s32 $0x1F40;
	s0 =	sadd.s32 s11, s0  }
0x2bb: {  	[tilespmem:s15], [sflag:$0x8] =	stream.linear.gather [hbm4b:s0+s28], $0xFA0, $0x38;
	[tilespmem:$0x1F680] =	vst v63  }
0x2bc: {  	s30 =	simm.s32 $0x3E80;
	s5 =	simm.s32 $0xFA0;
	s10 =	sshll.u32 s21, $0x3  }
0x2bd: {  	[tilespmem:s30], [sflag:$0x1] =	stream.indirect.gather [spmem:s3], $0x40, s5, s31, $0xb8;
	[tilespmem:$0x1F680] =	vst v63  }
0x2be: {  	s21 =	sadd.s32 s20, s17;
	s12 =	simm.s32 $0x6680;
	s0 =	sadd.s32 s9, s10  }
0x2bf: {  	[tilespmem:s12], [sflag:$0x3] =	stream.linear.gather [hbm4b:s0+s28], $0x1400, $0x38;
	[tilespmem:$0x1F680] =	vst v63  }
0x2c0: {  	s15 =	simm.s32 $0xFF0;
	s0 =	sshll.u32 s21, $0x3  }
0x2c1: {  	[tilespmem:s6], [sflag:$0x2] =	stream.indirect.gather [spmem:s3], $0x40, s15, s31, $0xb8;
	[tilespmem:$0x1F680] =	vst v63  }
0x2c2: {  	s1 =	smul.u32 $0x32, s23;
	s0 =	sadd.s32 s9, s0  }
0x2c3: {  	[tilespmem:s13], [sflag:$0x4] =	stream.linear.gather [hbm4b:s0+s28], $0x1400, $0x38;
	[tilespmem:$0x1F680] =	vst v63  }
.LBB2_39:
0x2c4: {  	_ =	swait.ge [sflag:s19], $0x1400  }
0x2c5: {  	[sflag:s19] =	ssyncset.done $0x0  }
0x2c6: {  	[sflag:s19] =	ssyncadd.s32 $0xFFFFEC00  }
0x2c7: {  	_ =	swait.ge [sflag:s22], $0x1400  }
0x2c8: {  	p3 =	seq.s32 s28, $0x0;
	[sflag:s22] =	ssyncset.done $0x0  }
0x2c9: {  	s0 =	simm.s32 @!p3 $0x5;
	[sflag:s22] =	ssyncadd.s32 $0xFFFFEC00  }
0x2ca: {  	_ =	swait.ge @!p3 [sflag:s0], $0x1400  }
0x2cb: {  	[sflag:s0] =	ssyncset.done @!p3 $0x0  }
0x2cc: {  	s5 =	simm.s32 $0x0;
	[sflag:s0] =	ssyncadd.s32 @!p3 $0xFFFFEC00  }
0x2cd: {  	v3 =	vld [tilespmem:s5+$0x3EB0]  }
0x2ce: {  	v5 =	vld [tilespmem:s5+$0x66B0]  }
0x2cf: {  	v6 =	vld [tilespmem:s5+$0x3E80]  }
0x2d0: {  	v7 =	vld [tilespmem:s5+$0x6680]  }
0x2d1: {  	v2 =	vld [tilespmem:s5+$0x3E90]  }
0x2d2: {  	v4 =	vld [tilespmem:s5+$0x6690]  }
0x2d3: {  	v1 =	vld [tilespmem:s5+$0x3EA0];
	v8 =	vmul.f32 v5, v3  }
0x2d4: {  	s12 =	simm.s32 $0x40;
	s20 =	sshll.u32 s28, $0x1;
	v5 =	vld [tilespmem:s5+$0x66A0]  }
0x2d5: {  	s10 =	simm.s32 $0x200;
	s0 =	sadd.s32 s1, s20;
	v3 =	vld [tilespmem:s12+$0x3EB0];
	v6 =	vmul.f32 v7, v6;
	[tilespmem:s5+$0x8EB0] =	vst v8  }
.LBB2_40:
0x2d6: {  	p4 =	sne.s32 s10, $0x4F00;
	v7 =	vld [tilespmem:s12+$0x66B0]  }
0x2d7: {  	v8 =	vld [tilespmem:s12+$0x3E80];
	[tilespmem:s5+$0x8E80] =	vst v6;
	v4 =	vmul.f32 v4, v2  }
0x2d8: {  	v6 =	vld [tilespmem:s12+$0x6680]  }
.Ltmp23:
0x2d9: {  	v2 =	vld [tilespmem:s12+$0x3E90];
	[tilespmem:s5+$0x8E90] =	vst v4;
	v5 =	vmul.f32 v5, v1;
	(pc) =	sbr.rel @p4 .LBB2_40-.Ltmp23, $4  }
0x2da: {  	v4 =	vld [tilespmem:s12+$0x6690]  }
0x2db: {  	v1 =	vld [tilespmem:s12+$0x3EA0];
	v7 =	vmul.f32 v7, v3;
	[tilespmem:s5+$0x8EA0] =	vst v5;
	s5 =	smov.u32 s12  }
0x2dc: {  	s12 =	sshra.s32 s10, $0x2;
	v5 =	vld [tilespmem:s5+$0x66A0]  }
0x2dd: {  	s10 =	sadd.s32 $0x100, s10;
	v3 =	vld [tilespmem:s12+$0x3EB0];
	v6 =	vmul.f32 v6, v8;
	[tilespmem:s5+$0x8EB0] =	vst v7  }
0x2de: {  	v7 =	vld [tilespmem:s12+$0x66B0]  }
0x2df: {  	v8 =	vld [tilespmem:s12+$0x3E80];
	[tilespmem:s5+$0x8E80] =	vst v6;
	v2 =	vmul.f32 v4, v2  }
0x2e0: {  	v4 =	vld [tilespmem:s12+$0x6680]  }
0x2e1: {  	v6 =	vld [tilespmem:s12+$0x3E90];
	[tilespmem:s5+$0x8E90] =	vst v2;
	v1 =	vmul.f32 v5, v1  }
0x2e2: {  	v2 =	vld [tilespmem:s12+$0x6690]  }
0x2e3: {  	v5 =	vld [tilespmem:s12+$0x3EA0];
	[tilespmem:s5+$0x8EA0] =	vst v1  }
0x2e4: {  	v1 =	vld [tilespmem:s12+$0x66A0];
	_ =	sdelay $0x1  }
0x2e5: {  	v3 =	vmul.f32 v7, v3  }
0x2e6: {  	v4 =	vmul.f32 v4, v8  }
0x2e7: {  	s10 =	smul.u32 $0x280, s28;
	p4 =	seq.s32 s28, $0x18;
	[tilespmem:s12+$0x8EB0] =	vst v3;
	v2 =	vmul.f32 v2, v6  }
0x2e8: {  	s0 =	smul.u32 @!p4 $0x50, s0;
	[tilespmem:s12+$0x8E80] =	vst v4;
	v1 =	vmul.f32 v1, v5  }
0x2e9: {  	s15 =	simm.s32 @!p4 $0x3E80;
	s5 =	sshra.s32 s10, $0x2;
	[tilespmem:s12+$0x8E90] =	vst v2  }
0x2ea: {  	s0 =	sadd.s32 @!p4 s0, s18;
	s10 =	sshra.s32 @!p4 s10, $0x2;
	s23 =	sadd.s32 $0x2EE0, s5;
	[tilespmem:s12+$0x8EA0] =	vst v1  }
0x2eb: {  	[spmem:s2] =	stream.indirect.scatter.add.f32 [tilespmem:s7], [sflag:$0x5], $0x40, s23, s31, $0xb8;
	[tilespmem:$0x1F680] =	vst v63  }
0x2ec: {  	s0 =	sshll.u32 @!p4 s0, $0x3;
	s10 =	sadd.s32 @!p4 $0x1040, s10;
	s12 =	simm.s32 @!p4 $0x50  }
0x2ed: {  	[tilespmem:s15], [sflag:$0x1] =	stream.indirect.gather @!p4 [spmem:s3], $0x40, s10, s12, $0xb8;
	[tilespmem:$0x1F680] =	vst v63  }
0x2ee: {  	s0 =	sadd.s32 @!p4 s9, s0;
	s10 =	simm.s32 @!p4 $0x0;
	s12 =	simm.s32 @!p4 $0x6680  }
0x2ef: {  	[tilespmem:s12], [sflag:$0x3] =	stream.linear.gather @!p4 [hbm4b:s0+s10], $0x1400, $0x38;
	[tilespmem:$0x1F680] =	vst v63  }
0x2f0: {  	_ =	swait.ge [sflag:s25], $0x1400  }
0x2f1: {  	[sflag:s25] =	ssyncset.done $0x0  }
0x2f2: {  	[sflag:s25] =	ssyncadd.s32 $0xFFFFEC00  }
0x2f3: {  	_ =	swait.ge [sflag:s29], $0x1400  }
0x2f4: {  	[sflag:s29] =	ssyncset.done $0x0  }
0x2f5: {  	s0 =	simm.s32 @!p3 $0x6;
	[sflag:s29] =	ssyncadd.s32 $0xFFFFEC00  }
0x2f6: {  	_ =	swait.ge @!p3 [sflag:s0], $0x1400  }
0x2f7: {  	[sflag:s0] =	ssyncset.done @!p3 $0x0  }
0x2f8: {  	s15 =	simm.s32 $0x0;
	[sflag:s0] =	ssyncadd.s32 @!p3 $0xFFFFEC00  }
0x2f9: {  	v3 =	vld [tilespmem:s15+$0x52B0]  }
0x2fa: {  	v5 =	vld [tilespmem:s15+$0x7AB0]  }
0x2fb: {  	v6 =	vld [tilespmem:s15+$0x5280]  }
0x2fc: {  	v7 =	vld [tilespmem:s15+$0x7A80]  }
0x2fd: {  	v2 =	vld [tilespmem:s15+$0x5290]  }
0x2fe: {  	v4 =	vld [tilespmem:s15+$0x7A90]  }
0x2ff: {  	v1 =	vld [tilespmem:s15+$0x52A0];
	v8 =	vmul.f32 v5, v3  }
0x300: {  	s20 =	sor.u32 $0x1, s20;
	s12 =	simm.s32 $0x40;
	v5 =	vld [tilespmem:s15+$0x7AA0]  }
0x301: {  	s10 =	simm.s32 $0x200;
	s0 =	sadd.s32 s1, s20;
	v3 =	vld [tilespmem:s12+$0x52B0];
	v6 =	vmul.f32 v7, v6;
	[tilespmem:s15+$0xA2B0] =	vst v8  }
.LBB2_42:
0x302: {  	p3 =	sne.s32 s10, $0x4F00;
	v7 =	vld [tilespmem:s12+$0x7AB0]  }
0x303: {  	v8 =	vld [tilespmem:s12+$0x5280];
	[tilespmem:s15+$0xA280] =	vst v6;
	v4 =	vmul.f32 v4, v2  }
0x304: {  	v6 =	vld [tilespmem:s12+$0x7A80]  }
.Ltmp24:
0x305: {  	v2 =	vld [tilespmem:s12+$0x5290];
	[tilespmem:s15+$0xA290] =	vst v4;
	v5 =	vmul.f32 v5, v1;
	(pc) =	sbr.rel @p3 .LBB2_42-.Ltmp24, $4  }
0x306: {  	v4 =	vld [tilespmem:s12+$0x7A90]  }
0x307: {  	v1 =	vld [tilespmem:s12+$0x52A0];
	v7 =	vmul.f32 v7, v3;
	[tilespmem:s15+$0xA2A0] =	vst v5;
	s15 =	smov.u32 s12  }
0x308: {  	s12 =	sshra.s32 s10, $0x2;
	v5 =	vld [tilespmem:s15+$0x7AA0]  }
0x309: {  	s10 =	sadd.s32 $0x100, s10;
	v3 =	vld [tilespmem:s12+$0x52B0];
	v6 =	vmul.f32 v6, v8;
	[tilespmem:s15+$0xA2B0] =	vst v7  }
0x30a: {  	v7 =	vld [tilespmem:s12+$0x7AB0]  }
0x30b: {  	v8 =	vld [tilespmem:s12+$0x5280];
	[tilespmem:s15+$0xA280] =	vst v6;
	v2 =	vmul.f32 v4, v2  }
0x30c: {  	v62 =	vld [tilespmem:s12+$0x7A80]  }
0x30d: {  	v6 =	vld [tilespmem:s12+$0x5290];
	[tilespmem:s15+$0xA290] =	vst v2;
	v1 =	vmul.f32 v5, v1  }
0x30e: {  	v2 =	vld [tilespmem:s12+$0x7A90]  }
0x30f: {  	v63 =	vld [tilespmem:s12+$0x52A0];
	[tilespmem:s15+$0xA2A0] =	vst v1  }
0x310: {  	v1 =	vld [tilespmem:s12+$0x7AA0];
	_ =	sdelay $0x1  }
0x311: {  	v3 =	vmul.f32 v7, v3  }
0x312: {  	s10 =	smul.u32 $0x140, s20;
	v4 =	vmul.f32 v62, v8  }
.Ltmp25:
0x313: {  	[tilespmem:s12+$0xA2B0] =	vst v3;
	v2 =	vmul.f32 v2, v6;
	(pc) =	sbr.rel @p4 .LBB2_45-.Ltmp25, $4  }
0x314: {  	[tilespmem:s12+$0xA280] =	vst v4;
	v1 =	vmul.f32 v1, v63  }
0x315: {  	s10 =	sshra.s32 s10, $0x2;
	[tilespmem:s12+$0xA290] =	vst v2  }
0x316: {  	s10 =	sadd.s32 $0x2EE0, s10;
	[tilespmem:s12+$0xA2A0] =	vst v1  }
0x317: {  	[spmem:s2] =	stream.indirect.scatter.add.f32 [tilespmem:s16], [sflag:$0x6], $0x40, s10, s31, $0xb8;
	[tilespmem:$0x1F680] =	vst v63  }
0x318: {  	s5 =	sadd.s32 $0x1090, s5;
	s0 =	smul.u32 $0x50, s0  }
0x319: {  	[tilespmem:s6], [sflag:$0x2] =	stream.indirect.gather [spmem:s3], $0x40, s5, s31, $0xb8;
	[tilespmem:$0x1F680] =	vst v63  }
.Ltmp26:
0x31a: {  	_ = 	snop;
	(pc) =	sbr.rel .LBB2_39-.Ltmp26, $4  }
0x31b: {  	s0 =	sadd.s32 s0, s18  }
0x31c: {  	s0 =	sshll.u32 s0, $0x3  }
0x31d: {  	s28 =	sadd.s32 $0x1, s28;
	s0 =	sadd.s32 s9, s0  }
0x31e: {  	[tilespmem:s13], [sflag:$0x4] =	stream.linear.gather [hbm4b:s0+s4], $0x1400, $0x38;
	[tilespmem:$0x1F680] =	vst v63  }
.LBB2_23:
0x31f: {  	s0 =	simm.s32 $0x5  }
0x320: {  	_ =	swait.ge [sflag:s0], $0x1400  }
0x321: {  	[sflag:s0] =	ssyncset.done $0x0  }
0x322: {  	s15 =	simm.s32 $0x6;
	[sflag:s0] =	ssyncadd.s32 $0xFFFFEC00  }
0x323: {  	_ =	swait.ge [sflag:s15], $0x1400  }
0x324: {  	[sflag:s15] =	ssyncset.done $0x0  }
0x325: {  	s20 =	simm.s32 $0x7;
	[sflag:s15] =	ssyncadd.s32 $0xFFFFEC00  }
0x326: {  	_ =	swait.ge [sflag:s20], $0xFA0  }
0x327: {  	[sflag:s20] =	ssyncset.done $0x0  }
0x328: {  	s21 =	simm.s32 $0x8;
	[sflag:s20] =	ssyncadd.s32 $0xFFFFF060  }
0x329: {  	_ =	swait.ge [sflag:s21], $0xFA0  }
0x32a: {  	[sflag:s21] =	ssyncset.done $0x0  }
0x32b: {  	s1 =	simm.s32 $0x0;
	s23 =	sld [smem:$0x7E5];
	[sflag:s21] =	ssyncadd.s32 $0xFFFFF060  }
0x32c: {  	[tilespmem:s30], [sflag:$0x1] =	stream.indirect.gather [spmem:s3], $0x40, s1, s31, $0xb8;
	[tilespmem:$0x1F680] =	vst v63  }
0x32d: {  	s5 =	simm.s32 $0x6680;
	s28 =	sld [smem:$0x7E7]  }
0x32e: {  	[tilespmem:s5], [sflag:$0x3] =	stream.linear.gather [hbm4b:s23+s1], $0x1400, $0x38;
	[tilespmem:$0x1F680] =	vst v63  }
0x32f: {  	s20 =	sld [smem:$0x7F4]  }
0x330: {  	[tilespmem:s6], [sflag:$0x2] =	stream.indirect.gather [spmem:s3], $0x40, s31, s31, $0xb8;
	[tilespmem:$0x1F680] =	vst v63  }
0x331: {  	s21 =	sld [smem:$0x7F5]  }
0x332: {  	[tilespmem:s13], [sflag:$0x4] =	stream.linear.gather [hbm4b:s28+s1], $0x1400, $0x38;
	[tilespmem:$0x1F680] =	vst v63  }
.LBB2_24:
0x333: {  	_ =	swait.ge [sflag:s19], $0x1400  }
0x334: {  	[sflag:s19] =	ssyncset.done $0x0  }
0x335: {  	[sflag:s19] =	ssyncadd.s32 $0xFFFFEC00  }
0x336: {  	_ =	swait.ge [sflag:s22], $0x1400  }
0x337: {  	p2 =	seq.s32 s1, $0x0;
	[sflag:s22] =	ssyncset.done $0x0  }
0x338: {  	s0 =	simm.s32 @!p2 $0x5;
	[sflag:s22] =	ssyncadd.s32 $0xFFFFEC00  }
0x339: {  	_ =	swait.ge @!p2 [sflag:s0], $0x1400  }
0x33a: {  	[sflag:s0] =	ssyncset.done @!p2 $0x0  }
0x33b: {  	s5 =	simm.s32 $0x0;
	[sflag:s0] =	ssyncadd.s32 @!p2 $0xFFFFEC00  }
0x33c: {  	v3 =	vld [tilespmem:s5+$0x3EB0]  }
0x33d: {  	v5 =	vld [tilespmem:s5+$0x66B0]  }
0x33e: {  	v6 =	vld [tilespmem:s5+$0x3E80]  }
0x33f: {  	v7 =	vld [tilespmem:s5+$0x6680]  }
0x340: {  	v2 =	vld [tilespmem:s5+$0x3E90]  }
0x341: {  	v4 =	vld [tilespmem:s5+$0x6690]  }
0x342: {  	v1 =	vld [tilespmem:s5+$0x3EA0];
	v8 =	vmul.f32 v5, v3  }
0x343: {  	s0 =	simm.s32 $0x40;
	v5 =	vld [tilespmem:s5+$0x66A0]  }
0x344: {  	s10 =	simm.s32 $0x200;
	v3 =	vld [tilespmem:s0+$0x3EB0];
	v6 =	vmul.f32 v7, v6;
	[tilespmem:s5+$0x8EB0] =	vst v8  }
.LBB2_25:
0x345: {  	p3 =	sne.s32 s10, $0x4F00;
	v7 =	vld [tilespmem:s0+$0x66B0]  }
0x346: {  	v8 =	vld [tilespmem:s0+$0x3E80];
	[tilespmem:s5+$0x8E80] =	vst v6;
	v4 =	vmul.f32 v4, v2  }
0x347: {  	v6 =	vld [tilespmem:s0+$0x6680]  }
.Ltmp27:
0x348: {  	v2 =	vld [tilespmem:s0+$0x3E90];
	[tilespmem:s5+$0x8E90] =	vst v4;
	v5 =	vmul.f32 v5, v1;
	(pc) =	sbr.rel @p3 .LBB2_25-.Ltmp27, $4  }
0x349: {  	v4 =	vld [tilespmem:s0+$0x6690]  }
0x34a: {  	v1 =	vld [tilespmem:s0+$0x3EA0];
	v7 =	vmul.f32 v7, v3;
	[tilespmem:s5+$0x8EA0] =	vst v5;
	s5 =	smov.u32 s0  }
0x34b: {  	s0 =	sshra.s32 s10, $0x2;
	v5 =	vld [tilespmem:s5+$0x66A0]  }
0x34c: {  	s10 =	sadd.s32 $0x100, s10;
	v3 =	vld [tilespmem:s0+$0x3EB0];
	v6 =	vmul.f32 v6, v8;
	[tilespmem:s5+$0x8EB0] =	vst v7  }
0x34d: {  	v7 =	vld [tilespmem:s0+$0x66B0]  }
0x34e: {  	v8 =	vld [tilespmem:s0+$0x3E80];
	[tilespmem:s5+$0x8E80] =	vst v6;
	v2 =	vmul.f32 v4, v2  }
0x34f: {  	v4 =	vld [tilespmem:s0+$0x6680]  }
0x350: {  	v6 =	vld [tilespmem:s0+$0x3E90];
	[tilespmem:s5+$0x8E90] =	vst v2;
	v1 =	vmul.f32 v5, v1  }
0x351: {  	v2 =	vld [tilespmem:s0+$0x6690]  }
0x352: {  	v5 =	vld [tilespmem:s0+$0x3EA0];
	[tilespmem:s5+$0x8EA0] =	vst v1  }
0x353: {  	v1 =	vld [tilespmem:s0+$0x66A0];
	_ =	sdelay $0x1  }
0x354: {  	v3 =	vmul.f32 v7, v3  }
0x355: {  	v4 =	vmul.f32 v4, v8  }
0x356: {  	s10 =	smul.u32 $0x280, s1;
	[tilespmem:s0+$0x8EB0] =	vst v3;
	v2 =	vmul.f32 v2, v6  }
0x357: {  	[tilespmem:s0+$0x8E80] =	vst v4;
	v1 =	vmul.f32 v1, v5  }
0x358: {  	p3 =	seq.s32 s1, $0x18;
	s5 =	sshra.s32 s10, $0x2;
	[tilespmem:s0+$0x8E90] =	vst v2  }
0x359: {  	s12 =	simm.s32 @!p3 $0x3E80;
	s28 =	sadd.s32 $0x1F40, s5;
	[tilespmem:s0+$0x8EA0] =	vst v1;
	s0 =	sshra.s32 @!p3 s10, $0x2  }
0x35a: {  	[spmem:s2] =	stream.indirect.scatter.add.f32 [tilespmem:s7], [sflag:$0x5], $0x40, s28, s31, $0xb8;
	[tilespmem:$0x1F680] =	vst v63  }
0x35b: {  	s15 =	smul.u32 @!p3 $0xA0, s1;
	s10 =	simm.s32 @!p3 $0x50;
	s0 =	sadd.s32 @!p3 $0xA0, s0  }
0x35c: {  	[tilespmem:s12], [sflag:$0x1] =	stream.indirect.gather @!p3 [spmem:s3], $0x40, s0, s10, $0xb8;
	[tilespmem:$0x1F680] =	vst v63  }
0x35d: {  	s0 =	sadd.s32 @!p3 s15, s20  }
0x35e: {  	s0 =	sshll.u32 @!p3 s0, $0x3  }
0x35f: {  	s10 =	simm.s32 @!p3 $0x0;
	s12 =	simm.s32 @!p3 $0x6680;
	s0 =	sadd.s32 @!p3 s8, s0  }
0x360: {  	[tilespmem:s12], [sflag:$0x3] =	stream.linear.gather @!p3 [hbm4b:s0+s10], $0x1400, $0x38;
	[tilespmem:$0x1F680] =	vst v63  }
0x361: {  	_ =	swait.ge [sflag:s25], $0x1400  }
0x362: {  	[sflag:s25] =	ssyncset.done $0x0  }
0x363: {  	[sflag:s25] =	ssyncadd.s32 $0xFFFFEC00  }
0x364: {  	_ =	swait.ge [sflag:s29], $0x1400  }
0x365: {  	[sflag:s29] =	ssyncset.done $0x0  }
0x366: {  	s0 =	simm.s32 @!p2 $0x6;
	[sflag:s29] =	ssyncadd.s32 $0xFFFFEC00  }
0x367: {  	_ =	swait.ge @!p2 [sflag:s0], $0x1400  }
0x368: {  	[sflag:s0] =	ssyncset.done @!p2 $0x0  }
0x369: {  	[sflag:s0] =	ssyncadd.s32 @!p2 $0xFFFFEC00;
	s0 =	simm.s32 $0x0  }
0x36a: {  	v3 =	vld [tilespmem:s0+$0x52B0]  }
0x36b: {  	v5 =	vld [tilespmem:s0+$0x7AB0]  }
0x36c: {  	v6 =	vld [tilespmem:s0+$0x5280]  }
0x36d: {  	v7 =	vld [tilespmem:s0+$0x7A80]  }
0x36e: {  	v2 =	vld [tilespmem:s0+$0x5290]  }
0x36f: {  	v4 =	vld [tilespmem:s0+$0x7A90]  }
0x370: {  	v1 =	vld [tilespmem:s0+$0x52A0];
	v8 =	vmul.f32 v5, v3  }
0x371: {  	s12 =	simm.s32 $0x40;
	v5 =	vld [tilespmem:s0+$0x7AA0]  }
0x372: {  	s10 =	simm.s32 $0x200;
	v3 =	vld [tilespmem:s12+$0x52B0];
	v6 =	vmul.f32 v7, v6;
	[tilespmem:s0+$0xA2B0] =	vst v8  }
.LBB2_27:
0x373: {  	p2 =	sne.s32 s10, $0x4F00;
	v7 =	vld [tilespmem:s12+$0x7AB0]  }
0x374: {  	v8 =	vld [tilespmem:s12+$0x5280];
	[tilespmem:s0+$0xA280] =	vst v6;
	v4 =	vmul.f32 v4, v2  }
0x375: {  	v6 =	vld [tilespmem:s12+$0x7A80]  }
.Ltmp28:
0x376: {  	v2 =	vld [tilespmem:s12+$0x5290];
	[tilespmem:s0+$0xA290] =	vst v4;
	v5 =	vmul.f32 v5, v1;
	(pc) =	sbr.rel @p2 .LBB2_27-.Ltmp28, $4  }
0x377: {  	v4 =	vld [tilespmem:s12+$0x7A90]  }
0x378: {  	v1 =	vld [tilespmem:s12+$0x52A0];
	v7 =	vmul.f32 v7, v3;
	[tilespmem:s0+$0xA2A0] =	vst v5;
	s0 =	smov.u32 s12  }
0x379: {  	s12 =	sshra.s32 s10, $0x2;
	v5 =	vld [tilespmem:s0+$0x7AA0]  }
0x37a: {  	s10 =	sadd.s32 $0x100, s10;
	v3 =	vld [tilespmem:s12+$0x52B0];
	v6 =	vmul.f32 v6, v8;
	[tilespmem:s0+$0xA2B0] =	vst v7  }
0x37b: {  	v7 =	vld [tilespmem:s12+$0x7AB0]  }
0x37c: {  	v8 =	vld [tilespmem:s12+$0x5280];
	[tilespmem:s0+$0xA280] =	vst v6;
	v2 =	vmul.f32 v4, v2  }
0x37d: {  	v62 =	vld [tilespmem:s12+$0x7A80]  }
0x37e: {  	v6 =	vld [tilespmem:s12+$0x5290];
	[tilespmem:s0+$0xA290] =	vst v2;
	v1 =	vmul.f32 v5, v1  }
0x37f: {  	v2 =	vld [tilespmem:s12+$0x7A90]  }
0x380: {  	v63 =	vld [tilespmem:s12+$0x52A0];
	[tilespmem:s0+$0xA2A0] =	vst v1  }
0x381: {  	v1 =	vld [tilespmem:s12+$0x7AA0];
	_ =	sdelay $0x1  }
0x382: {  	v3 =	vmul.f32 v7, v3  }
0x383: {  	v4 =	vmul.f32 v62, v8  }
.Ltmp29:
0x384: {  	[tilespmem:s12+$0xA2B0] =	vst v3;
	v2 =	vmul.f32 v2, v6;
	(pc) =	sbr.rel @p3 .LBB2_29-.Ltmp29, $4  }
0x385: {  	[tilespmem:s12+$0xA280] =	vst v4;
	v1 =	vmul.f32 v1, v63  }
0x386: {  	[tilespmem:s12+$0xA290] =	vst v2  }
0x387: {  	s28 =	sadd.s32 $0x1F90, s5;
	[tilespmem:s12+$0xA2A0] =	vst v1  }
0x388: {  	[spmem:s2] =	stream.indirect.scatter.add.f32 [tilespmem:s16], [sflag:$0x6], $0x40, s28, s31, $0xb8;
	[tilespmem:$0x1F680] =	vst v63  }
0x389: {  	s0 =	sadd.s32 $0xF0, s5;
	s23 =	smul.u32 $0xA0, s1  }
0x38a: {  	[tilespmem:s6], [sflag:$0x2] =	stream.indirect.gather [spmem:s3], $0x40, s0, s31, $0xb8;
	[tilespmem:$0x1F680] =	vst v63  }
.Ltmp30:
0x38b: {  	_ = 	snop;
	(pc) =	sbr.rel .LBB2_24-.Ltmp30, $4  }
0x38c: {  	s28 =	sadd.s32 s23, s21  }
0x38d: {  	s0 =	sshll.u32 s28, $0x3  }
0x38e: {  	s1 =	sadd.s32 $0x1, s1;
	s0 =	sadd.s32 s8, s0  }
0x38f: {  	[tilespmem:s13], [sflag:$0x4] =	stream.linear.gather [hbm4b:s0+s4], $0x1400, $0x38;
	[tilespmem:$0x1F680] =	vst v63  }
.LBB2_46:
0x390: {  	s0 =	simm.s32 $0x5  }
0x391: {  	_ =	swait.ge [sflag:s0], $0x1400  }
0x392: {  	[sflag:s0] =	ssyncset.done $0x0  }
0x393: {  	s15 =	simm.s32 $0x6;
	[sflag:s0] =	ssyncadd.s32 $0xFFFFEC00  }
0x394: {  	_ =	swait.ge [sflag:s15], $0x1400  }
0x395: {  	[sflag:s15] =	ssyncset.done $0x0  }
0x396: {  	s20 =	simm.s32 $0x7;
	[sflag:s15] =	ssyncadd.s32 $0xFFFFEC00  }
0x397: {  	_ =	swait.ge [sflag:s20], $0xFA0  }
0x398: {  	[sflag:s20] =	ssyncset.done $0x0  }
0x399: {  	s21 =	simm.s32 $0x8;
	[sflag:s20] =	ssyncadd.s32 $0xFFFFF060  }
0x39a: {  	_ =	swait.ge [sflag:s21], $0xFA0  }
0x39b: {  	[sflag:s21] =	ssyncset.done $0x0  }
0x39c: {  	s1 =	simm.s32 $0x0;
	s23 =	sld [smem:$0x7E4];
	[sflag:s21] =	ssyncadd.s32 $0xFFFFF060  }
0x39d: {  	[tilespmem:s30], [sflag:$0x1] =	stream.indirect.gather [spmem:s3], $0x40, s1, s31, $0xb8;
	[tilespmem:$0x1F680] =	vst v63  }
0x39e: {  	s5 =	simm.s32 $0x6680;
	s28 =	sld [smem:$0x7E6]  }
0x39f: {  	[tilespmem:s5], [sflag:$0x3] =	stream.linear.gather [hbm4b:s23+s1], $0x1400, $0x38;
	[tilespmem:$0x1F680] =	vst v63  }
0x3a0: {  	s20 =	sld [smem:$0x7F4]  }
0x3a1: {  	[tilespmem:s6], [sflag:$0x2] =	stream.indirect.gather [spmem:s3], $0x40, s31, s31, $0xb8;
	[tilespmem:$0x1F680] =	vst v63  }
0x3a2: {  	s21 =	sld [smem:$0x7F5]  }
0x3a3: {  	[tilespmem:s13], [sflag:$0x4] =	stream.linear.gather [hbm4b:s28+s1], $0x1400, $0x38;
	[tilespmem:$0x1F680] =	vst v63  }
.LBB2_47:
0x3a4: {  	_ =	swait.ge [sflag:s19], $0x1400  }
0x3a5: {  	[sflag:s19] =	ssyncset.done $0x0  }
0x3a6: {  	[sflag:s19] =	ssyncadd.s32 $0xFFFFEC00  }
0x3a7: {  	_ =	swait.ge [sflag:s22], $0x1400  }
0x3a8: {  	p2 =	seq.s32 s1, $0x0;
	[sflag:s22] =	ssyncset.done $0x0  }
0x3a9: {  	s0 =	simm.s32 @!p2 $0x5;
	[sflag:s22] =	ssyncadd.s32 $0xFFFFEC00  }
0x3aa: {  	_ =	swait.ge @!p2 [sflag:s0], $0x1400  }
0x3ab: {  	[sflag:s0] =	ssyncset.done @!p2 $0x0  }
0x3ac: {  	s5 =	simm.s32 $0x0;
	[sflag:s0] =	ssyncadd.s32 @!p2 $0xFFFFEC00  }
0x3ad: {  	v3 =	vld [tilespmem:s5+$0x3EB0]  }
0x3ae: {  	v5 =	vld [tilespmem:s5+$0x66B0]  }
0x3af: {  	v6 =	vld [tilespmem:s5+$0x3E80]  }
0x3b0: {  	v7 =	vld [tilespmem:s5+$0x6680]  }
0x3b1: {  	v2 =	vld [tilespmem:s5+$0x3E90]  }
0x3b2: {  	v4 =	vld [tilespmem:s5+$0x6690]  }
0x3b3: {  	v1 =	vld [tilespmem:s5+$0x3EA0];
	v8 =	vmul.f32 v5, v3  }
0x3b4: {  	s0 =	simm.s32 $0x40;
	v5 =	vld [tilespmem:s5+$0x66A0]  }
0x3b5: {  	s10 =	simm.s32 $0x200;
	v3 =	vld [tilespmem:s0+$0x3EB0];
	v6 =	vmul.f32 v7, v6;
	[tilespmem:s5+$0x8EB0] =	vst v8  }
.LBB2_48:
0x3b6: {  	p3 =	sne.s32 s10, $0x4F00;
	v7 =	vld [tilespmem:s0+$0x66B0]  }
0x3b7: {  	v8 =	vld [tilespmem:s0+$0x3E80];
	[tilespmem:s5+$0x8E80] =	vst v6;
	v4 =	vmul.f32 v4, v2  }
0x3b8: {  	v6 =	vld [tilespmem:s0+$0x6680]  }
.Ltmp31:
0x3b9: {  	v2 =	vld [tilespmem:s0+$0x3E90];
	[tilespmem:s5+$0x8E90] =	vst v4;
	v5 =	vmul.f32 v5, v1;
	(pc) =	sbr.rel @p3 .LBB2_48-.Ltmp31, $4  }
0x3ba: {  	v4 =	vld [tilespmem:s0+$0x6690]  }
0x3bb: {  	v1 =	vld [tilespmem:s0+$0x3EA0];
	v7 =	vmul.f32 v7, v3;
	[tilespmem:s5+$0x8EA0] =	vst v5;
	s5 =	smov.u32 s0  }
0x3bc: {  	s0 =	sshra.s32 s10, $0x2;
	v5 =	vld [tilespmem:s5+$0x66A0]  }
0x3bd: {  	s10 =	sadd.s32 $0x100, s10;
	v3 =	vld [tilespmem:s0+$0x3EB0];
	v6 =	vmul.f32 v6, v8;
	[tilespmem:s5+$0x8EB0] =	vst v7  }
0x3be: {  	v7 =	vld [tilespmem:s0+$0x66B0]  }
0x3bf: {  	v8 =	vld [tilespmem:s0+$0x3E80];
	[tilespmem:s5+$0x8E80] =	vst v6;
	v2 =	vmul.f32 v4, v2  }
0x3c0: {  	v4 =	vld [tilespmem:s0+$0x6680]  }
0x3c1: {  	v6 =	vld [tilespmem:s0+$0x3E90];
	[tilespmem:s5+$0x8E90] =	vst v2;
	v1 =	vmul.f32 v5, v1  }
0x3c2: {  	v2 =	vld [tilespmem:s0+$0x6690]  }
0x3c3: {  	v5 =	vld [tilespmem:s0+$0x3EA0];
	[tilespmem:s5+$0x8EA0] =	vst v1  }
0x3c4: {  	v1 =	vld [tilespmem:s0+$0x66A0];
	_ =	sdelay $0x1  }
0x3c5: {  	v3 =	vmul.f32 v7, v3  }
0x3c6: {  	v4 =	vmul.f32 v4, v8  }
0x3c7: {  	s10 =	smul.u32 $0x280, s1;
	[tilespmem:s0+$0x8EB0] =	vst v3;
	v2 =	vmul.f32 v2, v6  }
0x3c8: {  	[tilespmem:s0+$0x8E80] =	vst v4;
	v1 =	vmul.f32 v1, v5  }
0x3c9: {  	p3 =	seq.s32 s1, $0x18;
	s5 =	sshra.s32 s10, $0x2;
	[tilespmem:s0+$0x8E90] =	vst v2  }
0x3ca: {  	s12 =	simm.s32 @!p3 $0x3E80;
	s28 =	sadd.s32 $0x1F40, s5;
	[tilespmem:s0+$0x8EA0] =	vst v1;
	s0 =	sshra.s32 @!p3 s10, $0x2  }
0x3cb: {  	[spmem:s2] =	stream.indirect.scatter.add.f32 [tilespmem:s7], [sflag:$0x5], $0x40, s28, s31, $0xb8;
	[tilespmem:$0x1F680] =	vst v63  }
0x3cc: {  	s15 =	smul.u32 @!p3 $0xA0, s1;
	s10 =	simm.s32 @!p3 $0x50;
	s0 =	sadd.s32 @!p3 $0xA0, s0  }
0x3cd: {  	[tilespmem:s12], [sflag:$0x1] =	stream.indirect.gather @!p3 [spmem:s3], $0x40, s0, s10, $0xb8;
	[tilespmem:$0x1F680] =	vst v63  }
0x3ce: {  	s0 =	sadd.s32 @!p3 s15, s20  }
0x3cf: {  	s0 =	sshll.u32 @!p3 s0, $0x3  }
0x3d0: {  	s10 =	simm.s32 @!p3 $0x0;
	s12 =	simm.s32 @!p3 $0x6680;
	s0 =	sadd.s32 @!p3 s9, s0  }
0x3d1: {  	[tilespmem:s12], [sflag:$0x3] =	stream.linear.gather @!p3 [hbm4b:s0+s10], $0x1400, $0x38;
	[tilespmem:$0x1F680] =	vst v63  }
0x3d2: {  	_ =	swait.ge [sflag:s25], $0x1400  }
0x3d3: {  	[sflag:s25] =	ssyncset.done $0x0  }
0x3d4: {  	[sflag:s25] =	ssyncadd.s32 $0xFFFFEC00  }
0x3d5: {  	_ =	swait.ge [sflag:s29], $0x1400  }
0x3d6: {  	[sflag:s29] =	ssyncset.done $0x0  }
0x3d7: {  	s0 =	simm.s32 @!p2 $0x6;
	[sflag:s29] =	ssyncadd.s32 $0xFFFFEC00  }
0x3d8: {  	_ =	swait.ge @!p2 [sflag:s0], $0x1400  }
0x3d9: {  	[sflag:s0] =	ssyncset.done @!p2 $0x0  }
0x3da: {  	[sflag:s0] =	ssyncadd.s32 @!p2 $0xFFFFEC00;
	s0 =	simm.s32 $0x0  }
0x3db: {  	v3 =	vld [tilespmem:s0+$0x52B0]  }
0x3dc: {  	v5 =	vld [tilespmem:s0+$0x7AB0]  }
0x3dd: {  	v6 =	vld [tilespmem:s0+$0x5280]  }
0x3de: {  	v7 =	vld [tilespmem:s0+$0x7A80]  }
0x3df: {  	v2 =	vld [tilespmem:s0+$0x5290]  }
0x3e0: {  	v4 =	vld [tilespmem:s0+$0x7A90]  }
0x3e1: {  	v1 =	vld [tilespmem:s0+$0x52A0];
	v8 =	vmul.f32 v5, v3  }
0x3e2: {  	s12 =	simm.s32 $0x40;
	v5 =	vld [tilespmem:s0+$0x7AA0]  }
0x3e3: {  	s10 =	simm.s32 $0x200;
	v3 =	vld [tilespmem:s12+$0x52B0];
	v6 =	vmul.f32 v7, v6;
	[tilespmem:s0+$0xA2B0] =	vst v8  }
.LBB2_50:
0x3e4: {  	p2 =	sne.s32 s10, $0x4F00;
	v7 =	vld [tilespmem:s12+$0x7AB0]  }
0x3e5: {  	v8 =	vld [tilespmem:s12+$0x5280];
	[tilespmem:s0+$0xA280] =	vst v6;
	v4 =	vmul.f32 v4, v2  }
0x3e6: {  	v6 =	vld [tilespmem:s12+$0x7A80]  }
.Ltmp32:
0x3e7: {  	v2 =	vld [tilespmem:s12+$0x5290];
	[tilespmem:s0+$0xA290] =	vst v4;
	v5 =	vmul.f32 v5, v1;
	(pc) =	sbr.rel @p2 .LBB2_50-.Ltmp32, $4  }
0x3e8: {  	v4 =	vld [tilespmem:s12+$0x7A90]  }
0x3e9: {  	v1 =	vld [tilespmem:s12+$0x52A0];
	v7 =	vmul.f32 v7, v3;
	[tilespmem:s0+$0xA2A0] =	vst v5;
	s0 =	smov.u32 s12  }
0x3ea: {  	s12 =	sshra.s32 s10, $0x2;
	v5 =	vld [tilespmem:s0+$0x7AA0]  }
0x3eb: {  	s10 =	sadd.s32 $0x100, s10;
	v3 =	vld [tilespmem:s12+$0x52B0];
	v6 =	vmul.f32 v6, v8;
	[tilespmem:s0+$0xA2B0] =	vst v7  }
0x3ec: {  	v7 =	vld [tilespmem:s12+$0x7AB0]  }
0x3ed: {  	v8 =	vld [tilespmem:s12+$0x5280];
	[tilespmem:s0+$0xA280] =	vst v6;
	v2 =	vmul.f32 v4, v2  }
0x3ee: {  	v62 =	vld [tilespmem:s12+$0x7A80]  }
0x3ef: {  	v6 =	vld [tilespmem:s12+$0x5290];
	[tilespmem:s0+$0xA290] =	vst v2;
	v1 =	vmul.f32 v5, v1  }
0x3f0: {  	v2 =	vld [tilespmem:s12+$0x7A90]  }
0x3f1: {  	v63 =	vld [tilespmem:s12+$0x52A0];
	[tilespmem:s0+$0xA2A0] =	vst v1  }
0x3f2: {  	v1 =	vld [tilespmem:s12+$0x7AA0];
	_ =	sdelay $0x1  }
0x3f3: {  	v3 =	vmul.f32 v7, v3  }
0x3f4: {  	v4 =	vmul.f32 v62, v8  }
.Ltmp33:
0x3f5: {  	[tilespmem:s12+$0xA2B0] =	vst v3;
	v2 =	vmul.f32 v2, v6;
	(pc) =	sbr.rel @p3 .LBB2_52-.Ltmp33, $4  }
0x3f6: {  	[tilespmem:s12+$0xA280] =	vst v4;
	v1 =	vmul.f32 v1, v63  }
0x3f7: {  	[tilespmem:s12+$0xA290] =	vst v2  }
0x3f8: {  	s28 =	sadd.s32 $0x1F90, s5;
	[tilespmem:s12+$0xA2A0] =	vst v1  }
0x3f9: {  	[spmem:s2] =	stream.indirect.scatter.add.f32 [tilespmem:s16], [sflag:$0x6], $0x40, s28, s31, $0xb8;
	[tilespmem:$0x1F680] =	vst v63  }
0x3fa: {  	s0 =	sadd.s32 $0xF0, s5;
	s23 =	smul.u32 $0xA0, s1  }
0x3fb: {  	[tilespmem:s6], [sflag:$0x2] =	stream.indirect.gather [spmem:s3], $0x40, s0, s31, $0xb8;
	[tilespmem:$0x1F680] =	vst v63  }
.Ltmp34:
0x3fc: {  	_ = 	snop;
	(pc) =	sbr.rel .LBB2_47-.Ltmp34, $4  }
0x3fd: {  	s28 =	sadd.s32 s23, s21  }
0x3fe: {  	s0 =	sshll.u32 s28, $0x3  }
0x3ff: {  	s1 =	sadd.s32 $0x1, s1;
	s0 =	sadd.s32 s9, s0  }
0x400: {  	[tilespmem:s13], [sflag:$0x4] =	stream.linear.gather [hbm4b:s0+s4], $0x1400, $0x38;
	[tilespmem:$0x1F680] =	vst v63  }
.LBB2_29:
.Ltmp35:
0x401: {  	(pc) =	sbr.rel .LBB2_53-.Ltmp35, $3  }
0x402: {  	_ =	sdelay $0x1  }
0x403: {  	s1 =	rddreg [dreg:$0x1]  }
0x404: {  	s5 =	sld [smem:$0x7E0]  }
.LBB2_54:
0x405: {  	_ =	sfence.sel $0x180000  }
0x406: {  	[bflag:$0x0] =	sbarrier.arrive $0xFFFF  }
0x407: {  	_ =	strace $0x90000047  }
0x408: {  	s0 =	stileid.u32;
	[bflag:$0x2] =	sbarrier.arrive $0xFFFF  }
0x409: {  	p0 =	sne.s32 s0, $0x0;
	s0 =	rddreg [dreg:$0x4]  }
0x40a: {  	s0 =	sadd.s32 @!p0 $0x100000, s0  }
0x40b: {  	[sflag:s0] =	ssyncadd.tile.s32 @!p0 $0x1;
	_ =	shalt  }
.Lfunc_end2:
_tile_overlayer_lowered:
.L_overlay_start_2:
0x40c: {  	(tag) =	ssettag $0x2  }
0x40d: {  	s0 =	rddreg [dreg:$0x0];
	s2 =	stileid.u32  }
0x40e: {  	s1 =	rddreg [dreg:$0x1];
	p0 =	sne.s32 s2, $0x0  }
0x40f: {  	s3 =	rddreg [dreg:$0x2];
	[bflag:$0x3] =	sbarrier.arrive $0xFFFF;
	s2 =	simm.s32 @!p0 $0x1C09  }
0x410: {  	[timem:s3], [sflag:s2] =	dma.local @!p0 [hbm:s0], s1  }
0x411: {  	s0 =	simm.s32 @!p0 $0x9  }
0x412: {  	_ =	swait.ge @!p0 [sflag:s0], s1  }
0x413: {  	s1 =	ssub.s32 @!p0 $0x0, s1;
	[sflag:s0] =	ssyncset.done @!p0 $0x0  }
0x414: {  	[sflag:s0] =	ssyncadd.s32 @!p0 s1  }
0x415: {  	[bflag:$0x3] =	sbarrier.arrive $0xFFFF  }
0x416: {  	_ =	shalt  }

</sc_bundles>
